<compile_context>
chip_gen: v7x
topology: tpu7x:2x2x1
jax: 0.10.2.dev20260603
libtpu: 0.0.44.dev20260713+nightly
codegen_flags: <defaults>
</compile_context>

<pallas_src>
import functools

import jax
import jax.numpy as jnp
from jax import lax
from jax.experimental import pallas as pl
from jax.experimental.pallas import tpu as pltpu
from jax.experimental.pallas import tpu_sc as plsc

_NE = 1024
_ED = 64
_CC = 0.25
_NI = 16
_PX = 1024
_BLK = 1024
_IPB = 4
_GRID = _NI // _IPB

_NW = 32
_CPW = _ED // _NW


def _tc_body(x_ref, emb_ref, idx_ref, et_ref):
    e = emb_ref[...]
    e2 = e + e
    esq = jnp.sum(e * e, axis=1)

    @pl.when(pl.program_id(0) == 0)
    def _emit_et():
        et_ref[...] = e.T

    for s in range(_IPB):
        xT = x_ref[s]
        mm2 = jax.lax.dot_general(e2, xT, (((1,), (0,)), ((), ())),
                                  preferred_element_type=jnp.float32)
        xsq = jnp.sum(xT * xT, axis=0)
        dist = (xsq[None, :] + esq[:, None]) - mm2
        idx_ref[s, 0, :] = jnp.argmin(dist, axis=0)


def _sc_gather(et_hbm, idx_hbm, x_hbm, q_hbm, part_hbm,
               tbl_v, idx_v, x_v, q_v, acc_v, sem1, sem2, sem3):
    info = plsc.get_sparse_core_info()
    nc = info.num_cores
    wid = lax.axis_index("s") * nc + lax.axis_index("c")
    c0 = wid * _CPW

    cp1 = pltpu.make_async_copy(et_hbm.at[pl.ds(c0 * _NE, _CPW * _NE)],
                                tbl_v, sem1)
    cp2 = pltpu.make_async_copy(idx_hbm, idx_v, sem2)
    cp3 = pltpu.make_async_copy(x_hbm.at[:, pl.ds(c0, _CPW), :], x_v, sem3)
    cp1.start(); cp2.start(); cp3.start()
    cp1.wait(); cp2.wait(); cp3.wait()

    _UNR = 4

    acc = jnp.zeros((16,), jnp.float32)
    for n in range(_NI):
        def chunk(t, acc, n=n):
            for u in range(_UNR):
                p = t * _UNR + u
                idxv = idx_v[pl.ds(n * _PX + p * 16, 16)]
                for cl in range(_CPW):
                    qv = plsc.load_gather(tbl_v, [idxv + (cl * _NE)])
                    q_v[n, cl, pl.ds(p * 16, 16)] = qv
                    xv = x_v[n, cl, pl.ds(p * 16, 16)]
                    d = qv - xv
                    acc = acc + d * d
            return acc
        acc = lax.fori_loop(0, _PX // (16 * _UNR), chunk, acc)
    acc_v[...] = acc
    pltpu.sync_copy(q_v, q_hbm.at[:, pl.ds(c0, _CPW), :])
    pltpu.sync_copy(acc_v, part_hbm.at[wid])


def kernel(inputs, embedding):
    x3 = inputs.reshape(_NI, _ED, _PX)
    idx3, et = pl.pallas_call(
        _tc_body,
        grid=(_GRID,),
        in_specs=[
            pl.BlockSpec((_IPB, _ED, _BLK), lambda i: (i, 0, 0)),
            pl.BlockSpec((_NE, _ED), lambda i: (0, 0)),
        ],
        out_specs=[
            pl.BlockSpec((_IPB, 1, _BLK), lambda i: (i, 0, 0)),
            pl.BlockSpec((_ED, _NE), lambda i: (0, 0)),
        ],
        out_shape=[
            jax.ShapeDtypeStruct((_NI, 1, _BLK), jnp.int32),
            jax.ShapeDtypeStruct((_ED, _NE), jnp.float32),
        ],
    )(x3, embedding)

    idx_flat = idx3.reshape(_NI * _PX)

    sc = functools.partial(
        pl.kernel,
        mesh=plsc.VectorSubcoreMesh(core_axis_name="c", subcore_axis_name="s"),
        compiler_params=pltpu.CompilerParams(needs_layout_passes=False),
        out_type=[
            jax.ShapeDtypeStruct((_NI, _ED, _PX), jnp.float32),
            jax.ShapeDtypeStruct((_NW, 16), jnp.float32),
        ],
        scratch_types=[
            pltpu.VMEM((_CPW * _NE,), jnp.float32),
            pltpu.VMEM((_NI * _PX,), jnp.int32),
            pltpu.VMEM((_NI, _CPW, _PX), jnp.float32),
            pltpu.VMEM((_NI, _CPW, _PX), jnp.float32),
            pltpu.VMEM((16,), jnp.float32),
            pltpu.SemaphoreType.DMA,
            pltpu.SemaphoreType.DMA,
            pltpu.SemaphoreType.DMA,
        ],
    )(_sc_gather)
    q3, part = sc(et.reshape(_ED * _NE), idx_flat, x3)

    loss = jnp.sum(part) * (_CC / (_NI * _PX * _ED))
    return (loss,
            q3.reshape(_NI, _ED, 32, 32),
            idx_flat[:, None])

# --- scband reference (transcript-rebuilt; emitter-appended) ---
"""Pipeline reference for scband-vector-quantizer-ema-19258633356017 (READ-ONLY COPY).

The authoritative reference and input builder live on the scoring server;
editing this copy changes nothing except your own understanding.
"""

import jax, jax.numpy as jnp
import numpy as np

NUM_EMBEDDINGS = 1024
EMBEDDING_DIM = 64
COMMITMENT_COST = 0.25


def setup_inputs(seed: int = 0) -> dict:
    key = jax.random.key(seed)
    k1, k2 = jax.random.split(key)
    inputs = jax.random.normal(k1, (16, 64, 32, 32), dtype=jnp.float32)
    embedding = jax.random.normal(k2, (NUM_EMBEDDINGS, EMBEDDING_DIM), dtype=jnp.float32)
    return {"inputs": inputs, "embedding": embedding}


def reference(inputs, embedding):
    # permute NCHW -> NHWC
    x = jnp.transpose(inputs, (0, 2, 3, 1))
    input_shape = x.shape
    flat_input = x.reshape(-1, EMBEDDING_DIM)
    # squared L2 distances to all codebook entries
    distances = (
        jnp.sum(flat_input ** 2, axis=1, keepdims=True)
        + jnp.sum(embedding ** 2, axis=1)
        - 2.0 * jnp.matmul(flat_input, embedding.T)
    )
    encoding_indices = jnp.argmin(distances, axis=1)
    encodings = jax.nn.one_hot(encoding_indices, NUM_EMBEDDINGS, dtype=flat_input.dtype)
    quantized = jnp.matmul(encodings, embedding).reshape(input_shape)
    # eval-mode forward: EMA buffer updates skipped (self.training == False)
    e_latent_loss = jnp.mean((jax.lax.stop_gradient(quantized) - x) ** 2)
    loss = COMMITMENT_COST * e_latent_loss
    quantized_st = x + jax.lax.stop_gradient(quantized - x)
    return (
        loss,
        jnp.transpose(quantized_st, (0, 3, 1, 2)),
        encoding_indices[:, None],
    )

if __name__ == "__main__":
    import jax
    _d = setup_inputs()
    print(jax.jit(kernel)(*tuple(_d.values())))

</pallas_src>

<mosaic_0001>
#map = affine_map<(d0, d1) -> (0)>
#map1 = affine_map<(d0, d1) -> (0, 0, 0)>
#map2 = affine_map<(d0, d1) -> (0, 0)>
module attributes {stable_mosaic.version = 14 : i64} {
  func.func @_sc_gather(%arg0: i32, %arg1: i32, %arg2: memref<65536xf32, #tpu.memory_space<hbm>>, %arg3: memref<16384xi32, #tpu.memory_space<hbm>>, %arg4: memref<16x64x1024xf32, #tpu.memory_space<hbm>>, %arg5: memref<16x64x1024xf32, #tpu.memory_space<hbm>>, %arg6: memref<32x16xf32, #tpu.memory_space<hbm>>, %arg7: memref<2048xf32, #tpu.memory_space<vmem>>, %arg8: memref<16384xi32, #tpu.memory_space<vmem>>, %arg9: memref<16x2x1024xf32, #tpu.memory_space<vmem>>, %arg10: memref<16x2x1024xf32, #tpu.memory_space<vmem>>, %arg11: memref<16xf32, #tpu.memory_space<vmem>>, %arg12: memref<!tpu.dma_semaphore, #tpu.memory_space<semaphore_mem>>, %arg13: memref<!tpu.dma_semaphore, #tpu.memory_space<semaphore_mem>>, %arg14: memref<!tpu.dma_semaphore, #tpu.memory_space<semaphore_mem>>) attributes {dimension_semantics = [#tpu.dimension_semantics<core_parallel>, #tpu.dimension_semantics<subcore_parallel>], iteration_bounds = array<i64: 2, 16>, scalar_prefetch = 0 : i64, scratch_operands = 8 : i64, tpu.core_type = #tpu.core_type<sc_vector_subcore>, window_params = [{transform_indices = #map}, {transform_indices = #map}, {transform_indices = #map1}, {transform_indices = #map1}, {transform_indices = #map2}]} {
    %mul3A = arith.constant 2 : i32
    %mul3A_0 = arith.muli %arg1, %mul3A : i32
    %add3A = arith.addi %mul3A_0, %arg0 : i32
    %mul3A_1 = arith.constant 2 : i32
    %mul3A_2 = arith.muli %add3A, %mul3A_1 : i32
    %mul3A_3 = arith.constant 1024 : i32
    %mul3A_4 = arith.muli %mul3A_2, %mul3A_3 : i32
    %dma_start3A = tpu.memref_slice %arg2[%mul3A_4] : memref<65536xf32, #tpu.memory_space<hbm>> -> memref<2048xf32, #tpu.memory_space<hbm>>
    %dma_start3A_5 = tpu.memref_slice %arg2[%mul3A_4] : memref<65536xf32, #tpu.memory_space<hbm>> -> memref<2048xf32, #tpu.memory_space<hbm>>
    tpu.enqueue_dma source(%dma_start3A_5 : memref<2048xf32, #tpu.memory_space<hbm>>) target(%arg7 : memref<2048xf32, #tpu.memory_space<vmem>>) target_semaphore(%arg12 : memref<!tpu.dma_semaphore, #tpu.memory_space<semaphore_mem>>)
    tpu.enqueue_dma source(%arg3 : memref<16384xi32, #tpu.memory_space<hbm>>) target(%arg8 : memref<16384xi32, #tpu.memory_space<vmem>>) target_semaphore(%arg13 : memref<!tpu.dma_semaphore, #tpu.memory_space<semaphore_mem>>)
    %dma_start3A_6 = arith.constant 0 : i32
    %dma_start3A_7 = arith.constant 0 : i32
    %dma_start3A_8 = tpu.memref_slice %arg4[%dma_start3A_6, %mul3A_2, %dma_start3A_7] : memref<16x64x1024xf32, #tpu.memory_space<hbm>> -> memref<16x2x1024xf32, #tpu.memory_space<hbm>>
    %dma_start3A_9 = arith.constant 0 : i32
    %dma_start3A_10 = arith.constant 0 : i32
    %dma_start3A_11 = tpu.memref_slice %arg4[%dma_start3A_9, %mul3A_2, %dma_start3A_10] : memref<16x64x1024xf32, #tpu.memory_space<hbm>> -> memref<16x2x1024xf32, #tpu.memory_space<hbm>>
    tpu.enqueue_dma source(%dma_start3A_11 : memref<16x2x1024xf32, #tpu.memory_space<hbm>>) target(%arg9 : memref<16x2x1024xf32, #tpu.memory_space<vmem>>) target_semaphore(%arg14 : memref<!tpu.dma_semaphore, #tpu.memory_space<semaphore_mem>>)
    %dma_wait3A = tpu.memref_slice %arg2[%mul3A_4] : memref<65536xf32, #tpu.memory_space<hbm>> -> memref<2048xf32, #tpu.memory_space<hbm>>
    %dma_wait3A_12 = tpu.memref_slice %arg2[%mul3A_4] : memref<65536xf32, #tpu.memory_space<hbm>> -> memref<2048xf32, #tpu.memory_space<hbm>>
    tpu.wait_dma2 semaphore(%arg12 : memref<!tpu.dma_semaphore, #tpu.memory_space<semaphore_mem>>) src(%dma_wait3A_12 : memref<2048xf32, #tpu.memory_space<hbm>>) dst(%arg7 : memref<2048xf32, #tpu.memory_space<vmem>>)
    tpu.wait_dma2 semaphore(%arg13 : memref<!tpu.dma_semaphore, #tpu.memory_space<semaphore_mem>>) src(%arg3 : memref<16384xi32, #tpu.memory_space<hbm>>) dst(%arg8 : memref<16384xi32, #tpu.memory_space<vmem>>)
    %dma_wait3A_13 = arith.constant 0 : i32
    %dma_wait3A_14 = arith.constant 0 : i32
    %dma_wait3A_15 = tpu.memref_slice %arg4[%dma_wait3A_13, %mul3A_2, %dma_wait3A_14] : memref<16x64x1024xf32, #tpu.memory_space<hbm>> -> memref<16x2x1024xf32, #tpu.memory_space<hbm>>
    %dma_wait3A_16 = arith.constant 0 : i32
    %dma_wait3A_17 = arith.constant 0 : i32
    %dma_wait3A_18 = tpu.memref_slice %arg4[%dma_wait3A_16, %mul3A_2, %dma_wait3A_17] : memref<16x64x1024xf32, #tpu.memory_space<hbm>> -> memref<16x2x1024xf32, #tpu.memory_space<hbm>>
    tpu.wait_dma2 semaphore(%arg14 : memref<!tpu.dma_semaphore, #tpu.memory_space<semaphore_mem>>) src(%dma_wait3A_18 : memref<16x2x1024xf32, #tpu.memory_space<hbm>>) dst(%arg9 : memref<16x2x1024xf32, #tpu.memory_space<vmem>>)
    %broadcast_in_dim3A = arith.constant 0.000000e+00 : f32
    %broadcast_in_dim3A_19 = vector.broadcast %broadcast_in_dim3A : f32 to vector<16xf32>
    %scan3A = arith.constant 0 : i32
    %scan3A_20 = arith.constant 16 : i32
    %scan3A_21 = arith.addi %scan3A, %scan3A_20 : i32
    %scan3A_22 = arith.constant 1 : i32
    %scan3A_23 = scf.for %scan3A_116 = %scan3A to %scan3A_21 step %scan3A_22 iter_args(%scan3A_117 = %broadcast_in_dim3A_19) -> (vector<16xf32>)  : i32 {
      %mul3A_118 = arith.constant 4 : i32
      %mul3A_119 = arith.muli %scan3A_116, %mul3A_118 : i32
      %add3A_120 = arith.constant 0 : i32
      %add3A_121 = arith.addi %mul3A_119, %add3A_120 : i32
      %mul3A_122 = arith.constant 16 : i32
      %mul3A_123 = arith.muli %add3A_121, %mul3A_122 : i32
      %add3A_124 = arith.constant 0 : i32
      %add3A_125 = arith.addi %add3A_124, %mul3A_123 : i32
      %get3A = arith.index_cast %add3A_125 : i32 to index
      %get3A_126 = tpu.vector_load %arg8[%get3A] {strides = array<i32>} : memref<16384xi32, #tpu.memory_space<vmem>>, vector<16xi32>,
      %add3A_127 = arith.constant 0 : i32
      %add3A_128 = vector.broadcast %add3A_127 : i32 to vector<16xi32>
      %add3A_129 = arith.addi %get3A_126, %add3A_128 : vector<16xi32>
      %gather3A = tpu.vector_load_idx %arg7[%add3A_129] : memref<2048xf32, #tpu.memory_space<vmem>>[vector<16xi32>], vector<16xf32>,
      %mul3A_130 = arith.constant 16 : i32
      %mul3A_131 = arith.muli %add3A_121, %mul3A_130 : i32
      %swap3A_132 = arith.constant 0 : i32
      %swap3A_133 = arith.constant 0 : i32
      %swap3A_134 = arith.index_cast %swap3A_132 : i32 to index
      %swap3A_135 = arith.index_cast %swap3A_133 : i32 to index
      %swap3A_136 = arith.index_cast %mul3A_131 : i32 to index
      %swap3A_137 = tpu.vector_load %arg10[%swap3A_134, %swap3A_135, %swap3A_136] {strides = array<i32>} : memref<16x2x1024xf32, #tpu.memory_space<vmem>>, vector<16xf32>,
      tpu.vector_store %arg10[%swap3A_134, %swap3A_135, %swap3A_136], %gather3A {strides = array<i32>} : memref<16x2x1024xf32, #tpu.memory_space<vmem>>, vector<16xf32>,
      %mul3A_138 = arith.constant 16 : i32
      %mul3A_139 = arith.muli %add3A_121, %mul3A_138 : i32
      %get3A_140 = arith.constant 0 : i32
      %get3A_141 = arith.constant 0 : i32
      %get3A_142 = arith.index_cast %get3A_140 : i32 to index
      %get3A_143 = arith.index_cast %get3A_141 : i32 to index
      %get3A_144 = arith.index_cast %mul3A_139 : i32 to index
      %get3A_145 = tpu.vector_load %arg9[%get3A_142, %get3A_143, %get3A_144] {strides = array<i32>} : memref<16x2x1024xf32, #tpu.memory_space<vmem>>, vector<16xf32>,
      %sub3A = arith.subf %gather3A, %get3A_145 : vector<16xf32>
      %mul3A_146 = arith.mulf %sub3A, %sub3A : vector<16xf32>
      %add3A_147 = arith.addf %scan3A_117, %mul3A_146 : vector<16xf32>
      %add3A_148 = arith.constant 1024 : i32
      %add3A_149 = vector.broadcast %add3A_148 : i32 to vector<16xi32>
      %add3A_150 = arith.addi %get3A_126, %add3A_149 : vector<16xi32>
      %gather3A_151 = tpu.vector_load_idx %arg7[%add3A_150] : memref<2048xf32, #tpu.memory_space<vmem>>[vector<16xi32>], vector<16xf32>,
      %mul3A_152 = arith.constant 16 : i32
      %mul3A_153 = arith.muli %add3A_121, %mul3A_152 : i32
      %swap3A_154 = arith.constant 0 : i32
      %swap3A_155 = arith.constant 1 : i32
      %swap3A_156 = arith.index_cast %swap3A_154 : i32 to index
      %swap3A_157 = arith.index_cast %swap3A_155 : i32 to index
      %swap3A_158 = arith.index_cast %mul3A_153 : i32 to index
      %swap3A_159 = tpu.vector_load %arg10[%swap3A_156, %swap3A_157, %swap3A_158] {strides = array<i32>} : memref<16x2x1024xf32, #tpu.memory_space<vmem>>, vector<16xf32>,
      tpu.vector_store %arg10[%swap3A_156, %swap3A_157, %swap3A_158], %gather3A_151 {strides = array<i32>} : memref<16x2x1024xf32, #tpu.memory_space<vmem>>, vector<16xf32>,
      %mul3A_160 = arith.constant 16 : i32
      %mul3A_161 = arith.muli %add3A_121, %mul3A_160 : i32
      %get3A_162 = arith.constant 0 : i32
      %get3A_163 = arith.constant 1 : i32
      %get3A_164 = arith.index_cast %get3A_162 : i32 to index
      %get3A_165 = arith.index_cast %get3A_163 : i32 to index
      %get3A_166 = arith.index_cast %mul3A_161 : i32 to index
      %get3A_167 = tpu.vector_load %arg9[%get3A_164, %get3A_165, %get3A_166] {strides = array<i32>} : memref<16x2x1024xf32, #tpu.memory_space<vmem>>, vector<16xf32>,
      %sub3A_168 = arith.subf %gather3A_151, %get3A_167 : vector<16xf32>
      %mul3A_169 = arith.mulf %sub3A_168, %sub3A_168 : vector<16xf32>
      %add3A_170 = arith.addf %add3A_147, %mul3A_169 : vector<16xf32>
      %mul3A_171 = arith.constant 4 : i32
      %mul3A_172 = arith.muli %scan3A_116, %mul3A_171 : i32
      %add3A_173 = arith.constant 1 : i32
      %add3A_174 = arith.addi %mul3A_172, %add3A_173 : i32
      %mul3A_175 = arith.constant 16 : i32
      %mul3A_176 = arith.muli %add3A_174, %mul3A_175 : i32
      %add3A_177 = arith.constant 0 : i32
      %add3A_178 = arith.addi %add3A_177, %mul3A_176 : i32
      %get3A_179 = arith.index_cast %add3A_178 : i32 to index
      %get3A_180 = tpu.vector_load %arg8[%get3A_179] {strides = array<i32>} : memref<16384xi32, #tpu.memory_space<vmem>>, vector<16xi32>,
      %add3A_181 = arith.constant 0 : i32
      %add3A_182 = vector.broadcast %add3A_181 : i32 to vector<16xi32>
      %add3A_183 = arith.addi %get3A_180, %add3A_182 : vector<16xi32>
      %gather3A_184 = tpu.vector_load_idx %arg7[%add3A_183] : memref<2048xf32, #tpu.memory_space<vmem>>[vector<16xi32>], vector<16xf32>,
      %mul3A_185 = arith.constant 16 : i32
      %mul3A_186 = arith.muli %add3A_174, %mul3A_185 : i32
      %swap3A_187 = arith.constant 0 : i32
      %swap3A_188 = arith.constant 0 : i32
      %swap3A_189 = arith.index_cast %swap3A_187 : i32 to index
      %swap3A_190 = arith.index_cast %swap3A_188 : i32 to index
      %swap3A_191 = arith.index_cast %mul3A_186 : i32 to index
      %swap3A_192 = tpu.vector_load %arg10[%swap3A_189, %swap3A_190, %swap3A_191] {strides = array<i32>} : memref<16x2x1024xf32, #tpu.memory_space<vmem>>, vector<16xf32>,
      tpu.vector_store %arg10[%swap3A_189, %swap3A_190, %swap3A_191], %gather3A_184 {strides = array<i32>} : memref<16x2x1024xf32, #tpu.memory_space<vmem>>, vector<16xf32>,
      %mul3A_193 = arith.constant 16 : i32
      %mul3A_194 = arith.muli %add3A_174, %mul3A_193 : i32
      %get3A_195 = arith.constant 0 : i32
      %get3A_196 = arith.constant 0 : i32
      %get3A_197 = arith.index_cast %get3A_195 : i32 to index
      %get3A_198 = arith.index_cast %get3A_196 : i32 to index
      %get3A_199 = arith.index_cast %mul3A_194 : i32 to index
      %get3A_200 = tpu.vector_load %arg9[%get3A_197, %get3A_198, %get3A_199] {strides = array<i32>} : memref<16x2x1024xf32, #tpu.memory_space<vmem>>, vector<16xf32>,
      %sub3A_201 = arith.subf %gather3A_184, %get3A_200 : vector<16xf32>
      %mul3A_202 = arith.mulf %sub3A_201, %sub3A_201 : vector<16xf32>
      %add3A_203 = arith.addf %add3A_170, %mul3A_202 : vector<16xf32>
      %add3A_204 = arith.constant 1024 : i32
      %add3A_205 = vector.broadcast %add3A_204 : i32 to vector<16xi32>
      %add3A_206 = arith.addi %get3A_180, %add3A_205 : vector<16xi32>
      %gather3A_207 = tpu.vector_load_idx %arg7[%add3A_206] : memref<2048xf32, #tpu.memory_space<vmem>>[vector<16xi32>], vector<16xf32>,
      %mul3A_208 = arith.constant 16 : i32
      %mul3A_209 = arith.muli %add3A_174, %mul3A_208 : i32
      %swap3A_210 = arith.constant 0 : i32
      %swap3A_211 = arith.constant 1 : i32
      %swap3A_212 = arith.index_cast %swap3A_210 : i32 to index
      %swap3A_213 = arith.index_cast %swap3A_211 : i32 to index
      %swap3A_214 = arith.index_cast %mul3A_209 : i32 to index
      %swap3A_215 = tpu.vector_load %arg10[%swap3A_212, %swap3A_213, %swap3A_214] {strides = array<i32>} : memref<16x2x1024xf32, #tpu.memory_space<vmem>>, vector<16xf32>,
      tpu.vector_store %arg10[%swap3A_212, %swap3A_213, %swap3A_214], %gather3A_207 {strides = array<i32>} : memref<16x2x1024xf32, #tpu.memory_space<vmem>>, vector<16xf32>,
      %mul3A_216 = arith.constant 16 : i32
      %mul3A_217 = arith.muli %add3A_174, %mul3A_216 : i32
      %get3A_218 = arith.constant 0 : i32
      %get3A_219 = arith.constant 1 : i32
      %get3A_220 = arith.index_cast %get3A_218 : i32 to index
      %get3A_221 = arith.index_cast %get3A_219 : i32 to index
      %get3A_222 = arith.index_cast %mul3A_217 : i32 to index
      %get3A_223 = tpu.vector_load %arg9[%get3A_220, %get3A_221, %get3A_222] {strides = array<i32>} : memref<16x2x1024xf32, #tpu.memory_space<vmem>>, vector<16xf32>,
      %sub3A_224 = arith.subf %gather3A_207, %get3A_223 : vector<16xf32>
      %mul3A_225 = arith.mulf %sub3A_224, %sub3A_224 : vector<16xf32>
      %add3A_226 = arith.addf %add3A_203, %mul3A_225 : vector<16xf32>
      %mul3A_227 = arith.constant 4 : i32
      %mul3A_228 = arith.muli %scan3A_116, %mul3A_227 : i32
      %add3A_229 = arith.constant 2 : i32
      %add3A_230 = arith.addi %mul3A_228, %add3A_229 : i32
      %mul3A_231 = arith.constant 16 : i32
      %mul3A_232 = arith.muli %add3A_230, %mul3A_231 : i32
      %add3A_233 = arith.constant 0 : i32
      %add3A_234 = arith.addi %add3A_233, %mul3A_232 : i32
      %get3A_235 = arith.index_cast %add3A_234 : i32 to index
      %get3A_236 = tpu.vector_load %arg8[%get3A_235] {strides = array<i32>} : memref<16384xi32, #tpu.memory_space<vmem>>, vector<16xi32>,
      %add3A_237 = arith.constant 0 : i32
      %add3A_238 = vector.broadcast %add3A_237 : i32 to vector<16xi32>
      %add3A_239 = arith.addi %get3A_236, %add3A_238 : vector<16xi32>
      %gather3A_240 = tpu.vector_load_idx %arg7[%add3A_239] : memref<2048xf32, #tpu.memory_space<vmem>>[vector<16xi32>], vector<16xf32>,
      %mul3A_241 = arith.constant 16 : i32
      %mul3A_242 = arith.muli %add3A_230, %mul3A_241 : i32
      %swap3A_243 = arith.constant 0 : i32
      %swap3A_244 = arith.constant 0 : i32
      %swap3A_245 = arith.index_cast %swap3A_243 : i32 to index
      %swap3A_246 = arith.index_cast %swap3A_244 : i32 to index
      %swap3A_247 = arith.index_cast %mul3A_242 : i32 to index
      %swap3A_248 = tpu.vector_load %arg10[%swap3A_245, %swap3A_246, %swap3A_247] {strides = array<i32>} : memref<16x2x1024xf32, #tpu.memory_space<vmem>>, vector<16xf32>,
      tpu.vector_store %arg10[%swap3A_245, %swap3A_246, %swap3A_247], %gather3A_240 {strides = array<i32>} : memref<16x2x1024xf32, #tpu.memory_space<vmem>>, vector<16xf32>,
      %mul3A_249 = arith.constant 16 : i32
      %mul3A_250 = arith.muli %add3A_230, %mul3A_249 : i32
      %get3A_251 = arith.constant 0 : i32
      %get3A_252 = arith.constant 0 : i32
      %get3A_253 = arith.index_cast %get3A_251 : i32 to index
      %get3A_254 = arith.index_cast %get3A_252 : i32 to index
      %get3A_255 = arith.index_cast %mul3A_250 : i32 to index
      %get3A_256 = tpu.vector_load %arg9[%get3A_253, %get3A_254, %get3A_255] {strides = array<i32>} : memref<16x2x1024xf32, #tpu.memory_space<vmem>>, vector<16xf32>,
      %sub3A_257 = arith.subf %gather3A_240, %get3A_256 : vector<16xf32>
      %mul3A_258 = arith.mulf %sub3A_257, %sub3A_257 : vector<16xf32>
      %add3A_259 = arith.addf %add3A_226, %mul3A_258 : vector<16xf32>
      %add3A_260 = arith.constant 1024 : i32
      %add3A_261 = vector.broadcast %add3A_260 : i32 to vector<16xi32>
      %add3A_262 = arith.addi %get3A_236, %add3A_261 : vector<16xi32>
      %gather3A_263 = tpu.vector_load_idx %arg7[%add3A_262] : memref<2048xf32, #tpu.memory_space<vmem>>[vector<16xi32>], vector<16xf32>,
      %mul3A_264 = arith.constant 16 : i32
      %mul3A_265 = arith.muli %add3A_230, %mul3A_264 : i32
      %swap3A_266 = arith.constant 0 : i32
      %swap3A_267 = arith.constant 1 : i32
      %swap3A_268 = arith.index_cast %swap3A_266 : i32 to index
      %swap3A_269 = arith.index_cast %swap3A_267 : i32 to index
      %swap3A_270 = arith.index_cast %mul3A_265 : i32 to index
      %swap3A_271 = tpu.vector_load %arg10[%swap3A_268, %swap3A_269, %swap3A_270] {strides = array<i32>} : memref<16x2x1024xf32, #tpu.memory_space<vmem>>, vector<16xf32>,
      tpu.vector_store %arg10[%swap3A_268, %swap3A_269, %swap3A_270], %gather3A_263 {strides = array<i32>} : memref<16x2x1024xf32, #tpu.memory_space<vmem>>, vector<16xf32>,
      %mul3A_272 = arith.constant 16 : i32
      %mul3A_273 = arith.muli %add3A_230, %mul3A_272 : i32
      %get3A_274 = arith.constant 0 : i32
      %get3A_275 = arith.constant 1 : i32
      %get3A_276 = arith.index_cast %get3A_274 : i32 to index
      %get3A_277 = arith.index_cast %get3A_275 : i32 to index
      %get3A_278 = arith.index_cast %mul3A_273 : i32 to index
      %get3A_279 = tpu.vector_load %arg9[%get3A_276, %get3A_277, %get3A_278] {strides = array<i32>} : memref<16x2x1024xf32, #tpu.memory_space<vmem>>, vector<16xf32>,
      %sub3A_280 = arith.subf %gather3A_263, %get3A_279 : vector<16xf32>
      %mul3A_281 = arith.mulf %sub3A_280, %sub3A_280 : vector<16xf32>
      %add3A_282 = arith.addf %add3A_259, %mul3A_281 : vector<16xf32>
      %mul3A_283 = arith.constant 4 : i32
      %mul3A_284 = arith.muli %scan3A_116, %mul3A_283 : i32
      %add3A_285 = arith.constant 3 : i32
      %add3A_286 = arith.addi %mul3A_284, %add3A_285 : i32
      %mul3A_287 = arith.constant 16 : i32
      %mul3A_288 = arith.muli %add3A_286, %mul3A_287 : i32
      %add3A_289 = arith.constant 0 : i32
      %add3A_290 = arith.addi %add3A_289, %mul3A_288 : i32
      %get3A_291 = arith.index_cast %add3A_290 : i32 to index
      %get3A_292 = tpu.vector_load %arg8[%get3A_291] {strides = array<i32>} : memref<16384xi32, #tpu.memory_space<vmem>>, vector<16xi32>,
      %add3A_293 = arith.constant 0 : i32
      %add3A_294 = vector.broadcast %add3A_293 : i32 to vector<16xi32>
      %add3A_295 = arith.addi %get3A_292, %add3A_294 : vector<16xi32>
      %gather3A_296 = tpu.vector_load_idx %arg7[%add3A_295] : memref<2048xf32, #tpu.memory_space<vmem>>[vector<16xi32>], vector<16xf32>,
      %mul3A_297 = arith.constant 16 : i32
      %mul3A_298 = arith.muli %add3A_286, %mul3A_297 : i32
      %swap3A_299 = arith.constant 0 : i32
      %swap3A_300 = arith.constant 0 : i32
      %swap3A_301 = arith.index_cast %swap3A_299 : i32 to index
      %swap3A_302 = arith.index_cast %swap3A_300 : i32 to index
      %swap3A_303 = arith.index_cast %mul3A_298 : i32 to index
      %swap3A_304 = tpu.vector_load %arg10[%swap3A_301, %swap3A_302, %swap3A_303] {strides = array<i32>} : memref<16x2x1024xf32, #tpu.memory_space<vmem>>, vector<16xf32>,
      tpu.vector_store %arg10[%swap3A_301, %swap3A_302, %swap3A_303], %gather3A_296 {strides = array<i32>} : memref<16x2x1024xf32, #tpu.memory_space<vmem>>, vector<16xf32>,
      %mul3A_305 = arith.constant 16 : i32
      %mul3A_306 = arith.muli %add3A_286, %mul3A_305 : i32
      %get3A_307 = arith.constant 0 : i32
      %get3A_308 = arith.constant 0 : i32
      %get3A_309 = arith.index_cast %get3A_307 : i32 to index
      %get3A_310 = arith.index_cast %get3A_308 : i32 to index
      %get3A_311 = arith.index_cast %mul3A_306 : i32 to index
      %get3A_312 = tpu.vector_load %arg9[%get3A_309, %get3A_310, %get3A_311] {strides = array<i32>} : memref<16x2x1024xf32, #tpu.memory_space<vmem>>, vector<16xf32>,
      %sub3A_313 = arith.subf %gather3A_296, %get3A_312 : vector<16xf32>
      %mul3A_314 = arith.mulf %sub3A_313, %sub3A_313 : vector<16xf32>
      %add3A_315 = arith.addf %add3A_282, %mul3A_314 : vector<16xf32>
      %add3A_316 = arith.constant 1024 : i32
      %add3A_317 = vector.broadcast %add3A_316 : i32 to vector<16xi32>
      %add3A_318 = arith.addi %get3A_292, %add3A_317 : vector<16xi32>
      %gather3A_319 = tpu.vector_load_idx %arg7[%add3A_318] : memref<2048xf32, #tpu.memory_space<vmem>>[vector<16xi32>], vector<16xf32>,
      %mul3A_320 = arith.constant 16 : i32
      %mul3A_321 = arith.muli %add3A_286, %mul3A_320 : i32
      %swap3A_322 = arith.constant 0 : i32
      %swap3A_323 = arith.constant 1 : i32
      %swap3A_324 = arith.index_cast %swap3A_322 : i32 to index
      %swap3A_325 = arith.index_cast %swap3A_323 : i32 to index
      %swap3A_326 = arith.index_cast %mul3A_321 : i32 to index
      %swap3A_327 = tpu.vector_load %arg10[%swap3A_324, %swap3A_325, %swap3A_326] {strides = array<i32>} : memref<16x2x1024xf32, #tpu.memory_space<vmem>>, vector<16xf32>,
      tpu.vector_store %arg10[%swap3A_324, %swap3A_325, %swap3A_326], %gather3A_319 {strides = array<i32>} : memref<16x2x1024xf32, #tpu.memory_space<vmem>>, vector<16xf32>,
      %mul3A_328 = arith.constant 16 : i32
      %mul3A_329 = arith.muli %add3A_286, %mul3A_328 : i32
      %get3A_330 = arith.constant 0 : i32
      %get3A_331 = arith.constant 1 : i32
      %get3A_332 = arith.index_cast %get3A_330 : i32 to index
      %get3A_333 = arith.index_cast %get3A_331 : i32 to index
      %get3A_334 = arith.index_cast %mul3A_329 : i32 to index
      %get3A_335 = tpu.vector_load %arg9[%get3A_332, %get3A_333, %get3A_334] {strides = array<i32>} : memref<16x2x1024xf32, #tpu.memory_space<vmem>>, vector<16xf32>,
      %sub3A_336 = arith.subf %gather3A_319, %get3A_335 : vector<16xf32>
      %mul3A_337 = arith.mulf %sub3A_336, %sub3A_336 : vector<16xf32>
      %add3A_338 = arith.addf %add3A_315, %mul3A_337 : vector<16xf32>
      scf.yield %add3A_338 : vector<16xf32>
    }
    %scan3A_24 = arith.constant 16 : i32
    %scan3A_25 = arith.constant 0 : i32
    %scan3A_26 = arith.constant 16 : i32
    %scan3A_27 = arith.addi %scan3A_25, %scan3A_26 : i32
    %scan3A_28 = arith.constant 1 : i32
    %scan3A_29 = scf.for %scan3A_116 = %scan3A_25 to %scan3A_27 step %scan3A_28 iter_args(%scan3A_117 = %scan3A_23) -> (vector<16xf32>)  : i32 {
      %mul3A_118 = arith.constant 4 : i32
      %mul3A_119 = arith.muli %scan3A_116, %mul3A_118 : i32
      %add3A_120 = arith.constant 0 : i32
      %add3A_121 = arith.addi %mul3A_119, %add3A_120 : i32
      %mul3A_122 = arith.constant 16 : i32
      %mul3A_123 = arith.muli %add3A_121, %mul3A_122 : i32
      %add3A_124 = arith.constant 1024 : i32
      %add3A_125 = arith.addi %add3A_124, %mul3A_123 : i32
      %get3A = arith.index_cast %add3A_125 : i32 to index
      %get3A_126 = tpu.vector_load %arg8[%get3A] {strides = array<i32>} : memref<16384xi32, #tpu.memory_space<vmem>>, vector<16xi32>,
      %add3A_127 = arith.constant 0 : i32
      %add3A_128 = vector.broadcast %add3A_127 : i32 to vector<16xi32>
      %add3A_129 = arith.addi %get3A_126, %add3A_128 : vector<16xi32>
      %gather3A = tpu.vector_load_idx %arg7[%add3A_129] : memref<2048xf32, #tpu.memory_space<vmem>>[vector<16xi32>], vector<16xf32>,
      %mul3A_130 = arith.constant 16 : i32
      %mul3A_131 = arith.muli %add3A_121, %mul3A_130 : i32
      %swap3A_132 = arith.constant 1 : i32
      %swap3A_133 = arith.constant 0 : i32
      %swap3A_134 = arith.index_cast %swap3A_132 : i32 to index
      %swap3A_135 = arith.index_cast %swap3A_133 : i32 to index
      %swap3A_136 = arith.index_cast %mul3A_131 : i32 to index
      %swap3A_137 = tpu.vector_load %arg10[%swap3A_134, %swap3A_135, %swap3A_136] {strides = array<i32>} : memref<16x2x1024xf32, #tpu.memory_space<vmem>>, vector<16xf32>,
      tpu.vector_store %arg10[%swap3A_134, %swap3A_135, %swap3A_136], %gather3A {strides = array<i32>} : memref<16x2x1024xf32, #tpu.memory_space<vmem>>, vector<16xf32>,
      %mul3A_138 = arith.constant 16 : i32
      %mul3A_139 = arith.muli %add3A_121, %mul3A_138 : i32
      %get3A_140 = arith.constant 1 : i32
      %get3A_141 = arith.constant 0 : i32
      %get3A_142 = arith.index_cast %get3A_140 : i32 to index
      %get3A_143 = arith.index_cast %get3A_141 : i32 to index
      %get3A_144 = arith.index_cast %mul3A_139 : i32 to index
      %get3A_145 = tpu.vector_load %arg9[%get3A_142, %get3A_143, %get3A_144] {strides = array<i32>} : memref<16x2x1024xf32, #tpu.memory_space<vmem>>, vector<16xf32>,
      %sub3A = arith.subf %gather3A, %get3A_145 : vector<16xf32>
      %mul3A_146 = arith.mulf %sub3A, %sub3A : vector<16xf32>
      %add3A_147 = arith.addf %scan3A_117, %mul3A_146 : vector<16xf32>
      %add3A_148 = arith.constant 1024 : i32
      %add3A_149 = vector.broadcast %add3A_148 : i32 to vector<16xi32>
      %add3A_150 = arith.addi %get3A_126, %add3A_149 : vector<16xi32>
      %gather3A_151 = tpu.vector_load_idx %arg7[%add3A_150] : memref<2048xf32, #tpu.memory_space<vmem>>[vector<16xi32>], vector<16xf32>,
      %mul3A_152 = arith.constant 16 : i32
      %mul3A_153 = arith.muli %add3A_121, %mul3A_152 : i32
      %swap3A_154 = arith.constant 1 : i32
      %swap3A_155 = arith.constant 1 : i32
      %swap3A_156 = arith.index_cast %swap3A_154 : i32 to index
      %swap3A_157 = arith.index_cast %swap3A_155 : i32 to index
      %swap3A_158 = arith.index_cast %mul3A_153 : i32 to index
      %swap3A_159 = tpu.vector_load %arg10[%swap3A_156, %swap3A_157, %swap3A_158] {strides = array<i32>} : memref<16x2x1024xf32, #tpu.memory_space<vmem>>, vector<16xf32>,
      tpu.vector_store %arg10[%swap3A_156, %swap3A_157, %swap3A_158], %gather3A_151 {strides = array<i32>} : memref<16x2x1024xf32, #tpu.memory_space<vmem>>, vector<16xf32>,
      %mul3A_160 = arith.constant 16 : i32
      %mul3A_161 = arith.muli %add3A_121, %mul3A_160 : i32
      %get3A_162 = arith.constant 1 : i32
      %get3A_163 = arith.constant 1 : i32
      %get3A_164 = arith.index_cast %get3A_162 : i32 to index
      %get3A_165 = arith.index_cast %get3A_163 : i32 to index
      %get3A_166 = arith.index_cast %mul3A_161 : i32 to index
      %get3A_167 = tpu.vector_load %arg9[%get3A_164, %get3A_165, %get3A_166] {strides = array<i32>} : memref<16x2x1024xf32, #tpu.memory_space<vmem>>, vector<16xf32>,
      %sub3A_168 = arith.subf %gather3A_151, %get3A_167 : vector<16xf32>
      %mul3A_169 = arith.mulf %sub3A_168, %sub3A_168 : vector<16xf32>
      %add3A_170 = arith.addf %add3A_147, %mul3A_169 : vector<16xf32>
      %mul3A_171 = arith.constant 4 : i32
      %mul3A_172 = arith.muli %scan3A_116, %mul3A_171 : i32
      %add3A_173 = arith.constant 1 : i32
      %add3A_174 = arith.addi %mul3A_172, %add3A_173 : i32
      %mul3A_175 = arith.constant 16 : i32
      %mul3A_176 = arith.muli %add3A_174, %mul3A_175 : i32
      %add3A_177 = arith.constant 1024 : i32
      %add3A_178 = arith.addi %add3A_177, %mul3A_176 : i32
      %get3A_179 = arith.index_cast %add3A_178 : i32 to index
      %get3A_180 = tpu.vector_load %arg8[%get3A_179] {strides = array<i32>} : memref<16384xi32, #tpu.memory_space<vmem>>, vector<16xi32>,
      %add3A_181 = arith.constant 0 : i32
      %add3A_182 = vector.broadcast %add3A_181 : i32 to vector<16xi32>
      %add3A_183 = arith.addi %get3A_180, %add3A_182 : vector<16xi32>
      %gather3A_184 = tpu.vector_load_idx %arg7[%add3A_183] : memref<2048xf32, #tpu.memory_space<vmem>>[vector<16xi32>], vector<16xf32>,
      %mul3A_185 = arith.constant 16 : i32
      %mul3A_186 = arith.muli %add3A_174, %mul3A_185 : i32
      %swap3A_187 = arith.constant 1 : i32
      %swap3A_188 = arith.constant 0 : i32
      %swap3A_189 = arith.index_cast %swap3A_187 : i32 to index
      %swap3A_190 = arith.index_cast %swap3A_188 : i32 to index
      %swap3A_191 = arith.index_cast %mul3A_186 : i32 to index
      %swap3A_192 = tpu.vector_load %arg10[%swap3A_189, %swap3A_190, %swap3A_191] {strides = array<i32>} : memref<16x2x1024xf32, #tpu.memory_space<vmem>>, vector<16xf32>,
      tpu.vector_store %arg10[%swap3A_189, %swap3A_190, %swap3A_191], %gather3A_184 {strides = array<i32>} : memref<16x2x1024xf32, #tpu.memory_space<vmem>>, vector<16xf32>,
      %mul3A_193 = arith.constant 16 : i32
      %mul3A_194 = arith.muli %add3A_174, %mul3A_193 : i32
      %get3A_195 = arith.constant 1 : i32
      %get3A_196 = arith.constant 0 : i32
      %get3A_197 = arith.index_cast %get3A_195 : i32 to index
      %get3A_198 = arith.index_cast %get3A_196 : i32 to index
      %get3A_199 = arith.index_cast %mul3A_194 : i32 to index
      %get3A_200 = tpu.vector_load %arg9[%get3A_197, %get3A_198, %get3A_199] {strides = array<i32>} : memref<16x2x1024xf32, #tpu.memory_space<vmem>>, vector<16xf32>,
      %sub3A_201 = arith.subf %gather3A_184, %get3A_200 : vector<16xf32>
      %mul3A_202 = arith.mulf %sub3A_201, %sub3A_201 : vector<16xf32>
      %add3A_203 = arith.addf %add3A_170, %mul3A_202 : vector<16xf32>
      %add3A_204 = arith.constant 1024 : i32
      %add3A_205 = vector.broadcast %add3A_204 : i32 to vector<16xi32>
      %add3A_206 = arith.addi %get3A_180, %add3A_205 : vector<16xi32>
      %gather3A_207 = tpu.vector_load_idx %arg7[%add3A_206] : memref<2048xf32, #tpu.memory_space<vmem>>[vector<16xi32>], vector<16xf32>,
      %mul3A_208 = arith.constant 16 : i32
      %mul3A_209 = arith.muli %add3A_174, %mul3A_208 : i32
      %swap3A_210 = arith.constant 1 : i32
      %swap3A_211 = arith.constant 1 : i32
      %swap3A_212 = arith.index_cast %swap3A_210 : i32 to index
      %swap3A_213 = arith.index_cast %swap3A_211 : i32 to index
      %swap3A_214 = arith.index_cast %mul3A_209 : i32 to index
      %swap3A_215 = tpu.vector_load %arg10[%swap3A_212, %swap3A_213, %swap3A_214] {strides = array<i32>} : memref<16x2x1024xf32, #tpu.memory_space<vmem>>, vector<16xf32>,
      tpu.vector_store %arg10[%swap3A_212, %swap3A_213, %swap3A_214], %gather3A_207 {strides = array<i32>} : memref<16x2x1024xf32, #tpu.memory_space<vmem>>, vector<16xf32>,
      %mul3A_216 = arith.constant 16 : i32
      %mul3A_217 = arith.muli %add3A_174, %mul3A_216 : i32
      %get3A_218 = arith.constant 1 : i32
      %get3A_219 = arith.constant 1 : i32
      %get3A_220 = arith.index_cast %get3A_218 : i32 to index
      %get3A_221 = arith.index_cast %get3A_219 : i32 to index
      %get3A_222 = arith.index_cast %mul3A_217 : i32 to index
      %get3A_223 = tpu.vector_load %arg9[%get3A_220, %get3A_221, %get3A_222] {strides = array<i32>} : memref<16x2x1024xf32, #tpu.memory_space<vmem>>, vector<16xf32>,
      %sub3A_224 = arith.subf %gather3A_207, %get3A_223 : vector<16xf32>
      %mul3A_225 = arith.mulf %sub3A_224, %sub3A_224 : vector<16xf32>
      %add3A_226 = arith.addf %add3A_203, %mul3A_225 : vector<16xf32>
      %mul3A_227 = arith.constant 4 : i32
      %mul3A_228 = arith.muli %scan3A_116, %mul3A_227 : i32
      %add3A_229 = arith.constant 2 : i32
      %add3A_230 = arith.addi %mul3A_228, %add3A_229 : i32
      %mul3A_231 = arith.constant 16 : i32
      %mul3A_232 = arith.muli %add3A_230, %mul3A_231 : i32
      %add3A_233 = arith.constant 1024 : i32
      %add3A_234 = arith.addi %add3A_233, %mul3A_232 : i32
      %get3A_235 = arith.index_cast %add3A_234 : i32 to index
      %get3A_236 = tpu.vector_load %arg8[%get3A_235] {strides = array<i32>} : memref<16384xi32, #tpu.memory_space<vmem>>, vector<16xi32>,
      %add3A_237 = arith.constant 0 : i32
      %add3A_238 = vector.broadcast %add3A_237 : i32 to vector<16xi32>
      %add3A_239 = arith.addi %get3A_236, %add3A_238 : vector<16xi32>
      %gather3A_240 = tpu.vector_load_idx %arg7[%add3A_239] : memref<2048xf32, #tpu.memory_space<vmem>>[vector<16xi32>], vector<16xf32>,
      %mul3A_241 = arith.constant 16 : i32
      %mul3A_242 = arith.muli %add3A_230, %mul3A_241 : i32
      %swap3A_243 = arith.constant 1 : i32
      %swap3A_244 = arith.constant 0 : i32
      %swap3A_245 = arith.index_cast %swap3A_243 : i32 to index
      %swap3A_246 = arith.index_cast %swap3A_244 : i32 to index
      %swap3A_247 = arith.index_cast %mul3A_242 : i32 to index
      %swap3A_248 = tpu.vector_load %arg10[%swap3A_245, %swap3A_246, %swap3A_247] {strides = array<i32>} : memref<16x2x1024xf32, #tpu.memory_space<vmem>>, vector<16xf32>,
      tpu.vector_store %arg10[%swap3A_245, %swap3A_246, %swap3A_247], %gather3A_240 {strides = array<i32>} : memref<16x2x1024xf32, #tpu.memory_space<vmem>>, vector<16xf32>,
      %mul3A_249 = arith.constant 16 : i32
      %mul3A_250 = arith.muli %add3A_230, %mul3A_249 : i32
      %get3A_251 = arith.constant 1 : i32
      %get3A_252 = arith.constant 0 : i32
      %get3A_253 = arith.index_cast %get3A_251 : i32 to index
      %get3A_254 = arith.index_cast %get3A_252 : i32 to index
      %get3A_255 = arith.index_cast %mul3A_250 : i32 to index
      %get3A_256 = tpu.vector_load %arg9[%get3A_253, %get3A_254, %get3A_255] {strides = array<i32>} : memref<16x2x1024xf32, #tpu.memory_space<vmem>>, vector<16xf32>,
      %sub3A_257 = arith.subf %gather3A_240, %get3A_256 : vector<16xf32>
      %mul3A_258 = arith.mulf %sub3A_257, %sub3A_257 : vector<16xf32>
      %add3A_259 = arith.addf %add3A_226, %mul3A_258 : vector<16xf32>
      %add3A_260 = arith.constant 1024 : i32
      %add3A_261 = vector.broadcast %add3A_260 : i32 to vector<16xi32>
      %add3A_262 = arith.addi %get3A_236, %add3A_261 : vector<16xi32>
      %gather3A_263 = tpu.vector_load_idx %arg7[%add3A_262] : memref<2048xf32, #tpu.memory_space<vmem>>[vector<16xi32>], vector<16xf32>,
      %mul3A_264 = arith.constant 16 : i32
      %mul3A_265 = arith.muli %add3A_230, %mul3A_264 : i32
      %swap3A_266 = arith.constant 1 : i32
      %swap3A_267 = arith.constant 1 : i32
      %swap3A_268 = arith.index_cast %swap3A_266 : i32 to index
      %swap3A_269 = arith.index_cast %swap3A_267 : i32 to index
      %swap3A_270 = arith.index_cast %mul3A_265 : i32 to index
      %swap3A_271 = tpu.vector_load %arg10[%swap3A_268, %swap3A_269, %swap3A_270] {strides = array<i32>} : memref<16x2x1024xf32, #tpu.memory_space<vmem>>, vector<16xf32>,
      tpu.vector_store %arg10[%swap3A_268, %swap3A_269, %swap3A_270], %gather3A_263 {strides = array<i32>} : memref<16x2x1024xf32, #tpu.memory_space<vmem>>, vector<16xf32>,
      %mul3A_272 = arith.constant 16 : i32
      %mul3A_273 = arith.muli %add3A_230, %mul3A_272 : i32
      %get3A_274 = arith.constant 1 : i32
      %get3A_275 = arith.constant 1 : i32
      %get3A_276 = arith.index_cast %get3A_274 : i32 to index
      %get3A_277 = arith.index_cast %get3A_275 : i32 to index
      %get3A_278 = arith.index_cast %mul3A_273 : i32 to index
      %get3A_279 = tpu.vector_load %arg9[%get3A_276, %get3A_277, %get3A_278] {strides = array<i32>} : memref<16x2x1024xf32, #tpu.memory_space<vmem>>, vector<16xf32>,
      %sub3A_280 = arith.subf %gather3A_263, %get3A_279 : vector<16xf32>
      %mul3A_281 = arith.mulf %sub3A_280, %sub3A_280 : vector<16xf32>
      %add3A_282 = arith.addf %add3A_259, %mul3A_281 : vector<16xf32>
      %mul3A_283 = arith.constant 4 : i32
      %mul3A_284 = arith.muli %scan3A_116, %mul3A_283 : i32
      %add3A_285 = arith.constant 3 : i32
      %add3A_286 = arith.addi %mul3A_284, %add3A_285 : i32
      %mul3A_287 = arith.constant 16 : i32
      %mul3A_288 = arith.muli %add3A_286, %mul3A_287 : i32
      %add3A_289 = arith.constant 1024 : i32
      %add3A_290 = arith.addi %add3A_289, %mul3A_288 : i32
      %get3A_291 = arith.index_cast %add3A_290 : i32 to index
      %get3A_292 = tpu.vector_load %arg8[%get3A_291] {strides = array<i32>} : memref<16384xi32, #tpu.memory_space<vmem>>, vector<16xi32>,
      %add3A_293 = arith.constant 0 : i32
      %add3A_294 = vector.broadcast %add3A_293 : i32 to vector<16xi32>
      %add3A_295 = arith.addi %get3A_292, %add3A_294 : vector<16xi32>
      %gather3A_296 = tpu.vector_load_idx %arg7[%add3A_295] : memref<2048xf32, #tpu.memory_space<vmem>>[vector<16xi32>], vector<16xf32>,
      %mul3A_297 = arith.constant 16 : i32
      %mul3A_298 = arith.muli %add3A_286, %mul3A_297 : i32
      %swap3A_299 = arith.constant 1 : i32
      %swap3A_300 = arith.constant 0 : i32
      %swap3A_301 = arith.index_cast %swap3A_299 : i32 to index
      %swap3A_302 = arith.index_cast %swap3A_300 : i32 to index
      %swap3A_303 = arith.index_cast %mul3A_298 : i32 to index
      %swap3A_304 = tpu.vector_load %arg10[%swap3A_301, %swap3A_302, %swap3A_303] {strides = array<i32>} : memref<16x2x1024xf32, #tpu.memory_space<vmem>>, vector<16xf32>,
      tpu.vector_store %arg10[%swap3A_301, %swap3A_302, %swap3A_303], %gather3A_296 {strides = array<i32>} : memref<16x2x1024xf32, #tpu.memory_space<vmem>>, vector<16xf32>,
      %mul3A_305 = arith.constant 16 : i32
      %mul3A_306 = arith.muli %add3A_286, %mul3A_305 : i32
      %get3A_307 = arith.constant 1 : i32
      %get3A_308 = arith.constant 0 : i32
      %get3A_309 = arith.index_cast %get3A_307 : i32 to index
      %get3A_310 = arith.index_cast %get3A_308 : i32 to index
      %get3A_311 = arith.index_cast %mul3A_306 : i32 to index
      %get3A_312 = tpu.vector_load %arg9[%get3A_309, %get3A_310, %get3A_311] {strides = array<i32>} : memref<16x2x1024xf32, #tpu.memory_space<vmem>>, vector<16xf32>,
      %sub3A_313 = arith.subf %gather3A_296, %get3A_312 : vector<16xf32>
      %mul3A_314 = arith.mulf %sub3A_313, %sub3A_313 : vector<16xf32>
      %add3A_315 = arith.addf %add3A_282, %mul3A_314 : vector<16xf32>
      %add3A_316 = arith.constant 1024 : i32
      %add3A_317 = vector.broadcast %add3A_316 : i32 to vector<16xi32>
      %add3A_318 = arith.addi %get3A_292, %add3A_317 : vector<16xi32>
      %gather3A_319 = tpu.vector_load_idx %arg7[%add3A_318] : memref<2048xf32, #tpu.memory_space<vmem>>[vector<16xi32>], vector<16xf32>,
      %mul3A_320 = arith.constant 16 : i32
      %mul3A_321 = arith.muli %add3A_286, %mul3A_320 : i32
      %swap3A_322 = arith.constant 1 : i32
      %swap3A_323 = arith.constant 1 : i32
      %swap3A_324 = arith.index_cast %swap3A_322 : i32 to index
      %swap3A_325 = arith.index_cast %swap3A_323 : i32 to index
      %swap3A_326 = arith.index_cast %mul3A_321 : i32 to index
      %swap3A_327 = tpu.vector_load %arg10[%swap3A_324, %swap3A_325, %swap3A_326] {strides = array<i32>} : memref<16x2x1024xf32, #tpu.memory_space<vmem>>, vector<16xf32>,
      tpu.vector_store %arg10[%swap3A_324, %swap3A_325, %swap3A_326], %gather3A_319 {strides = array<i32>} : memref<16x2x1024xf32, #tpu.memory_space<vmem>>, vector<16xf32>,
      %mul3A_328 = arith.constant 16 : i32
      %mul3A_329 = arith.muli %add3A_286, %mul3A_328 : i32
      %get3A_330 = arith.constant 1 : i32
      %get3A_331 = arith.constant 1 : i32
      %get3A_332 = arith.index_cast %get3A_330 : i32 to index
      %get3A_333 = arith.index_cast %get3A_331 : i32 to index
      %get3A_334 = arith.index_cast %mul3A_329 : i32 to index
      %get3A_335 = tpu.vector_load %arg9[%get3A_332, %get3A_333, %get3A_334] {strides = array<i32>} : memref<16x2x1024xf32, #tpu.memory_space<vmem>>, vector<16xf32>,
      %sub3A_336 = arith.subf %gather3A_319, %get3A_335 : vector<16xf32>
      %mul3A_337 = arith.mulf %sub3A_336, %sub3A_336 : vector<16xf32>
      %add3A_338 = arith.addf %add3A_315, %mul3A_337 : vector<16xf32>
      scf.yield %add3A_338 : vector<16xf32>
    }
    %scan3A_30 = arith.constant 16 : i32
    %scan3A_31 = arith.constant 0 : i32
    %scan3A_32 = arith.constant 16 : i32
    %scan3A_33 = arith.addi %scan3A_31, %scan3A_32 : i32
    %scan3A_34 = arith.constant 1 : i32
    %scan3A_35 = scf.for %scan3A_116 = %scan3A_31 to %scan3A_33 step %scan3A_34 iter_args(%scan3A_117 = %scan3A_29) -> (vector<16xf32>)  : i32 {
      %mul3A_118 = arith.constant 4 : i32
      %mul3A_119 = arith.muli %scan3A_116, %mul3A_118 : i32
      %add3A_120 = arith.constant 0 : i32
      %add3A_121 = arith.addi %mul3A_119, %add3A_120 : i32
      %mul3A_122 = arith.constant 16 : i32
      %mul3A_123 = arith.muli %add3A_121, %mul3A_122 : i32
      %add3A_124 = arith.constant 2048 : i32
      %add3A_125 = arith.addi %add3A_124, %mul3A_123 : i32
      %get3A = arith.index_cast %add3A_125 : i32 to index
      %get3A_126 = tpu.vector_load %arg8[%get3A] {strides = array<i32>} : memref<16384xi32, #tpu.memory_space<vmem>>, vector<16xi32>,
      %add3A_127 = arith.constant 0 : i32
      %add3A_128 = vector.broadcast %add3A_127 : i32 to vector<16xi32>
      %add3A_129 = arith.addi %get3A_126, %add3A_128 : vector<16xi32>
      %gather3A = tpu.vector_load_idx %arg7[%add3A_129] : memref<2048xf32, #tpu.memory_space<vmem>>[vector<16xi32>], vector<16xf32>,
      %mul3A_130 = arith.constant 16 : i32
      %mul3A_131 = arith.muli %add3A_121, %mul3A_130 : i32
      %swap3A_132 = arith.constant 2 : i32
      %swap3A_133 = arith.constant 0 : i32
      %swap3A_134 = arith.index_cast %swap3A_132 : i32 to index
      %swap3A_135 = arith.index_cast %swap3A_133 : i32 to index
      %swap3A_136 = arith.index_cast %mul3A_131 : i32 to index
      %swap3A_137 = tpu.vector_load %arg10[%swap3A_134, %swap3A_135, %swap3A_136] {strides = array<i32>} : memref<16x2x1024xf32, #tpu.memory_space<vmem>>, vector<16xf32>,
      tpu.vector_store %arg10[%swap3A_134, %swap3A_135, %swap3A_136], %gather3A {strides = array<i32>} : memref<16x2x1024xf32, #tpu.memory_space<vmem>>, vector<16xf32>,
      %mul3A_138 = arith.constant 16 : i32
      %mul3A_139 = arith.muli %add3A_121, %mul3A_138 : i32
      %get3A_140 = arith.constant 2 : i32
      %get3A_141 = arith.constant 0 : i32
      %get3A_142 = arith.index_cast %get3A_140 : i32 to index
      %get3A_143 = arith.index_cast %get3A_141 : i32 to index
      %get3A_144 = arith.index_cast %mul3A_139 : i32 to index
      %get3A_145 = tpu.vector_load %arg9[%get3A_142, %get3A_143, %get3A_144] {strides = array<i32>} : memref<16x2x1024xf32, #tpu.memory_space<vmem>>, vector<16xf32>,
      %sub3A = arith.subf %gather3A, %get3A_145 : vector<16xf32>
      %mul3A_146 = arith.mulf %sub3A, %sub3A : vector<16xf32>
      %add3A_147 = arith.addf %scan3A_117, %mul3A_146 : vector<16xf32>
      %add3A_148 = arith.constant 1024 : i32
      %add3A_149 = vector.broadcast %add3A_148 : i32 to vector<16xi32>
      %add3A_150 = arith.addi %get3A_126, %add3A_149 : vector<16xi32>
      %gather3A_151 = tpu.vector_load_idx %arg7[%add3A_150] : memref<2048xf32, #tpu.memory_space<vmem>>[vector<16xi32>], vector<16xf32>,
      %mul3A_152 = arith.constant 16 : i32
      %mul3A_153 = arith.muli %add3A_121, %mul3A_152 : i32
      %swap3A_154 = arith.constant 2 : i32
      %swap3A_155 = arith.constant 1 : i32
      %swap3A_156 = arith.index_cast %swap3A_154 : i32 to index
      %swap3A_157 = arith.index_cast %swap3A_155 : i32 to index
      %swap3A_158 = arith.index_cast %mul3A_153 : i32 to index
      %swap3A_159 = tpu.vector_load %arg10[%swap3A_156, %swap3A_157, %swap3A_158] {strides = array<i32>} : memref<16x2x1024xf32, #tpu.memory_space<vmem>>, vector<16xf32>,
      tpu.vector_store %arg10[%swap3A_156, %swap3A_157, %swap3A_158], %gather3A_151 {strides = array<i32>} : memref<16x2x1024xf32, #tpu.memory_space<vmem>>, vector<16xf32>,
      %mul3A_160 = arith.constant 16 : i32
      %mul3A_161 = arith.muli %add3A_121, %mul3A_160 : i32
      %get3A_162 = arith.constant 2 : i32
      %get3A_163 = arith.constant 1 : i32
      %get3A_164 = arith.index_cast %get3A_162 : i32 to index
      %get3A_165 = arith.index_cast %get3A_163 : i32 to index
      %get3A_166 = arith.index_cast %mul3A_161 : i32 to index
      %get3A_167 = tpu.vector_load %arg9[%get3A_164, %get3A_165, %get3A_166] {strides = array<i32>} : memref<16x2x1024xf32, #tpu.memory_space<vmem>>, vector<16xf32>,
      %sub3A_168 = arith.subf %gather3A_151, %get3A_167 : vector<16xf32>
      %mul3A_169 = arith.mulf %sub3A_168, %sub3A_168 : vector<16xf32>
      %add3A_170 = arith.addf %add3A_147, %mul3A_169 : vector<16xf32>
      %mul3A_171 = arith.constant 4 : i32
      %mul3A_172 = arith.muli %scan3A_116, %mul3A_171 : i32
      %add3A_173 = arith.constant 1 : i32
      %add3A_174 = arith.addi %mul3A_172, %add3A_173 : i32
      %mul3A_175 = arith.constant 16 : i32
      %mul3A_176 = arith.muli %add3A_174, %mul3A_175 : i32
      %add3A_177 = arith.constant 2048 : i32
      %add3A_178 = arith.addi %add3A_177, %mul3A_176 : i32
      %get3A_179 = arith.index_cast %add3A_178 : i32 to index
      %get3A_180 = tpu.vector_load %arg8[%get3A_179] {strides = array<i32>} : memref<16384xi32, #tpu.memory_space<vmem>>, vector<16xi32>,
      %add3A_181 = arith.constant 0 : i32
      %add3A_182 = vector.broadcast %add3A_181 : i32 to vector<16xi32>
      %add3A_183 = arith.addi %get3A_180, %add3A_182 : vector<16xi32>
      %gather3A_184 = tpu.vector_load_idx %arg7[%add3A_183] : memref<2048xf32, #tpu.memory_space<vmem>>[vector<16xi32>], vector<16xf32>,
      %mul3A_185 = arith.constant 16 : i32
      %mul3A_186 = arith.muli %add3A_174, %mul3A_185 : i32
      %swap3A_187 = arith.constant 2 : i32
      %swap3A_188 = arith.constant 0 : i32
      %swap3A_189 = arith.index_cast %swap3A_187 : i32 to index
      %swap3A_190 = arith.index_cast %swap3A_188 : i32 to index
      %swap3A_191 = arith.index_cast %mul3A_186 : i32 to index
      %swap3A_192 = tpu.vector_load %arg10[%swap3A_189, %swap3A_190, %swap3A_191] {strides = array<i32>} : memref<16x2x1024xf32, #tpu.memory_space<vmem>>, vector<16xf32>,
      tpu.vector_store %arg10[%swap3A_189, %swap3A_190, %swap3A_191], %gather3A_184 {strides = array<i32>} : memref<16x2x1024xf32, #tpu.memory_space<vmem>>, vector<16xf32>,
      %mul3A_193 = arith.constant 16 : i32
      %mul3A_194 = arith.muli %add3A_174, %mul3A_193 : i32
      %get3A_195 = arith.constant 2 : i32
      %get3A_196 = arith.constant 0 : i32
      %get3A_197 = arith.index_cast %get3A_195 : i32 to index
      %get3A_198 = arith.index_cast %get3A_196 : i32 to index
      %get3A_199 = arith.index_cast %mul3A_194 : i32 to index
      %get3A_200 = tpu.vector_load %arg9[%get3A_197, %get3A_198, %get3A_199] {strides = array<i32>} : memref<16x2x1024xf32, #tpu.memory_space<vmem>>, vector<16xf32>,
      %sub3A_201 = arith.subf %gather3A_184, %get3A_200 : vector<16xf32>
      %mul3A_202 = arith.mulf %sub3A_201, %sub3A_201 : vector<16xf32>
      %add3A_203 = arith.addf %add3A_170, %mul3A_202 : vector<16xf32>
      %add3A_204 = arith.constant 1024 : i32
      %add3A_205 = vector.broadcast %add3A_204 : i32 to vector<16xi32>
      %add3A_206 = arith.addi %get3A_180, %add3A_205 : vector<16xi32>
      %gather3A_207 = tpu.vector_load_idx %arg7[%add3A_206] : memref<2048xf32, #tpu.memory_space<vmem>>[vector<16xi32>], vector<16xf32>,
      %mul3A_208 = arith.constant 16 : i32
      %mul3A_209 = arith.muli %add3A_174, %mul3A_208 : i32
      %swap3A_210 = arith.constant 2 : i32
      %swap3A_211 = arith.constant 1 : i32
      %swap3A_212 = arith.index_cast %swap3A_210 : i32 to index
      %swap3A_213 = arith.index_cast %swap3A_211 : i32 to index
      %swap3A_214 = arith.index_cast %mul3A_209 : i32 to index
      %swap3A_215 = tpu.vector_load %arg10[%swap3A_212, %swap3A_213, %swap3A_214] {strides = array<i32>} : memref<16x2x1024xf32, #tpu.memory_space<vmem>>, vector<16xf32>,
      tpu.vector_store %arg10[%swap3A_212, %swap3A_213, %swap3A_214], %gather3A_207 {strides = array<i32>} : memref<16x2x1024xf32, #tpu.memory_space<vmem>>, vector<16xf32>,
      %mul3A_216 = arith.constant 16 : i32
      %mul3A_217 = arith.muli %add3A_174, %mul3A_216 : i32
      %get3A_218 = arith.constant 2 : i32
      %get3A_219 = arith.constant 1 : i32
      %get3A_220 = arith.index_cast %get3A_218 : i32 to index
      %get3A_221 = arith.index_cast %get3A_219 : i32 to index
      %get3A_222 = arith.index_cast %mul3A_217 : i32 to index
      %get3A_223 = tpu.vector_load %arg9[%get3A_220, %get3A_221, %get3A_222] {strides = array<i32>} : memref<16x2x1024xf32, #tpu.memory_space<vmem>>, vector<16xf32>,
      %sub3A_224 = arith.subf %gather3A_207, %get3A_223 : vector<16xf32>
      %mul3A_225 = arith.mulf %sub3A_224, %sub3A_224 : vector<16xf32>
      %add3A_226 = arith.addf %add3A_203, %mul3A_225 : vector<16xf32>
      %mul3A_227 = arith.constant 4 : i32
      %mul3A_228 = arith.muli %scan3A_116, %mul3A_227 : i32
      %add3A_229 = arith.constant 2 : i32
      %add3A_230 = arith.addi %mul3A_228, %add3A_229 : i32
      %mul3A_231 = arith.constant 16 : i32
      %mul3A_232 = arith.muli %add3A_230, %mul3A_231 : i32
      %add3A_233 = arith.constant 2048 : i32
      %add3A_234 = arith.addi %add3A_233, %mul3A_232 : i32
      %get3A_235 = arith.index_cast %add3A_234 : i32 to index
      %get3A_236 = tpu.vector_load %arg8[%get3A_235] {strides = array<i32>} : memref<16384xi32, #tpu.memory_space<vmem>>, vector<16xi32>,
      %add3A_237 = arith.constant 0 : i32
      %add3A_238 = vector.broadcast %add3A_237 : i32 to vector<16xi32>
      %add3A_239 = arith.addi %get3A_236, %add3A_238 : vector<16xi32>
      %gather3A_240 = tpu.vector_load_idx %arg7[%add3A_239] : memref<2048xf32, #tpu.memory_space<vmem>>[vector<16xi32>], vector<16xf32>,
      %mul3A_241 = arith.constant 16 : i32
      %mul3A_242 = arith.muli %add3A_230, %mul3A_241 : i32
      %swap3A_243 = arith.constant 2 : i32
      %swap3A_244 = arith.constant 0 : i32
      %swap3A_245 = arith.index_cast %swap3A_243 : i32 to index
      %swap3A_246 = arith.index_cast %swap3A_244 : i32 to index
      %swap3A_247 = arith.index_cast %mul3A_242 : i32 to index
      %swap3A_248 = tpu.vector_load %arg10[%swap3A_245, %swap3A_246, %swap3A_247] {strides = array<i32>} : memref<16x2x1024xf32, #tpu.memory_space<vmem>>, vector<16xf32>,
      tpu.vector_store %arg10[%swap3A_245, %swap3A_246, %swap3A_247], %gather3A_240 {strides = array<i32>} : memref<16x2x1024xf32, #tpu.memory_space<vmem>>, vector<16xf32>,
      %mul3A_249 = arith.constant 16 : i32
      %mul3A_250 = arith.muli %add3A_230, %mul3A_249 : i32
      %get3A_251 = arith.constant 2 : i32
      %get3A_252 = arith.constant 0 : i32
      %get3A_253 = arith.index_cast %get3A_251 : i32 to index
      %get3A_254 = arith.index_cast %get3A_252 : i32 to index
      %get3A_255 = arith.index_cast %mul3A_250 : i32 to index
      %get3A_256 = tpu.vector_load %arg9[%get3A_253, %get3A_254, %get3A_255] {strides = array<i32>} : memref<16x2x1024xf32, #tpu.memory_space<vmem>>, vector<16xf32>,
      %sub3A_257 = arith.subf %gather3A_240, %get3A_256 : vector<16xf32>
      %mul3A_258 = arith.mulf %sub3A_257, %sub3A_257 : vector<16xf32>
      %add3A_259 = arith.addf %add3A_226, %mul3A_258 : vector<16xf32>
      %add3A_260 = arith.constant 1024 : i32
      %add3A_261 = vector.broadcast %add3A_260 : i32 to vector<16xi32>
      %add3A_262 = arith.addi %get3A_236, %add3A_261 : vector<16xi32>
      %gather3A_263 = tpu.vector_load_idx %arg7[%add3A_262] : memref<2048xf32, #tpu.memory_space<vmem>>[vector<16xi32>], vector<16xf32>,
      %mul3A_264 = arith.constant 16 : i32
      %mul3A_265 = arith.muli %add3A_230, %mul3A_264 : i32
      %swap3A_266 = arith.constant 2 : i32
      %swap3A_267 = arith.constant 1 : i32
      %swap3A_268 = arith.index_cast %swap3A_266 : i32 to index
      %swap3A_269 = arith.index_cast %swap3A_267 : i32 to index
      %swap3A_270 = arith.index_cast %mul3A_265 : i32 to index
      %swap3A_271 = tpu.vector_load %arg10[%swap3A_268, %swap3A_269, %swap3A_270] {strides = array<i32>} : memref<16x2x1024xf32, #tpu.memory_space<vmem>>, vector<16xf32>,
      tpu.vector_store %arg10[%swap3A_268, %swap3A_269, %swap3A_270], %gather3A_263 {strides = array<i32>} : memref<16x2x1024xf32, #tpu.memory_space<vmem>>, vector<16xf32>,
      %mul3A_272 = arith.constant 16 : i32
      %mul3A_273 = arith.muli %add3A_230, %mul3A_272 : i32
      %get3A_274 = arith.constant 2 : i32
      %get3A_275 = arith.constant 1 : i32
      %get3A_276 = arith.index_cast %get3A_274 : i32 to index
      %get3A_277 = arith.index_cast %get3A_275 : i32 to index
      %get3A_278 = arith.index_cast %mul3A_273 : i32 to index
      %get3A_279 = tpu.vector_load %arg9[%get3A_276, %get3A_277, %get3A_278] {strides = array<i32>} : memref<16x2x1024xf32, #tpu.memory_space<vmem>>, vector<16xf32>,
      %sub3A_280 = arith.subf %gather3A_263, %get3A_279 : vector<16xf32>
      %mul3A_281 = arith.mulf %sub3A_280, %sub3A_280 : vector<16xf32>
      %add3A_282 = arith.addf %add3A_259, %mul3A_281 : vector<16xf32>
      %mul3A_283 = arith.constant 4 : i32
      %mul3A_284 = arith.muli %scan3A_116, %mul3A_283 : i32
      %add3A_285 = arith.constant 3 : i32
      %add3A_286 = arith.addi %mul3A_284, %add3A_285 : i32
      %mul3A_287 = arith.constant 16 : i32
      %mul3A_288 = arith.muli %add3A_286, %mul3A_287 : i32
      %add3A_289 = arith.constant 2048 : i32
      %add3A_290 = arith.addi %add3A_289, %mul3A_288 : i32
      %get3A_291 = arith.index_cast %add3A_290 : i32 to index
      %get3A_292 = tpu.vector_load %arg8[%get3A_291] {strides = array<i32>} : memref<16384xi32, #tpu.memory_space<vmem>>, vector<16xi32>,
      %add3A_293 = arith.constant 0 : i32
      %add3A_294 = vector.broadcast %add3A_293 : i32 to vector<16xi32>
      %add3A_295 = arith.addi %get3A_292, %add3A_294 : vector<16xi32>
      %gather3A_296 = tpu.vector_load_idx %arg7[%add3A_295] : memref<2048xf32, #tpu.memory_space<vmem>>[vector<16xi32>], vector<16xf32>,
      %mul3A_297 = arith.constant 16 : i32
      %mul3A_298 = arith.muli %add3A_286, %mul3A_297 : i32
      %swap3A_299 = arith.constant 2 : i32
      %swap3A_300 = arith.constant 0 : i32
      %swap3A_301 = arith.index_cast %swap3A_299 : i32 to index
      %swap3A_302 = arith.index_cast %swap3A_300 : i32 to index
      %swap3A_303 = arith.index_cast %mul3A_298 : i32 to index
      %swap3A_304 = tpu.vector_load %arg10[%swap3A_301, %swap3A_302, %swap3A_303] {strides = array<i32>} : memref<16x2x1024xf32, #tpu.memory_space<vmem>>, vector<16xf32>,
      tpu.vector_store %arg10[%swap3A_301, %swap3A_302, %swap3A_303], %gather3A_296 {strides = array<i32>} : memref<16x2x1024xf32, #tpu.memory_space<vmem>>, vector<16xf32>,
      %mul3A_305 = arith.constant 16 : i32
      %mul3A_306 = arith.muli %add3A_286, %mul3A_305 : i32
      %get3A_307 = arith.constant 2 : i32
      %get3A_308 = arith.constant 0 : i32
      %get3A_309 = arith.index_cast %get3A_307 : i32 to index
      %get3A_310 = arith.index_cast %get3A_308 : i32 to index
      %get3A_311 = arith.index_cast %mul3A_306 : i32 to index
      %get3A_312 = tpu.vector_load %arg9[%get3A_309, %get3A_310, %get3A_311] {strides = array<i32>} : memref<16x2x1024xf32, #tpu.memory_space<vmem>>, vector<16xf32>,
      %sub3A_313 = arith.subf %gather3A_296, %get3A_312 : vector<16xf32>
      %mul3A_314 = arith.mulf %sub3A_313, %sub3A_313 : vector<16xf32>
      %add3A_315 = arith.addf %add3A_282, %mul3A_314 : vector<16xf32>
      %add3A_316 = arith.constant 1024 : i32
      %add3A_317 = vector.broadcast %add3A_316 : i32 to vector<16xi32>
      %add3A_318 = arith.addi %get3A_292, %add3A_317 : vector<16xi32>
      %gather3A_319 = tpu.vector_load_idx %arg7[%add3A_318] : memref<2048xf32, #tpu.memory_space<vmem>>[vector<16xi32>], vector<16xf32>,
      %mul3A_320 = arith.constant 16 : i32
      %mul3A_321 = arith.muli %add3A_286, %mul3A_320 : i32
      %swap3A_322 = arith.constant 2 : i32
      %swap3A_323 = arith.constant 1 : i32
      %swap3A_324 = arith.index_cast %swap3A_322 : i32 to index
      %swap3A_325 = arith.index_cast %swap3A_323 : i32 to index
      %swap3A_326 = arith.index_cast %mul3A_321 : i32 to index
      %swap3A_327 = tpu.vector_load %arg10[%swap3A_324, %swap3A_325, %swap3A_326] {strides = array<i32>} : memref<16x2x1024xf32, #tpu.memory_space<vmem>>, vector<16xf32>,
      tpu.vector_store %arg10[%swap3A_324, %swap3A_325, %swap3A_326], %gather3A_319 {strides = array<i32>} : memref<16x2x1024xf32, #tpu.memory_space<vmem>>, vector<16xf32>,
      %mul3A_328 = arith.constant 16 : i32
      %mul3A_329 = arith.muli %add3A_286, %mul3A_328 : i32
      %get3A_330 = arith.constant 2 : i32
      %get3A_331 = arith.constant 1 : i32
      %get3A_332 = arith.index_cast %get3A_330 : i32 to index
      %get3A_333 = arith.index_cast %get3A_331 : i32 to index
      %get3A_334 = arith.index_cast %mul3A_329 : i32 to index
      %get3A_335 = tpu.vector_load %arg9[%get3A_332, %get3A_333, %get3A_334] {strides = array<i32>} : memref<16x2x1024xf32, #tpu.memory_space<vmem>>, vector<16xf32>,
      %sub3A_336 = arith.subf %gather3A_319, %get3A_335 : vector<16xf32>
      %mul3A_337 = arith.mulf %sub3A_336, %sub3A_336 : vector<16xf32>
      %add3A_338 = arith.addf %add3A_315, %mul3A_337 : vector<16xf32>
      scf.yield %add3A_338 : vector<16xf32>
    }
    %scan3A_36 = arith.constant 16 : i32
    %scan3A_37 = arith.constant 0 : i32
    %scan3A_38 = arith.constant 16 : i32
    %scan3A_39 = arith.addi %scan3A_37, %scan3A_38 : i32
    %scan3A_40 = arith.constant 1 : i32
    %scan3A_41 = scf.for %scan3A_116 = %scan3A_37 to %scan3A_39 step %scan3A_40 iter_args(%scan3A_117 = %scan3A_35) -> (vector<16xf32>)  : i32 {
      %mul3A_118 = arith.constant 4 : i32
      %mul3A_119 = arith.muli %scan3A_116, %mul3A_118 : i32
      %add3A_120 = arith.constant 0 : i32
      %add3A_121 = arith.addi %mul3A_119, %add3A_120 : i32
      %mul3A_122 = arith.constant 16 : i32
      %mul3A_123 = arith.muli %add3A_121, %mul3A_122 : i32
      %add3A_124 = arith.constant 3072 : i32
      %add3A_125 = arith.addi %add3A_124, %mul3A_123 : i32
      %get3A = arith.index_cast %add3A_125 : i32 to index
      %get3A_126 = tpu.vector_load %arg8[%get3A] {strides = array<i32>} : memref<16384xi32, #tpu.memory_space<vmem>>, vector<16xi32>,
      %add3A_127 = arith.constant 0 : i32
      %add3A_128 = vector.broadcast %add3A_127 : i32 to vector<16xi32>
      %add3A_129 = arith.addi %get3A_126, %add3A_128 : vector<16xi32>
      %gather3A = tpu.vector_load_idx %arg7[%add3A_129] : memref<2048xf32, #tpu.memory_space<vmem>>[vector<16xi32>], vector<16xf32>,
      %mul3A_130 = arith.constant 16 : i32
      %mul3A_131 = arith.muli %add3A_121, %mul3A_130 : i32
      %swap3A_132 = arith.constant 3 : i32
      %swap3A_133 = arith.constant 0 : i32
      %swap3A_134 = arith.index_cast %swap3A_132 : i32 to index
      %swap3A_135 = arith.index_cast %swap3A_133 : i32 to index
      %swap3A_136 = arith.index_cast %mul3A_131 : i32 to index
      %swap3A_137 = tpu.vector_load %arg10[%swap3A_134, %swap3A_135, %swap3A_136] {strides = array<i32>} : memref<16x2x1024xf32, #tpu.memory_space<vmem>>, vector<16xf32>,
      tpu.vector_store %arg10[%swap3A_134, %swap3A_135, %swap3A_136], %gather3A {strides = array<i32>} : memref<16x2x1024xf32, #tpu.memory_space<vmem>>, vector<16xf32>,
      %mul3A_138 = arith.constant 16 : i32
      %mul3A_139 = arith.muli %add3A_121, %mul3A_138 : i32
      %get3A_140 = arith.constant 3 : i32
      %get3A_141 = arith.constant 0 : i32
      %get3A_142 = arith.index_cast %get3A_140 : i32 to index
      %get3A_143 = arith.index_cast %get3A_141 : i32 to index
      %get3A_144 = arith.index_cast %mul3A_139 : i32 to index
      %get3A_145 = tpu.vector_load %arg9[%get3A_142, %get3A_143, %get3A_144] {strides = array<i32>} : memref<16x2x1024xf32, #tpu.memory_space<vmem>>, vector<16xf32>,
      %sub3A = arith.subf %gather3A, %get3A_145 : vector<16xf32>
      %mul3A_146 = arith.mulf %sub3A, %sub3A : vector<16xf32>
      %add3A_147 = arith.addf %scan3A_117, %mul3A_146 : vector<16xf32>
      %add3A_148 = arith.constant 1024 : i32
      %add3A_149 = vector.broadcast %add3A_148 : i32 to vector<16xi32>
      %add3A_150 = arith.addi %get3A_126, %add3A_149 : vector<16xi32>
      %gather3A_151 = tpu.vector_load_idx %arg7[%add3A_150] : memref<2048xf32, #tpu.memory_space<vmem>>[vector<16xi32>], vector<16xf32>,
      %mul3A_152 = arith.constant 16 : i32
      %mul3A_153 = arith.muli %add3A_121, %mul3A_152 : i32
      %swap3A_154 = arith.constant 3 : i32
      %swap3A_155 = arith.constant 1 : i32
      %swap3A_156 = arith.index_cast %swap3A_154 : i32 to index
      %swap3A_157 = arith.index_cast %swap3A_155 : i32 to index
      %swap3A_158 = arith.index_cast %mul3A_153 : i32 to index
      %swap3A_159 = tpu.vector_load %arg10[%swap3A_156, %swap3A_157, %swap3A_158] {strides = array<i32>} : memref<16x2x1024xf32, #tpu.memory_space<vmem>>, vector<16xf32>,
      tpu.vector_store %arg10[%swap3A_156, %swap3A_157, %swap3A_158], %gather3A_151 {strides = array<i32>} : memref<16x2x1024xf32, #tpu.memory_space<vmem>>, vector<16xf32>,
      %mul3A_160 = arith.constant 16 : i32
      %mul3A_161 = arith.muli %add3A_121, %mul3A_160 : i32
      %get3A_162 = arith.constant 3 : i32
      %get3A_163 = arith.constant 1 : i32
      %get3A_164 = arith.index_cast %get3A_162 : i32 to index
      %get3A_165 = arith.index_cast %get3A_163 : i32 to index
      %get3A_166 = arith.index_cast %mul3A_161 : i32 to index
      %get3A_167 = tpu.vector_load %arg9[%get3A_164, %get3A_165, %get3A_166] {strides = array<i32>} : memref<16x2x1024xf32, #tpu.memory_space<vmem>>, vector<16xf32>,
      %sub3A_168 = arith.subf %gather3A_151, %get3A_167 : vector<16xf32>
      %mul3A_169 = arith.mulf %sub3A_168, %sub3A_168 : vector<16xf32>
      %add3A_170 = arith.addf %add3A_147, %mul3A_169 : vector<16xf32>
      %mul3A_171 = arith.constant 4 : i32
      %mul3A_172 = arith.muli %scan3A_116, %mul3A_171 : i32
      %add3A_173 = arith.constant 1 : i32
      %add3A_174 = arith.addi %mul3A_172, %add3A_173 : i32
      %mul3A_175 = arith.constant 16 : i32
      %mul3A_176 = arith.muli %add3A_174, %mul3A_175 : i32
      %add3A_177 = arith.constant 3072 : i32
      %add3A_178 = arith.addi %add3A_177, %mul3A_176 : i32
      %get3A_179 = arith.index_cast %add3A_178 : i32 to index
      %get3A_180 = tpu.vector_load %arg8[%get3A_179] {strides = array<i32>} : memref<16384xi32, #tpu.memory_space<vmem>>, vector<16xi32>,
      %add3A_181 = arith.constant 0 : i32
      %add3A_182 = vector.broadcast %add3A_181 : i32 to vector<16xi32>
      %add3A_183 = arith.addi %get3A_180, %add3A_182 : vector<16xi32>
      %gather3A_184 = tpu.vector_load_idx %arg7[%add3A_183] : memref<2048xf32, #tpu.memory_space<vmem>>[vector<16xi32>], vector<16xf32>,
      %mul3A_185 = arith.constant 16 : i32
      %mul3A_186 = arith.muli %add3A_174, %mul3A_185 : i32
      %swap3A_187 = arith.constant 3 : i32
      %swap3A_188 = arith.constant 0 : i32
      %swap3A_189 = arith.index_cast %swap3A_187 : i32 to index
      %swap3A_190 = arith.index_cast %swap3A_188 : i32 to index
      %swap3A_191 = arith.index_cast %mul3A_186 : i32 to index
      %swap3A_192 = tpu.vector_load %arg10[%swap3A_189, %swap3A_190, %swap3A_191] {strides = array<i32>} : memref<16x2x1024xf32, #tpu.memory_space<vmem>>, vector<16xf32>,
      tpu.vector_store %arg10[%swap3A_189, %swap3A_190, %swap3A_191], %gather3A_184 {strides = array<i32>} : memref<16x2x1024xf32, #tpu.memory_space<vmem>>, vector<16xf32>,
      %mul3A_193 = arith.constant 16 : i32
      %mul3A_194 = arith.muli %add3A_174, %mul3A_193 : i32
      %get3A_195 = arith.constant 3 : i32
      %get3A_196 = arith.constant 0 : i32
      %get3A_197 = arith.index_cast %get3A_195 : i32 to index
      %get3A_198 = arith.index_cast %get3A_196 : i32 to index
      %get3A_199 = arith.index_cast %mul3A_194 : i32 to index
      %get3A_200 = tpu.vector_load %arg9[%get3A_197, %get3A_198, %get3A_199] {strides = array<i32>} : memref<16x2x1024xf32, #tpu.memory_space<vmem>>, vector<16xf32>,
      %sub3A_201 = arith.subf %gather3A_184, %get3A_200 : vector<16xf32>
      %mul3A_202 = arith.mulf %sub3A_201, %sub3A_201 : vector<16xf32>
      %add3A_203 = arith.addf %add3A_170, %mul3A_202 : vector<16xf32>
      %add3A_204 = arith.constant 1024 : i32
      %add3A_205 = vector.broadcast %add3A_204 : i32 to vector<16xi32>
      %add3A_206 = arith.addi %get3A_180, %add3A_205 : vector<16xi32>
      %gather3A_207 = tpu.vector_load_idx %arg7[%add3A_206] : memref<2048xf32, #tpu.memory_space<vmem>>[vector<16xi32>], vector<16xf32>,
      %mul3A_208 = arith.constant 16 : i32
      %mul3A_209 = arith.muli %add3A_174, %mul3A_208 : i32
      %swap3A_210 = arith.constant 3 : i32
      %swap3A_211 = arith.constant 1 : i32
      %swap3A_212 = arith.index_cast %swap3A_210 : i32 to index
      %swap3A_213 = arith.index_cast %swap3A_211 : i32 to index
      %swap3A_214 = arith.index_cast %mul3A_209 : i32 to index
      %swap3A_215 = tpu.vector_load %arg10[%swap3A_212, %swap3A_213, %swap3A_214] {strides = array<i32>} : memref<16x2x1024xf32, #tpu.memory_space<vmem>>, vector<16xf32>,
      tpu.vector_store %arg10[%swap3A_212, %swap3A_213, %swap3A_214], %gather3A_207 {strides = array<i32>} : memref<16x2x1024xf32, #tpu.memory_space<vmem>>, vector<16xf32>,
      %mul3A_216 = arith.constant 16 : i32
      %mul3A_217 = arith.muli %add3A_174, %mul3A_216 : i32
      %get3A_218 = arith.constant 3 : i32
      %get3A_219 = arith.constant 1 : i32
      %get3A_220 = arith.index_cast %get3A_218 : i32 to index
      %get3A_221 = arith.index_cast %get3A_219 : i32 to index
      %get3A_222 = arith.index_cast %mul3A_217 : i32 to index
      %get3A_223 = tpu.vector_load %arg9[%get3A_220, %get3A_221, %get3A_222] {strides = array<i32>} : memref<16x2x1024xf32, #tpu.memory_space<vmem>>, vector<16xf32>,
      %sub3A_224 = arith.subf %gather3A_207, %get3A_223 : vector<16xf32>
      %mul3A_225 = arith.mulf %sub3A_224, %sub3A_224 : vector<16xf32>
      %add3A_226 = arith.addf %add3A_203, %mul3A_225 : vector<16xf32>
      %mul3A_227 = arith.constant 4 : i32
      %mul3A_228 = arith.muli %scan3A_116, %mul3A_227 : i32
      %add3A_229 = arith.constant 2 : i32
      %add3A_230 = arith.addi %mul3A_228, %add3A_229 : i32
      %mul3A_231 = arith.constant 16 : i32
      %mul3A_232 = arith.muli %add3A_230, %mul3A_231 : i32
      %add3A_233 = arith.constant 3072 : i32
      %add3A_234 = arith.addi %add3A_233, %mul3A_232 : i32
      %get3A_235 = arith.index_cast %add3A_234 : i32 to index
      %get3A_236 = tpu.vector_load %arg8[%get3A_235] {strides = array<i32>} : memref<16384xi32, #tpu.memory_space<vmem>>, vector<16xi32>,
      %add3A_237 = arith.constant 0 : i32
      %add3A_238 = vector.broadcast %add3A_237 : i32 to vector<16xi32>
      %add3A_239 = arith.addi %get3A_236, %add3A_238 : vector<16xi32>
      %gather3A_240 = tpu.vector_load_idx %arg7[%add3A_239] : memref<2048xf32, #tpu.memory_space<vmem>>[vector<16xi32>], vector<16xf32>,
      %mul3A_241 = arith.constant 16 : i32
      %mul3A_242 = arith.muli %add3A_230, %mul3A_241 : i32
      %swap3A_243 = arith.constant 3 : i32
      %swap3A_244 = arith.constant 0 : i32
      %swap3A_245 = arith.index_cast %swap3A_243 : i32 to index
      %swap3A_246 = arith.index_cast %swap3A_244 : i32 to index
      %swap3A_247 = arith.index_cast %mul3A_242 : i32 to index
      %swap3A_248 = tpu.vector_load %arg10[%swap3A_245, %swap3A_246, %swap3A_247] {strides = array<i32>} : memref<16x2x1024xf32, #tpu.memory_space<vmem>>, vector<16xf32>,
      tpu.vector_store %arg10[%swap3A_245, %swap3A_246, %swap3A_247], %gather3A_240 {strides = array<i32>} : memref<16x2x1024xf32, #tpu.memory_space<vmem>>, vector<16xf32>,
      %mul3A_249 = arith.constant 16 : i32
      %mul3A_250 = arith.muli %add3A_230, %mul3A_249 : i32
      %get3A_251 = arith.constant 3 : i32
      %get3A_252 = arith.constant 0 : i32
      %get3A_253 = arith.index_cast %get3A_251 : i32 to index
      %get3A_254 = arith.index_cast %get3A_252 : i32 to index
      %get3A_255 = arith.index_cast %mul3A_250 : i32 to index
      %get3A_256 = tpu.vector_load %arg9[%get3A_253, %get3A_254, %get3A_255] {strides = array<i32>} : memref<16x2x1024xf32, #tpu.memory_space<vmem>>, vector<16xf32>,
      %sub3A_257 = arith.subf %gather3A_240, %get3A_256 : vector<16xf32>
      %mul3A_258 = arith.mulf %sub3A_257, %sub3A_257 : vector<16xf32>
      %add3A_259 = arith.addf %add3A_226, %mul3A_258 : vector<16xf32>
      %add3A_260 = arith.constant 1024 : i32
      %add3A_261 = vector.broadcast %add3A_260 : i32 to vector<16xi32>
      %add3A_262 = arith.addi %get3A_236, %add3A_261 : vector<16xi32>
      %gather3A_263 = tpu.vector_load_idx %arg7[%add3A_262] : memref<2048xf32, #tpu.memory_space<vmem>>[vector<16xi32>], vector<16xf32>,
      %mul3A_264 = arith.constant 16 : i32
      %mul3A_265 = arith.muli %add3A_230, %mul3A_264 : i32
      %swap3A_266 = arith.constant 3 : i32
      %swap3A_267 = arith.constant 1 : i32
      %swap3A_268 = arith.index_cast %swap3A_266 : i32 to index
      %swap3A_269 = arith.index_cast %swap3A_267 : i32 to index
      %swap3A_270 = arith.index_cast %mul3A_265 : i32 to index
      %swap3A_271 = tpu.vector_load %arg10[%swap3A_268, %swap3A_269, %swap3A_270] {strides = array<i32>} : memref<16x2x1024xf32, #tpu.memory_space<vmem>>, vector<16xf32>,
      tpu.vector_store %arg10[%swap3A_268, %swap3A_269, %swap3A_270], %gather3A_263 {strides = array<i32>} : memref<16x2x1024xf32, #tpu.memory_space<vmem>>, vector<16xf32>,
      %mul3A_272 = arith.constant 16 : i32
      %mul3A_273 = arith.muli %add3A_230, %mul3A_272 : i32
      %get3A_274 = arith.constant 3 : i32
      %get3A_275 = arith.constant 1 : i32
      %get3A_276 = arith.index_cast %get3A_274 : i32 to index
      %get3A_277 = arith.index_cast %get3A_275 : i32 to index
      %get3A_278 = arith.index_cast %mul3A_273 : i32 to index
      %get3A_279 = tpu.vector_load %arg9[%get3A_276, %get3A_277, %get3A_278] {strides = array<i32>} : memref<16x2x1024xf32, #tpu.memory_space<vmem>>, vector<16xf32>,
      %sub3A_280 = arith.subf %gather3A_263, %get3A_279 : vector<16xf32>
      %mul3A_281 = arith.mulf %sub3A_280, %sub3A_280 : vector<16xf32>
      %add3A_282 = arith.addf %add3A_259, %mul3A_281 : vector<16xf32>
      %mul3A_283 = arith.constant 4 : i32
      %mul3A_284 = arith.muli %scan3A_116, %mul3A_283 : i32
      %add3A_285 = arith.constant 3 : i32
      %add3A_286 = arith.addi %mul3A_284, %add3A_285 : i32
      %mul3A_287 = arith.constant 16 : i32
      %mul3A_288 = arith.muli %add3A_286, %mul3A_287 : i32
      %add3A_289 = arith.constant 3072 : i32
      %add3A_290 = arith.addi %add3A_289, %mul3A_288 : i32
      %get3A_291 = arith.index_cast %add3A_290 : i32 to index
      %get3A_292 = tpu.vector_load %arg8[%get3A_291] {strides = array<i32>} : memref<16384xi32, #tpu.memory_space<vmem>>, vector<16xi32>,
      %add3A_293 = arith.constant 0 : i32
      %add3A_294 = vector.broadcast %add3A_293 : i32 to vector<16xi32>
      %add3A_295 = arith.addi %get3A_292, %add3A_294 : vector<16xi32>
      %gather3A_296 = tpu.vector_load_idx %arg7[%add3A_295] : memref<2048xf32, #tpu.memory_space<vmem>>[vector<16xi32>], vector<16xf32>,
      %mul3A_297 = arith.constant 16 : i32
      %mul3A_298 = arith.muli %add3A_286, %mul3A_297 : i32
      %swap3A_299 = arith.constant 3 : i32
      %swap3A_300 = arith.constant 0 : i32
      %swap3A_301 = arith.index_cast %swap3A_299 : i32 to index
      %swap3A_302 = arith.index_cast %swap3A_300 : i32 to index
      %swap3A_303 = arith.index_cast %mul3A_298 : i32 to index
      %swap3A_304 = tpu.vector_load %arg10[%swap3A_301, %swap3A_302, %swap3A_303] {strides = array<i32>} : memref<16x2x1024xf32, #tpu.memory_space<vmem>>, vector<16xf32>,
      tpu.vector_store %arg10[%swap3A_301, %swap3A_302, %swap3A_303], %gather3A_296 {strides = array<i32>} : memref<16x2x1024xf32, #tpu.memory_space<vmem>>, vector<16xf32>,
      %mul3A_305 = arith.constant 16 : i32
      %mul3A_306 = arith.muli %add3A_286, %mul3A_305 : i32
      %get3A_307 = arith.constant 3 : i32
      %get3A_308 = arith.constant 0 : i32
      %get3A_309 = arith.index_cast %get3A_307 : i32 to index
      %get3A_310 = arith.index_cast %get3A_308 : i32 to index
      %get3A_311 = arith.index_cast %mul3A_306 : i32 to index
      %get3A_312 = tpu.vector_load %arg9[%get3A_309, %get3A_310, %get3A_311] {strides = array<i32>} : memref<16x2x1024xf32, #tpu.memory_space<vmem>>, vector<16xf32>,
      %sub3A_313 = arith.subf %gather3A_296, %get3A_312 : vector<16xf32>
      %mul3A_314 = arith.mulf %sub3A_313, %sub3A_313 : vector<16xf32>
      %add3A_315 = arith.addf %add3A_282, %mul3A_314 : vector<16xf32>
      %add3A_316 = arith.constant 1024 : i32
      %add3A_317 = vector.broadcast %add3A_316 : i32 to vector<16xi32>
      %add3A_318 = arith.addi %get3A_292, %add3A_317 : vector<16xi32>
      %gather3A_319 = tpu.vector_load_idx %arg7[%add3A_318] : memref<2048xf32, #tpu.memory_space<vmem>>[vector<16xi32>], vector<16xf32>,
      %mul3A_320 = arith.constant 16 : i32
      %mul3A_321 = arith.muli %add3A_286, %mul3A_320 : i32
      %swap3A_322 = arith.constant 3 : i32
      %swap3A_323 = arith.constant 1 : i32
      %swap3A_324 = arith.index_cast %swap3A_322 : i32 to index
      %swap3A_325 = arith.index_cast %swap3A_323 : i32 to index
      %swap3A_326 = arith.index_cast %mul3A_321 : i32 to index
      %swap3A_327 = tpu.vector_load %arg10[%swap3A_324, %swap3A_325, %swap3A_326] {strides = array<i32>} : memref<16x2x1024xf32, #tpu.memory_space<vmem>>, vector<16xf32>,
      tpu.vector_store %arg10[%swap3A_324, %swap3A_325, %swap3A_326], %gather3A_319 {strides = array<i32>} : memref<16x2x1024xf32, #tpu.memory_space<vmem>>, vector<16xf32>,
      %mul3A_328 = arith.constant 16 : i32
      %mul3A_329 = arith.muli %add3A_286, %mul3A_328 : i32
      %get3A_330 = arith.constant 3 : i32
      %get3A_331 = arith.constant 1 : i32
      %get3A_332 = arith.index_cast %get3A_330 : i32 to index
      %get3A_333 = arith.index_cast %get3A_331 : i32 to index
      %get3A_334 = arith.index_cast %mul3A_329 : i32 to index
      %get3A_335 = tpu.vector_load %arg9[%get3A_332, %get3A_333, %get3A_334] {strides = array<i32>} : memref<16x2x1024xf32, #tpu.memory_space<vmem>>, vector<16xf32>,
      %sub3A_336 = arith.subf %gather3A_319, %get3A_335 : vector<16xf32>
      %mul3A_337 = arith.mulf %sub3A_336, %sub3A_336 : vector<16xf32>
      %add3A_338 = arith.addf %add3A_315, %mul3A_337 : vector<16xf32>
      scf.yield %add3A_338 : vector<16xf32>
    }
    %scan3A_42 = arith.constant 16 : i32
    %scan3A_43 = arith.constant 0 : i32
    %scan3A_44 = arith.constant 16 : i32
    %scan3A_45 = arith.addi %scan3A_43, %scan3A_44 : i32
    %scan3A_46 = arith.constant 1 : i32
    %scan3A_47 = scf.for %scan3A_116 = %scan3A_43 to %scan3A_45 step %scan3A_46 iter_args(%scan3A_117 = %scan3A_41) -> (vector<16xf32>)  : i32 {
      %mul3A_118 = arith.constant 4 : i32
      %mul3A_119 = arith.muli %scan3A_116, %mul3A_118 : i32
      %add3A_120 = arith.constant 0 : i32
      %add3A_121 = arith.addi %mul3A_119, %add3A_120 : i32
      %mul3A_122 = arith.constant 16 : i32
      %mul3A_123 = arith.muli %add3A_121, %mul3A_122 : i32
      %add3A_124 = arith.constant 4096 : i32
      %add3A_125 = arith.addi %add3A_124, %mul3A_123 : i32
      %get3A = arith.index_cast %add3A_125 : i32 to index
      %get3A_126 = tpu.vector_load %arg8[%get3A] {strides = array<i32>} : memref<16384xi32, #tpu.memory_space<vmem>>, vector<16xi32>,
      %add3A_127 = arith.constant 0 : i32
      %add3A_128 = vector.broadcast %add3A_127 : i32 to vector<16xi32>
      %add3A_129 = arith.addi %get3A_126, %add3A_128 : vector<16xi32>
      %gather3A = tpu.vector_load_idx %arg7[%add3A_129] : memref<2048xf32, #tpu.memory_space<vmem>>[vector<16xi32>], vector<16xf32>,
      %mul3A_130 = arith.constant 16 : i32
      %mul3A_131 = arith.muli %add3A_121, %mul3A_130 : i32
      %swap3A_132 = arith.constant 4 : i32
      %swap3A_133 = arith.constant 0 : i32
      %swap3A_134 = arith.index_cast %swap3A_132 : i32 to index
      %swap3A_135 = arith.index_cast %swap3A_133 : i32 to index
      %swap3A_136 = arith.index_cast %mul3A_131 : i32 to index
      %swap3A_137 = tpu.vector_load %arg10[%swap3A_134, %swap3A_135, %swap3A_136] {strides = array<i32>} : memref<16x2x1024xf32, #tpu.memory_space<vmem>>, vector<16xf32>,
      tpu.vector_store %arg10[%swap3A_134, %swap3A_135, %swap3A_136], %gather3A {strides = array<i32>} : memref<16x2x1024xf32, #tpu.memory_space<vmem>>, vector<16xf32>,
      %mul3A_138 = arith.constant 16 : i32
      %mul3A_139 = arith.muli %add3A_121, %mul3A_138 : i32
      %get3A_140 = arith.constant 4 : i32
      %get3A_141 = arith.constant 0 : i32
      %get3A_142 = arith.index_cast %get3A_140 : i32 to index
      %get3A_143 = arith.index_cast %get3A_141 : i32 to index
      %get3A_144 = arith.index_cast %mul3A_139 : i32 to index
      %get3A_145 = tpu.vector_load %arg9[%get3A_142, %get3A_143, %get3A_144] {strides = array<i32>} : memref<16x2x1024xf32, #tpu.memory_space<vmem>>, vector<16xf32>,
      %sub3A = arith.subf %gather3A, %get3A_145 : vector<16xf32>
      %mul3A_146 = arith.mulf %sub3A, %sub3A : vector<16xf32>
      %add3A_147 = arith.addf %scan3A_117, %mul3A_146 : vector<16xf32>
      %add3A_148 = arith.constant 1024 : i32
      %add3A_149 = vector.broadcast %add3A_148 : i32 to vector<16xi32>
      %add3A_150 = arith.addi %get3A_126, %add3A_149 : vector<16xi32>
      %gather3A_151 = tpu.vector_load_idx %arg7[%add3A_150] : memref<2048xf32, #tpu.memory_space<vmem>>[vector<16xi32>], vector<16xf32>,
      %mul3A_152 = arith.constant 16 : i32
      %mul3A_153 = arith.muli %add3A_121, %mul3A_152 : i32
      %swap3A_154 = arith.constant 4 : i32
      %swap3A_155 = arith.constant 1 : i32
      %swap3A_156 = arith.index_cast %swap3A_154 : i32 to index
      %swap3A_157 = arith.index_cast %swap3A_155 : i32 to index
      %swap3A_158 = arith.index_cast %mul3A_153 : i32 to index
      %swap3A_159 = tpu.vector_load %arg10[%swap3A_156, %swap3A_157, %swap3A_158] {strides = array<i32>} : memref<16x2x1024xf32, #tpu.memory_space<vmem>>, vector<16xf32>,
      tpu.vector_store %arg10[%swap3A_156, %swap3A_157, %swap3A_158], %gather3A_151 {strides = array<i32>} : memref<16x2x1024xf32, #tpu.memory_space<vmem>>, vector<16xf32>,
      %mul3A_160 = arith.constant 16 : i32
      %mul3A_161 = arith.muli %add3A_121, %mul3A_160 : i32
      %get3A_162 = arith.constant 4 : i32
      %get3A_163 = arith.constant 1 : i32
      %get3A_164 = arith.index_cast %get3A_162 : i32 to index
      %get3A_165 = arith.index_cast %get3A_163 : i32 to index
      %get3A_166 = arith.index_cast %mul3A_161 : i32 to index
      %get3A_167 = tpu.vector_load %arg9[%get3A_164, %get3A_165, %get3A_166] {strides = array<i32>} : memref<16x2x1024xf32, #tpu.memory_space<vmem>>, vector<16xf32>,
      %sub3A_168 = arith.subf %gather3A_151, %get3A_167 : vector<16xf32>
      %mul3A_169 = arith.mulf %sub3A_168, %sub3A_168 : vector<16xf32>
      %add3A_170 = arith.addf %add3A_147, %mul3A_169 : vector<16xf32>
      %mul3A_171 = arith.constant 4 : i32
      %mul3A_172 = arith.muli %scan3A_116, %mul3A_171 : i32
      %add3A_173 = arith.constant 1 : i32
      %add3A_174 = arith.addi %mul3A_172, %add3A_173 : i32
      %mul3A_175 = arith.constant 16 : i32
      %mul3A_176 = arith.muli %add3A_174, %mul3A_175 : i32
      %add3A_177 = arith.constant 4096 : i32
      %add3A_178 = arith.addi %add3A_177, %mul3A_176 : i32
      %get3A_179 = arith.index_cast %add3A_178 : i32 to index
      %get3A_180 = tpu.vector_load %arg8[%get3A_179] {strides = array<i32>} : memref<16384xi32, #tpu.memory_space<vmem>>, vector<16xi32>,
      %add3A_181 = arith.constant 0 : i32
      %add3A_182 = vector.broadcast %add3A_181 : i32 to vector<16xi32>
      %add3A_183 = arith.addi %get3A_180, %add3A_182 : vector<16xi32>
      %gather3A_184 = tpu.vector_load_idx %arg7[%add3A_183] : memref<2048xf32, #tpu.memory_space<vmem>>[vector<16xi32>], vector<16xf32>,
      %mul3A_185 = arith.constant 16 : i32
      %mul3A_186 = arith.muli %add3A_174, %mul3A_185 : i32
      %swap3A_187 = arith.constant 4 : i32
      %swap3A_188 = arith.constant 0 : i32
      %swap3A_189 = arith.index_cast %swap3A_187 : i32 to index
      %swap3A_190 = arith.index_cast %swap3A_188 : i32 to index
      %swap3A_191 = arith.index_cast %mul3A_186 : i32 to index
      %swap3A_192 = tpu.vector_load %arg10[%swap3A_189, %swap3A_190, %swap3A_191] {strides = array<i32>} : memref<16x2x1024xf32, #tpu.memory_space<vmem>>, vector<16xf32>,
      tpu.vector_store %arg10[%swap3A_189, %swap3A_190, %swap3A_191], %gather3A_184 {strides = array<i32>} : memref<16x2x1024xf32, #tpu.memory_space<vmem>>, vector<16xf32>,
      %mul3A_193 = arith.constant 16 : i32
      %mul3A_194 = arith.muli %add3A_174, %mul3A_193 : i32
      %get3A_195 = arith.constant 4 : i32
      %get3A_196 = arith.constant 0 : i32
      %get3A_197 = arith.index_cast %get3A_195 : i32 to index
      %get3A_198 = arith.index_cast %get3A_196 : i32 to index
      %get3A_199 = arith.index_cast %mul3A_194 : i32 to index
      %get3A_200 = tpu.vector_load %arg9[%get3A_197, %get3A_198, %get3A_199] {strides = array<i32>} : memref<16x2x1024xf32, #tpu.memory_space<vmem>>, vector<16xf32>,
      %sub3A_201 = arith.subf %gather3A_184, %get3A_200 : vector<16xf32>
      %mul3A_202 = arith.mulf %sub3A_201, %sub3A_201 : vector<16xf32>
      %add3A_203 = arith.addf %add3A_170, %mul3A_202 : vector<16xf32>
      %add3A_204 = arith.constant 1024 : i32
      %add3A_205 = vector.broadcast %add3A_204 : i32 to vector<16xi32>
      %add3A_206 = arith.addi %get3A_180, %add3A_205 : vector<16xi32>
      %gather3A_207 = tpu.vector_load_idx %arg7[%add3A_206] : memref<2048xf32, #tpu.memory_space<vmem>>[vector<16xi32>], vector<16xf32>,
      %mul3A_208 = arith.constant 16 : i32
      %mul3A_209 = arith.muli %add3A_174, %mul3A_208 : i32
      %swap3A_210 = arith.constant 4 : i32
      %swap3A_211 = arith.constant 1 : i32
      %swap3A_212 = arith.index_cast %swap3A_210 : i32 to index
      %swap3A_213 = arith.index_cast %swap3A_211 : i32 to index
      %swap3A_214 = arith.index_cast %mul3A_209 : i32 to index
      %swap3A_215 = tpu.vector_load %arg10[%swap3A_212, %swap3A_213, %swap3A_214] {strides = array<i32>} : memref<16x2x1024xf32, #tpu.memory_space<vmem>>, vector<16xf32>,
      tpu.vector_store %arg10[%swap3A_212, %swap3A_213, %swap3A_214], %gather3A_207 {strides = array<i32>} : memref<16x2x1024xf32, #tpu.memory_space<vmem>>, vector<16xf32>,
      %mul3A_216 = arith.constant 16 : i32
      %mul3A_217 = arith.muli %add3A_174, %mul3A_216 : i32
      %get3A_218 = arith.constant 4 : i32
      %get3A_219 = arith.constant 1 : i32
      %get3A_220 = arith.index_cast %get3A_218 : i32 to index
      %get3A_221 = arith.index_cast %get3A_219 : i32 to index
      %get3A_222 = arith.index_cast %mul3A_217 : i32 to index
      %get3A_223 = tpu.vector_load %arg9[%get3A_220, %get3A_221, %get3A_222] {strides = array<i32>} : memref<16x2x1024xf32, #tpu.memory_space<vmem>>, vector<16xf32>,
      %sub3A_224 = arith.subf %gather3A_207, %get3A_223 : vector<16xf32>
      %mul3A_225 = arith.mulf %sub3A_224, %sub3A_224 : vector<16xf32>
      %add3A_226 = arith.addf %add3A_203, %mul3A_225 : vector<16xf32>
      %mul3A_227 = arith.constant 4 : i32
      %mul3A_228 = arith.muli %scan3A_116, %mul3A_227 : i32
      %add3A_229 = arith.constant 2 : i32
      %add3A_230 = arith.addi %mul3A_228, %add3A_229 : i32
      %mul3A_231 = arith.constant 16 : i32
      %mul3A_232 = arith.muli %add3A_230, %mul3A_231 : i32
      %add3A_233 = arith.constant 4096 : i32
      %add3A_234 = arith.addi %add3A_233, %mul3A_232 : i32
      %get3A_235 = arith.index_cast %add3A_234 : i32 to index
      %get3A_236 = tpu.vector_load %arg8[%get3A_235] {strides = array<i32>} : memref<16384xi32, #tpu.memory_space<vmem>>, vector<16xi32>,
      %add3A_237 = arith.constant 0 : i32
      %add3A_238 = vector.broadcast %add3A_237 : i32 to vector<16xi32>
      %add3A_239 = arith.addi %get3A_236, %add3A_238 : vector<16xi32>
      %gather3A_240 = tpu.vector_load_idx %arg7[%add3A_239] : memref<2048xf32, #tpu.memory_space<vmem>>[vector<16xi32>], vector<16xf32>,
      %mul3A_241 = arith.constant 16 : i32
      %mul3A_242 = arith.muli %add3A_230, %mul3A_241 : i32
      %swap3A_243 = arith.constant 4 : i32
      %swap3A_244 = arith.constant 0 : i32
      %swap3A_245 = arith.index_cast %swap3A_243 : i32 to index
      %swap3A_246 = arith.index_cast %swap3A_244 : i32 to index
      %swap3A_247 = arith.index_cast %mul3A_242 : i32 to index
      %swap3A_248 = tpu.vector_load %arg10[%swap3A_245, %swap3A_246, %swap3A_247] {strides = array<i32>} : memref<16x2x1024xf32, #tpu.memory_space<vmem>>, vector<16xf32>,
      tpu.vector_store %arg10[%swap3A_245, %swap3A_246, %swap3A_247], %gather3A_240 {strides = array<i32>} : memref<16x2x1024xf32, #tpu.memory_space<vmem>>, vector<16xf32>,
      %mul3A_249 = arith.constant 16 : i32
      %mul3A_250 = arith.muli %add3A_230, %mul3A_249 : i32
      %get3A_251 = arith.constant 4 : i32
      %get3A_252 = arith.constant 0 : i32
      %get3A_253 = arith.index_cast %get3A_251 : i32 to index
      %get3A_254 = arith.index_cast %get3A_252 : i32 to index
      %get3A_255 = arith.index_cast %mul3A_250 : i32 to index
      %get3A_256 = tpu.vector_load %arg9[%get3A_253, %get3A_254, %get3A_255] {strides = array<i32>} : memref<16x2x1024xf32, #tpu.memory_space<vmem>>, vector<16xf32>,
      %sub3A_257 = arith.subf %gather3A_240, %get3A_256 : vector<16xf32>
      %mul3A_258 = arith.mulf %sub3A_257, %sub3A_257 : vector<16xf32>
      %add3A_259 = arith.addf %add3A_226, %mul3A_258 : vector<16xf32>
      %add3A_260 = arith.constant 1024 : i32
      %add3A_261 = vector.broadcast %add3A_260 : i32 to vector<16xi32>
      %add3A_262 = arith.addi %get3A_236, %add3A_261 : vector<16xi32>
      %gather3A_263 = tpu.vector_load_idx %arg7[%add3A_262] : memref<2048xf32, #tpu.memory_space<vmem>>[vector<16xi32>], vector<16xf32>,
      %mul3A_264 = arith.constant 16 : i32
      %mul3A_265 = arith.muli %add3A_230, %mul3A_264 : i32
      %swap3A_266 = arith.constant 4 : i32
      %swap3A_267 = arith.constant 1 : i32
      %swap3A_268 = arith.index_cast %swap3A_266 : i32 to index
      %swap3A_269 = arith.index_cast %swap3A_267 : i32 to index
      %swap3A_270 = arith.index_cast %mul3A_265 : i32 to index
      %swap3A_271 = tpu.vector_load %arg10[%swap3A_268, %swap3A_269, %swap3A_270] {strides = array<i32>} : memref<16x2x1024xf32, #tpu.memory_space<vmem>>, vector<16xf32>,
      tpu.vector_store %arg10[%swap3A_268, %swap3A_269, %swap3A_270], %gather3A_263 {strides = array<i32>} : memref<16x2x1024xf32, #tpu.memory_space<vmem>>, vector<16xf32>,
      %mul3A_272 = arith.constant 16 : i32
      %mul3A_273 = arith.muli %add3A_230, %mul3A_272 : i32
      %get3A_274 = arith.constant 4 : i32
      %get3A_275 = arith.constant 1 : i32
      %get3A_276 = arith.index_cast %get3A_274 : i32 to index
      %get3A_277 = arith.index_cast %get3A_275 : i32 to index
      %get3A_278 = arith.index_cast %mul3A_273 : i32 to index
      %get3A_279 = tpu.vector_load %arg9[%get3A_276, %get3A_277, %get3A_278] {strides = array<i32>} : memref<16x2x1024xf32, #tpu.memory_space<vmem>>, vector<16xf32>,
      %sub3A_280 = arith.subf %gather3A_263, %get3A_279 : vector<16xf32>
      %mul3A_281 = arith.mulf %sub3A_280, %sub3A_280 : vector<16xf32>
      %add3A_282 = arith.addf %add3A_259, %mul3A_281 : vector<16xf32>
      %mul3A_283 = arith.constant 4 : i32
      %mul3A_284 = arith.muli %scan3A_116, %mul3A_283 : i32
      %add3A_285 = arith.constant 3 : i32
      %add3A_286 = arith.addi %mul3A_284, %add3A_285 : i32
      %mul3A_287 = arith.constant 16 : i32
      %mul3A_288 = arith.muli %add3A_286, %mul3A_287 : i32
      %add3A_289 = arith.constant 4096 : i32
      %add3A_290 = arith.addi %add3A_289, %mul3A_288 : i32
      %get3A_291 = arith.index_cast %add3A_290 : i32 to index
      %get3A_292 = tpu.vector_load %arg8[%get3A_291] {strides = array<i32>} : memref<16384xi32, #tpu.memory_space<vmem>>, vector<16xi32>,
      %add3A_293 = arith.constant 0 : i32
      %add3A_294 = vector.broadcast %add3A_293 : i32 to vector<16xi32>
      %add3A_295 = arith.addi %get3A_292, %add3A_294 : vector<16xi32>
      %gather3A_296 = tpu.vector_load_idx %arg7[%add3A_295] : memref<2048xf32, #tpu.memory_space<vmem>>[vector<16xi32>], vector<16xf32>,
      %mul3A_297 = arith.constant 16 : i32
      %mul3A_298 = arith.muli %add3A_286, %mul3A_297 : i32
      %swap3A_299 = arith.constant 4 : i32
      %swap3A_300 = arith.constant 0 : i32
      %swap3A_301 = arith.index_cast %swap3A_299 : i32 to index
      %swap3A_302 = arith.index_cast %swap3A_300 : i32 to index
      %swap3A_303 = arith.index_cast %mul3A_298 : i32 to index
      %swap3A_304 = tpu.vector_load %arg10[%swap3A_301, %swap3A_302, %swap3A_303] {strides = array<i32>} : memref<16x2x1024xf32, #tpu.memory_space<vmem>>, vector<16xf32>,
      tpu.vector_store %arg10[%swap3A_301, %swap3A_302, %swap3A_303], %gather3A_296 {strides = array<i32>} : memref<16x2x1024xf32, #tpu.memory_space<vmem>>, vector<16xf32>,
      %mul3A_305 = arith.constant 16 : i32
      %mul3A_306 = arith.muli %add3A_286, %mul3A_305 : i32
      %get3A_307 = arith.constant 4 : i32
      %get3A_308 = arith.constant 0 : i32
      %get3A_309 = arith.index_cast %get3A_307 : i32 to index
      %get3A_310 = arith.index_cast %get3A_308 : i32 to index
      %get3A_311 = arith.index_cast %mul3A_306 : i32 to index
      %get3A_312 = tpu.vector_load %arg9[%get3A_309, %get3A_310, %get3A_311] {strides = array<i32>} : memref<16x2x1024xf32, #tpu.memory_space<vmem>>, vector<16xf32>,
      %sub3A_313 = arith.subf %gather3A_296, %get3A_312 : vector<16xf32>
      %mul3A_314 = arith.mulf %sub3A_313, %sub3A_313 : vector<16xf32>
      %add3A_315 = arith.addf %add3A_282, %mul3A_314 : vector<16xf32>
      %add3A_316 = arith.constant 1024 : i32
      %add3A_317 = vector.broadcast %add3A_316 : i32 to vector<16xi32>
      %add3A_318 = arith.addi %get3A_292, %add3A_317 : vector<16xi32>
      %gather3A_319 = tpu.vector_load_idx %arg7[%add3A_318] : memref<2048xf32, #tpu.memory_space<vmem>>[vector<16xi32>], vector<16xf32>,
      %mul3A_320 = arith.constant 16 : i32
      %mul3A_321 = arith.muli %add3A_286, %mul3A_320 : i32
      %swap3A_322 = arith.constant 4 : i32
      %swap3A_323 = arith.constant 1 : i32
      %swap3A_324 = arith.index_cast %swap3A_322 : i32 to index
      %swap3A_325 = arith.index_cast %swap3A_323 : i32 to index
      %swap3A_326 = arith.index_cast %mul3A_321 : i32 to index
      %swap3A_327 = tpu.vector_load %arg10[%swap3A_324, %swap3A_325, %swap3A_326] {strides = array<i32>} : memref<16x2x1024xf32, #tpu.memory_space<vmem>>, vector<16xf32>,
      tpu.vector_store %arg10[%swap3A_324, %swap3A_325, %swap3A_326], %gather3A_319 {strides = array<i32>} : memref<16x2x1024xf32, #tpu.memory_space<vmem>>, vector<16xf32>,
      %mul3A_328 = arith.constant 16 : i32
      %mul3A_329 = arith.muli %add3A_286, %mul3A_328 : i32
      %get3A_330 = arith.constant 4 : i32
      %get3A_331 = arith.constant 1 : i32
      %get3A_332 = arith.index_cast %get3A_330 : i32 to index
      %get3A_333 = arith.index_cast %get3A_331 : i32 to index
      %get3A_334 = arith.index_cast %mul3A_329 : i32 to index
      %get3A_335 = tpu.vector_load %arg9[%get3A_332, %get3A_333, %get3A_334] {strides = array<i32>} : memref<16x2x1024xf32, #tpu.memory_space<vmem>>, vector<16xf32>,
      %sub3A_336 = arith.subf %gather3A_319, %get3A_335 : vector<16xf32>
      %mul3A_337 = arith.mulf %sub3A_336, %sub3A_336 : vector<16xf32>
      %add3A_338 = arith.addf %add3A_315, %mul3A_337 : vector<16xf32>
      scf.yield %add3A_338 : vector<16xf32>
    }
    %scan3A_48 = arith.constant 16 : i32
    %scan3A_49 = arith.constant 0 : i32
    %scan3A_50 = arith.constant 16 : i32
    %scan3A_51 = arith.addi %scan3A_49, %scan3A_50 : i32
    %scan3A_52 = arith.constant 1 : i32
    %scan3A_53 = scf.for %scan3A_116 = %scan3A_49 to %scan3A_51 step %scan3A_52 iter_args(%scan3A_117 = %scan3A_47) -> (vector<16xf32>)  : i32 {
      %mul3A_118 = arith.constant 4 : i32
      %mul3A_119 = arith.muli %scan3A_116, %mul3A_118 : i32
      %add3A_120 = arith.constant 0 : i32
      %add3A_121 = arith.addi %mul3A_119, %add3A_120 : i32
      %mul3A_122 = arith.constant 16 : i32
      %mul3A_123 = arith.muli %add3A_121, %mul3A_122 : i32
      %add3A_124 = arith.constant 5120 : i32
      %add3A_125 = arith.addi %add3A_124, %mul3A_123 : i32
      %get3A = arith.index_cast %add3A_125 : i32 to index
      %get3A_126 = tpu.vector_load %arg8[%get3A] {strides = array<i32>} : memref<16384xi32, #tpu.memory_space<vmem>>, vector<16xi32>,
      %add3A_127 = arith.constant 0 : i32
      %add3A_128 = vector.broadcast %add3A_127 : i32 to vector<16xi32>
      %add3A_129 = arith.addi %get3A_126, %add3A_128 : vector<16xi32>
      %gather3A = tpu.vector_load_idx %arg7[%add3A_129] : memref<2048xf32, #tpu.memory_space<vmem>>[vector<16xi32>], vector<16xf32>,
      %mul3A_130 = arith.constant 16 : i32
      %mul3A_131 = arith.muli %add3A_121, %mul3A_130 : i32
      %swap3A_132 = arith.constant 5 : i32
      %swap3A_133 = arith.constant 0 : i32
      %swap3A_134 = arith.index_cast %swap3A_132 : i32 to index
      %swap3A_135 = arith.index_cast %swap3A_133 : i32 to index
      %swap3A_136 = arith.index_cast %mul3A_131 : i32 to index
      %swap3A_137 = tpu.vector_load %arg10[%swap3A_134, %swap3A_135, %swap3A_136] {strides = array<i32>} : memref<16x2x1024xf32, #tpu.memory_space<vmem>>, vector<16xf32>,
      tpu.vector_store %arg10[%swap3A_134, %swap3A_135, %swap3A_136], %gather3A {strides = array<i32>} : memref<16x2x1024xf32, #tpu.memory_space<vmem>>, vector<16xf32>,
      %mul3A_138 = arith.constant 16 : i32
      %mul3A_139 = arith.muli %add3A_121, %mul3A_138 : i32
      %get3A_140 = arith.constant 5 : i32
      %get3A_141 = arith.constant 0 : i32
      %get3A_142 = arith.index_cast %get3A_140 : i32 to index
      %get3A_143 = arith.index_cast %get3A_141 : i32 to index
      %get3A_144 = arith.index_cast %mul3A_139 : i32 to index
      %get3A_145 = tpu.vector_load %arg9[%get3A_142, %get3A_143, %get3A_144] {strides = array<i32>} : memref<16x2x1024xf32, #tpu.memory_space<vmem>>, vector<16xf32>,
      %sub3A = arith.subf %gather3A, %get3A_145 : vector<16xf32>
      %mul3A_146 = arith.mulf %sub3A, %sub3A : vector<16xf32>
      %add3A_147 = arith.addf %scan3A_117, %mul3A_146 : vector<16xf32>
      %add3A_148 = arith.constant 1024 : i32
      %add3A_149 = vector.broadcast %add3A_148 : i32 to vector<16xi32>
      %add3A_150 = arith.addi %get3A_126, %add3A_149 : vector<16xi32>
      %gather3A_151 = tpu.vector_load_idx %arg7[%add3A_150] : memref<2048xf32, #tpu.memory_space<vmem>>[vector<16xi32>], vector<16xf32>,
      %mul3A_152 = arith.constant 16 : i32
      %mul3A_153 = arith.muli %add3A_121, %mul3A_152 : i32
      %swap3A_154 = arith.constant 5 : i32
      %swap3A_155 = arith.constant 1 : i32
      %swap3A_156 = arith.index_cast %swap3A_154 : i32 to index
      %swap3A_157 = arith.index_cast %swap3A_155 : i32 to index
      %swap3A_158 = arith.index_cast %mul3A_153 : i32 to index
      %swap3A_159 = tpu.vector_load %arg10[%swap3A_156, %swap3A_157, %swap3A_158] {strides = array<i32>} : memref<16x2x1024xf32, #tpu.memory_space<vmem>>, vector<16xf32>,
      tpu.vector_store %arg10[%swap3A_156, %swap3A_157, %swap3A_158], %gather3A_151 {strides = array<i32>} : memref<16x2x1024xf32, #tpu.memory_space<vmem>>, vector<16xf32>,
      %mul3A_160 = arith.constant 16 : i32
      %mul3A_161 = arith.muli %add3A_121, %mul3A_160 : i32
      %get3A_162 = arith.constant 5 : i32
      %get3A_163 = arith.constant 1 : i32
      %get3A_164 = arith.index_cast %get3A_162 : i32 to index
      %get3A_165 = arith.index_cast %get3A_163 : i32 to index
      %get3A_166 = arith.index_cast %mul3A_161 : i32 to index
      %get3A_167 = tpu.vector_load %arg9[%get3A_164, %get3A_165, %get3A_166] {strides = array<i32>} : memref<16x2x1024xf32, #tpu.memory_space<vmem>>, vector<16xf32>,
      %sub3A_168 = arith.subf %gather3A_151, %get3A_167 : vector<16xf32>
      %mul3A_169 = arith.mulf %sub3A_168, %sub3A_168 : vector<16xf32>
      %add3A_170 = arith.addf %add3A_147, %mul3A_169 : vector<16xf32>
      %mul3A_171 = arith.constant 4 : i32
      %mul3A_172 = arith.muli %scan3A_116, %mul3A_171 : i32
      %add3A_173 = arith.constant 1 : i32
      %add3A_174 = arith.addi %mul3A_172, %add3A_173 : i32
      %mul3A_175 = arith.constant 16 : i32
      %mul3A_176 = arith.muli %add3A_174, %mul3A_175 : i32
      %add3A_177 = arith.constant 5120 : i32
      %add3A_178 = arith.addi %add3A_177, %mul3A_176 : i32
      %get3A_179 = arith.index_cast %add3A_178 : i32 to index
      %get3A_180 = tpu.vector_load %arg8[%get3A_179] {strides = array<i32>} : memref<16384xi32, #tpu.memory_space<vmem>>, vector<16xi32>,
      %add3A_181 = arith.constant 0 : i32
      %add3A_182 = vector.broadcast %add3A_181 : i32 to vector<16xi32>
      %add3A_183 = arith.addi %get3A_180, %add3A_182 : vector<16xi32>
      %gather3A_184 = tpu.vector_load_idx %arg7[%add3A_183] : memref<2048xf32, #tpu.memory_space<vmem>>[vector<16xi32>], vector<16xf32>,
      %mul3A_185 = arith.constant 16 : i32
      %mul3A_186 = arith.muli %add3A_174, %mul3A_185 : i32
      %swap3A_187 = arith.constant 5 : i32
      %swap3A_188 = arith.constant 0 : i32
      %swap3A_189 = arith.index_cast %swap3A_187 : i32 to index
      %swap3A_190 = arith.index_cast %swap3A_188 : i32 to index
      %swap3A_191 = arith.index_cast %mul3A_186 : i32 to index
      %swap3A_192 = tpu.vector_load %arg10[%swap3A_189, %swap3A_190, %swap3A_191] {strides = array<i32>} : memref<16x2x1024xf32, #tpu.memory_space<vmem>>, vector<16xf32>,
      tpu.vector_store %arg10[%swap3A_189, %swap3A_190, %swap3A_191], %gather3A_184 {strides = array<i32>} : memref<16x2x1024xf32, #tpu.memory_space<vmem>>, vector<16xf32>,
      %mul3A_193 = arith.constant 16 : i32
      %mul3A_194 = arith.muli %add3A_174, %mul3A_193 : i32
      %get3A_195 = arith.constant 5 : i32
      %get3A_196 = arith.constant 0 : i32
      %get3A_197 = arith.index_cast %get3A_195 : i32 to index
      %get3A_198 = arith.index_cast %get3A_196 : i32 to index
      %get3A_199 = arith.index_cast %mul3A_194 : i32 to index
      %get3A_200 = tpu.vector_load %arg9[%get3A_197, %get3A_198, %get3A_199] {strides = array<i32>} : memref<16x2x1024xf32, #tpu.memory_space<vmem>>, vector<16xf32>,
      %sub3A_201 = arith.subf %gather3A_184, %get3A_200 : vector<16xf32>
      %mul3A_202 = arith.mulf %sub3A_201, %sub3A_201 : vector<16xf32>
      %add3A_203 = arith.addf %add3A_170, %mul3A_202 : vector<16xf32>
      %add3A_204 = arith.constant 1024 : i32
      %add3A_205 = vector.broadcast %add3A_204 : i32 to vector<16xi32>
      %add3A_206 = arith.addi %get3A_180, %add3A_205 : vector<16xi32>
      %gather3A_207 = tpu.vector_load_idx %arg7[%add3A_206] : memref<2048xf32, #tpu.memory_space<vmem>>[vector<16xi32>], vector<16xf32>,
      %mul3A_208 = arith.constant 16 : i32
      %mul3A_209 = arith.muli %add3A_174, %mul3A_208 : i32
      %swap3A_210 = arith.constant 5 : i32
      %swap3A_211 = arith.constant 1 : i32
      %swap3A_212 = arith.index_cast %swap3A_210 : i32 to index
      %swap3A_213 = arith.index_cast %swap3A_211 : i32 to index
      %swap3A_214 = arith.index_cast %mul3A_209 : i32 to index
      %swap3A_215 = tpu.vector_load %arg10[%swap3A_212, %swap3A_213, %swap3A_214] {strides = array<i32>} : memref<16x2x1024xf32, #tpu.memory_space<vmem>>, vector<16xf32>,
      tpu.vector_store %arg10[%swap3A_212, %swap3A_213, %swap3A_214], %gather3A_207 {strides = array<i32>} : memref<16x2x1024xf32, #tpu.memory_space<vmem>>, vector<16xf32>,
      %mul3A_216 = arith.constant 16 : i32
      %mul3A_217 = arith.muli %add3A_174, %mul3A_216 : i32
      %get3A_218 = arith.constant 5 : i32
      %get3A_219 = arith.constant 1 : i32
      %get3A_220 = arith.index_cast %get3A_218 : i32 to index
      %get3A_221 = arith.index_cast %get3A_219 : i32 to index
      %get3A_222 = arith.index_cast %mul3A_217 : i32 to index
      %get3A_223 = tpu.vector_load %arg9[%get3A_220, %get3A_221, %get3A_222] {strides = array<i32>} : memref<16x2x1024xf32, #tpu.memory_space<vmem>>, vector<16xf32>,
      %sub3A_224 = arith.subf %gather3A_207, %get3A_223 : vector<16xf32>
      %mul3A_225 = arith.mulf %sub3A_224, %sub3A_224 : vector<16xf32>
      %add3A_226 = arith.addf %add3A_203, %mul3A_225 : vector<16xf32>
      %mul3A_227 = arith.constant 4 : i32
      %mul3A_228 = arith.muli %scan3A_116, %mul3A_227 : i32
      %add3A_229 = arith.constant 2 : i32
      %add3A_230 = arith.addi %mul3A_228, %add3A_229 : i32
      %mul3A_231 = arith.constant 16 : i32
      %mul3A_232 = arith.muli %add3A_230, %mul3A_231 : i32
      %add3A_233 = arith.constant 5120 : i32
      %add3A_234 = arith.addi %add3A_233, %mul3A_232 : i32
      %get3A_235 = arith.index_cast %add3A_234 : i32 to index
      %get3A_236 = tpu.vector_load %arg8[%get3A_235] {strides = array<i32>} : memref<16384xi32, #tpu.memory_space<vmem>>, vector<16xi32>,
      %add3A_237 = arith.constant 0 : i32
      %add3A_238 = vector.broadcast %add3A_237 : i32 to vector<16xi32>
      %add3A_239 = arith.addi %get3A_236, %add3A_238 : vector<16xi32>
      %gather3A_240 = tpu.vector_load_idx %arg7[%add3A_239] : memref<2048xf32, #tpu.memory_space<vmem>>[vector<16xi32>], vector<16xf32>,
      %mul3A_241 = arith.constant 16 : i32
      %mul3A_242 = arith.muli %add3A_230, %mul3A_241 : i32
      %swap3A_243 = arith.constant 5 : i32
      %swap3A_244 = arith.constant 0 : i32
      %swap3A_245 = arith.index_cast %swap3A_243 : i32 to index
      %swap3A_246 = arith.index_cast %swap3A_244 : i32 to index
      %swap3A_247 = arith.index_cast %mul3A_242 : i32 to index
      %swap3A_248 = tpu.vector_load %arg10[%swap3A_245, %swap3A_246, %swap3A_247] {strides = array<i32>} : memref<16x2x1024xf32, #tpu.memory_space<vmem>>, vector<16xf32>,
      tpu.vector_store %arg10[%swap3A_245, %swap3A_246, %swap3A_247], %gather3A_240 {strides = array<i32>} : memref<16x2x1024xf32, #tpu.memory_space<vmem>>, vector<16xf32>,
      %mul3A_249 = arith.constant 16 : i32
      %mul3A_250 = arith.muli %add3A_230, %mul3A_249 : i32
      %get3A_251 = arith.constant 5 : i32
      %get3A_252 = arith.constant 0 : i32
      %get3A_253 = arith.index_cast %get3A_251 : i32 to index
      %get3A_254 = arith.index_cast %get3A_252 : i32 to index
      %get3A_255 = arith.index_cast %mul3A_250 : i32 to index
      %get3A_256 = tpu.vector_load %arg9[%get3A_253, %get3A_254, %get3A_255] {strides = array<i32>} : memref<16x2x1024xf32, #tpu.memory_space<vmem>>, vector<16xf32>,
      %sub3A_257 = arith.subf %gather3A_240, %get3A_256 : vector<16xf32>
      %mul3A_258 = arith.mulf %sub3A_257, %sub3A_257 : vector<16xf32>
      %add3A_259 = arith.addf %add3A_226, %mul3A_258 : vector<16xf32>
      %add3A_260 = arith.constant 1024 : i32
      %add3A_261 = vector.broadcast %add3A_260 : i32 to vector<16xi32>
      %add3A_262 = arith.addi %get3A_236, %add3A_261 : vector<16xi32>
      %gather3A_263 = tpu.vector_load_idx %arg7[%add3A_262] : memref<2048xf32, #tpu.memory_space<vmem>>[vector<16xi32>], vector<16xf32>,
      %mul3A_264 = arith.constant 16 : i32
      %mul3A_265 = arith.muli %add3A_230, %mul3A_264 : i32
      %swap3A_266 = arith.constant 5 : i32
      %swap3A_267 = arith.constant 1 : i32
      %swap3A_268 = arith.index_cast %swap3A_266 : i32 to index
      %swap3A_269 = arith.index_cast %swap3A_267 : i32 to index
      %swap3A_270 = arith.index_cast %mul3A_265 : i32 to index
      %swap3A_271 = tpu.vector_load %arg10[%swap3A_268, %swap3A_269, %swap3A_270] {strides = array<i32>} : memref<16x2x1024xf32, #tpu.memory_space<vmem>>, vector<16xf32>,
      tpu.vector_store %arg10[%swap3A_268, %swap3A_269, %swap3A_270], %gather3A_263 {strides = array<i32>} : memref<16x2x1024xf32, #tpu.memory_space<vmem>>, vector<16xf32>,
      %mul3A_272 = arith.constant 16 : i32
      %mul3A_273 = arith.muli %add3A_230, %mul3A_272 : i32
      %get3A_274 = arith.constant 5 : i32
      %get3A_275 = arith.constant 1 : i32
      %get3A_276 = arith.index_cast %get3A_274 : i32 to index
      %get3A_277 = arith.index_cast %get3A_275 : i32 to index
      %get3A_278 = arith.index_cast %mul3A_273 : i32 to index
      %get3A_279 = tpu.vector_load %arg9[%get3A_276, %get3A_277, %get3A_278] {strides = array<i32>} : memref<16x2x1024xf32, #tpu.memory_space<vmem>>, vector<16xf32>,
      %sub3A_280 = arith.subf %gather3A_263, %get3A_279 : vector<16xf32>
      %mul3A_281 = arith.mulf %sub3A_280, %sub3A_280 : vector<16xf32>
      %add3A_282 = arith.addf %add3A_259, %mul3A_281 : vector<16xf32>
      %mul3A_283 = arith.constant 4 : i32
      %mul3A_284 = arith.muli %scan3A_116, %mul3A_283 : i32
      %add3A_285 = arith.constant 3 : i32
      %add3A_286 = arith.addi %mul3A_284, %add3A_285 : i32
      %mul3A_287 = arith.constant 16 : i32
      %mul3A_288 = arith.muli %add3A_286, %mul3A_287 : i32
      %add3A_289 = arith.constant 5120 : i32
      %add3A_290 = arith.addi %add3A_289, %mul3A_288 : i32
      %get3A_291 = arith.index_cast %add3A_290 : i32 to index
      %get3A_292 = tpu.vector_load %arg8[%get3A_291] {strides = array<i32>} : memref<16384xi32, #tpu.memory_space<vmem>>, vector<16xi32>,
      %add3A_293 = arith.constant 0 : i32
      %add3A_294 = vector.broadcast %add3A_293 : i32 to vector<16xi32>
      %add3A_295 = arith.addi %get3A_292, %add3A_294 : vector<16xi32>
      %gather3A_296 = tpu.vector_load_idx %arg7[%add3A_295] : memref<2048xf32, #tpu.memory_space<vmem>>[vector<16xi32>], vector<16xf32>,
      %mul3A_297 = arith.constant 16 : i32
      %mul3A_298 = arith.muli %add3A_286, %mul3A_297 : i32
      %swap3A_299 = arith.constant 5 : i32
      %swap3A_300 = arith.constant 0 : i32
      %swap3A_301 = arith.index_cast %swap3A_299 : i32 to index
      %swap3A_302 = arith.index_cast %swap3A_300 : i32 to index
      %swap3A_303 = arith.index_cast %mul3A_298 : i32 to index
      %swap3A_304 = tpu.vector_load %arg10[%swap3A_301, %swap3A_302, %swap3A_303] {strides = array<i32>} : memref<16x2x1024xf32, #tpu.memory_space<vmem>>, vector<16xf32>,
      tpu.vector_store %arg10[%swap3A_301, %swap3A_302, %swap3A_303], %gather3A_296 {strides = array<i32>} : memref<16x2x1024xf32, #tpu.memory_space<vmem>>, vector<16xf32>,
      %mul3A_305 = arith.constant 16 : i32
      %mul3A_306 = arith.muli %add3A_286, %mul3A_305 : i32
      %get3A_307 = arith.constant 5 : i32
      %get3A_308 = arith.constant 0 : i32
      %get3A_309 = arith.index_cast %get3A_307 : i32 to index
      %get3A_310 = arith.index_cast %get3A_308 : i32 to index
      %get3A_311 = arith.index_cast %mul3A_306 : i32 to index
      %get3A_312 = tpu.vector_load %arg9[%get3A_309, %get3A_310, %get3A_311] {strides = array<i32>} : memref<16x2x1024xf32, #tpu.memory_space<vmem>>, vector<16xf32>,
      %sub3A_313 = arith.subf %gather3A_296, %get3A_312 : vector<16xf32>
      %mul3A_314 = arith.mulf %sub3A_313, %sub3A_313 : vector<16xf32>
      %add3A_315 = arith.addf %add3A_282, %mul3A_314 : vector<16xf32>
      %add3A_316 = arith.constant 1024 : i32
      %add3A_317 = vector.broadcast %add3A_316 : i32 to vector<16xi32>
      %add3A_318 = arith.addi %get3A_292, %add3A_317 : vector<16xi32>
      %gather3A_319 = tpu.vector_load_idx %arg7[%add3A_318] : memref<2048xf32, #tpu.memory_space<vmem>>[vector<16xi32>], vector<16xf32>,
      %mul3A_320 = arith.constant 16 : i32
      %mul3A_321 = arith.muli %add3A_286, %mul3A_320 : i32
      %swap3A_322 = arith.constant 5 : i32
      %swap3A_323 = arith.constant 1 : i32
      %swap3A_324 = arith.index_cast %swap3A_322 : i32 to index
      %swap3A_325 = arith.index_cast %swap3A_323 : i32 to index
      %swap3A_326 = arith.index_cast %mul3A_321 : i32 to index
      %swap3A_327 = tpu.vector_load %arg10[%swap3A_324, %swap3A_325, %swap3A_326] {strides = array<i32>} : memref<16x2x1024xf32, #tpu.memory_space<vmem>>, vector<16xf32>,
      tpu.vector_store %arg10[%swap3A_324, %swap3A_325, %swap3A_326], %gather3A_319 {strides = array<i32>} : memref<16x2x1024xf32, #tpu.memory_space<vmem>>, vector<16xf32>,
      %mul3A_328 = arith.constant 16 : i32
      %mul3A_329 = arith.muli %add3A_286, %mul3A_328 : i32
      %get3A_330 = arith.constant 5 : i32
      %get3A_331 = arith.constant 1 : i32
      %get3A_332 = arith.index_cast %get3A_330 : i32 to index
      %get3A_333 = arith.index_cast %get3A_331 : i32 to index
      %get3A_334 = arith.index_cast %mul3A_329 : i32 to index
      %get3A_335 = tpu.vector_load %arg9[%get3A_332, %get3A_333, %get3A_334] {strides = array<i32>} : memref<16x2x1024xf32, #tpu.memory_space<vmem>>, vector<16xf32>,
      %sub3A_336 = arith.subf %gather3A_319, %get3A_335 : vector<16xf32>
      %mul3A_337 = arith.mulf %sub3A_336, %sub3A_336 : vector<16xf32>
      %add3A_338 = arith.addf %add3A_315, %mul3A_337 : vector<16xf32>
      scf.yield %add3A_338 : vector<16xf32>
    }
    %scan3A_54 = arith.constant 16 : i32
    %scan3A_55 = arith.constant 0 : i32
    %scan3A_56 = arith.constant 16 : i32
    %scan3A_57 = arith.addi %scan3A_55, %scan3A_56 : i32
    %scan3A_58 = arith.constant 1 : i32
    %scan3A_59 = scf.for %scan3A_116 = %scan3A_55 to %scan3A_57 step %scan3A_58 iter_args(%scan3A_117 = %scan3A_53) -> (vector<16xf32>)  : i32 {
      %mul3A_118 = arith.constant 4 : i32
      %mul3A_119 = arith.muli %scan3A_116, %mul3A_118 : i32
      %add3A_120 = arith.constant 0 : i32
      %add3A_121 = arith.addi %mul3A_119, %add3A_120 : i32
      %mul3A_122 = arith.constant 16 : i32
      %mul3A_123 = arith.muli %add3A_121, %mul3A_122 : i32
      %add3A_124 = arith.constant 6144 : i32
      %add3A_125 = arith.addi %add3A_124, %mul3A_123 : i32
      %get3A = arith.index_cast %add3A_125 : i32 to index
      %get3A_126 = tpu.vector_load %arg8[%get3A] {strides = array<i32>} : memref<16384xi32, #tpu.memory_space<vmem>>, vector<16xi32>,
      %add3A_127 = arith.constant 0 : i32
      %add3A_128 = vector.broadcast %add3A_127 : i32 to vector<16xi32>
      %add3A_129 = arith.addi %get3A_126, %add3A_128 : vector<16xi32>
      %gather3A = tpu.vector_load_idx %arg7[%add3A_129] : memref<2048xf32, #tpu.memory_space<vmem>>[vector<16xi32>], vector<16xf32>,
      %mul3A_130 = arith.constant 16 : i32
      %mul3A_131 = arith.muli %add3A_121, %mul3A_130 : i32
      %swap3A_132 = arith.constant 6 : i32
      %swap3A_133 = arith.constant 0 : i32
      %swap3A_134 = arith.index_cast %swap3A_132 : i32 to index
      %swap3A_135 = arith.index_cast %swap3A_133 : i32 to index
      %swap3A_136 = arith.index_cast %mul3A_131 : i32 to index
      %swap3A_137 = tpu.vector_load %arg10[%swap3A_134, %swap3A_135, %swap3A_136] {strides = array<i32>} : memref<16x2x1024xf32, #tpu.memory_space<vmem>>, vector<16xf32>,
      tpu.vector_store %arg10[%swap3A_134, %swap3A_135, %swap3A_136], %gather3A {strides = array<i32>} : memref<16x2x1024xf32, #tpu.memory_space<vmem>>, vector<16xf32>,
      %mul3A_138 = arith.constant 16 : i32
      %mul3A_139 = arith.muli %add3A_121, %mul3A_138 : i32
      %get3A_140 = arith.constant 6 : i32
      %get3A_141 = arith.constant 0 : i32
      %get3A_142 = arith.index_cast %get3A_140 : i32 to index
      %get3A_143 = arith.index_cast %get3A_141 : i32 to index
      %get3A_144 = arith.index_cast %mul3A_139 : i32 to index
      %get3A_145 = tpu.vector_load %arg9[%get3A_142, %get3A_143, %get3A_144] {strides = array<i32>} : memref<16x2x1024xf32, #tpu.memory_space<vmem>>, vector<16xf32>,
      %sub3A = arith.subf %gather3A, %get3A_145 : vector<16xf32>
      %mul3A_146 = arith.mulf %sub3A, %sub3A : vector<16xf32>
      %add3A_147 = arith.addf %scan3A_117, %mul3A_146 : vector<16xf32>
      %add3A_148 = arith.constant 1024 : i32
      %add3A_149 = vector.broadcast %add3A_148 : i32 to vector<16xi32>
      %add3A_150 = arith.addi %get3A_126, %add3A_149 : vector<16xi32>
      %gather3A_151 = tpu.vector_load_idx %arg7[%add3A_150] : memref<2048xf32, #tpu.memory_space<vmem>>[vector<16xi32>], vector<16xf32>,
      %mul3A_152 = arith.constant 16 : i32
      %mul3A_153 = arith.muli %add3A_121, %mul3A_152 : i32
      %swap3A_154 = arith.constant 6 : i32
      %swap3A_155 = arith.constant 1 : i32
      %swap3A_156 = arith.index_cast %swap3A_154 : i32 to index
      %swap3A_157 = arith.index_cast %swap3A_155 : i32 to index
      %swap3A_158 = arith.index_cast %mul3A_153 : i32 to index
      %swap3A_159 = tpu.vector_load %arg10[%swap3A_156, %swap3A_157, %swap3A_158] {strides = array<i32>} : memref<16x2x1024xf32, #tpu.memory_space<vmem>>, vector<16xf32>,
      tpu.vector_store %arg10[%swap3A_156, %swap3A_157, %swap3A_158], %gather3A_151 {strides = array<i32>} : memref<16x2x1024xf32, #tpu.memory_space<vmem>>, vector<16xf32>,
      %mul3A_160 = arith.constant 16 : i32
      %mul3A_161 = arith.muli %add3A_121, %mul3A_160 : i32
      %get3A_162 = arith.constant 6 : i32
      %get3A_163 = arith.constant 1 : i32
      %get3A_164 = arith.index_cast %get3A_162 : i32 to index
      %get3A_165 = arith.index_cast %get3A_163 : i32 to index
      %get3A_166 = arith.index_cast %mul3A_161 : i32 to index
      %get3A_167 = tpu.vector_load %arg9[%get3A_164, %get3A_165, %get3A_166] {strides = array<i32>} : memref<16x2x1024xf32, #tpu.memory_space<vmem>>, vector<16xf32>,
      %sub3A_168 = arith.subf %gather3A_151, %get3A_167 : vector<16xf32>
      %mul3A_169 = arith.mulf %sub3A_168, %sub3A_168 : vector<16xf32>
      %add3A_170 = arith.addf %add3A_147, %mul3A_169 : vector<16xf32>
      %mul3A_171 = arith.constant 4 : i32
      %mul3A_172 = arith.muli %scan3A_116, %mul3A_171 : i32
      %add3A_173 = arith.constant 1 : i32
      %add3A_174 = arith.addi %mul3A_172, %add3A_173 : i32
      %mul3A_175 = arith.constant 16 : i32
      %mul3A_176 = arith.muli %add3A_174, %mul3A_175 : i32
      %add3A_177 = arith.constant 6144 : i32
      %add3A_178 = arith.addi %add3A_177, %mul3A_176 : i32
      %get3A_179 = arith.index_cast %add3A_178 : i32 to index
      %get3A_180 = tpu.vector_load %arg8[%get3A_179] {strides = array<i32>} : memref<16384xi32, #tpu.memory_space<vmem>>, vector<16xi32>,
      %add3A_181 = arith.constant 0 : i32
      %add3A_182 = vector.broadcast %add3A_181 : i32 to vector<16xi32>
      %add3A_183 = arith.addi %get3A_180, %add3A_182 : vector<16xi32>
      %gather3A_184 = tpu.vector_load_idx %arg7[%add3A_183] : memref<2048xf32, #tpu.memory_space<vmem>>[vector<16xi32>], vector<16xf32>,
      %mul3A_185 = arith.constant 16 : i32
      %mul3A_186 = arith.muli %add3A_174, %mul3A_185 : i32
      %swap3A_187 = arith.constant 6 : i32
      %swap3A_188 = arith.constant 0 : i32
      %swap3A_189 = arith.index_cast %swap3A_187 : i32 to index
      %swap3A_190 = arith.index_cast %swap3A_188 : i32 to index
      %swap3A_191 = arith.index_cast %mul3A_186 : i32 to index
      %swap3A_192 = tpu.vector_load %arg10[%swap3A_189, %swap3A_190, %swap3A_191] {strides = array<i32>} : memref<16x2x1024xf32, #tpu.memory_space<vmem>>, vector<16xf32>,
      tpu.vector_store %arg10[%swap3A_189, %swap3A_190, %swap3A_191], %gather3A_184 {strides = array<i32>} : memref<16x2x1024xf32, #tpu.memory_space<vmem>>, vector<16xf32>,
      %mul3A_193 = arith.constant 16 : i32
      %mul3A_194 = arith.muli %add3A_174, %mul3A_193 : i32
      %get3A_195 = arith.constant 6 : i32
      %get3A_196 = arith.constant 0 : i32
      %get3A_197 = arith.index_cast %get3A_195 : i32 to index
      %get3A_198 = arith.index_cast %get3A_196 : i32 to index
      %get3A_199 = arith.index_cast %mul3A_194 : i32 to index
      %get3A_200 = tpu.vector_load %arg9[%get3A_197, %get3A_198, %get3A_199] {strides = array<i32>} : memref<16x2x1024xf32, #tpu.memory_space<vmem>>, vector<16xf32>,
      %sub3A_201 = arith.subf %gather3A_184, %get3A_200 : vector<16xf32>
      %mul3A_202 = arith.mulf %sub3A_201, %sub3A_201 : vector<16xf32>
      %add3A_203 = arith.addf %add3A_170, %mul3A_202 : vector<16xf32>
      %add3A_204 = arith.constant 1024 : i32
      %add3A_205 = vector.broadcast %add3A_204 : i32 to vector<16xi32>
      %add3A_206 = arith.addi %get3A_180, %add3A_205 : vector<16xi32>
      %gather3A_207 = tpu.vector_load_idx %arg7[%add3A_206] : memref<2048xf32, #tpu.memory_space<vmem>>[vector<16xi32>], vector<16xf32>,
      %mul3A_208 = arith.constant 16 : i32
      %mul3A_209 = arith.muli %add3A_174, %mul3A_208 : i32
      %swap3A_210 = arith.constant 6 : i32
      %swap3A_211 = arith.constant 1 : i32
      %swap3A_212 = arith.index_cast %swap3A_210 : i32 to index
      %swap3A_213 = arith.index_cast %swap3A_211 : i32 to index
      %swap3A_214 = arith.index_cast %mul3A_209 : i32 to index
      %swap3A_215 = tpu.vector_load %arg10[%swap3A_212, %swap3A_213, %swap3A_214] {strides = array<i32>} : memref<16x2x1024xf32, #tpu.memory_space<vmem>>, vector<16xf32>,
      tpu.vector_store %arg10[%swap3A_212, %swap3A_213, %swap3A_214], %gather3A_207 {strides = array<i32>} : memref<16x2x1024xf32, #tpu.memory_space<vmem>>, vector<16xf32>,
      %mul3A_216 = arith.constant 16 : i32
      %mul3A_217 = arith.muli %add3A_174, %mul3A_216 : i32
      %get3A_218 = arith.constant 6 : i32
      %get3A_219 = arith.constant 1 : i32
      %get3A_220 = arith.index_cast %get3A_218 : i32 to index
      %get3A_221 = arith.index_cast %get3A_219 : i32 to index
      %get3A_222 = arith.index_cast %mul3A_217 : i32 to index
      %get3A_223 = tpu.vector_load %arg9[%get3A_220, %get3A_221, %get3A_222] {strides = array<i32>} : memref<16x2x1024xf32, #tpu.memory_space<vmem>>, vector<16xf32>,
      %sub3A_224 = arith.subf %gather3A_207, %get3A_223 : vector<16xf32>
      %mul3A_225 = arith.mulf %sub3A_224, %sub3A_224 : vector<16xf32>
      %add3A_226 = arith.addf %add3A_203, %mul3A_225 : vector<16xf32>
      %mul3A_227 = arith.constant 4 : i32
      %mul3A_228 = arith.muli %scan3A_116, %mul3A_227 : i32
      %add3A_229 = arith.constant 2 : i32
      %add3A_230 = arith.addi %mul3A_228, %add3A_229 : i32
      %mul3A_231 = arith.constant 16 : i32
      %mul3A_232 = arith.muli %add3A_230, %mul3A_231 : i32
      %add3A_233 = arith.constant 6144 : i32
      %add3A_234 = arith.addi %add3A_233, %mul3A_232 : i32
      %get3A_235 = arith.index_cast %add3A_234 : i32 to index
      %get3A_236 = tpu.vector_load %arg8[%get3A_235] {strides = array<i32>} : memref<16384xi32, #tpu.memory_space<vmem>>, vector<16xi32>,
      %add3A_237 = arith.constant 0 : i32
      %add3A_238 = vector.broadcast %add3A_237 : i32 to vector<16xi32>
      %add3A_239 = arith.addi %get3A_236, %add3A_238 : vector<16xi32>
      %gather3A_240 = tpu.vector_load_idx %arg7[%add3A_239] : memref<2048xf32, #tpu.memory_space<vmem>>[vector<16xi32>], vector<16xf32>,
      %mul3A_241 = arith.constant 16 : i32
      %mul3A_242 = arith.muli %add3A_230, %mul3A_241 : i32
      %swap3A_243 = arith.constant 6 : i32
      %swap3A_244 = arith.constant 0 : i32
      %swap3A_245 = arith.index_cast %swap3A_243 : i32 to index
      %swap3A_246 = arith.index_cast %swap3A_244 : i32 to index
      %swap3A_247 = arith.index_cast %mul3A_242 : i32 to index
      %swap3A_248 = tpu.vector_load %arg10[%swap3A_245, %swap3A_246, %swap3A_247] {strides = array<i32>} : memref<16x2x1024xf32, #tpu.memory_space<vmem>>, vector<16xf32>,
      tpu.vector_store %arg10[%swap3A_245, %swap3A_246, %swap3A_247], %gather3A_240 {strides = array<i32>} : memref<16x2x1024xf32, #tpu.memory_space<vmem>>, vector<16xf32>,
      %mul3A_249 = arith.constant 16 : i32
      %mul3A_250 = arith.muli %add3A_230, %mul3A_249 : i32
      %get3A_251 = arith.constant 6 : i32
      %get3A_252 = arith.constant 0 : i32
      %get3A_253 = arith.index_cast %get3A_251 : i32 to index
      %get3A_254 = arith.index_cast %get3A_252 : i32 to index
      %get3A_255 = arith.index_cast %mul3A_250 : i32 to index
      %get3A_256 = tpu.vector_load %arg9[%get3A_253, %get3A_254, %get3A_255] {strides = array<i32>} : memref<16x2x1024xf32, #tpu.memory_space<vmem>>, vector<16xf32>,
      %sub3A_257 = arith.subf %gather3A_240, %get3A_256 : vector<16xf32>
      %mul3A_258 = arith.mulf %sub3A_257, %sub3A_257 : vector<16xf32>
      %add3A_259 = arith.addf %add3A_226, %mul3A_258 : vector<16xf32>
      %add3A_260 = arith.constant 1024 : i32
      %add3A_261 = vector.broadcast %add3A_260 : i32 to vector<16xi32>
      %add3A_262 = arith.addi %get3A_236, %add3A_261 : vector<16xi32>
      %gather3A_263 = tpu.vector_load_idx %arg7[%add3A_262] : memref<2048xf32, #tpu.memory_space<vmem>>[vector<16xi32>], vector<16xf32>,
      %mul3A_264 = arith.constant 16 : i32
      %mul3A_265 = arith.muli %add3A_230, %mul3A_264 : i32
      %swap3A_266 = arith.constant 6 : i32
      %swap3A_267 = arith.constant 1 : i32
      %swap3A_268 = arith.index_cast %swap3A_266 : i32 to index
      %swap3A_269 = arith.index_cast %swap3A_267 : i32 to index
      %swap3A_270 = arith.index_cast %mul3A_265 : i32 to index
      %swap3A_271 = tpu.vector_load %arg10[%swap3A_268, %swap3A_269, %swap3A_270] {strides = array<i32>} : memref<16x2x1024xf32, #tpu.memory_space<vmem>>, vector<16xf32>,
      tpu.vector_store %arg10[%swap3A_268, %swap3A_269, %swap3A_270], %gather3A_263 {strides = array<i32>} : memref<16x2x1024xf32, #tpu.memory_space<vmem>>, vector<16xf32>,
      %mul3A_272 = arith.constant 16 : i32
      %mul3A_273 = arith.muli %add3A_230, %mul3A_272 : i32
      %get3A_274 = arith.constant 6 : i32
      %get3A_275 = arith.constant 1 : i32
      %get3A_276 = arith.index_cast %get3A_274 : i32 to index
      %get3A_277 = arith.index_cast %get3A_275 : i32 to index
      %get3A_278 = arith.index_cast %mul3A_273 : i32 to index
      %get3A_279 = tpu.vector_load %arg9[%get3A_276, %get3A_277, %get3A_278] {strides = array<i32>} : memref<16x2x1024xf32, #tpu.memory_space<vmem>>, vector<16xf32>,
      %sub3A_280 = arith.subf %gather3A_263, %get3A_279 : vector<16xf32>
      %mul3A_281 = arith.mulf %sub3A_280, %sub3A_280 : vector<16xf32>
      %add3A_282 = arith.addf %add3A_259, %mul3A_281 : vector<16xf32>
      %mul3A_283 = arith.constant 4 : i32
      %mul3A_284 = arith.muli %scan3A_116, %mul3A_283 : i32
      %add3A_285 = arith.constant 3 : i32
      %add3A_286 = arith.addi %mul3A_284, %add3A_285 : i32
      %mul3A_287 = arith.constant 16 : i32
      %mul3A_288 = arith.muli %add3A_286, %mul3A_287 : i32
      %add3A_289 = arith.constant 6144 : i32
      %add3A_290 = arith.addi %add3A_289, %mul3A_288 : i32
      %get3A_291 = arith.index_cast %add3A_290 : i32 to index
      %get3A_292 = tpu.vector_load %arg8[%get3A_291] {strides = array<i32>} : memref<16384xi32, #tpu.memory_space<vmem>>, vector<16xi32>,
      %add3A_293 = arith.constant 0 : i32
      %add3A_294 = vector.broadcast %add3A_293 : i32 to vector<16xi32>
      %add3A_295 = arith.addi %get3A_292, %add3A_294 : vector<16xi32>
      %gather3A_296 = tpu.vector_load_idx %arg7[%add3A_295] : memref<2048xf32, #tpu.memory_space<vmem>>[vector<16xi32>], vector<16xf32>,
      %mul3A_297 = arith.constant 16 : i32
      %mul3A_298 = arith.muli %add3A_286, %mul3A_297 : i32
      %swap3A_299 = arith.constant 6 : i32
      %swap3A_300 = arith.constant 0 : i32
      %swap3A_301 = arith.index_cast %swap3A_299 : i32 to index
      %swap3A_302 = arith.index_cast %swap3A_300 : i32 to index
      %swap3A_303 = arith.index_cast %mul3A_298 : i32 to index
      %swap3A_304 = tpu.vector_load %arg10[%swap3A_301, %swap3A_302, %swap3A_303] {strides = array<i32>} : memref<16x2x1024xf32, #tpu.memory_space<vmem>>, vector<16xf32>,
      tpu.vector_store %arg10[%swap3A_301, %swap3A_302, %swap3A_303], %gather3A_296 {strides = array<i32>} : memref<16x2x1024xf32, #tpu.memory_space<vmem>>, vector<16xf32>,
      %mul3A_305 = arith.constant 16 : i32
      %mul3A_306 = arith.muli %add3A_286, %mul3A_305 : i32
      %get3A_307 = arith.constant 6 : i32
      %get3A_308 = arith.constant 0 : i32
      %get3A_309 = arith.index_cast %get3A_307 : i32 to index
      %get3A_310 = arith.index_cast %get3A_308 : i32 to index
      %get3A_311 = arith.index_cast %mul3A_306 : i32 to index
      %get3A_312 = tpu.vector_load %arg9[%get3A_309, %get3A_310, %get3A_311] {strides = array<i32>} : memref<16x2x1024xf32, #tpu.memory_space<vmem>>, vector<16xf32>,
      %sub3A_313 = arith.subf %gather3A_296, %get3A_312 : vector<16xf32>
      %mul3A_314 = arith.mulf %sub3A_313, %sub3A_313 : vector<16xf32>
      %add3A_315 = arith.addf %add3A_282, %mul3A_314 : vector<16xf32>
      %add3A_316 = arith.constant 1024 : i32
      %add3A_317 = vector.broadcast %add3A_316 : i32 to vector<16xi32>
      %add3A_318 = arith.addi %get3A_292, %add3A_317 : vector<16xi32>
      %gather3A_319 = tpu.vector_load_idx %arg7[%add3A_318] : memref<2048xf32, #tpu.memory_space<vmem>>[vector<16xi32>], vector<16xf32>,
      %mul3A_320 = arith.constant 16 : i32
      %mul3A_321 = arith.muli %add3A_286, %mul3A_320 : i32
      %swap3A_322 = arith.constant 6 : i32
      %swap3A_323 = arith.constant 1 : i32
      %swap3A_324 = arith.index_cast %swap3A_322 : i32 to index
      %swap3A_325 = arith.index_cast %swap3A_323 : i32 to index
      %swap3A_326 = arith.index_cast %mul3A_321 : i32 to index
      %swap3A_327 = tpu.vector_load %arg10[%swap3A_324, %swap3A_325, %swap3A_326] {strides = array<i32>} : memref<16x2x1024xf32, #tpu.memory_space<vmem>>, vector<16xf32>,
      tpu.vector_store %arg10[%swap3A_324, %swap3A_325, %swap3A_326], %gather3A_319 {strides = array<i32>} : memref<16x2x1024xf32, #tpu.memory_space<vmem>>, vector<16xf32>,
      %mul3A_328 = arith.constant 16 : i32
      %mul3A_329 = arith.muli %add3A_286, %mul3A_328 : i32
      %get3A_330 = arith.constant 6 : i32
      %get3A_331 = arith.constant 1 : i32
      %get3A_332 = arith.index_cast %get3A_330 : i32 to index
      %get3A_333 = arith.index_cast %get3A_331 : i32 to index
      %get3A_334 = arith.index_cast %mul3A_329 : i32 to index
      %get3A_335 = tpu.vector_load %arg9[%get3A_332, %get3A_333, %get3A_334] {strides = array<i32>} : memref<16x2x1024xf32, #tpu.memory_space<vmem>>, vector<16xf32>,
      %sub3A_336 = arith.subf %gather3A_319, %get3A_335 : vector<16xf32>
      %mul3A_337 = arith.mulf %sub3A_336, %sub3A_336 : vector<16xf32>
      %add3A_338 = arith.addf %add3A_315, %mul3A_337 : vector<16xf32>
      scf.yield %add3A_338 : vector<16xf32>
    }
    %scan3A_60 = arith.constant 16 : i32
    %scan3A_61 = arith.constant 0 : i32
    %scan3A_62 = arith.constant 16 : i32
    %scan3A_63 = arith.addi %scan3A_61, %scan3A_62 : i32
    %scan3A_64 = arith.constant 1 : i32
    %scan3A_65 = scf.for %scan3A_116 = %scan3A_61 to %scan3A_63 step %scan3A_64 iter_args(%scan3A_117 = %scan3A_59) -> (vector<16xf32>)  : i32 {
      %mul3A_118 = arith.constant 4 : i32
      %mul3A_119 = arith.muli %scan3A_116, %mul3A_118 : i32
      %add3A_120 = arith.constant 0 : i32
      %add3A_121 = arith.addi %mul3A_119, %add3A_120 : i32
      %mul3A_122 = arith.constant 16 : i32
      %mul3A_123 = arith.muli %add3A_121, %mul3A_122 : i32
      %add3A_124 = arith.constant 7168 : i32
      %add3A_125 = arith.addi %add3A_124, %mul3A_123 : i32
      %get3A = arith.index_cast %add3A_125 : i32 to index
      %get3A_126 = tpu.vector_load %arg8[%get3A] {strides = array<i32>} : memref<16384xi32, #tpu.memory_space<vmem>>, vector<16xi32>,
      %add3A_127 = arith.constant 0 : i32
      %add3A_128 = vector.broadcast %add3A_127 : i32 to vector<16xi32>
      %add3A_129 = arith.addi %get3A_126, %add3A_128 : vector<16xi32>
      %gather3A = tpu.vector_load_idx %arg7[%add3A_129] : memref<2048xf32, #tpu.memory_space<vmem>>[vector<16xi32>], vector<16xf32>,
      %mul3A_130 = arith.constant 16 : i32
      %mul3A_131 = arith.muli %add3A_121, %mul3A_130 : i32
      %swap3A_132 = arith.constant 7 : i32
      %swap3A_133 = arith.constant 0 : i32
      %swap3A_134 = arith.index_cast %swap3A_132 : i32 to index
      %swap3A_135 = arith.index_cast %swap3A_133 : i32 to index
      %swap3A_136 = arith.index_cast %mul3A_131 : i32 to index
      %swap3A_137 = tpu.vector_load %arg10[%swap3A_134, %swap3A_135, %swap3A_136] {strides = array<i32>} : memref<16x2x1024xf32, #tpu.memory_space<vmem>>, vector<16xf32>,
      tpu.vector_store %arg10[%swap3A_134, %swap3A_135, %swap3A_136], %gather3A {strides = array<i32>} : memref<16x2x1024xf32, #tpu.memory_space<vmem>>, vector<16xf32>,
      %mul3A_138 = arith.constant 16 : i32
      %mul3A_139 = arith.muli %add3A_121, %mul3A_138 : i32
      %get3A_140 = arith.constant 7 : i32
      %get3A_141 = arith.constant 0 : i32
      %get3A_142 = arith.index_cast %get3A_140 : i32 to index
      %get3A_143 = arith.index_cast %get3A_141 : i32 to index
      %get3A_144 = arith.index_cast %mul3A_139 : i32 to index
      %get3A_145 = tpu.vector_load %arg9[%get3A_142, %get3A_143, %get3A_144] {strides = array<i32>} : memref<16x2x1024xf32, #tpu.memory_space<vmem>>, vector<16xf32>,
      %sub3A = arith.subf %gather3A, %get3A_145 : vector<16xf32>
      %mul3A_146 = arith.mulf %sub3A, %sub3A : vector<16xf32>
      %add3A_147 = arith.addf %scan3A_117, %mul3A_146 : vector<16xf32>
      %add3A_148 = arith.constant 1024 : i32
      %add3A_149 = vector.broadcast %add3A_148 : i32 to vector<16xi32>
      %add3A_150 = arith.addi %get3A_126, %add3A_149 : vector<16xi32>
      %gather3A_151 = tpu.vector_load_idx %arg7[%add3A_150] : memref<2048xf32, #tpu.memory_space<vmem>>[vector<16xi32>], vector<16xf32>,
      %mul3A_152 = arith.constant 16 : i32
      %mul3A_153 = arith.muli %add3A_121, %mul3A_152 : i32
      %swap3A_154 = arith.constant 7 : i32
      %swap3A_155 = arith.constant 1 : i32
      %swap3A_156 = arith.index_cast %swap3A_154 : i32 to index
      %swap3A_157 = arith.index_cast %swap3A_155 : i32 to index
      %swap3A_158 = arith.index_cast %mul3A_153 : i32 to index
      %swap3A_159 = tpu.vector_load %arg10[%swap3A_156, %swap3A_157, %swap3A_158] {strides = array<i32>} : memref<16x2x1024xf32, #tpu.memory_space<vmem>>, vector<16xf32>,
      tpu.vector_store %arg10[%swap3A_156, %swap3A_157, %swap3A_158], %gather3A_151 {strides = array<i32>} : memref<16x2x1024xf32, #tpu.memory_space<vmem>>, vector<16xf32>,
      %mul3A_160 = arith.constant 16 : i32
      %mul3A_161 = arith.muli %add3A_121, %mul3A_160 : i32
      %get3A_162 = arith.constant 7 : i32
      %get3A_163 = arith.constant 1 : i32
      %get3A_164 = arith.index_cast %get3A_162 : i32 to index
      %get3A_165 = arith.index_cast %get3A_163 : i32 to index
      %get3A_166 = arith.index_cast %mul3A_161 : i32 to index
      %get3A_167 = tpu.vector_load %arg9[%get3A_164, %get3A_165, %get3A_166] {strides = array<i32>} : memref<16x2x1024xf32, #tpu.memory_space<vmem>>, vector<16xf32>,
      %sub3A_168 = arith.subf %gather3A_151, %get3A_167 : vector<16xf32>
      %mul3A_169 = arith.mulf %sub3A_168, %sub3A_168 : vector<16xf32>
      %add3A_170 = arith.addf %add3A_147, %mul3A_169 : vector<16xf32>
      %mul3A_171 = arith.constant 4 : i32
      %mul3A_172 = arith.muli %scan3A_116, %mul3A_171 : i32
      %add3A_173 = arith.constant 1 : i32
      %add3A_174 = arith.addi %mul3A_172, %add3A_173 : i32
      %mul3A_175 = arith.constant 16 : i32
      %mul3A_176 = arith.muli %add3A_174, %mul3A_175 : i32
      %add3A_177 = arith.constant 7168 : i32
      %add3A_178 = arith.addi %add3A_177, %mul3A_176 : i32
      %get3A_179 = arith.index_cast %add3A_178 : i32 to index
      %get3A_180 = tpu.vector_load %arg8[%get3A_179] {strides = array<i32>} : memref<16384xi32, #tpu.memory_space<vmem>>, vector<16xi32>,
      %add3A_181 = arith.constant 0 : i32
      %add3A_182 = vector.broadcast %add3A_181 : i32 to vector<16xi32>
      %add3A_183 = arith.addi %get3A_180, %add3A_182 : vector<16xi32>
      %gather3A_184 = tpu.vector_load_idx %arg7[%add3A_183] : memref<2048xf32, #tpu.memory_space<vmem>>[vector<16xi32>], vector<16xf32>,
      %mul3A_185 = arith.constant 16 : i32
      %mul3A_186 = arith.muli %add3A_174, %mul3A_185 : i32
      %swap3A_187 = arith.constant 7 : i32
      %swap3A_188 = arith.constant 0 : i32
      %swap3A_189 = arith.index_cast %swap3A_187 : i32 to index
      %swap3A_190 = arith.index_cast %swap3A_188 : i32 to index
      %swap3A_191 = arith.index_cast %mul3A_186 : i32 to index
      %swap3A_192 = tpu.vector_load %arg10[%swap3A_189, %swap3A_190, %swap3A_191] {strides = array<i32>} : memref<16x2x1024xf32, #tpu.memory_space<vmem>>, vector<16xf32>,
      tpu.vector_store %arg10[%swap3A_189, %swap3A_190, %swap3A_191], %gather3A_184 {strides = array<i32>} : memref<16x2x1024xf32, #tpu.memory_space<vmem>>, vector<16xf32>,
      %mul3A_193 = arith.constant 16 : i32
      %mul3A_194 = arith.muli %add3A_174, %mul3A_193 : i32
      %get3A_195 = arith.constant 7 : i32
      %get3A_196 = arith.constant 0 : i32
      %get3A_197 = arith.index_cast %get3A_195 : i32 to index
      %get3A_198 = arith.index_cast %get3A_196 : i32 to index
      %get3A_199 = arith.index_cast %mul3A_194 : i32 to index
      %get3A_200 = tpu.vector_load %arg9[%get3A_197, %get3A_198, %get3A_199] {strides = array<i32>} : memref<16x2x1024xf32, #tpu.memory_space<vmem>>, vector<16xf32>,
      %sub3A_201 = arith.subf %gather3A_184, %get3A_200 : vector<16xf32>
      %mul3A_202 = arith.mulf %sub3A_201, %sub3A_201 : vector<16xf32>
      %add3A_203 = arith.addf %add3A_170, %mul3A_202 : vector<16xf32>
      %add3A_204 = arith.constant 1024 : i32
      %add3A_205 = vector.broadcast %add3A_204 : i32 to vector<16xi32>
      %add3A_206 = arith.addi %get3A_180, %add3A_205 : vector<16xi32>
      %gather3A_207 = tpu.vector_load_idx %arg7[%add3A_206] : memref<2048xf32, #tpu.memory_space<vmem>>[vector<16xi32>], vector<16xf32>,
      %mul3A_208 = arith.constant 16 : i32
      %mul3A_209 = arith.muli %add3A_174, %mul3A_208 : i32
      %swap3A_210 = arith.constant 7 : i32
      %swap3A_211 = arith.constant 1 : i32
      %swap3A_212 = arith.index_cast %swap3A_210 : i32 to index
      %swap3A_213 = arith.index_cast %swap3A_211 : i32 to index
      %swap3A_214 = arith.index_cast %mul3A_209 : i32 to index
      %swap3A_215 = tpu.vector_load %arg10[%swap3A_212, %swap3A_213, %swap3A_214] {strides = array<i32>} : memref<16x2x1024xf32, #tpu.memory_space<vmem>>, vector<16xf32>,
      tpu.vector_store %arg10[%swap3A_212, %swap3A_213, %swap3A_214], %gather3A_207 {strides = array<i32>} : memref<16x2x1024xf32, #tpu.memory_space<vmem>>, vector<16xf32>,
      %mul3A_216 = arith.constant 16 : i32
      %mul3A_217 = arith.muli %add3A_174, %mul3A_216 : i32
      %get3A_218 = arith.constant 7 : i32
      %get3A_219 = arith.constant 1 : i32
      %get3A_220 = arith.index_cast %get3A_218 : i32 to index
      %get3A_221 = arith.index_cast %get3A_219 : i32 to index
      %get3A_222 = arith.index_cast %mul3A_217 : i32 to index
      %get3A_223 = tpu.vector_load %arg9[%get3A_220, %get3A_221, %get3A_222] {strides = array<i32>} : memref<16x2x1024xf32, #tpu.memory_space<vmem>>, vector<16xf32>,
      %sub3A_224 = arith.subf %gather3A_207, %get3A_223 : vector<16xf32>
      %mul3A_225 = arith.mulf %sub3A_224, %sub3A_224 : vector<16xf32>
      %add3A_226 = arith.addf %add3A_203, %mul3A_225 : vector<16xf32>
      %mul3A_227 = arith.constant 4 : i32
      %mul3A_228 = arith.muli %scan3A_116, %mul3A_227 : i32
      %add3A_229 = arith.constant 2 : i32
      %add3A_230 = arith.addi %mul3A_228, %add3A_229 : i32
      %mul3A_231 = arith.constant 16 : i32
      %mul3A_232 = arith.muli %add3A_230, %mul3A_231 : i32
      %add3A_233 = arith.constant 7168 : i32
      %add3A_234 = arith.addi %add3A_233, %mul3A_232 : i32
      %get3A_235 = arith.index_cast %add3A_234 : i32 to index
      %get3A_236 = tpu.vector_load %arg8[%get3A_235] {strides = array<i32>} : memref<16384xi32, #tpu.memory_space<vmem>>, vector<16xi32>,
      %add3A_237 = arith.constant 0 : i32
      %add3A_238 = vector.broadcast %add3A_237 : i32 to vector<16xi32>
      %add3A_239 = arith.addi %get3A_236, %add3A_238 : vector<16xi32>
      %gather3A_240 = tpu.vector_load_idx %arg7[%add3A_239] : memref<2048xf32, #tpu.memory_space<vmem>>[vector<16xi32>], vector<16xf32>,
      %mul3A_241 = arith.constant 16 : i32
      %mul3A_242 = arith.muli %add3A_230, %mul3A_241 : i32
      %swap3A_243 = arith.constant 7 : i32
      %swap3A_244 = arith.constant 0 : i32
      %swap3A_245 = arith.index_cast %swap3A_243 : i32 to index
      %swap3A_246 = arith.index_cast %swap3A_244 : i32 to index
      %swap3A_247 = arith.index_cast %mul3A_242 : i32 to index
      %swap3A_248 = tpu.vector_load %arg10[%swap3A_245, %swap3A_246, %swap3A_247] {strides = array<i32>} : memref<16x2x1024xf32, #tpu.memory_space<vmem>>, vector<16xf32>,
      tpu.vector_store %arg10[%swap3A_245, %swap3A_246, %swap3A_247], %gather3A_240 {strides = array<i32>} : memref<16x2x1024xf32, #tpu.memory_space<vmem>>, vector<16xf32>,
      %mul3A_249 = arith.constant 16 : i32
      %mul3A_250 = arith.muli %add3A_230, %mul3A_249 : i32
      %get3A_251 = arith.constant 7 : i32
      %get3A_252 = arith.constant 0 : i32
      %get3A_253 = arith.index_cast %get3A_251 : i32 to index
      %get3A_254 = arith.index_cast %get3A_252 : i32 to index
      %get3A_255 = arith.index_cast %mul3A_250 : i32 to index
      %get3A_256 = tpu.vector_load %arg9[%get3A_253, %get3A_254, %get3A_255] {strides = array<i32>} : memref<16x2x1024xf32, #tpu.memory_space<vmem>>, vector<16xf32>,
      %sub3A_257 = arith.subf %gather3A_240, %get3A_256 : vector<16xf32>
      %mul3A_258 = arith.mulf %sub3A_257, %sub3A_257 : vector<16xf32>
      %add3A_259 = arith.addf %add3A_226, %mul3A_258 : vector<16xf32>
      %add3A_260 = arith.constant 1024 : i32
      %add3A_261 = vector.broadcast %add3A_260 : i32 to vector<16xi32>
      %add3A_262 = arith.addi %get3A_236, %add3A_261 : vector<16xi32>
      %gather3A_263 = tpu.vector_load_idx %arg7[%add3A_262] : memref<2048xf32, #tpu.memory_space<vmem>>[vector<16xi32>], vector<16xf32>,
      %mul3A_264 = arith.constant 16 : i32
      %mul3A_265 = arith.muli %add3A_230, %mul3A_264 : i32
      %swap3A_266 = arith.constant 7 : i32
      %swap3A_267 = arith.constant 1 : i32
      %swap3A_268 = arith.index_cast %swap3A_266 : i32 to index
      %swap3A_269 = arith.index_cast %swap3A_267 : i32 to index
      %swap3A_270 = arith.index_cast %mul3A_265 : i32 to index
      %swap3A_271 = tpu.vector_load %arg10[%swap3A_268, %swap3A_269, %swap3A_270] {strides = array<i32>} : memref<16x2x1024xf32, #tpu.memory_space<vmem>>, vector<16xf32>,
      tpu.vector_store %arg10[%swap3A_268, %swap3A_269, %swap3A_270], %gather3A_263 {strides = array<i32>} : memref<16x2x1024xf32, #tpu.memory_space<vmem>>, vector<16xf32>,
      %mul3A_272 = arith.constant 16 : i32
      %mul3A_273 = arith.muli %add3A_230, %mul3A_272 : i32
      %get3A_274 = arith.constant 7 : i32
      %get3A_275 = arith.constant 1 : i32
      %get3A_276 = arith.index_cast %get3A_274 : i32 to index
      %get3A_277 = arith.index_cast %get3A_275 : i32 to index
      %get3A_278 = arith.index_cast %mul3A_273 : i32 to index
      %get3A_279 = tpu.vector_load %arg9[%get3A_276, %get3A_277, %get3A_278] {strides = array<i32>} : memref<16x2x1024xf32, #tpu.memory_space<vmem>>, vector<16xf32>,
      %sub3A_280 = arith.subf %gather3A_263, %get3A_279 : vector<16xf32>
      %mul3A_281 = arith.mulf %sub3A_280, %sub3A_280 : vector<16xf32>
      %add3A_282 = arith.addf %add3A_259, %mul3A_281 : vector<16xf32>
      %mul3A_283 = arith.constant 4 : i32
      %mul3A_284 = arith.muli %scan3A_116, %mul3A_283 : i32
      %add3A_285 = arith.constant 3 : i32
      %add3A_286 = arith.addi %mul3A_284, %add3A_285 : i32
      %mul3A_287 = arith.constant 16 : i32
      %mul3A_288 = arith.muli %add3A_286, %mul3A_287 : i32
      %add3A_289 = arith.constant 7168 : i32
      %add3A_290 = arith.addi %add3A_289, %mul3A_288 : i32
      %get3A_291 = arith.index_cast %add3A_290 : i32 to index
      %get3A_292 = tpu.vector_load %arg8[%get3A_291] {strides = array<i32>} : memref<16384xi32, #tpu.memory_space<vmem>>, vector<16xi32>,
      %add3A_293 = arith.constant 0 : i32
      %add3A_294 = vector.broadcast %add3A_293 : i32 to vector<16xi32>
      %add3A_295 = arith.addi %get3A_292, %add3A_294 : vector<16xi32>
      %gather3A_296 = tpu.vector_load_idx %arg7[%add3A_295] : memref<2048xf32, #tpu.memory_space<vmem>>[vector<16xi32>], vector<16xf32>,
      %mul3A_297 = arith.constant 16 : i32
      %mul3A_298 = arith.muli %add3A_286, %mul3A_297 : i32
      %swap3A_299 = arith.constant 7 : i32
      %swap3A_300 = arith.constant 0 : i32
      %swap3A_301 = arith.index_cast %swap3A_299 : i32 to index
      %swap3A_302 = arith.index_cast %swap3A_300 : i32 to index
      %swap3A_303 = arith.index_cast %mul3A_298 : i32 to index
      %swap3A_304 = tpu.vector_load %arg10[%swap3A_301, %swap3A_302, %swap3A_303] {strides = array<i32>} : memref<16x2x1024xf32, #tpu.memory_space<vmem>>, vector<16xf32>,
      tpu.vector_store %arg10[%swap3A_301, %swap3A_302, %swap3A_303], %gather3A_296 {strides = array<i32>} : memref<16x2x1024xf32, #tpu.memory_space<vmem>>, vector<16xf32>,
      %mul3A_305 = arith.constant 16 : i32
      %mul3A_306 = arith.muli %add3A_286, %mul3A_305 : i32
      %get3A_307 = arith.constant 7 : i32
      %get3A_308 = arith.constant 0 : i32
      %get3A_309 = arith.index_cast %get3A_307 : i32 to index
      %get3A_310 = arith.index_cast %get3A_308 : i32 to index
      %get3A_311 = arith.index_cast %mul3A_306 : i32 to index
      %get3A_312 = tpu.vector_load %arg9[%get3A_309, %get3A_310, %get3A_311] {strides = array<i32>} : memref<16x2x1024xf32, #tpu.memory_space<vmem>>, vector<16xf32>,
      %sub3A_313 = arith.subf %gather3A_296, %get3A_312 : vector<16xf32>
      %mul3A_314 = arith.mulf %sub3A_313, %sub3A_313 : vector<16xf32>
      %add3A_315 = arith.addf %add3A_282, %mul3A_314 : vector<16xf32>
      %add3A_316 = arith.constant 1024 : i32
      %add3A_317 = vector.broadcast %add3A_316 : i32 to vector<16xi32>
      %add3A_318 = arith.addi %get3A_292, %add3A_317 : vector<16xi32>
      %gather3A_319 = tpu.vector_load_idx %arg7[%add3A_318] : memref<2048xf32, #tpu.memory_space<vmem>>[vector<16xi32>], vector<16xf32>,
      %mul3A_320 = arith.constant 16 : i32
      %mul3A_321 = arith.muli %add3A_286, %mul3A_320 : i32
      %swap3A_322 = arith.constant 7 : i32
      %swap3A_323 = arith.constant 1 : i32
      %swap3A_324 = arith.index_cast %swap3A_322 : i32 to index
      %swap3A_325 = arith.index_cast %swap3A_323 : i32 to index
      %swap3A_326 = arith.index_cast %mul3A_321 : i32 to index
      %swap3A_327 = tpu.vector_load %arg10[%swap3A_324, %swap3A_325, %swap3A_326] {strides = array<i32>} : memref<16x2x1024xf32, #tpu.memory_space<vmem>>, vector<16xf32>,
      tpu.vector_store %arg10[%swap3A_324, %swap3A_325, %swap3A_326], %gather3A_319 {strides = array<i32>} : memref<16x2x1024xf32, #tpu.memory_space<vmem>>, vector<16xf32>,
      %mul3A_328 = arith.constant 16 : i32
      %mul3A_329 = arith.muli %add3A_286, %mul3A_328 : i32
      %get3A_330 = arith.constant 7 : i32
      %get3A_331 = arith.constant 1 : i32
      %get3A_332 = arith.index_cast %get3A_330 : i32 to index
      %get3A_333 = arith.index_cast %get3A_331 : i32 to index
      %get3A_334 = arith.index_cast %mul3A_329 : i32 to index
      %get3A_335 = tpu.vector_load %arg9[%get3A_332, %get3A_333, %get3A_334] {strides = array<i32>} : memref<16x2x1024xf32, #tpu.memory_space<vmem>>, vector<16xf32>,
      %sub3A_336 = arith.subf %gather3A_319, %get3A_335 : vector<16xf32>
      %mul3A_337 = arith.mulf %sub3A_336, %sub3A_336 : vector<16xf32>
      %add3A_338 = arith.addf %add3A_315, %mul3A_337 : vector<16xf32>
      scf.yield %add3A_338 : vector<16xf32>
    }
    %scan3A_66 = arith.constant 16 : i32
    %scan3A_67 = arith.constant 0 : i32
    %scan3A_68 = arith.constant 16 : i32
    %scan3A_69 = arith.addi %scan3A_67, %scan3A_68 : i32
    %scan3A_70 = arith.constant 1 : i32
    %scan3A_71 = scf.for %scan3A_116 = %scan3A_67 to %scan3A_69 step %scan3A_70 iter_args(%scan3A_117 = %scan3A_65) -> (vector<16xf32>)  : i32 {
      %mul3A_118 = arith.constant 4 : i32
      %mul3A_119 = arith.muli %scan3A_116, %mul3A_118 : i32
      %add3A_120 = arith.constant 0 : i32
      %add3A_121 = arith.addi %mul3A_119, %add3A_120 : i32
      %mul3A_122 = arith.constant 16 : i32
      %mul3A_123 = arith.muli %add3A_121, %mul3A_122 : i32
      %add3A_124 = arith.constant 8192 : i32
      %add3A_125 = arith.addi %add3A_124, %mul3A_123 : i32
      %get3A = arith.index_cast %add3A_125 : i32 to index
      %get3A_126 = tpu.vector_load %arg8[%get3A] {strides = array<i32>} : memref<16384xi32, #tpu.memory_space<vmem>>, vector<16xi32>,
      %add3A_127 = arith.constant 0 : i32
      %add3A_128 = vector.broadcast %add3A_127 : i32 to vector<16xi32>
      %add3A_129 = arith.addi %get3A_126, %add3A_128 : vector<16xi32>
      %gather3A = tpu.vector_load_idx %arg7[%add3A_129] : memref<2048xf32, #tpu.memory_space<vmem>>[vector<16xi32>], vector<16xf32>,
      %mul3A_130 = arith.constant 16 : i32
      %mul3A_131 = arith.muli %add3A_121, %mul3A_130 : i32
      %swap3A_132 = arith.constant 8 : i32
      %swap3A_133 = arith.constant 0 : i32
      %swap3A_134 = arith.index_cast %swap3A_132 : i32 to index
      %swap3A_135 = arith.index_cast %swap3A_133 : i32 to index
      %swap3A_136 = arith.index_cast %mul3A_131 : i32 to index
      %swap3A_137 = tpu.vector_load %arg10[%swap3A_134, %swap3A_135, %swap3A_136] {strides = array<i32>} : memref<16x2x1024xf32, #tpu.memory_space<vmem>>, vector<16xf32>,
      tpu.vector_store %arg10[%swap3A_134, %swap3A_135, %swap3A_136], %gather3A {strides = array<i32>} : memref<16x2x1024xf32, #tpu.memory_space<vmem>>, vector<16xf32>,
      %mul3A_138 = arith.constant 16 : i32
      %mul3A_139 = arith.muli %add3A_121, %mul3A_138 : i32
      %get3A_140 = arith.constant 8 : i32
      %get3A_141 = arith.constant 0 : i32
      %get3A_142 = arith.index_cast %get3A_140 : i32 to index
      %get3A_143 = arith.index_cast %get3A_141 : i32 to index
      %get3A_144 = arith.index_cast %mul3A_139 : i32 to index
      %get3A_145 = tpu.vector_load %arg9[%get3A_142, %get3A_143, %get3A_144] {strides = array<i32>} : memref<16x2x1024xf32, #tpu.memory_space<vmem>>, vector<16xf32>,
      %sub3A = arith.subf %gather3A, %get3A_145 : vector<16xf32>
      %mul3A_146 = arith.mulf %sub3A, %sub3A : vector<16xf32>
      %add3A_147 = arith.addf %scan3A_117, %mul3A_146 : vector<16xf32>
      %add3A_148 = arith.constant 1024 : i32
      %add3A_149 = vector.broadcast %add3A_148 : i32 to vector<16xi32>
      %add3A_150 = arith.addi %get3A_126, %add3A_149 : vector<16xi32>
      %gather3A_151 = tpu.vector_load_idx %arg7[%add3A_150] : memref<2048xf32, #tpu.memory_space<vmem>>[vector<16xi32>], vector<16xf32>,
      %mul3A_152 = arith.constant 16 : i32
      %mul3A_153 = arith.muli %add3A_121, %mul3A_152 : i32
      %swap3A_154 = arith.constant 8 : i32
      %swap3A_155 = arith.constant 1 : i32
      %swap3A_156 = arith.index_cast %swap3A_154 : i32 to index
      %swap3A_157 = arith.index_cast %swap3A_155 : i32 to index
      %swap3A_158 = arith.index_cast %mul3A_153 : i32 to index
      %swap3A_159 = tpu.vector_load %arg10[%swap3A_156, %swap3A_157, %swap3A_158] {strides = array<i32>} : memref<16x2x1024xf32, #tpu.memory_space<vmem>>, vector<16xf32>,
      tpu.vector_store %arg10[%swap3A_156, %swap3A_157, %swap3A_158], %gather3A_151 {strides = array<i32>} : memref<16x2x1024xf32, #tpu.memory_space<vmem>>, vector<16xf32>,
      %mul3A_160 = arith.constant 16 : i32
      %mul3A_161 = arith.muli %add3A_121, %mul3A_160 : i32
      %get3A_162 = arith.constant 8 : i32
      %get3A_163 = arith.constant 1 : i32
      %get3A_164 = arith.index_cast %get3A_162 : i32 to index
      %get3A_165 = arith.index_cast %get3A_163 : i32 to index
      %get3A_166 = arith.index_cast %mul3A_161 : i32 to index
      %get3A_167 = tpu.vector_load %arg9[%get3A_164, %get3A_165, %get3A_166] {strides = array<i32>} : memref<16x2x1024xf32, #tpu.memory_space<vmem>>, vector<16xf32>,
      %sub3A_168 = arith.subf %gather3A_151, %get3A_167 : vector<16xf32>
      %mul3A_169 = arith.mulf %sub3A_168, %sub3A_168 : vector<16xf32>
      %add3A_170 = arith.addf %add3A_147, %mul3A_169 : vector<16xf32>
      %mul3A_171 = arith.constant 4 : i32
      %mul3A_172 = arith.muli %scan3A_116, %mul3A_171 : i32
      %add3A_173 = arith.constant 1 : i32
      %add3A_174 = arith.addi %mul3A_172, %add3A_173 : i32
      %mul3A_175 = arith.constant 16 : i32
      %mul3A_176 = arith.muli %add3A_174, %mul3A_175 : i32
      %add3A_177 = arith.constant 8192 : i32
      %add3A_178 = arith.addi %add3A_177, %mul3A_176 : i32
      %get3A_179 = arith.index_cast %add3A_178 : i32 to index
      %get3A_180 = tpu.vector_load %arg8[%get3A_179] {strides = array<i32>} : memref<16384xi32, #tpu.memory_space<vmem>>, vector<16xi32>,
      %add3A_181 = arith.constant 0 : i32
      %add3A_182 = vector.broadcast %add3A_181 : i32 to vector<16xi32>
      %add3A_183 = arith.addi %get3A_180, %add3A_182 : vector<16xi32>
      %gather3A_184 = tpu.vector_load_idx %arg7[%add3A_183] : memref<2048xf32, #tpu.memory_space<vmem>>[vector<16xi32>], vector<16xf32>,
      %mul3A_185 = arith.constant 16 : i32
      %mul3A_186 = arith.muli %add3A_174, %mul3A_185 : i32
      %swap3A_187 = arith.constant 8 : i32
      %swap3A_188 = arith.constant 0 : i32
      %swap3A_189 = arith.index_cast %swap3A_187 : i32 to index
      %swap3A_190 = arith.index_cast %swap3A_188 : i32 to index
      %swap3A_191 = arith.index_cast %mul3A_186 : i32 to index
      %swap3A_192 = tpu.vector_load %arg10[%swap3A_189, %swap3A_190, %swap3A_191] {strides = array<i32>} : memref<16x2x1024xf32, #tpu.memory_space<vmem>>, vector<16xf32>,
      tpu.vector_store %arg10[%swap3A_189, %swap3A_190, %swap3A_191], %gather3A_184 {strides = array<i32>} : memref<16x2x1024xf32, #tpu.memory_space<vmem>>, vector<16xf32>,
      %mul3A_193 = arith.constant 16 : i32
      %mul3A_194 = arith.muli %add3A_174, %mul3A_193 : i32
      %get3A_195 = arith.constant 8 : i32
      %get3A_196 = arith.constant 0 : i32
      %get3A_197 = arith.index_cast %get3A_195 : i32 to index
      %get3A_198 = arith.index_cast %get3A_196 : i32 to index
      %get3A_199 = arith.index_cast %mul3A_194 : i32 to index
      %get3A_200 = tpu.vector_load %arg9[%get3A_197, %get3A_198, %get3A_199] {strides = array<i32>} : memref<16x2x1024xf32, #tpu.memory_space<vmem>>, vector<16xf32>,
      %sub3A_201 = arith.subf %gather3A_184, %get3A_200 : vector<16xf32>
      %mul3A_202 = arith.mulf %sub3A_201, %sub3A_201 : vector<16xf32>
      %add3A_203 = arith.addf %add3A_170, %mul3A_202 : vector<16xf32>
      %add3A_204 = arith.constant 1024 : i32
      %add3A_205 = vector.broadcast %add3A_204 : i32 to vector<16xi32>
      %add3A_206 = arith.addi %get3A_180, %add3A_205 : vector<16xi32>
      %gather3A_207 = tpu.vector_load_idx %arg7[%add3A_206] : memref<2048xf32, #tpu.memory_space<vmem>>[vector<16xi32>], vector<16xf32>,
      %mul3A_208 = arith.constant 16 : i32
      %mul3A_209 = arith.muli %add3A_174, %mul3A_208 : i32
      %swap3A_210 = arith.constant 8 : i32
      %swap3A_211 = arith.constant 1 : i32
      %swap3A_212 = arith.index_cast %swap3A_210 : i32 to index
      %swap3A_213 = arith.index_cast %swap3A_211 : i32 to index
      %swap3A_214 = arith.index_cast %mul3A_209 : i32 to index
      %swap3A_215 = tpu.vector_load %arg10[%swap3A_212, %swap3A_213, %swap3A_214] {strides = array<i32>} : memref<16x2x1024xf32, #tpu.memory_space<vmem>>, vector<16xf32>,
      tpu.vector_store %arg10[%swap3A_212, %swap3A_213, %swap3A_214], %gather3A_207 {strides = array<i32>} : memref<16x2x1024xf32, #tpu.memory_space<vmem>>, vector<16xf32>,
      %mul3A_216 = arith.constant 16 : i32
      %mul3A_217 = arith.muli %add3A_174, %mul3A_216 : i32
      %get3A_218 = arith.constant 8 : i32
      %get3A_219 = arith.constant 1 : i32
      %get3A_220 = arith.index_cast %get3A_218 : i32 to index
      %get3A_221 = arith.index_cast %get3A_219 : i32 to index
      %get3A_222 = arith.index_cast %mul3A_217 : i32 to index
      %get3A_223 = tpu.vector_load %arg9[%get3A_220, %get3A_221, %get3A_222] {strides = array<i32>} : memref<16x2x1024xf32, #tpu.memory_space<vmem>>, vector<16xf32>,
      %sub3A_224 = arith.subf %gather3A_207, %get3A_223 : vector<16xf32>
      %mul3A_225 = arith.mulf %sub3A_224, %sub3A_224 : vector<16xf32>
      %add3A_226 = arith.addf %add3A_203, %mul3A_225 : vector<16xf32>
      %mul3A_227 = arith.constant 4 : i32
      %mul3A_228 = arith.muli %scan3A_116, %mul3A_227 : i32
      %add3A_229 = arith.constant 2 : i32
      %add3A_230 = arith.addi %mul3A_228, %add3A_229 : i32
      %mul3A_231 = arith.constant 16 : i32
      %mul3A_232 = arith.muli %add3A_230, %mul3A_231 : i32
      %add3A_233 = arith.constant 8192 : i32
      %add3A_234 = arith.addi %add3A_233, %mul3A_232 : i32
      %get3A_235 = arith.index_cast %add3A_234 : i32 to index
      %get3A_236 = tpu.vector_load %arg8[%get3A_235] {strides = array<i32>} : memref<16384xi32, #tpu.memory_space<vmem>>, vector<16xi32>,
      %add3A_237 = arith.constant 0 : i32
      %add3A_238 = vector.broadcast %add3A_237 : i32 to vector<16xi32>
      %add3A_239 = arith.addi %get3A_236, %add3A_238 : vector<16xi32>
      %gather3A_240 = tpu.vector_load_idx %arg7[%add3A_239] : memref<2048xf32, #tpu.memory_space<vmem>>[vector<16xi32>], vector<16xf32>,
      %mul3A_241 = arith.constant 16 : i32
      %mul3A_242 = arith.muli %add3A_230, %mul3A_241 : i32
      %swap3A_243 = arith.constant 8 : i32
      %swap3A_244 = arith.constant 0 : i32
      %swap3A_245 = arith.index_cast %swap3A_243 : i32 to index
      %swap3A_246 = arith.index_cast %swap3A_244 : i32 to index
      %swap3A_247 = arith.index_cast %mul3A_242 : i32 to index
      %swap3A_248 = tpu.vector_load %arg10[%swap3A_245, %swap3A_246, %swap3A_247] {strides = array<i32>} : memref<16x2x1024xf32, #tpu.memory_space<vmem>>, vector<16xf32>,
      tpu.vector_store %arg10[%swap3A_245, %swap3A_246, %swap3A_247], %gather3A_240 {strides = array<i32>} : memref<16x2x1024xf32, #tpu.memory_space<vmem>>, vector<16xf32>,
      %mul3A_249 = arith.constant 16 : i32
      %mul3A_250 = arith.muli %add3A_230, %mul3A_249 : i32
      %get3A_251 = arith.constant 8 : i32
      %get3A_252 = arith.constant 0 : i32
      %get3A_253 = arith.index_cast %get3A_251 : i32 to index
      %get3A_254 = arith.index_cast %get3A_252 : i32 to index
      %get3A_255 = arith.index_cast %mul3A_250 : i32 to index
      %get3A_256 = tpu.vector_load %arg9[%get3A_253, %get3A_254, %get3A_255] {strides = array<i32>} : memref<16x2x1024xf32, #tpu.memory_space<vmem>>, vector<16xf32>,
      %sub3A_257 = arith.subf %gather3A_240, %get3A_256 : vector<16xf32>
      %mul3A_258 = arith.mulf %sub3A_257, %sub3A_257 : vector<16xf32>
      %add3A_259 = arith.addf %add3A_226, %mul3A_258 : vector<16xf32>
      %add3A_260 = arith.constant 1024 : i32
      %add3A_261 = vector.broadcast %add3A_260 : i32 to vector<16xi32>
      %add3A_262 = arith.addi %get3A_236, %add3A_261 : vector<16xi32>
      %gather3A_263 = tpu.vector_load_idx %arg7[%add3A_262] : memref<2048xf32, #tpu.memory_space<vmem>>[vector<16xi32>], vector<16xf32>,
      %mul3A_264 = arith.constant 16 : i32
      %mul3A_265 = arith.muli %add3A_230, %mul3A_264 : i32
      %swap3A_266 = arith.constant 8 : i32
      %swap3A_267 = arith.constant 1 : i32
      %swap3A_268 = arith.index_cast %swap3A_266 : i32 to index
      %swap3A_269 = arith.index_cast %swap3A_267 : i32 to index
      %swap3A_270 = arith.index_cast %mul3A_265 : i32 to index
      %swap3A_271 = tpu.vector_load %arg10[%swap3A_268, %swap3A_269, %swap3A_270] {strides = array<i32>} : memref<16x2x1024xf32, #tpu.memory_space<vmem>>, vector<16xf32>,
      tpu.vector_store %arg10[%swap3A_268, %swap3A_269, %swap3A_270], %gather3A_263 {strides = array<i32>} : memref<16x2x1024xf32, #tpu.memory_space<vmem>>, vector<16xf32>,
      %mul3A_272 = arith.constant 16 : i32
      %mul3A_273 = arith.muli %add3A_230, %mul3A_272 : i32
      %get3A_274 = arith.constant 8 : i32
      %get3A_275 = arith.constant 1 : i32
      %get3A_276 = arith.index_cast %get3A_274 : i32 to index
      %get3A_277 = arith.index_cast %get3A_275 : i32 to index
      %get3A_278 = arith.index_cast %mul3A_273 : i32 to index
      %get3A_279 = tpu.vector_load %arg9[%get3A_276, %get3A_277, %get3A_278] {strides = array<i32>} : memref<16x2x1024xf32, #tpu.memory_space<vmem>>, vector<16xf32>,
      %sub3A_280 = arith.subf %gather3A_263, %get3A_279 : vector<16xf32>
      %mul3A_281 = arith.mulf %sub3A_280, %sub3A_280 : vector<16xf32>
      %add3A_282 = arith.addf %add3A_259, %mul3A_281 : vector<16xf32>
      %mul3A_283 = arith.constant 4 : i32
      %mul3A_284 = arith.muli %scan3A_116, %mul3A_283 : i32
      %add3A_285 = arith.constant 3 : i32
      %add3A_286 = arith.addi %mul3A_284, %add3A_285 : i32
      %mul3A_287 = arith.constant 16 : i32
      %mul3A_288 = arith.muli %add3A_286, %mul3A_287 : i32
      %add3A_289 = arith.constant 8192 : i32
      %add3A_290 = arith.addi %add3A_289, %mul3A_288 : i32
      %get3A_291 = arith.index_cast %add3A_290 : i32 to index
      %get3A_292 = tpu.vector_load %arg8[%get3A_291] {strides = array<i32>} : memref<16384xi32, #tpu.memory_space<vmem>>, vector<16xi32>,
      %add3A_293 = arith.constant 0 : i32
      %add3A_294 = vector.broadcast %add3A_293 : i32 to vector<16xi32>
      %add3A_295 = arith.addi %get3A_292, %add3A_294 : vector<16xi32>
      %gather3A_296 = tpu.vector_load_idx %arg7[%add3A_295] : memref<2048xf32, #tpu.memory_space<vmem>>[vector<16xi32>], vector<16xf32>,
      %mul3A_297 = arith.constant 16 : i32
      %mul3A_298 = arith.muli %add3A_286, %mul3A_297 : i32
      %swap3A_299 = arith.constant 8 : i32
      %swap3A_300 = arith.constant 0 : i32
      %swap3A_301 = arith.index_cast %swap3A_299 : i32 to index
      %swap3A_302 = arith.index_cast %swap3A_300 : i32 to index
      %swap3A_303 = arith.index_cast %mul3A_298 : i32 to index
      %swap3A_304 = tpu.vector_load %arg10[%swap3A_301, %swap3A_302, %swap3A_303] {strides = array<i32>} : memref<16x2x1024xf32, #tpu.memory_space<vmem>>, vector<16xf32>,
      tpu.vector_store %arg10[%swap3A_301, %swap3A_302, %swap3A_303], %gather3A_296 {strides = array<i32>} : memref<16x2x1024xf32, #tpu.memory_space<vmem>>, vector<16xf32>,
      %mul3A_305 = arith.constant 16 : i32
      %mul3A_306 = arith.muli %add3A_286, %mul3A_305 : i32
      %get3A_307 = arith.constant 8 : i32
      %get3A_308 = arith.constant 0 : i32
      %get3A_309 = arith.index_cast %get3A_307 : i32 to index
      %get3A_310 = arith.index_cast %get3A_308 : i32 to index
      %get3A_311 = arith.index_cast %mul3A_306 : i32 to index
      %get3A_312 = tpu.vector_load %arg9[%get3A_309, %get3A_310, %get3A_311] {strides = array<i32>} : memref<16x2x1024xf32, #tpu.memory_space<vmem>>, vector<16xf32>,
      %sub3A_313 = arith.subf %gather3A_296, %get3A_312 : vector<16xf32>
      %mul3A_314 = arith.mulf %sub3A_313, %sub3A_313 : vector<16xf32>
      %add3A_315 = arith.addf %add3A_282, %mul3A_314 : vector<16xf32>
      %add3A_316 = arith.constant 1024 : i32
      %add3A_317 = vector.broadcast %add3A_316 : i32 to vector<16xi32>
      %add3A_318 = arith.addi %get3A_292, %add3A_317 : vector<16xi32>
      %gather3A_319 = tpu.vector_load_idx %arg7[%add3A_318] : memref<2048xf32, #tpu.memory_space<vmem>>[vector<16xi32>], vector<16xf32>,
      %mul3A_320 = arith.constant 16 : i32
      %mul3A_321 = arith.muli %add3A_286, %mul3A_320 : i32
      %swap3A_322 = arith.constant 8 : i32
      %swap3A_323 = arith.constant 1 : i32
      %swap3A_324 = arith.index_cast %swap3A_322 : i32 to index
      %swap3A_325 = arith.index_cast %swap3A_323 : i32 to index
      %swap3A_326 = arith.index_cast %mul3A_321 : i32 to index
      %swap3A_327 = tpu.vector_load %arg10[%swap3A_324, %swap3A_325, %swap3A_326] {strides = array<i32>} : memref<16x2x1024xf32, #tpu.memory_space<vmem>>, vector<16xf32>,
      tpu.vector_store %arg10[%swap3A_324, %swap3A_325, %swap3A_326], %gather3A_319 {strides = array<i32>} : memref<16x2x1024xf32, #tpu.memory_space<vmem>>, vector<16xf32>,
      %mul3A_328 = arith.constant 16 : i32
      %mul3A_329 = arith.muli %add3A_286, %mul3A_328 : i32
      %get3A_330 = arith.constant 8 : i32
      %get3A_331 = arith.constant 1 : i32
      %get3A_332 = arith.index_cast %get3A_330 : i32 to index
      %get3A_333 = arith.index_cast %get3A_331 : i32 to index
      %get3A_334 = arith.index_cast %mul3A_329 : i32 to index
      %get3A_335 = tpu.vector_load %arg9[%get3A_332, %get3A_333, %get3A_334] {strides = array<i32>} : memref<16x2x1024xf32, #tpu.memory_space<vmem>>, vector<16xf32>,
      %sub3A_336 = arith.subf %gather3A_319, %get3A_335 : vector<16xf32>
      %mul3A_337 = arith.mulf %sub3A_336, %sub3A_336 : vector<16xf32>
      %add3A_338 = arith.addf %add3A_315, %mul3A_337 : vector<16xf32>
      scf.yield %add3A_338 : vector<16xf32>
    }
    %scan3A_72 = arith.constant 16 : i32
    %scan3A_73 = arith.constant 0 : i32
    %scan3A_74 = arith.constant 16 : i32
    %scan3A_75 = arith.addi %scan3A_73, %scan3A_74 : i32
    %scan3A_76 = arith.constant 1 : i32
    %scan3A_77 = scf.for %scan3A_116 = %scan3A_73 to %scan3A_75 step %scan3A_76 iter_args(%scan3A_117 = %scan3A_71) -> (vector<16xf32>)  : i32 {
      %mul3A_118 = arith.constant 4 : i32
      %mul3A_119 = arith.muli %scan3A_116, %mul3A_118 : i32
      %add3A_120 = arith.constant 0 : i32
      %add3A_121 = arith.addi %mul3A_119, %add3A_120 : i32
      %mul3A_122 = arith.constant 16 : i32
      %mul3A_123 = arith.muli %add3A_121, %mul3A_122 : i32
      %add3A_124 = arith.constant 9216 : i32
      %add3A_125 = arith.addi %add3A_124, %mul3A_123 : i32
      %get3A = arith.index_cast %add3A_125 : i32 to index
      %get3A_126 = tpu.vector_load %arg8[%get3A] {strides = array<i32>} : memref<16384xi32, #tpu.memory_space<vmem>>, vector<16xi32>,
      %add3A_127 = arith.constant 0 : i32
      %add3A_128 = vector.broadcast %add3A_127 : i32 to vector<16xi32>
      %add3A_129 = arith.addi %get3A_126, %add3A_128 : vector<16xi32>
      %gather3A = tpu.vector_load_idx %arg7[%add3A_129] : memref<2048xf32, #tpu.memory_space<vmem>>[vector<16xi32>], vector<16xf32>,
      %mul3A_130 = arith.constant 16 : i32
      %mul3A_131 = arith.muli %add3A_121, %mul3A_130 : i32
      %swap3A_132 = arith.constant 9 : i32
      %swap3A_133 = arith.constant 0 : i32
      %swap3A_134 = arith.index_cast %swap3A_132 : i32 to index
      %swap3A_135 = arith.index_cast %swap3A_133 : i32 to index
      %swap3A_136 = arith.index_cast %mul3A_131 : i32 to index
      %swap3A_137 = tpu.vector_load %arg10[%swap3A_134, %swap3A_135, %swap3A_136] {strides = array<i32>} : memref<16x2x1024xf32, #tpu.memory_space<vmem>>, vector<16xf32>,
      tpu.vector_store %arg10[%swap3A_134, %swap3A_135, %swap3A_136], %gather3A {strides = array<i32>} : memref<16x2x1024xf32, #tpu.memory_space<vmem>>, vector<16xf32>,
      %mul3A_138 = arith.constant 16 : i32
      %mul3A_139 = arith.muli %add3A_121, %mul3A_138 : i32
      %get3A_140 = arith.constant 9 : i32
      %get3A_141 = arith.constant 0 : i32
      %get3A_142 = arith.index_cast %get3A_140 : i32 to index
      %get3A_143 = arith.index_cast %get3A_141 : i32 to index
      %get3A_144 = arith.index_cast %mul3A_139 : i32 to index
      %get3A_145 = tpu.vector_load %arg9[%get3A_142, %get3A_143, %get3A_144] {strides = array<i32>} : memref<16x2x1024xf32, #tpu.memory_space<vmem>>, vector<16xf32>,
      %sub3A = arith.subf %gather3A, %get3A_145 : vector<16xf32>
      %mul3A_146 = arith.mulf %sub3A, %sub3A : vector<16xf32>
      %add3A_147 = arith.addf %scan3A_117, %mul3A_146 : vector<16xf32>
      %add3A_148 = arith.constant 1024 : i32
      %add3A_149 = vector.broadcast %add3A_148 : i32 to vector<16xi32>
      %add3A_150 = arith.addi %get3A_126, %add3A_149 : vector<16xi32>
      %gather3A_151 = tpu.vector_load_idx %arg7[%add3A_150] : memref<2048xf32, #tpu.memory_space<vmem>>[vector<16xi32>], vector<16xf32>,
      %mul3A_152 = arith.constant 16 : i32
      %mul3A_153 = arith.muli %add3A_121, %mul3A_152 : i32
      %swap3A_154 = arith.constant 9 : i32
      %swap3A_155 = arith.constant 1 : i32
      %swap3A_156 = arith.index_cast %swap3A_154 : i32 to index
      %swap3A_157 = arith.index_cast %swap3A_155 : i32 to index
      %swap3A_158 = arith.index_cast %mul3A_153 : i32 to index
      %swap3A_159 = tpu.vector_load %arg10[%swap3A_156, %swap3A_157, %swap3A_158] {strides = array<i32>} : memref<16x2x1024xf32, #tpu.memory_space<vmem>>, vector<16xf32>,
      tpu.vector_store %arg10[%swap3A_156, %swap3A_157, %swap3A_158], %gather3A_151 {strides = array<i32>} : memref<16x2x1024xf32, #tpu.memory_space<vmem>>, vector<16xf32>,
      %mul3A_160 = arith.constant 16 : i32
      %mul3A_161 = arith.muli %add3A_121, %mul3A_160 : i32
      %get3A_162 = arith.constant 9 : i32
      %get3A_163 = arith.constant 1 : i32
      %get3A_164 = arith.index_cast %get3A_162 : i32 to index
      %get3A_165 = arith.index_cast %get3A_163 : i32 to index
      %get3A_166 = arith.index_cast %mul3A_161 : i32 to index
      %get3A_167 = tpu.vector_load %arg9[%get3A_164, %get3A_165, %get3A_166] {strides = array<i32>} : memref<16x2x1024xf32, #tpu.memory_space<vmem>>, vector<16xf32>,
      %sub3A_168 = arith.subf %gather3A_151, %get3A_167 : vector<16xf32>
      %mul3A_169 = arith.mulf %sub3A_168, %sub3A_168 : vector<16xf32>
      %add3A_170 = arith.addf %add3A_147, %mul3A_169 : vector<16xf32>
      %mul3A_171 = arith.constant 4 : i32
      %mul3A_172 = arith.muli %scan3A_116, %mul3A_171 : i32
      %add3A_173 = arith.constant 1 : i32
      %add3A_174 = arith.addi %mul3A_172, %add3A_173 : i32
      %mul3A_175 = arith.constant 16 : i32
      %mul3A_176 = arith.muli %add3A_174, %mul3A_175 : i32
      %add3A_177 = arith.constant 9216 : i32
      %add3A_178 = arith.addi %add3A_177, %mul3A_176 : i32
      %get3A_179 = arith.index_cast %add3A_178 : i32 to index
      %get3A_180 = tpu.vector_load %arg8[%get3A_179] {strides = array<i32>} : memref<16384xi32, #tpu.memory_space<vmem>>, vector<16xi32>,
      %add3A_181 = arith.constant 0 : i32
      %add3A_182 = vector.broadcast %add3A_181 : i32 to vector<16xi32>
      %add3A_183 = arith.addi %get3A_180, %add3A_182 : vector<16xi32>
      %gather3A_184 = tpu.vector_load_idx %arg7[%add3A_183] : memref<2048xf32, #tpu.memory_space<vmem>>[vector<16xi32>], vector<16xf32>,
      %mul3A_185 = arith.constant 16 : i32
      %mul3A_186 = arith.muli %add3A_174, %mul3A_185 : i32
      %swap3A_187 = arith.constant 9 : i32
      %swap3A_188 = arith.constant 0 : i32
      %swap3A_189 = arith.index_cast %swap3A_187 : i32 to index
      %swap3A_190 = arith.index_cast %swap3A_188 : i32 to index
      %swap3A_191 = arith.index_cast %mul3A_186 : i32 to index
      %swap3A_192 = tpu.vector_load %arg10[%swap3A_189, %swap3A_190, %swap3A_191] {strides = array<i32>} : memref<16x2x1024xf32, #tpu.memory_space<vmem>>, vector<16xf32>,
      tpu.vector_store %arg10[%swap3A_189, %swap3A_190, %swap3A_191], %gather3A_184 {strides = array<i32>} : memref<16x2x1024xf32, #tpu.memory_space<vmem>>, vector<16xf32>,
      %mul3A_193 = arith.constant 16 : i32
      %mul3A_194 = arith.muli %add3A_174, %mul3A_193 : i32
      %get3A_195 = arith.constant 9 : i32
      %get3A_196 = arith.constant 0 : i32
      %get3A_197 = arith.index_cast %get3A_195 : i32 to index
      %get3A_198 = arith.index_cast %get3A_196 : i32 to index
      %get3A_199 = arith.index_cast %mul3A_194 : i32 to index
      %get3A_200 = tpu.vector_load %arg9[%get3A_197, %get3A_198, %get3A_199] {strides = array<i32>} : memref<16x2x1024xf32, #tpu.memory_space<vmem>>, vector<16xf32>,
      %sub3A_201 = arith.subf %gather3A_184, %get3A_200 : vector<16xf32>
      %mul3A_202 = arith.mulf %sub3A_201, %sub3A_201 : vector<16xf32>
      %add3A_203 = arith.addf %add3A_170, %mul3A_202 : vector<16xf32>
      %add3A_204 = arith.constant 1024 : i32
      %add3A_205 = vector.broadcast %add3A_204 : i32 to vector<16xi32>
      %add3A_206 = arith.addi %get3A_180, %add3A_205 : vector<16xi32>
      %gather3A_207 = tpu.vector_load_idx %arg7[%add3A_206] : memref<2048xf32, #tpu.memory_space<vmem>>[vector<16xi32>], vector<16xf32>,
      %mul3A_208 = arith.constant 16 : i32
      %mul3A_209 = arith.muli %add3A_174, %mul3A_208 : i32
      %swap3A_210 = arith.constant 9 : i32
      %swap3A_211 = arith.constant 1 : i32
      %swap3A_212 = arith.index_cast %swap3A_210 : i32 to index
      %swap3A_213 = arith.index_cast %swap3A_211 : i32 to index
      %swap3A_214 = arith.index_cast %mul3A_209 : i32 to index
      %swap3A_215 = tpu.vector_load %arg10[%swap3A_212, %swap3A_213, %swap3A_214] {strides = array<i32>} : memref<16x2x1024xf32, #tpu.memory_space<vmem>>, vector<16xf32>,
      tpu.vector_store %arg10[%swap3A_212, %swap3A_213, %swap3A_214], %gather3A_207 {strides = array<i32>} : memref<16x2x1024xf32, #tpu.memory_space<vmem>>, vector<16xf32>,
      %mul3A_216 = arith.constant 16 : i32
      %mul3A_217 = arith.muli %add3A_174, %mul3A_216 : i32
      %get3A_218 = arith.constant 9 : i32
      %get3A_219 = arith.constant 1 : i32
      %get3A_220 = arith.index_cast %get3A_218 : i32 to index
      %get3A_221 = arith.index_cast %get3A_219 : i32 to index
      %get3A_222 = arith.index_cast %mul3A_217 : i32 to index
      %get3A_223 = tpu.vector_load %arg9[%get3A_220, %get3A_221, %get3A_222] {strides = array<i32>} : memref<16x2x1024xf32, #tpu.memory_space<vmem>>, vector<16xf32>,
      %sub3A_224 = arith.subf %gather3A_207, %get3A_223 : vector<16xf32>
      %mul3A_225 = arith.mulf %sub3A_224, %sub3A_224 : vector<16xf32>
      %add3A_226 = arith.addf %add3A_203, %mul3A_225 : vector<16xf32>
      %mul3A_227 = arith.constant 4 : i32
      %mul3A_228 = arith.muli %scan3A_116, %mul3A_227 : i32
      %add3A_229 = arith.constant 2 : i32
      %add3A_230 = arith.addi %mul3A_228, %add3A_229 : i32
      %mul3A_231 = arith.constant 16 : i32
      %mul3A_232 = arith.muli %add3A_230, %mul3A_231 : i32
      %add3A_233 = arith.constant 9216 : i32
      %add3A_234 = arith.addi %add3A_233, %mul3A_232 : i32
      %get3A_235 = arith.index_cast %add3A_234 : i32 to index
      %get3A_236 = tpu.vector_load %arg8[%get3A_235] {strides = array<i32>} : memref<16384xi32, #tpu.memory_space<vmem>>, vector<16xi32>,
      %add3A_237 = arith.constant 0 : i32
      %add3A_238 = vector.broadcast %add3A_237 : i32 to vector<16xi32>
      %add3A_239 = arith.addi %get3A_236, %add3A_238 : vector<16xi32>
      %gather3A_240 = tpu.vector_load_idx %arg7[%add3A_239] : memref<2048xf32, #tpu.memory_space<vmem>>[vector<16xi32>], vector<16xf32>,
      %mul3A_241 = arith.constant 16 : i32
      %mul3A_242 = arith.muli %add3A_230, %mul3A_241 : i32
      %swap3A_243 = arith.constant 9 : i32
      %swap3A_244 = arith.constant 0 : i32
      %swap3A_245 = arith.index_cast %swap3A_243 : i32 to index
      %swap3A_246 = arith.index_cast %swap3A_244 : i32 to index
      %swap3A_247 = arith.index_cast %mul3A_242 : i32 to index
      %swap3A_248 = tpu.vector_load %arg10[%swap3A_245, %swap3A_246, %swap3A_247] {strides = array<i32>} : memref<16x2x1024xf32, #tpu.memory_space<vmem>>, vector<16xf32>,
      tpu.vector_store %arg10[%swap3A_245, %swap3A_246, %swap3A_247], %gather3A_240 {strides = array<i32>} : memref<16x2x1024xf32, #tpu.memory_space<vmem>>, vector<16xf32>,
      %mul3A_249 = arith.constant 16 : i32
      %mul3A_250 = arith.muli %add3A_230, %mul3A_249 : i32
      %get3A_251 = arith.constant 9 : i32
      %get3A_252 = arith.constant 0 : i32
      %get3A_253 = arith.index_cast %get3A_251 : i32 to index
      %get3A_254 = arith.index_cast %get3A_252 : i32 to index
      %get3A_255 = arith.index_cast %mul3A_250 : i32 to index
      %get3A_256 = tpu.vector_load %arg9[%get3A_253, %get3A_254, %get3A_255] {strides = array<i32>} : memref<16x2x1024xf32, #tpu.memory_space<vmem>>, vector<16xf32>,
      %sub3A_257 = arith.subf %gather3A_240, %get3A_256 : vector<16xf32>
      %mul3A_258 = arith.mulf %sub3A_257, %sub3A_257 : vector<16xf32>
      %add3A_259 = arith.addf %add3A_226, %mul3A_258 : vector<16xf32>
      %add3A_260 = arith.constant 1024 : i32
      %add3A_261 = vector.broadcast %add3A_260 : i32 to vector<16xi32>
      %add3A_262 = arith.addi %get3A_236, %add3A_261 : vector<16xi32>
      %gather3A_263 = tpu.vector_load_idx %arg7[%add3A_262] : memref<2048xf32, #tpu.memory_space<vmem>>[vector<16xi32>], vector<16xf32>,
      %mul3A_264 = arith.constant 16 : i32
      %mul3A_265 = arith.muli %add3A_230, %mul3A_264 : i32
      %swap3A_266 = arith.constant 9 : i32
      %swap3A_267 = arith.constant 1 : i32
      %swap3A_268 = arith.index_cast %swap3A_266 : i32 to index
      %swap3A_269 = arith.index_cast %swap3A_267 : i32 to index
      %swap3A_270 = arith.index_cast %mul3A_265 : i32 to index
      %swap3A_271 = tpu.vector_load %arg10[%swap3A_268, %swap3A_269, %swap3A_270] {strides = array<i32>} : memref<16x2x1024xf32, #tpu.memory_space<vmem>>, vector<16xf32>,
      tpu.vector_store %arg10[%swap3A_268, %swap3A_269, %swap3A_270], %gather3A_263 {strides = array<i32>} : memref<16x2x1024xf32, #tpu.memory_space<vmem>>, vector<16xf32>,
      %mul3A_272 = arith.constant 16 : i32
      %mul3A_273 = arith.muli %add3A_230, %mul3A_272 : i32
      %get3A_274 = arith.constant 9 : i32
      %get3A_275 = arith.constant 1 : i32
      %get3A_276 = arith.index_cast %get3A_274 : i32 to index
      %get3A_277 = arith.index_cast %get3A_275 : i32 to index
      %get3A_278 = arith.index_cast %mul3A_273 : i32 to index
      %get3A_279 = tpu.vector_load %arg9[%get3A_276, %get3A_277, %get3A_278] {strides = array<i32>} : memref<16x2x1024xf32, #tpu.memory_space<vmem>>, vector<16xf32>,
      %sub3A_280 = arith.subf %gather3A_263, %get3A_279 : vector<16xf32>
      %mul3A_281 = arith.mulf %sub3A_280, %sub3A_280 : vector<16xf32>
      %add3A_282 = arith.addf %add3A_259, %mul3A_281 : vector<16xf32>
      %mul3A_283 = arith.constant 4 : i32
      %mul3A_284 = arith.muli %scan3A_116, %mul3A_283 : i32
      %add3A_285 = arith.constant 3 : i32
      %add3A_286 = arith.addi %mul3A_284, %add3A_285 : i32
      %mul3A_287 = arith.constant 16 : i32
      %mul3A_288 = arith.muli %add3A_286, %mul3A_287 : i32
      %add3A_289 = arith.constant 9216 : i32
      %add3A_290 = arith.addi %add3A_289, %mul3A_288 : i32
      %get3A_291 = arith.index_cast %add3A_290 : i32 to index
      %get3A_292 = tpu.vector_load %arg8[%get3A_291] {strides = array<i32>} : memref<16384xi32, #tpu.memory_space<vmem>>, vector<16xi32>,
      %add3A_293 = arith.constant 0 : i32
      %add3A_294 = vector.broadcast %add3A_293 : i32 to vector<16xi32>
      %add3A_295 = arith.addi %get3A_292, %add3A_294 : vector<16xi32>
      %gather3A_296 = tpu.vector_load_idx %arg7[%add3A_295] : memref<2048xf32, #tpu.memory_space<vmem>>[vector<16xi32>], vector<16xf32>,
      %mul3A_297 = arith.constant 16 : i32
      %mul3A_298 = arith.muli %add3A_286, %mul3A_297 : i32
      %swap3A_299 = arith.constant 9 : i32
      %swap3A_300 = arith.constant 0 : i32
      %swap3A_301 = arith.index_cast %swap3A_299 : i32 to index
      %swap3A_302 = arith.index_cast %swap3A_300 : i32 to index
      %swap3A_303 = arith.index_cast %mul3A_298 : i32 to index
      %swap3A_304 = tpu.vector_load %arg10[%swap3A_301, %swap3A_302, %swap3A_303] {strides = array<i32>} : memref<16x2x1024xf32, #tpu.memory_space<vmem>>, vector<16xf32>,
      tpu.vector_store %arg10[%swap3A_301, %swap3A_302, %swap3A_303], %gather3A_296 {strides = array<i32>} : memref<16x2x1024xf32, #tpu.memory_space<vmem>>, vector<16xf32>,
      %mul3A_305 = arith.constant 16 : i32
      %mul3A_306 = arith.muli %add3A_286, %mul3A_305 : i32
      %get3A_307 = arith.constant 9 : i32
      %get3A_308 = arith.constant 0 : i32
      %get3A_309 = arith.index_cast %get3A_307 : i32 to index
      %get3A_310 = arith.index_cast %get3A_308 : i32 to index
      %get3A_311 = arith.index_cast %mul3A_306 : i32 to index
      %get3A_312 = tpu.vector_load %arg9[%get3A_309, %get3A_310, %get3A_311] {strides = array<i32>} : memref<16x2x1024xf32, #tpu.memory_space<vmem>>, vector<16xf32>,
      %sub3A_313 = arith.subf %gather3A_296, %get3A_312 : vector<16xf32>
      %mul3A_314 = arith.mulf %sub3A_313, %sub3A_313 : vector<16xf32>
      %add3A_315 = arith.addf %add3A_282, %mul3A_314 : vector<16xf32>
      %add3A_316 = arith.constant 1024 : i32
      %add3A_317 = vector.broadcast %add3A_316 : i32 to vector<16xi32>
      %add3A_318 = arith.addi %get3A_292, %add3A_317 : vector<16xi32>
      %gather3A_319 = tpu.vector_load_idx %arg7[%add3A_318] : memref<2048xf32, #tpu.memory_space<vmem>>[vector<16xi32>], vector<16xf32>,
      %mul3A_320 = arith.constant 16 : i32
      %mul3A_321 = arith.muli %add3A_286, %mul3A_320 : i32
      %swap3A_322 = arith.constant 9 : i32
      %swap3A_323 = arith.constant 1 : i32
      %swap3A_324 = arith.index_cast %swap3A_322 : i32 to index
      %swap3A_325 = arith.index_cast %swap3A_323 : i32 to index
      %swap3A_326 = arith.index_cast %mul3A_321 : i32 to index
      %swap3A_327 = tpu.vector_load %arg10[%swap3A_324, %swap3A_325, %swap3A_326] {strides = array<i32>} : memref<16x2x1024xf32, #tpu.memory_space<vmem>>, vector<16xf32>,
      tpu.vector_store %arg10[%swap3A_324, %swap3A_325, %swap3A_326], %gather3A_319 {strides = array<i32>} : memref<16x2x1024xf32, #tpu.memory_space<vmem>>, vector<16xf32>,
      %mul3A_328 = arith.constant 16 : i32
      %mul3A_329 = arith.muli %add3A_286, %mul3A_328 : i32
      %get3A_330 = arith.constant 9 : i32
      %get3A_331 = arith.constant 1 : i32
      %get3A_332 = arith.index_cast %get3A_330 : i32 to index
      %get3A_333 = arith.index_cast %get3A_331 : i32 to index
      %get3A_334 = arith.index_cast %mul3A_329 : i32 to index
      %get3A_335 = tpu.vector_load %arg9[%get3A_332, %get3A_333, %get3A_334] {strides = array<i32>} : memref<16x2x1024xf32, #tpu.memory_space<vmem>>, vector<16xf32>,
      %sub3A_336 = arith.subf %gather3A_319, %get3A_335 : vector<16xf32>
      %mul3A_337 = arith.mulf %sub3A_336, %sub3A_336 : vector<16xf32>
      %add3A_338 = arith.addf %add3A_315, %mul3A_337 : vector<16xf32>
      scf.yield %add3A_338 : vector<16xf32>
    }
    %scan3A_78 = arith.constant 16 : i32
    %scan3A_79 = arith.constant 0 : i32
    %scan3A_80 = arith.constant 16 : i32
    %scan3A_81 = arith.addi %scan3A_79, %scan3A_80 : i32
    %scan3A_82 = arith.constant 1 : i32
    %scan3A_83 = scf.for %scan3A_116 = %scan3A_79 to %scan3A_81 step %scan3A_82 iter_args(%scan3A_117 = %scan3A_77) -> (vector<16xf32>)  : i32 {
      %mul3A_118 = arith.constant 4 : i32
      %mul3A_119 = arith.muli %scan3A_116, %mul3A_118 : i32
      %add3A_120 = arith.constant 0 : i32
      %add3A_121 = arith.addi %mul3A_119, %add3A_120 : i32
      %mul3A_122 = arith.constant 16 : i32
      %mul3A_123 = arith.muli %add3A_121, %mul3A_122 : i32
      %add3A_124 = arith.constant 10240 : i32
      %add3A_125 = arith.addi %add3A_124, %mul3A_123 : i32
      %get3A = arith.index_cast %add3A_125 : i32 to index
      %get3A_126 = tpu.vector_load %arg8[%get3A] {strides = array<i32>} : memref<16384xi32, #tpu.memory_space<vmem>>, vector<16xi32>,
      %add3A_127 = arith.constant 0 : i32
      %add3A_128 = vector.broadcast %add3A_127 : i32 to vector<16xi32>
      %add3A_129 = arith.addi %get3A_126, %add3A_128 : vector<16xi32>
      %gather3A = tpu.vector_load_idx %arg7[%add3A_129] : memref<2048xf32, #tpu.memory_space<vmem>>[vector<16xi32>], vector<16xf32>,
      %mul3A_130 = arith.constant 16 : i32
      %mul3A_131 = arith.muli %add3A_121, %mul3A_130 : i32
      %swap3A_132 = arith.constant 10 : i32
      %swap3A_133 = arith.constant 0 : i32
      %swap3A_134 = arith.index_cast %swap3A_132 : i32 to index
      %swap3A_135 = arith.index_cast %swap3A_133 : i32 to index
      %swap3A_136 = arith.index_cast %mul3A_131 : i32 to index
      %swap3A_137 = tpu.vector_load %arg10[%swap3A_134, %swap3A_135, %swap3A_136] {strides = array<i32>} : memref<16x2x1024xf32, #tpu.memory_space<vmem>>, vector<16xf32>,
      tpu.vector_store %arg10[%swap3A_134, %swap3A_135, %swap3A_136], %gather3A {strides = array<i32>} : memref<16x2x1024xf32, #tpu.memory_space<vmem>>, vector<16xf32>,
      %mul3A_138 = arith.constant 16 : i32
      %mul3A_139 = arith.muli %add3A_121, %mul3A_138 : i32
      %get3A_140 = arith.constant 10 : i32
      %get3A_141 = arith.constant 0 : i32
      %get3A_142 = arith.index_cast %get3A_140 : i32 to index
      %get3A_143 = arith.index_cast %get3A_141 : i32 to index
      %get3A_144 = arith.index_cast %mul3A_139 : i32 to index
      %get3A_145 = tpu.vector_load %arg9[%get3A_142, %get3A_143, %get3A_144] {strides = array<i32>} : memref<16x2x1024xf32, #tpu.memory_space<vmem>>, vector<16xf32>,
      %sub3A = arith.subf %gather3A, %get3A_145 : vector<16xf32>
      %mul3A_146 = arith.mulf %sub3A, %sub3A : vector<16xf32>
      %add3A_147 = arith.addf %scan3A_117, %mul3A_146 : vector<16xf32>
      %add3A_148 = arith.constant 1024 : i32
      %add3A_149 = vector.broadcast %add3A_148 : i32 to vector<16xi32>
      %add3A_150 = arith.addi %get3A_126, %add3A_149 : vector<16xi32>
      %gather3A_151 = tpu.vector_load_idx %arg7[%add3A_150] : memref<2048xf32, #tpu.memory_space<vmem>>[vector<16xi32>], vector<16xf32>,
      %mul3A_152 = arith.constant 16 : i32
      %mul3A_153 = arith.muli %add3A_121, %mul3A_152 : i32
      %swap3A_154 = arith.constant 10 : i32
      %swap3A_155 = arith.constant 1 : i32
      %swap3A_156 = arith.index_cast %swap3A_154 : i32 to index
      %swap3A_157 = arith.index_cast %swap3A_155 : i32 to index
      %swap3A_158 = arith.index_cast %mul3A_153 : i32 to index
      %swap3A_159 = tpu.vector_load %arg10[%swap3A_156, %swap3A_157, %swap3A_158] {strides = array<i32>} : memref<16x2x1024xf32, #tpu.memory_space<vmem>>, vector<16xf32>,
      tpu.vector_store %arg10[%swap3A_156, %swap3A_157, %swap3A_158], %gather3A_151 {strides = array<i32>} : memref<16x2x1024xf32, #tpu.memory_space<vmem>>, vector<16xf32>,
      %mul3A_160 = arith.constant 16 : i32
      %mul3A_161 = arith.muli %add3A_121, %mul3A_160 : i32
      %get3A_162 = arith.constant 10 : i32
      %get3A_163 = arith.constant 1 : i32
      %get3A_164 = arith.index_cast %get3A_162 : i32 to index
      %get3A_165 = arith.index_cast %get3A_163 : i32 to index
      %get3A_166 = arith.index_cast %mul3A_161 : i32 to index
      %get3A_167 = tpu.vector_load %arg9[%get3A_164, %get3A_165, %get3A_166] {strides = array<i32>} : memref<16x2x1024xf32, #tpu.memory_space<vmem>>, vector<16xf32>,
      %sub3A_168 = arith.subf %gather3A_151, %get3A_167 : vector<16xf32>
      %mul3A_169 = arith.mulf %sub3A_168, %sub3A_168 : vector<16xf32>
      %add3A_170 = arith.addf %add3A_147, %mul3A_169 : vector<16xf32>
      %mul3A_171 = arith.constant 4 : i32
      %mul3A_172 = arith.muli %scan3A_116, %mul3A_171 : i32
      %add3A_173 = arith.constant 1 : i32
      %add3A_174 = arith.addi %mul3A_172, %add3A_173 : i32
      %mul3A_175 = arith.constant 16 : i32
      %mul3A_176 = arith.muli %add3A_174, %mul3A_175 : i32
      %add3A_177 = arith.constant 10240 : i32
      %add3A_178 = arith.addi %add3A_177, %mul3A_176 : i32
      %get3A_179 = arith.index_cast %add3A_178 : i32 to index
      %get3A_180 = tpu.vector_load %arg8[%get3A_179] {strides = array<i32>} : memref<16384xi32, #tpu.memory_space<vmem>>, vector<16xi32>,
      %add3A_181 = arith.constant 0 : i32
      %add3A_182 = vector.broadcast %add3A_181 : i32 to vector<16xi32>
      %add3A_183 = arith.addi %get3A_180, %add3A_182 : vector<16xi32>
      %gather3A_184 = tpu.vector_load_idx %arg7[%add3A_183] : memref<2048xf32, #tpu.memory_space<vmem>>[vector<16xi32>], vector<16xf32>,
      %mul3A_185 = arith.constant 16 : i32
      %mul3A_186 = arith.muli %add3A_174, %mul3A_185 : i32
      %swap3A_187 = arith.constant 10 : i32
      %swap3A_188 = arith.constant 0 : i32
      %swap3A_189 = arith.index_cast %swap3A_187 : i32 to index
      %swap3A_190 = arith.index_cast %swap3A_188 : i32 to index
      %swap3A_191 = arith.index_cast %mul3A_186 : i32 to index
      %swap3A_192 = tpu.vector_load %arg10[%swap3A_189, %swap3A_190, %swap3A_191] {strides = array<i32>} : memref<16x2x1024xf32, #tpu.memory_space<vmem>>, vector<16xf32>,
      tpu.vector_store %arg10[%swap3A_189, %swap3A_190, %swap3A_191], %gather3A_184 {strides = array<i32>} : memref<16x2x1024xf32, #tpu.memory_space<vmem>>, vector<16xf32>,
      %mul3A_193 = arith.constant 16 : i32
      %mul3A_194 = arith.muli %add3A_174, %mul3A_193 : i32
      %get3A_195 = arith.constant 10 : i32
      %get3A_196 = arith.constant 0 : i32
      %get3A_197 = arith.index_cast %get3A_195 : i32 to index
      %get3A_198 = arith.index_cast %get3A_196 : i32 to index
      %get3A_199 = arith.index_cast %mul3A_194 : i32 to index
      %get3A_200 = tpu.vector_load %arg9[%get3A_197, %get3A_198, %get3A_199] {strides = array<i32>} : memref<16x2x1024xf32, #tpu.memory_space<vmem>>, vector<16xf32>,
      %sub3A_201 = arith.subf %gather3A_184, %get3A_200 : vector<16xf32>
      %mul3A_202 = arith.mulf %sub3A_201, %sub3A_201 : vector<16xf32>
      %add3A_203 = arith.addf %add3A_170, %mul3A_202 : vector<16xf32>
      %add3A_204 = arith.constant 1024 : i32
      %add3A_205 = vector.broadcast %add3A_204 : i32 to vector<16xi32>
      %add3A_206 = arith.addi %get3A_180, %add3A_205 : vector<16xi32>
      %gather3A_207 = tpu.vector_load_idx %arg7[%add3A_206] : memref<2048xf32, #tpu.memory_space<vmem>>[vector<16xi32>], vector<16xf32>,
      %mul3A_208 = arith.constant 16 : i32
      %mul3A_209 = arith.muli %add3A_174, %mul3A_208 : i32
      %swap3A_210 = arith.constant 10 : i32
      %swap3A_211 = arith.constant 1 : i32
      %swap3A_212 = arith.index_cast %swap3A_210 : i32 to index
      %swap3A_213 = arith.index_cast %swap3A_211 : i32 to index
      %swap3A_214 = arith.index_cast %mul3A_209 : i32 to index
      %swap3A_215 = tpu.vector_load %arg10[%swap3A_212, %swap3A_213, %swap3A_214] {strides = array<i32>} : memref<16x2x1024xf32, #tpu.memory_space<vmem>>, vector<16xf32>,
      tpu.vector_store %arg10[%swap3A_212, %swap3A_213, %swap3A_214], %gather3A_207 {strides = array<i32>} : memref<16x2x1024xf32, #tpu.memory_space<vmem>>, vector<16xf32>,
      %mul3A_216 = arith.constant 16 : i32
      %mul3A_217 = arith.muli %add3A_174, %mul3A_216 : i32
      %get3A_218 = arith.constant 10 : i32
      %get3A_219 = arith.constant 1 : i32
      %get3A_220 = arith.index_cast %get3A_218 : i32 to index
      %get3A_221 = arith.index_cast %get3A_219 : i32 to index
      %get3A_222 = arith.index_cast %mul3A_217 : i32 to index
      %get3A_223 = tpu.vector_load %arg9[%get3A_220, %get3A_221, %get3A_222] {strides = array<i32>} : memref<16x2x1024xf32, #tpu.memory_space<vmem>>, vector<16xf32>,
      %sub3A_224 = arith.subf %gather3A_207, %get3A_223 : vector<16xf32>
      %mul3A_225 = arith.mulf %sub3A_224, %sub3A_224 : vector<16xf32>
      %add3A_226 = arith.addf %add3A_203, %mul3A_225 : vector<16xf32>
      %mul3A_227 = arith.constant 4 : i32
      %mul3A_228 = arith.muli %scan3A_116, %mul3A_227 : i32
      %add3A_229 = arith.constant 2 : i32
      %add3A_230 = arith.addi %mul3A_228, %add3A_229 : i32
      %mul3A_231 = arith.constant 16 : i32
      %mul3A_232 = arith.muli %add3A_230, %mul3A_231 : i32
      %add3A_233 = arith.constant 10240 : i32
      %add3A_234 = arith.addi %add3A_233, %mul3A_232 : i32
      %get3A_235 = arith.index_cast %add3A_234 : i32 to index
      %get3A_236 = tpu.vector_load %arg8[%get3A_235] {strides = array<i32>} : memref<16384xi32, #tpu.memory_space<vmem>>, vector<16xi32>,
      %add3A_237 = arith.constant 0 : i32
      %add3A_238 = vector.broadcast %add3A_237 : i32 to vector<16xi32>
      %add3A_239 = arith.addi %get3A_236, %add3A_238 : vector<16xi32>
      %gather3A_240 = tpu.vector_load_idx %arg7[%add3A_239] : memref<2048xf32, #tpu.memory_space<vmem>>[vector<16xi32>], vector<16xf32>,
      %mul3A_241 = arith.constant 16 : i32
      %mul3A_242 = arith.muli %add3A_230, %mul3A_241 : i32
      %swap3A_243 = arith.constant 10 : i32
      %swap3A_244 = arith.constant 0 : i32
      %swap3A_245 = arith.index_cast %swap3A_243 : i32 to index
      %swap3A_246 = arith.index_cast %swap3A_244 : i32 to index
      %swap3A_247 = arith.index_cast %mul3A_242 : i32 to index
      %swap3A_248 = tpu.vector_load %arg10[%swap3A_245, %swap3A_246, %swap3A_247] {strides = array<i32>} : memref<16x2x1024xf32, #tpu.memory_space<vmem>>, vector<16xf32>,
      tpu.vector_store %arg10[%swap3A_245, %swap3A_246, %swap3A_247], %gather3A_240 {strides = array<i32>} : memref<16x2x1024xf32, #tpu.memory_space<vmem>>, vector<16xf32>,
      %mul3A_249 = arith.constant 16 : i32
      %mul3A_250 = arith.muli %add3A_230, %mul3A_249 : i32
      %get3A_251 = arith.constant 10 : i32
      %get3A_252 = arith.constant 0 : i32
      %get3A_253 = arith.index_cast %get3A_251 : i32 to index
      %get3A_254 = arith.index_cast %get3A_252 : i32 to index
      %get3A_255 = arith.index_cast %mul3A_250 : i32 to index
      %get3A_256 = tpu.vector_load %arg9[%get3A_253, %get3A_254, %get3A_255] {strides = array<i32>} : memref<16x2x1024xf32, #tpu.memory_space<vmem>>, vector<16xf32>,
      %sub3A_257 = arith.subf %gather3A_240, %get3A_256 : vector<16xf32>
      %mul3A_258 = arith.mulf %sub3A_257, %sub3A_257 : vector<16xf32>
      %add3A_259 = arith.addf %add3A_226, %mul3A_258 : vector<16xf32>
      %add3A_260 = arith.constant 1024 : i32
      %add3A_261 = vector.broadcast %add3A_260 : i32 to vector<16xi32>
      %add3A_262 = arith.addi %get3A_236, %add3A_261 : vector<16xi32>
      %gather3A_263 = tpu.vector_load_idx %arg7[%add3A_262] : memref<2048xf32, #tpu.memory_space<vmem>>[vector<16xi32>], vector<16xf32>,
      %mul3A_264 = arith.constant 16 : i32
      %mul3A_265 = arith.muli %add3A_230, %mul3A_264 : i32
      %swap3A_266 = arith.constant 10 : i32
      %swap3A_267 = arith.constant 1 : i32
      %swap3A_268 = arith.index_cast %swap3A_266 : i32 to index
      %swap3A_269 = arith.index_cast %swap3A_267 : i32 to index
      %swap3A_270 = arith.index_cast %mul3A_265 : i32 to index
      %swap3A_271 = tpu.vector_load %arg10[%swap3A_268, %swap3A_269, %swap3A_270] {strides = array<i32>} : memref<16x2x1024xf32, #tpu.memory_space<vmem>>, vector<16xf32>,
      tpu.vector_store %arg10[%swap3A_268, %swap3A_269, %swap3A_270], %gather3A_263 {strides = array<i32>} : memref<16x2x1024xf32, #tpu.memory_space<vmem>>, vector<16xf32>,
      %mul3A_272 = arith.constant 16 : i32
      %mul3A_273 = arith.muli %add3A_230, %mul3A_272 : i32
      %get3A_274 = arith.constant 10 : i32
      %get3A_275 = arith.constant 1 : i32
      %get3A_276 = arith.index_cast %get3A_274 : i32 to index
      %get3A_277 = arith.index_cast %get3A_275 : i32 to index
      %get3A_278 = arith.index_cast %mul3A_273 : i32 to index
      %get3A_279 = tpu.vector_load %arg9[%get3A_276, %get3A_277, %get3A_278] {strides = array<i32>} : memref<16x2x1024xf32, #tpu.memory_space<vmem>>, vector<16xf32>,
      %sub3A_280 = arith.subf %gather3A_263, %get3A_279 : vector<16xf32>
      %mul3A_281 = arith.mulf %sub3A_280, %sub3A_280 : vector<16xf32>
      %add3A_282 = arith.addf %add3A_259, %mul3A_281 : vector<16xf32>
      %mul3A_283 = arith.constant 4 : i32
      %mul3A_284 = arith.muli %scan3A_116, %mul3A_283 : i32
      %add3A_285 = arith.constant 3 : i32
      %add3A_286 = arith.addi %mul3A_284, %add3A_285 : i32
      %mul3A_287 = arith.constant 16 : i32
      %mul3A_288 = arith.muli %add3A_286, %mul3A_287 : i32
      %add3A_289 = arith.constant 10240 : i32
      %add3A_290 = arith.addi %add3A_289, %mul3A_288 : i32
      %get3A_291 = arith.index_cast %add3A_290 : i32 to index
      %get3A_292 = tpu.vector_load %arg8[%get3A_291] {strides = array<i32>} : memref<16384xi32, #tpu.memory_space<vmem>>, vector<16xi32>,
      %add3A_293 = arith.constant 0 : i32
      %add3A_294 = vector.broadcast %add3A_293 : i32 to vector<16xi32>
      %add3A_295 = arith.addi %get3A_292, %add3A_294 : vector<16xi32>
      %gather3A_296 = tpu.vector_load_idx %arg7[%add3A_295] : memref<2048xf32, #tpu.memory_space<vmem>>[vector<16xi32>], vector<16xf32>,
      %mul3A_297 = arith.constant 16 : i32
      %mul3A_298 = arith.muli %add3A_286, %mul3A_297 : i32
      %swap3A_299 = arith.constant 10 : i32
      %swap3A_300 = arith.constant 0 : i32
      %swap3A_301 = arith.index_cast %swap3A_299 : i32 to index
      %swap3A_302 = arith.index_cast %swap3A_300 : i32 to index
      %swap3A_303 = arith.index_cast %mul3A_298 : i32 to index
      %swap3A_304 = tpu.vector_load %arg10[%swap3A_301, %swap3A_302, %swap3A_303] {strides = array<i32>} : memref<16x2x1024xf32, #tpu.memory_space<vmem>>, vector<16xf32>,
      tpu.vector_store %arg10[%swap3A_301, %swap3A_302, %swap3A_303], %gather3A_296 {strides = array<i32>} : memref<16x2x1024xf32, #tpu.memory_space<vmem>>, vector<16xf32>,
      %mul3A_305 = arith.constant 16 : i32
      %mul3A_306 = arith.muli %add3A_286, %mul3A_305 : i32
      %get3A_307 = arith.constant 10 : i32
      %get3A_308 = arith.constant 0 : i32
      %get3A_309 = arith.index_cast %get3A_307 : i32 to index
      %get3A_310 = arith.index_cast %get3A_308 : i32 to index
      %get3A_311 = arith.index_cast %mul3A_306 : i32 to index
      %get3A_312 = tpu.vector_load %arg9[%get3A_309, %get3A_310, %get3A_311] {strides = array<i32>} : memref<16x2x1024xf32, #tpu.memory_space<vmem>>, vector<16xf32>,
      %sub3A_313 = arith.subf %gather3A_296, %get3A_312 : vector<16xf32>
      %mul3A_314 = arith.mulf %sub3A_313, %sub3A_313 : vector<16xf32>
      %add3A_315 = arith.addf %add3A_282, %mul3A_314 : vector<16xf32>
      %add3A_316 = arith.constant 1024 : i32
      %add3A_317 = vector.broadcast %add3A_316 : i32 to vector<16xi32>
      %add3A_318 = arith.addi %get3A_292, %add3A_317 : vector<16xi32>
      %gather3A_319 = tpu.vector_load_idx %arg7[%add3A_318] : memref<2048xf32, #tpu.memory_space<vmem>>[vector<16xi32>], vector<16xf32>,
      %mul3A_320 = arith.constant 16 : i32
      %mul3A_321 = arith.muli %add3A_286, %mul3A_320 : i32
      %swap3A_322 = arith.constant 10 : i32
      %swap3A_323 = arith.constant 1 : i32
      %swap3A_324 = arith.index_cast %swap3A_322 : i32 to index
      %swap3A_325 = arith.index_cast %swap3A_323 : i32 to index
      %swap3A_326 = arith.index_cast %mul3A_321 : i32 to index
      %swap3A_327 = tpu.vector_load %arg10[%swap3A_324, %swap3A_325, %swap3A_326] {strides = array<i32>} : memref<16x2x1024xf32, #tpu.memory_space<vmem>>, vector<16xf32>,
      tpu.vector_store %arg10[%swap3A_324, %swap3A_325, %swap3A_326], %gather3A_319 {strides = array<i32>} : memref<16x2x1024xf32, #tpu.memory_space<vmem>>, vector<16xf32>,
      %mul3A_328 = arith.constant 16 : i32
      %mul3A_329 = arith.muli %add3A_286, %mul3A_328 : i32
      %get3A_330 = arith.constant 10 : i32
      %get3A_331 = arith.constant 1 : i32
      %get3A_332 = arith.index_cast %get3A_330 : i32 to index
      %get3A_333 = arith.index_cast %get3A_331 : i32 to index
      %get3A_334 = arith.index_cast %mul3A_329 : i32 to index
      %get3A_335 = tpu.vector_load %arg9[%get3A_332, %get3A_333, %get3A_334] {strides = array<i32>} : memref<16x2x1024xf32, #tpu.memory_space<vmem>>, vector<16xf32>,
      %sub3A_336 = arith.subf %gather3A_319, %get3A_335 : vector<16xf32>
      %mul3A_337 = arith.mulf %sub3A_336, %sub3A_336 : vector<16xf32>
      %add3A_338 = arith.addf %add3A_315, %mul3A_337 : vector<16xf32>
      scf.yield %add3A_338 : vector<16xf32>
    }
    %scan3A_84 = arith.constant 16 : i32
    %scan3A_85 = arith.constant 0 : i32
    %scan3A_86 = arith.constant 16 : i32
    %scan3A_87 = arith.addi %scan3A_85, %scan3A_86 : i32
    %scan3A_88 = arith.constant 1 : i32
    %scan3A_89 = scf.for %scan3A_116 = %scan3A_85 to %scan3A_87 step %scan3A_88 iter_args(%scan3A_117 = %scan3A_83) -> (vector<16xf32>)  : i32 {
      %mul3A_118 = arith.constant 4 : i32
      %mul3A_119 = arith.muli %scan3A_116, %mul3A_118 : i32
      %add3A_120 = arith.constant 0 : i32
      %add3A_121 = arith.addi %mul3A_119, %add3A_120 : i32
      %mul3A_122 = arith.constant 16 : i32
      %mul3A_123 = arith.muli %add3A_121, %mul3A_122 : i32
      %add3A_124 = arith.constant 11264 : i32
      %add3A_125 = arith.addi %add3A_124, %mul3A_123 : i32
      %get3A = arith.index_cast %add3A_125 : i32 to index
      %get3A_126 = tpu.vector_load %arg8[%get3A] {strides = array<i32>} : memref<16384xi32, #tpu.memory_space<vmem>>, vector<16xi32>,
      %add3A_127 = arith.constant 0 : i32
      %add3A_128 = vector.broadcast %add3A_127 : i32 to vector<16xi32>
      %add3A_129 = arith.addi %get3A_126, %add3A_128 : vector<16xi32>
      %gather3A = tpu.vector_load_idx %arg7[%add3A_129] : memref<2048xf32, #tpu.memory_space<vmem>>[vector<16xi32>], vector<16xf32>,
      %mul3A_130 = arith.constant 16 : i32
      %mul3A_131 = arith.muli %add3A_121, %mul3A_130 : i32
      %swap3A_132 = arith.constant 11 : i32
      %swap3A_133 = arith.constant 0 : i32
      %swap3A_134 = arith.index_cast %swap3A_132 : i32 to index
      %swap3A_135 = arith.index_cast %swap3A_133 : i32 to index
      %swap3A_136 = arith.index_cast %mul3A_131 : i32 to index
      %swap3A_137 = tpu.vector_load %arg10[%swap3A_134, %swap3A_135, %swap3A_136] {strides = array<i32>} : memref<16x2x1024xf32, #tpu.memory_space<vmem>>, vector<16xf32>,
      tpu.vector_store %arg10[%swap3A_134, %swap3A_135, %swap3A_136], %gather3A {strides = array<i32>} : memref<16x2x1024xf32, #tpu.memory_space<vmem>>, vector<16xf32>,
      %mul3A_138 = arith.constant 16 : i32
      %mul3A_139 = arith.muli %add3A_121, %mul3A_138 : i32
      %get3A_140 = arith.constant 11 : i32
      %get3A_141 = arith.constant 0 : i32
      %get3A_142 = arith.index_cast %get3A_140 : i32 to index
      %get3A_143 = arith.index_cast %get3A_141 : i32 to index
      %get3A_144 = arith.index_cast %mul3A_139 : i32 to index
      %get3A_145 = tpu.vector_load %arg9[%get3A_142, %get3A_143, %get3A_144] {strides = array<i32>} : memref<16x2x1024xf32, #tpu.memory_space<vmem>>, vector<16xf32>,
      %sub3A = arith.subf %gather3A, %get3A_145 : vector<16xf32>
      %mul3A_146 = arith.mulf %sub3A, %sub3A : vector<16xf32>
      %add3A_147 = arith.addf %scan3A_117, %mul3A_146 : vector<16xf32>
      %add3A_148 = arith.constant 1024 : i32
      %add3A_149 = vector.broadcast %add3A_148 : i32 to vector<16xi32>
      %add3A_150 = arith.addi %get3A_126, %add3A_149 : vector<16xi32>
      %gather3A_151 = tpu.vector_load_idx %arg7[%add3A_150] : memref<2048xf32, #tpu.memory_space<vmem>>[vector<16xi32>], vector<16xf32>,
      %mul3A_152 = arith.constant 16 : i32
      %mul3A_153 = arith.muli %add3A_121, %mul3A_152 : i32
      %swap3A_154 = arith.constant 11 : i32
      %swap3A_155 = arith.constant 1 : i32
      %swap3A_156 = arith.index_cast %swap3A_154 : i32 to index
      %swap3A_157 = arith.index_cast %swap3A_155 : i32 to index
      %swap3A_158 = arith.index_cast %mul3A_153 : i32 to index
      %swap3A_159 = tpu.vector_load %arg10[%swap3A_156, %swap3A_157, %swap3A_158] {strides = array<i32>} : memref<16x2x1024xf32, #tpu.memory_space<vmem>>, vector<16xf32>,
      tpu.vector_store %arg10[%swap3A_156, %swap3A_157, %swap3A_158], %gather3A_151 {strides = array<i32>} : memref<16x2x1024xf32, #tpu.memory_space<vmem>>, vector<16xf32>,
      %mul3A_160 = arith.constant 16 : i32
      %mul3A_161 = arith.muli %add3A_121, %mul3A_160 : i32
      %get3A_162 = arith.constant 11 : i32
      %get3A_163 = arith.constant 1 : i32
      %get3A_164 = arith.index_cast %get3A_162 : i32 to index
      %get3A_165 = arith.index_cast %get3A_163 : i32 to index
      %get3A_166 = arith.index_cast %mul3A_161 : i32 to index
      %get3A_167 = tpu.vector_load %arg9[%get3A_164, %get3A_165, %get3A_166] {strides = array<i32>} : memref<16x2x1024xf32, #tpu.memory_space<vmem>>, vector<16xf32>,
      %sub3A_168 = arith.subf %gather3A_151, %get3A_167 : vector<16xf32>
      %mul3A_169 = arith.mulf %sub3A_168, %sub3A_168 : vector<16xf32>
      %add3A_170 = arith.addf %add3A_147, %mul3A_169 : vector<16xf32>
      %mul3A_171 = arith.constant 4 : i32
      %mul3A_172 = arith.muli %scan3A_116, %mul3A_171 : i32
      %add3A_173 = arith.constant 1 : i32
      %add3A_174 = arith.addi %mul3A_172, %add3A_173 : i32
      %mul3A_175 = arith.constant 16 : i32
      %mul3A_176 = arith.muli %add3A_174, %mul3A_175 : i32
      %add3A_177 = arith.constant 11264 : i32
      %add3A_178 = arith.addi %add3A_177, %mul3A_176 : i32
      %get3A_179 = arith.index_cast %add3A_178 : i32 to index
      %get3A_180 = tpu.vector_load %arg8[%get3A_179] {strides = array<i32>} : memref<16384xi32, #tpu.memory_space<vmem>>, vector<16xi32>,
      %add3A_181 = arith.constant 0 : i32
      %add3A_182 = vector.broadcast %add3A_181 : i32 to vector<16xi32>
      %add3A_183 = arith.addi %get3A_180, %add3A_182 : vector<16xi32>
      %gather3A_184 = tpu.vector_load_idx %arg7[%add3A_183] : memref<2048xf32, #tpu.memory_space<vmem>>[vector<16xi32>], vector<16xf32>,
      %mul3A_185 = arith.constant 16 : i32
      %mul3A_186 = arith.muli %add3A_174, %mul3A_185 : i32
      %swap3A_187 = arith.constant 11 : i32
      %swap3A_188 = arith.constant 0 : i32
      %swap3A_189 = arith.index_cast %swap3A_187 : i32 to index
      %swap3A_190 = arith.index_cast %swap3A_188 : i32 to index
      %swap3A_191 = arith.index_cast %mul3A_186 : i32 to index
      %swap3A_192 = tpu.vector_load %arg10[%swap3A_189, %swap3A_190, %swap3A_191] {strides = array<i32>} : memref<16x2x1024xf32, #tpu.memory_space<vmem>>, vector<16xf32>,
      tpu.vector_store %arg10[%swap3A_189, %swap3A_190, %swap3A_191], %gather3A_184 {strides = array<i32>} : memref<16x2x1024xf32, #tpu.memory_space<vmem>>, vector<16xf32>,
      %mul3A_193 = arith.constant 16 : i32
      %mul3A_194 = arith.muli %add3A_174, %mul3A_193 : i32
      %get3A_195 = arith.constant 11 : i32
      %get3A_196 = arith.constant 0 : i32
      %get3A_197 = arith.index_cast %get3A_195 : i32 to index
      %get3A_198 = arith.index_cast %get3A_196 : i32 to index
      %get3A_199 = arith.index_cast %mul3A_194 : i32 to index
      %get3A_200 = tpu.vector_load %arg9[%get3A_197, %get3A_198, %get3A_199] {strides = array<i32>} : memref<16x2x1024xf32, #tpu.memory_space<vmem>>, vector<16xf32>,
      %sub3A_201 = arith.subf %gather3A_184, %get3A_200 : vector<16xf32>
      %mul3A_202 = arith.mulf %sub3A_201, %sub3A_201 : vector<16xf32>
      %add3A_203 = arith.addf %add3A_170, %mul3A_202 : vector<16xf32>
      %add3A_204 = arith.constant 1024 : i32
      %add3A_205 = vector.broadcast %add3A_204 : i32 to vector<16xi32>
      %add3A_206 = arith.addi %get3A_180, %add3A_205 : vector<16xi32>
      %gather3A_207 = tpu.vector_load_idx %arg7[%add3A_206] : memref<2048xf32, #tpu.memory_space<vmem>>[vector<16xi32>], vector<16xf32>,
      %mul3A_208 = arith.constant 16 : i32
      %mul3A_209 = arith.muli %add3A_174, %mul3A_208 : i32
      %swap3A_210 = arith.constant 11 : i32
      %swap3A_211 = arith.constant 1 : i32
      %swap3A_212 = arith.index_cast %swap3A_210 : i32 to index
      %swap3A_213 = arith.index_cast %swap3A_211 : i32 to index
      %swap3A_214 = arith.index_cast %mul3A_209 : i32 to index
      %swap3A_215 = tpu.vector_load %arg10[%swap3A_212, %swap3A_213, %swap3A_214] {strides = array<i32>} : memref<16x2x1024xf32, #tpu.memory_space<vmem>>, vector<16xf32>,
      tpu.vector_store %arg10[%swap3A_212, %swap3A_213, %swap3A_214], %gather3A_207 {strides = array<i32>} : memref<16x2x1024xf32, #tpu.memory_space<vmem>>, vector<16xf32>,
      %mul3A_216 = arith.constant 16 : i32
      %mul3A_217 = arith.muli %add3A_174, %mul3A_216 : i32
      %get3A_218 = arith.constant 11 : i32
      %get3A_219 = arith.constant 1 : i32
      %get3A_220 = arith.index_cast %get3A_218 : i32 to index
      %get3A_221 = arith.index_cast %get3A_219 : i32 to index
      %get3A_222 = arith.index_cast %mul3A_217 : i32 to index
      %get3A_223 = tpu.vector_load %arg9[%get3A_220, %get3A_221, %get3A_222] {strides = array<i32>} : memref<16x2x1024xf32, #tpu.memory_space<vmem>>, vector<16xf32>,
      %sub3A_224 = arith.subf %gather3A_207, %get3A_223 : vector<16xf32>
      %mul3A_225 = arith.mulf %sub3A_224, %sub3A_224 : vector<16xf32>
      %add3A_226 = arith.addf %add3A_203, %mul3A_225 : vector<16xf32>
      %mul3A_227 = arith.constant 4 : i32
      %mul3A_228 = arith.muli %scan3A_116, %mul3A_227 : i32
      %add3A_229 = arith.constant 2 : i32
      %add3A_230 = arith.addi %mul3A_228, %add3A_229 : i32
      %mul3A_231 = arith.constant 16 : i32
      %mul3A_232 = arith.muli %add3A_230, %mul3A_231 : i32
      %add3A_233 = arith.constant 11264 : i32
      %add3A_234 = arith.addi %add3A_233, %mul3A_232 : i32
      %get3A_235 = arith.index_cast %add3A_234 : i32 to index
      %get3A_236 = tpu.vector_load %arg8[%get3A_235] {strides = array<i32>} : memref<16384xi32, #tpu.memory_space<vmem>>, vector<16xi32>,
      %add3A_237 = arith.constant 0 : i32
      %add3A_238 = vector.broadcast %add3A_237 : i32 to vector<16xi32>
      %add3A_239 = arith.addi %get3A_236, %add3A_238 : vector<16xi32>
      %gather3A_240 = tpu.vector_load_idx %arg7[%add3A_239] : memref<2048xf32, #tpu.memory_space<vmem>>[vector<16xi32>], vector<16xf32>,
      %mul3A_241 = arith.constant 16 : i32
      %mul3A_242 = arith.muli %add3A_230, %mul3A_241 : i32
      %swap3A_243 = arith.constant 11 : i32
      %swap3A_244 = arith.constant 0 : i32
      %swap3A_245 = arith.index_cast %swap3A_243 : i32 to index
      %swap3A_246 = arith.index_cast %swap3A_244 : i32 to index
      %swap3A_247 = arith.index_cast %mul3A_242 : i32 to index
      %swap3A_248 = tpu.vector_load %arg10[%swap3A_245, %swap3A_246, %swap3A_247] {strides = array<i32>} : memref<16x2x1024xf32, #tpu.memory_space<vmem>>, vector<16xf32>,
      tpu.vector_store %arg10[%swap3A_245, %swap3A_246, %swap3A_247], %gather3A_240 {strides = array<i32>} : memref<16x2x1024xf32, #tpu.memory_space<vmem>>, vector<16xf32>,
      %mul3A_249 = arith.constant 16 : i32
      %mul3A_250 = arith.muli %add3A_230, %mul3A_249 : i32
      %get3A_251 = arith.constant 11 : i32
      %get3A_252 = arith.constant 0 : i32
      %get3A_253 = arith.index_cast %get3A_251 : i32 to index
      %get3A_254 = arith.index_cast %get3A_252 : i32 to index
      %get3A_255 = arith.index_cast %mul3A_250 : i32 to index
      %get3A_256 = tpu.vector_load %arg9[%get3A_253, %get3A_254, %get3A_255] {strides = array<i32>} : memref<16x2x1024xf32, #tpu.memory_space<vmem>>, vector<16xf32>,
      %sub3A_257 = arith.subf %gather3A_240, %get3A_256 : vector<16xf32>
      %mul3A_258 = arith.mulf %sub3A_257, %sub3A_257 : vector<16xf32>
      %add3A_259 = arith.addf %add3A_226, %mul3A_258 : vector<16xf32>
      %add3A_260 = arith.constant 1024 : i32
      %add3A_261 = vector.broadcast %add3A_260 : i32 to vector<16xi32>
      %add3A_262 = arith.addi %get3A_236, %add3A_261 : vector<16xi32>
      %gather3A_263 = tpu.vector_load_idx %arg7[%add3A_262] : memref<2048xf32, #tpu.memory_space<vmem>>[vector<16xi32>], vector<16xf32>,
      %mul3A_264 = arith.constant 16 : i32
      %mul3A_265 = arith.muli %add3A_230, %mul3A_264 : i32
      %swap3A_266 = arith.constant 11 : i32
      %swap3A_267 = arith.constant 1 : i32
      %swap3A_268 = arith.index_cast %swap3A_266 : i32 to index
      %swap3A_269 = arith.index_cast %swap3A_267 : i32 to index
      %swap3A_270 = arith.index_cast %mul3A_265 : i32 to index
      %swap3A_271 = tpu.vector_load %arg10[%swap3A_268, %swap3A_269, %swap3A_270] {strides = array<i32>} : memref<16x2x1024xf32, #tpu.memory_space<vmem>>, vector<16xf32>,
      tpu.vector_store %arg10[%swap3A_268, %swap3A_269, %swap3A_270], %gather3A_263 {strides = array<i32>} : memref<16x2x1024xf32, #tpu.memory_space<vmem>>, vector<16xf32>,
      %mul3A_272 = arith.constant 16 : i32
      %mul3A_273 = arith.muli %add3A_230, %mul3A_272 : i32
      %get3A_274 = arith.constant 11 : i32
      %get3A_275 = arith.constant 1 : i32
      %get3A_276 = arith.index_cast %get3A_274 : i32 to index
      %get3A_277 = arith.index_cast %get3A_275 : i32 to index
      %get3A_278 = arith.index_cast %mul3A_273 : i32 to index
      %get3A_279 = tpu.vector_load %arg9[%get3A_276, %get3A_277, %get3A_278] {strides = array<i32>} : memref<16x2x1024xf32, #tpu.memory_space<vmem>>, vector<16xf32>,
      %sub3A_280 = arith.subf %gather3A_263, %get3A_279 : vector<16xf32>
      %mul3A_281 = arith.mulf %sub3A_280, %sub3A_280 : vector<16xf32>
      %add3A_282 = arith.addf %add3A_259, %mul3A_281 : vector<16xf32>
      %mul3A_283 = arith.constant 4 : i32
      %mul3A_284 = arith.muli %scan3A_116, %mul3A_283 : i32
      %add3A_285 = arith.constant 3 : i32
      %add3A_286 = arith.addi %mul3A_284, %add3A_285 : i32
      %mul3A_287 = arith.constant 16 : i32
      %mul3A_288 = arith.muli %add3A_286, %mul3A_287 : i32
      %add3A_289 = arith.constant 11264 : i32
      %add3A_290 = arith.addi %add3A_289, %mul3A_288 : i32
      %get3A_291 = arith.index_cast %add3A_290 : i32 to index
      %get3A_292 = tpu.vector_load %arg8[%get3A_291] {strides = array<i32>} : memref<16384xi32, #tpu.memory_space<vmem>>, vector<16xi32>,
      %add3A_293 = arith.constant 0 : i32
      %add3A_294 = vector.broadcast %add3A_293 : i32 to vector<16xi32>
      %add3A_295 = arith.addi %get3A_292, %add3A_294 : vector<16xi32>
      %gather3A_296 = tpu.vector_load_idx %arg7[%add3A_295] : memref<2048xf32, #tpu.memory_space<vmem>>[vector<16xi32>], vector<16xf32>,
      %mul3A_297 = arith.constant 16 : i32
      %mul3A_298 = arith.muli %add3A_286, %mul3A_297 : i32
      %swap3A_299 = arith.constant 11 : i32
      %swap3A_300 = arith.constant 0 : i32
      %swap3A_301 = arith.index_cast %swap3A_299 : i32 to index
      %swap3A_302 = arith.index_cast %swap3A_300 : i32 to index
      %swap3A_303 = arith.index_cast %mul3A_298 : i32 to index
      %swap3A_304 = tpu.vector_load %arg10[%swap3A_301, %swap3A_302, %swap3A_303] {strides = array<i32>} : memref<16x2x1024xf32, #tpu.memory_space<vmem>>, vector<16xf32>,
      tpu.vector_store %arg10[%swap3A_301, %swap3A_302, %swap3A_303], %gather3A_296 {strides = array<i32>} : memref<16x2x1024xf32, #tpu.memory_space<vmem>>, vector<16xf32>,
      %mul3A_305 = arith.constant 16 : i32
      %mul3A_306 = arith.muli %add3A_286, %mul3A_305 : i32
      %get3A_307 = arith.constant 11 : i32
      %get3A_308 = arith.constant 0 : i32
      %get3A_309 = arith.index_cast %get3A_307 : i32 to index
      %get3A_310 = arith.index_cast %get3A_308 : i32 to index
      %get3A_311 = arith.index_cast %mul3A_306 : i32 to index
      %get3A_312 = tpu.vector_load %arg9[%get3A_309, %get3A_310, %get3A_311] {strides = array<i32>} : memref<16x2x1024xf32, #tpu.memory_space<vmem>>, vector<16xf32>,
      %sub3A_313 = arith.subf %gather3A_296, %get3A_312 : vector<16xf32>
      %mul3A_314 = arith.mulf %sub3A_313, %sub3A_313 : vector<16xf32>
      %add3A_315 = arith.addf %add3A_282, %mul3A_314 : vector<16xf32>
      %add3A_316 = arith.constant 1024 : i32
      %add3A_317 = vector.broadcast %add3A_316 : i32 to vector<16xi32>
      %add3A_318 = arith.addi %get3A_292, %add3A_317 : vector<16xi32>
      %gather3A_319 = tpu.vector_load_idx %arg7[%add3A_318] : memref<2048xf32, #tpu.memory_space<vmem>>[vector<16xi32>], vector<16xf32>,
      %mul3A_320 = arith.constant 16 : i32
      %mul3A_321 = arith.muli %add3A_286, %mul3A_320 : i32
      %swap3A_322 = arith.constant 11 : i32
      %swap3A_323 = arith.constant 1 : i32
      %swap3A_324 = arith.index_cast %swap3A_322 : i32 to index
      %swap3A_325 = arith.index_cast %swap3A_323 : i32 to index
      %swap3A_326 = arith.index_cast %mul3A_321 : i32 to index
      %swap3A_327 = tpu.vector_load %arg10[%swap3A_324, %swap3A_325, %swap3A_326] {strides = array<i32>} : memref<16x2x1024xf32, #tpu.memory_space<vmem>>, vector<16xf32>,
      tpu.vector_store %arg10[%swap3A_324, %swap3A_325, %swap3A_326], %gather3A_319 {strides = array<i32>} : memref<16x2x1024xf32, #tpu.memory_space<vmem>>, vector<16xf32>,
      %mul3A_328 = arith.constant 16 : i32
      %mul3A_329 = arith.muli %add3A_286, %mul3A_328 : i32
      %get3A_330 = arith.constant 11 : i32
      %get3A_331 = arith.constant 1 : i32
      %get3A_332 = arith.index_cast %get3A_330 : i32 to index
      %get3A_333 = arith.index_cast %get3A_331 : i32 to index
      %get3A_334 = arith.index_cast %mul3A_329 : i32 to index
      %get3A_335 = tpu.vector_load %arg9[%get3A_332, %get3A_333, %get3A_334] {strides = array<i32>} : memref<16x2x1024xf32, #tpu.memory_space<vmem>>, vector<16xf32>,
      %sub3A_336 = arith.subf %gather3A_319, %get3A_335 : vector<16xf32>
      %mul3A_337 = arith.mulf %sub3A_336, %sub3A_336 : vector<16xf32>
      %add3A_338 = arith.addf %add3A_315, %mul3A_337 : vector<16xf32>
      scf.yield %add3A_338 : vector<16xf32>
    }
    %scan3A_90 = arith.constant 16 : i32
    %scan3A_91 = arith.constant 0 : i32
    %scan3A_92 = arith.constant 16 : i32
    %scan3A_93 = arith.addi %scan3A_91, %scan3A_92 : i32
    %scan3A_94 = arith.constant 1 : i32
    %scan3A_95 = scf.for %scan3A_116 = %scan3A_91 to %scan3A_93 step %scan3A_94 iter_args(%scan3A_117 = %scan3A_89) -> (vector<16xf32>)  : i32 {
      %mul3A_118 = arith.constant 4 : i32
      %mul3A_119 = arith.muli %scan3A_116, %mul3A_118 : i32
      %add3A_120 = arith.constant 0 : i32
      %add3A_121 = arith.addi %mul3A_119, %add3A_120 : i32
      %mul3A_122 = arith.constant 16 : i32
      %mul3A_123 = arith.muli %add3A_121, %mul3A_122 : i32
      %add3A_124 = arith.constant 12288 : i32
      %add3A_125 = arith.addi %add3A_124, %mul3A_123 : i32
      %get3A = arith.index_cast %add3A_125 : i32 to index
      %get3A_126 = tpu.vector_load %arg8[%get3A] {strides = array<i32>} : memref<16384xi32, #tpu.memory_space<vmem>>, vector<16xi32>,
      %add3A_127 = arith.constant 0 : i32
      %add3A_128 = vector.broadcast %add3A_127 : i32 to vector<16xi32>
      %add3A_129 = arith.addi %get3A_126, %add3A_128 : vector<16xi32>
      %gather3A = tpu.vector_load_idx %arg7[%add3A_129] : memref<2048xf32, #tpu.memory_space<vmem>>[vector<16xi32>], vector<16xf32>,
      %mul3A_130 = arith.constant 16 : i32
      %mul3A_131 = arith.muli %add3A_121, %mul3A_130 : i32
      %swap3A_132 = arith.constant 12 : i32
      %swap3A_133 = arith.constant 0 : i32
      %swap3A_134 = arith.index_cast %swap3A_132 : i32 to index
      %swap3A_135 = arith.index_cast %swap3A_133 : i32 to index
      %swap3A_136 = arith.index_cast %mul3A_131 : i32 to index
      %swap3A_137 = tpu.vector_load %arg10[%swap3A_134, %swap3A_135, %swap3A_136] {strides = array<i32>} : memref<16x2x1024xf32, #tpu.memory_space<vmem>>, vector<16xf32>,
      tpu.vector_store %arg10[%swap3A_134, %swap3A_135, %swap3A_136], %gather3A {strides = array<i32>} : memref<16x2x1024xf32, #tpu.memory_space<vmem>>, vector<16xf32>,
      %mul3A_138 = arith.constant 16 : i32
      %mul3A_139 = arith.muli %add3A_121, %mul3A_138 : i32
      %get3A_140 = arith.constant 12 : i32
      %get3A_141 = arith.constant 0 : i32
      %get3A_142 = arith.index_cast %get3A_140 : i32 to index
      %get3A_143 = arith.index_cast %get3A_141 : i32 to index
      %get3A_144 = arith.index_cast %mul3A_139 : i32 to index
      %get3A_145 = tpu.vector_load %arg9[%get3A_142, %get3A_143, %get3A_144] {strides = array<i32>} : memref<16x2x1024xf32, #tpu.memory_space<vmem>>, vector<16xf32>,
      %sub3A = arith.subf %gather3A, %get3A_145 : vector<16xf32>
      %mul3A_146 = arith.mulf %sub3A, %sub3A : vector<16xf32>
      %add3A_147 = arith.addf %scan3A_117, %mul3A_146 : vector<16xf32>
      %add3A_148 = arith.constant 1024 : i32
      %add3A_149 = vector.broadcast %add3A_148 : i32 to vector<16xi32>
      %add3A_150 = arith.addi %get3A_126, %add3A_149 : vector<16xi32>
      %gather3A_151 = tpu.vector_load_idx %arg7[%add3A_150] : memref<2048xf32, #tpu.memory_space<vmem>>[vector<16xi32>], vector<16xf32>,
      %mul3A_152 = arith.constant 16 : i32
      %mul3A_153 = arith.muli %add3A_121, %mul3A_152 : i32
      %swap3A_154 = arith.constant 12 : i32
      %swap3A_155 = arith.constant 1 : i32
      %swap3A_156 = arith.index_cast %swap3A_154 : i32 to index
      %swap3A_157 = arith.index_cast %swap3A_155 : i32 to index
      %swap3A_158 = arith.index_cast %mul3A_153 : i32 to index
      %swap3A_159 = tpu.vector_load %arg10[%swap3A_156, %swap3A_157, %swap3A_158] {strides = array<i32>} : memref<16x2x1024xf32, #tpu.memory_space<vmem>>, vector<16xf32>,
      tpu.vector_store %arg10[%swap3A_156, %swap3A_157, %swap3A_158], %gather3A_151 {strides = array<i32>} : memref<16x2x1024xf32, #tpu.memory_space<vmem>>, vector<16xf32>,
      %mul3A_160 = arith.constant 16 : i32
      %mul3A_161 = arith.muli %add3A_121, %mul3A_160 : i32
      %get3A_162 = arith.constant 12 : i32
      %get3A_163 = arith.constant 1 : i32
      %get3A_164 = arith.index_cast %get3A_162 : i32 to index
      %get3A_165 = arith.index_cast %get3A_163 : i32 to index
      %get3A_166 = arith.index_cast %mul3A_161 : i32 to index
      %get3A_167 = tpu.vector_load %arg9[%get3A_164, %get3A_165, %get3A_166] {strides = array<i32>} : memref<16x2x1024xf32, #tpu.memory_space<vmem>>, vector<16xf32>,
      %sub3A_168 = arith.subf %gather3A_151, %get3A_167 : vector<16xf32>
      %mul3A_169 = arith.mulf %sub3A_168, %sub3A_168 : vector<16xf32>
      %add3A_170 = arith.addf %add3A_147, %mul3A_169 : vector<16xf32>
      %mul3A_171 = arith.constant 4 : i32
      %mul3A_172 = arith.muli %scan3A_116, %mul3A_171 : i32
      %add3A_173 = arith.constant 1 : i32
      %add3A_174 = arith.addi %mul3A_172, %add3A_173 : i32
      %mul3A_175 = arith.constant 16 : i32
      %mul3A_176 = arith.muli %add3A_174, %mul3A_175 : i32
      %add3A_177 = arith.constant 12288 : i32
      %add3A_178 = arith.addi %add3A_177, %mul3A_176 : i32
      %get3A_179 = arith.index_cast %add3A_178 : i32 to index
      %get3A_180 = tpu.vector_load %arg8[%get3A_179] {strides = array<i32>} : memref<16384xi32, #tpu.memory_space<vmem>>, vector<16xi32>,
      %add3A_181 = arith.constant 0 : i32
      %add3A_182 = vector.broadcast %add3A_181 : i32 to vector<16xi32>
      %add3A_183 = arith.addi %get3A_180, %add3A_182 : vector<16xi32>
      %gather3A_184 = tpu.vector_load_idx %arg7[%add3A_183] : memref<2048xf32, #tpu.memory_space<vmem>>[vector<16xi32>], vector<16xf32>,
      %mul3A_185 = arith.constant 16 : i32
      %mul3A_186 = arith.muli %add3A_174, %mul3A_185 : i32
      %swap3A_187 = arith.constant 12 : i32
      %swap3A_188 = arith.constant 0 : i32
      %swap3A_189 = arith.index_cast %swap3A_187 : i32 to index
      %swap3A_190 = arith.index_cast %swap3A_188 : i32 to index
      %swap3A_191 = arith.index_cast %mul3A_186 : i32 to index
      %swap3A_192 = tpu.vector_load %arg10[%swap3A_189, %swap3A_190, %swap3A_191] {strides = array<i32>} : memref<16x2x1024xf32, #tpu.memory_space<vmem>>, vector<16xf32>,
      tpu.vector_store %arg10[%swap3A_189, %swap3A_190, %swap3A_191], %gather3A_184 {strides = array<i32>} : memref<16x2x1024xf32, #tpu.memory_space<vmem>>, vector<16xf32>,
      %mul3A_193 = arith.constant 16 : i32
      %mul3A_194 = arith.muli %add3A_174, %mul3A_193 : i32
      %get3A_195 = arith.constant 12 : i32
      %get3A_196 = arith.constant 0 : i32
      %get3A_197 = arith.index_cast %get3A_195 : i32 to index
      %get3A_198 = arith.index_cast %get3A_196 : i32 to index
      %get3A_199 = arith.index_cast %mul3A_194 : i32 to index
      %get3A_200 = tpu.vector_load %arg9[%get3A_197, %get3A_198, %get3A_199] {strides = array<i32>} : memref<16x2x1024xf32, #tpu.memory_space<vmem>>, vector<16xf32>,
      %sub3A_201 = arith.subf %gather3A_184, %get3A_200 : vector<16xf32>
      %mul3A_202 = arith.mulf %sub3A_201, %sub3A_201 : vector<16xf32>
      %add3A_203 = arith.addf %add3A_170, %mul3A_202 : vector<16xf32>
      %add3A_204 = arith.constant 1024 : i32
      %add3A_205 = vector.broadcast %add3A_204 : i32 to vector<16xi32>
      %add3A_206 = arith.addi %get3A_180, %add3A_205 : vector<16xi32>
      %gather3A_207 = tpu.vector_load_idx %arg7[%add3A_206] : memref<2048xf32, #tpu.memory_space<vmem>>[vector<16xi32>], vector<16xf32>,
      %mul3A_208 = arith.constant 16 : i32
      %mul3A_209 = arith.muli %add3A_174, %mul3A_208 : i32
      %swap3A_210 = arith.constant 12 : i32
      %swap3A_211 = arith.constant 1 : i32
      %swap3A_212 = arith.index_cast %swap3A_210 : i32 to index
      %swap3A_213 = arith.index_cast %swap3A_211 : i32 to index
      %swap3A_214 = arith.index_cast %mul3A_209 : i32 to index
      %swap3A_215 = tpu.vector_load %arg10[%swap3A_212, %swap3A_213, %swap3A_214] {strides = array<i32>} : memref<16x2x1024xf32, #tpu.memory_space<vmem>>, vector<16xf32>,
      tpu.vector_store %arg10[%swap3A_212, %swap3A_213, %swap3A_214], %gather3A_207 {strides = array<i32>} : memref<16x2x1024xf32, #tpu.memory_space<vmem>>, vector<16xf32>,
      %mul3A_216 = arith.constant 16 : i32
      %mul3A_217 = arith.muli %add3A_174, %mul3A_216 : i32
      %get3A_218 = arith.constant 12 : i32
      %get3A_219 = arith.constant 1 : i32
      %get3A_220 = arith.index_cast %get3A_218 : i32 to index
      %get3A_221 = arith.index_cast %get3A_219 : i32 to index
      %get3A_222 = arith.index_cast %mul3A_217 : i32 to index
      %get3A_223 = tpu.vector_load %arg9[%get3A_220, %get3A_221, %get3A_222] {strides = array<i32>} : memref<16x2x1024xf32, #tpu.memory_space<vmem>>, vector<16xf32>,
      %sub3A_224 = arith.subf %gather3A_207, %get3A_223 : vector<16xf32>
      %mul3A_225 = arith.mulf %sub3A_224, %sub3A_224 : vector<16xf32>
      %add3A_226 = arith.addf %add3A_203, %mul3A_225 : vector<16xf32>
      %mul3A_227 = arith.constant 4 : i32
      %mul3A_228 = arith.muli %scan3A_116, %mul3A_227 : i32
      %add3A_229 = arith.constant 2 : i32
      %add3A_230 = arith.addi %mul3A_228, %add3A_229 : i32
      %mul3A_231 = arith.constant 16 : i32
      %mul3A_232 = arith.muli %add3A_230, %mul3A_231 : i32
      %add3A_233 = arith.constant 12288 : i32
      %add3A_234 = arith.addi %add3A_233, %mul3A_232 : i32
      %get3A_235 = arith.index_cast %add3A_234 : i32 to index
      %get3A_236 = tpu.vector_load %arg8[%get3A_235] {strides = array<i32>} : memref<16384xi32, #tpu.memory_space<vmem>>, vector<16xi32>,
      %add3A_237 = arith.constant 0 : i32
      %add3A_238 = vector.broadcast %add3A_237 : i32 to vector<16xi32>
      %add3A_239 = arith.addi %get3A_236, %add3A_238 : vector<16xi32>
      %gather3A_240 = tpu.vector_load_idx %arg7[%add3A_239] : memref<2048xf32, #tpu.memory_space<vmem>>[vector<16xi32>], vector<16xf32>,
      %mul3A_241 = arith.constant 16 : i32
      %mul3A_242 = arith.muli %add3A_230, %mul3A_241 : i32
      %swap3A_243 = arith.constant 12 : i32
      %swap3A_244 = arith.constant 0 : i32
      %swap3A_245 = arith.index_cast %swap3A_243 : i32 to index
      %swap3A_246 = arith.index_cast %swap3A_244 : i32 to index
      %swap3A_247 = arith.index_cast %mul3A_242 : i32 to index
      %swap3A_248 = tpu.vector_load %arg10[%swap3A_245, %swap3A_246, %swap3A_247] {strides = array<i32>} : memref<16x2x1024xf32, #tpu.memory_space<vmem>>, vector<16xf32>,
      tpu.vector_store %arg10[%swap3A_245, %swap3A_246, %swap3A_247], %gather3A_240 {strides = array<i32>} : memref<16x2x1024xf32, #tpu.memory_space<vmem>>, vector<16xf32>,
      %mul3A_249 = arith.constant 16 : i32
      %mul3A_250 = arith.muli %add3A_230, %mul3A_249 : i32
      %get3A_251 = arith.constant 12 : i32
      %get3A_252 = arith.constant 0 : i32
      %get3A_253 = arith.index_cast %get3A_251 : i32 to index
      %get3A_254 = arith.index_cast %get3A_252 : i32 to index
      %get3A_255 = arith.index_cast %mul3A_250 : i32 to index
      %get3A_256 = tpu.vector_load %arg9[%get3A_253, %get3A_254, %get3A_255] {strides = array<i32>} : memref<16x2x1024xf32, #tpu.memory_space<vmem>>, vector<16xf32>,
      %sub3A_257 = arith.subf %gather3A_240, %get3A_256 : vector<16xf32>
      %mul3A_258 = arith.mulf %sub3A_257, %sub3A_257 : vector<16xf32>
      %add3A_259 = arith.addf %add3A_226, %mul3A_258 : vector<16xf32>
      %add3A_260 = arith.constant 1024 : i32
      %add3A_261 = vector.broadcast %add3A_260 : i32 to vector<16xi32>
      %add3A_262 = arith.addi %get3A_236, %add3A_261 : vector<16xi32>
      %gather3A_263 = tpu.vector_load_idx %arg7[%add3A_262] : memref<2048xf32, #tpu.memory_space<vmem>>[vector<16xi32>], vector<16xf32>,
      %mul3A_264 = arith.constant 16 : i32
      %mul3A_265 = arith.muli %add3A_230, %mul3A_264 : i32
      %swap3A_266 = arith.constant 12 : i32
      %swap3A_267 = arith.constant 1 : i32
      %swap3A_268 = arith.index_cast %swap3A_266 : i32 to index
      %swap3A_269 = arith.index_cast %swap3A_267 : i32 to index
      %swap3A_270 = arith.index_cast %mul3A_265 : i32 to index
      %swap3A_271 = tpu.vector_load %arg10[%swap3A_268, %swap3A_269, %swap3A_270] {strides = array<i32>} : memref<16x2x1024xf32, #tpu.memory_space<vmem>>, vector<16xf32>,
      tpu.vector_store %arg10[%swap3A_268, %swap3A_269, %swap3A_270], %gather3A_263 {strides = array<i32>} : memref<16x2x1024xf32, #tpu.memory_space<vmem>>, vector<16xf32>,
      %mul3A_272 = arith.constant 16 : i32
      %mul3A_273 = arith.muli %add3A_230, %mul3A_272 : i32
      %get3A_274 = arith.constant 12 : i32
      %get3A_275 = arith.constant 1 : i32
      %get3A_276 = arith.index_cast %get3A_274 : i32 to index
      %get3A_277 = arith.index_cast %get3A_275 : i32 to index
      %get3A_278 = arith.index_cast %mul3A_273 : i32 to index
      %get3A_279 = tpu.vector_load %arg9[%get3A_276, %get3A_277, %get3A_278] {strides = array<i32>} : memref<16x2x1024xf32, #tpu.memory_space<vmem>>, vector<16xf32>,
      %sub3A_280 = arith.subf %gather3A_263, %get3A_279 : vector<16xf32>
      %mul3A_281 = arith.mulf %sub3A_280, %sub3A_280 : vector<16xf32>
      %add3A_282 = arith.addf %add3A_259, %mul3A_281 : vector<16xf32>
      %mul3A_283 = arith.constant 4 : i32
      %mul3A_284 = arith.muli %scan3A_116, %mul3A_283 : i32
      %add3A_285 = arith.constant 3 : i32
      %add3A_286 = arith.addi %mul3A_284, %add3A_285 : i32
      %mul3A_287 = arith.constant 16 : i32
      %mul3A_288 = arith.muli %add3A_286, %mul3A_287 : i32
      %add3A_289 = arith.constant 12288 : i32
      %add3A_290 = arith.addi %add3A_289, %mul3A_288 : i32
      %get3A_291 = arith.index_cast %add3A_290 : i32 to index
      %get3A_292 = tpu.vector_load %arg8[%get3A_291] {strides = array<i32>} : memref<16384xi32, #tpu.memory_space<vmem>>, vector<16xi32>,
      %add3A_293 = arith.constant 0 : i32
      %add3A_294 = vector.broadcast %add3A_293 : i32 to vector<16xi32>
      %add3A_295 = arith.addi %get3A_292, %add3A_294 : vector<16xi32>
      %gather3A_296 = tpu.vector_load_idx %arg7[%add3A_295] : memref<2048xf32, #tpu.memory_space<vmem>>[vector<16xi32>], vector<16xf32>,
      %mul3A_297 = arith.constant 16 : i32
      %mul3A_298 = arith.muli %add3A_286, %mul3A_297 : i32
      %swap3A_299 = arith.constant 12 : i32
      %swap3A_300 = arith.constant 0 : i32
      %swap3A_301 = arith.index_cast %swap3A_299 : i32 to index
      %swap3A_302 = arith.index_cast %swap3A_300 : i32 to index
      %swap3A_303 = arith.index_cast %mul3A_298 : i32 to index
      %swap3A_304 = tpu.vector_load %arg10[%swap3A_301, %swap3A_302, %swap3A_303] {strides = array<i32>} : memref<16x2x1024xf32, #tpu.memory_space<vmem>>, vector<16xf32>,
      tpu.vector_store %arg10[%swap3A_301, %swap3A_302, %swap3A_303], %gather3A_296 {strides = array<i32>} : memref<16x2x1024xf32, #tpu.memory_space<vmem>>, vector<16xf32>,
      %mul3A_305 = arith.constant 16 : i32
      %mul3A_306 = arith.muli %add3A_286, %mul3A_305 : i32
      %get3A_307 = arith.constant 12 : i32
      %get3A_308 = arith.constant 0 : i32
      %get3A_309 = arith.index_cast %get3A_307 : i32 to index
      %get3A_310 = arith.index_cast %get3A_308 : i32 to index
      %get3A_311 = arith.index_cast %mul3A_306 : i32 to index
      %get3A_312 = tpu.vector_load %arg9[%get3A_309, %get3A_310, %get3A_311] {strides = array<i32>} : memref<16x2x1024xf32, #tpu.memory_space<vmem>>, vector<16xf32>,
      %sub3A_313 = arith.subf %gather3A_296, %get3A_312 : vector<16xf32>
      %mul3A_314 = arith.mulf %sub3A_313, %sub3A_313 : vector<16xf32>
      %add3A_315 = arith.addf %add3A_282, %mul3A_314 : vector<16xf32>
      %add3A_316 = arith.constant 1024 : i32
      %add3A_317 = vector.broadcast %add3A_316 : i32 to vector<16xi32>
      %add3A_318 = arith.addi %get3A_292, %add3A_317 : vector<16xi32>
      %gather3A_319 = tpu.vector_load_idx %arg7[%add3A_318] : memref<2048xf32, #tpu.memory_space<vmem>>[vector<16xi32>], vector<16xf32>,
      %mul3A_320 = arith.constant 16 : i32
      %mul3A_321 = arith.muli %add3A_286, %mul3A_320 : i32
      %swap3A_322 = arith.constant 12 : i32
      %swap3A_323 = arith.constant 1 : i32
      %swap3A_324 = arith.index_cast %swap3A_322 : i32 to index
      %swap3A_325 = arith.index_cast %swap3A_323 : i32 to index
      %swap3A_326 = arith.index_cast %mul3A_321 : i32 to index
      %swap3A_327 = tpu.vector_load %arg10[%swap3A_324, %swap3A_325, %swap3A_326] {strides = array<i32>} : memref<16x2x1024xf32, #tpu.memory_space<vmem>>, vector<16xf32>,
      tpu.vector_store %arg10[%swap3A_324, %swap3A_325, %swap3A_326], %gather3A_319 {strides = array<i32>} : memref<16x2x1024xf32, #tpu.memory_space<vmem>>, vector<16xf32>,
      %mul3A_328 = arith.constant 16 : i32
      %mul3A_329 = arith.muli %add3A_286, %mul3A_328 : i32
      %get3A_330 = arith.constant 12 : i32
      %get3A_331 = arith.constant 1 : i32
      %get3A_332 = arith.index_cast %get3A_330 : i32 to index
      %get3A_333 = arith.index_cast %get3A_331 : i32 to index
      %get3A_334 = arith.index_cast %mul3A_329 : i32 to index
      %get3A_335 = tpu.vector_load %arg9[%get3A_332, %get3A_333, %get3A_334] {strides = array<i32>} : memref<16x2x1024xf32, #tpu.memory_space<vmem>>, vector<16xf32>,
      %sub3A_336 = arith.subf %gather3A_319, %get3A_335 : vector<16xf32>
      %mul3A_337 = arith.mulf %sub3A_336, %sub3A_336 : vector<16xf32>
      %add3A_338 = arith.addf %add3A_315, %mul3A_337 : vector<16xf32>
      scf.yield %add3A_338 : vector<16xf32>
    }
    %scan3A_96 = arith.constant 16 : i32
    %scan3A_97 = arith.constant 0 : i32
    %scan3A_98 = arith.constant 16 : i32
    %scan3A_99 = arith.addi %scan3A_97, %scan3A_98 : i32
    %scan3A_100 = arith.constant 1 : i32
    %scan3A_101 = scf.for %scan3A_116 = %scan3A_97 to %scan3A_99 step %scan3A_100 iter_args(%scan3A_117 = %scan3A_95) -> (vector<16xf32>)  : i32 {
      %mul3A_118 = arith.constant 4 : i32
      %mul3A_119 = arith.muli %scan3A_116, %mul3A_118 : i32
      %add3A_120 = arith.constant 0 : i32
      %add3A_121 = arith.addi %mul3A_119, %add3A_120 : i32
      %mul3A_122 = arith.constant 16 : i32
      %mul3A_123 = arith.muli %add3A_121, %mul3A_122 : i32
      %add3A_124 = arith.constant 13312 : i32
      %add3A_125 = arith.addi %add3A_124, %mul3A_123 : i32
      %get3A = arith.index_cast %add3A_125 : i32 to index
      %get3A_126 = tpu.vector_load %arg8[%get3A] {strides = array<i32>} : memref<16384xi32, #tpu.memory_space<vmem>>, vector<16xi32>,
      %add3A_127 = arith.constant 0 : i32
      %add3A_128 = vector.broadcast %add3A_127 : i32 to vector<16xi32>
      %add3A_129 = arith.addi %get3A_126, %add3A_128 : vector<16xi32>
      %gather3A = tpu.vector_load_idx %arg7[%add3A_129] : memref<2048xf32, #tpu.memory_space<vmem>>[vector<16xi32>], vector<16xf32>,
      %mul3A_130 = arith.constant 16 : i32
      %mul3A_131 = arith.muli %add3A_121, %mul3A_130 : i32
      %swap3A_132 = arith.constant 13 : i32
      %swap3A_133 = arith.constant 0 : i32
      %swap3A_134 = arith.index_cast %swap3A_132 : i32 to index
      %swap3A_135 = arith.index_cast %swap3A_133 : i32 to index
      %swap3A_136 = arith.index_cast %mul3A_131 : i32 to index
      %swap3A_137 = tpu.vector_load %arg10[%swap3A_134, %swap3A_135, %swap3A_136] {strides = array<i32>} : memref<16x2x1024xf32, #tpu.memory_space<vmem>>, vector<16xf32>,
      tpu.vector_store %arg10[%swap3A_134, %swap3A_135, %swap3A_136], %gather3A {strides = array<i32>} : memref<16x2x1024xf32, #tpu.memory_space<vmem>>, vector<16xf32>,
      %mul3A_138 = arith.constant 16 : i32
      %mul3A_139 = arith.muli %add3A_121, %mul3A_138 : i32
      %get3A_140 = arith.constant 13 : i32
      %get3A_141 = arith.constant 0 : i32
      %get3A_142 = arith.index_cast %get3A_140 : i32 to index
      %get3A_143 = arith.index_cast %get3A_141 : i32 to index
      %get3A_144 = arith.index_cast %mul3A_139 : i32 to index
      %get3A_145 = tpu.vector_load %arg9[%get3A_142, %get3A_143, %get3A_144] {strides = array<i32>} : memref<16x2x1024xf32, #tpu.memory_space<vmem>>, vector<16xf32>,
      %sub3A = arith.subf %gather3A, %get3A_145 : vector<16xf32>
      %mul3A_146 = arith.mulf %sub3A, %sub3A : vector<16xf32>
      %add3A_147 = arith.addf %scan3A_117, %mul3A_146 : vector<16xf32>
      %add3A_148 = arith.constant 1024 : i32
      %add3A_149 = vector.broadcast %add3A_148 : i32 to vector<16xi32>
      %add3A_150 = arith.addi %get3A_126, %add3A_149 : vector<16xi32>
      %gather3A_151 = tpu.vector_load_idx %arg7[%add3A_150] : memref<2048xf32, #tpu.memory_space<vmem>>[vector<16xi32>], vector<16xf32>,
      %mul3A_152 = arith.constant 16 : i32
      %mul3A_153 = arith.muli %add3A_121, %mul3A_152 : i32
      %swap3A_154 = arith.constant 13 : i32
      %swap3A_155 = arith.constant 1 : i32
      %swap3A_156 = arith.index_cast %swap3A_154 : i32 to index
      %swap3A_157 = arith.index_cast %swap3A_155 : i32 to index
      %swap3A_158 = arith.index_cast %mul3A_153 : i32 to index
      %swap3A_159 = tpu.vector_load %arg10[%swap3A_156, %swap3A_157, %swap3A_158] {strides = array<i32>} : memref<16x2x1024xf32, #tpu.memory_space<vmem>>, vector<16xf32>,
      tpu.vector_store %arg10[%swap3A_156, %swap3A_157, %swap3A_158], %gather3A_151 {strides = array<i32>} : memref<16x2x1024xf32, #tpu.memory_space<vmem>>, vector<16xf32>,
      %mul3A_160 = arith.constant 16 : i32
      %mul3A_161 = arith.muli %add3A_121, %mul3A_160 : i32
      %get3A_162 = arith.constant 13 : i32
      %get3A_163 = arith.constant 1 : i32
      %get3A_164 = arith.index_cast %get3A_162 : i32 to index
      %get3A_165 = arith.index_cast %get3A_163 : i32 to index
      %get3A_166 = arith.index_cast %mul3A_161 : i32 to index
      %get3A_167 = tpu.vector_load %arg9[%get3A_164, %get3A_165, %get3A_166] {strides = array<i32>} : memref<16x2x1024xf32, #tpu.memory_space<vmem>>, vector<16xf32>,
      %sub3A_168 = arith.subf %gather3A_151, %get3A_167 : vector<16xf32>
      %mul3A_169 = arith.mulf %sub3A_168, %sub3A_168 : vector<16xf32>
      %add3A_170 = arith.addf %add3A_147, %mul3A_169 : vector<16xf32>
      %mul3A_171 = arith.constant 4 : i32
      %mul3A_172 = arith.muli %scan3A_116, %mul3A_171 : i32
      %add3A_173 = arith.constant 1 : i32
      %add3A_174 = arith.addi %mul3A_172, %add3A_173 : i32
      %mul3A_175 = arith.constant 16 : i32
      %mul3A_176 = arith.muli %add3A_174, %mul3A_175 : i32
      %add3A_177 = arith.constant 13312 : i32
      %add3A_178 = arith.addi %add3A_177, %mul3A_176 : i32
      %get3A_179 = arith.index_cast %add3A_178 : i32 to index
      %get3A_180 = tpu.vector_load %arg8[%get3A_179] {strides = array<i32>} : memref<16384xi32, #tpu.memory_space<vmem>>, vector<16xi32>,
      %add3A_181 = arith.constant 0 : i32
      %add3A_182 = vector.broadcast %add3A_181 : i32 to vector<16xi32>
      %add3A_183 = arith.addi %get3A_180, %add3A_182 : vector<16xi32>
      %gather3A_184 = tpu.vector_load_idx %arg7[%add3A_183] : memref<2048xf32, #tpu.memory_space<vmem>>[vector<16xi32>], vector<16xf32>,
      %mul3A_185 = arith.constant 16 : i32
      %mul3A_186 = arith.muli %add3A_174, %mul3A_185 : i32
      %swap3A_187 = arith.constant 13 : i32
      %swap3A_188 = arith.constant 0 : i32
      %swap3A_189 = arith.index_cast %swap3A_187 : i32 to index
      %swap3A_190 = arith.index_cast %swap3A_188 : i32 to index
      %swap3A_191 = arith.index_cast %mul3A_186 : i32 to index
      %swap3A_192 = tpu.vector_load %arg10[%swap3A_189, %swap3A_190, %swap3A_191] {strides = array<i32>} : memref<16x2x1024xf32, #tpu.memory_space<vmem>>, vector<16xf32>,
      tpu.vector_store %arg10[%swap3A_189, %swap3A_190, %swap3A_191], %gather3A_184 {strides = array<i32>} : memref<16x2x1024xf32, #tpu.memory_space<vmem>>, vector<16xf32>,
      %mul3A_193 = arith.constant 16 : i32
      %mul3A_194 = arith.muli %add3A_174, %mul3A_193 : i32
      %get3A_195 = arith.constant 13 : i32
      %get3A_196 = arith.constant 0 : i32
      %get3A_197 = arith.index_cast %get3A_195 : i32 to index
      %get3A_198 = arith.index_cast %get3A_196 : i32 to index
      %get3A_199 = arith.index_cast %mul3A_194 : i32 to index
      %get3A_200 = tpu.vector_load %arg9[%get3A_197, %get3A_198, %get3A_199] {strides = array<i32>} : memref<16x2x1024xf32, #tpu.memory_space<vmem>>, vector<16xf32>,
      %sub3A_201 = arith.subf %gather3A_184, %get3A_200 : vector<16xf32>
      %mul3A_202 = arith.mulf %sub3A_201, %sub3A_201 : vector<16xf32>
      %add3A_203 = arith.addf %add3A_170, %mul3A_202 : vector<16xf32>
      %add3A_204 = arith.constant 1024 : i32
      %add3A_205 = vector.broadcast %add3A_204 : i32 to vector<16xi32>
      %add3A_206 = arith.addi %get3A_180, %add3A_205 : vector<16xi32>
      %gather3A_207 = tpu.vector_load_idx %arg7[%add3A_206] : memref<2048xf32, #tpu.memory_space<vmem>>[vector<16xi32>], vector<16xf32>,
      %mul3A_208 = arith.constant 16 : i32
      %mul3A_209 = arith.muli %add3A_174, %mul3A_208 : i32
      %swap3A_210 = arith.constant 13 : i32
      %swap3A_211 = arith.constant 1 : i32
      %swap3A_212 = arith.index_cast %swap3A_210 : i32 to index
      %swap3A_213 = arith.index_cast %swap3A_211 : i32 to index
      %swap3A_214 = arith.index_cast %mul3A_209 : i32 to index
      %swap3A_215 = tpu.vector_load %arg10[%swap3A_212, %swap3A_213, %swap3A_214] {strides = array<i32>} : memref<16x2x1024xf32, #tpu.memory_space<vmem>>, vector<16xf32>,
      tpu.vector_store %arg10[%swap3A_212, %swap3A_213, %swap3A_214], %gather3A_207 {strides = array<i32>} : memref<16x2x1024xf32, #tpu.memory_space<vmem>>, vector<16xf32>,
      %mul3A_216 = arith.constant 16 : i32
      %mul3A_217 = arith.muli %add3A_174, %mul3A_216 : i32
      %get3A_218 = arith.constant 13 : i32
      %get3A_219 = arith.constant 1 : i32
      %get3A_220 = arith.index_cast %get3A_218 : i32 to index
      %get3A_221 = arith.index_cast %get3A_219 : i32 to index
      %get3A_222 = arith.index_cast %mul3A_217 : i32 to index
      %get3A_223 = tpu.vector_load %arg9[%get3A_220, %get3A_221, %get3A_222] {strides = array<i32>} : memref<16x2x1024xf32, #tpu.memory_space<vmem>>, vector<16xf32>,
      %sub3A_224 = arith.subf %gather3A_207, %get3A_223 : vector<16xf32>
      %mul3A_225 = arith.mulf %sub3A_224, %sub3A_224 : vector<16xf32>
      %add3A_226 = arith.addf %add3A_203, %mul3A_225 : vector<16xf32>
      %mul3A_227 = arith.constant 4 : i32
      %mul3A_228 = arith.muli %scan3A_116, %mul3A_227 : i32
      %add3A_229 = arith.constant 2 : i32
      %add3A_230 = arith.addi %mul3A_228, %add3A_229 : i32
      %mul3A_231 = arith.constant 16 : i32
      %mul3A_232 = arith.muli %add3A_230, %mul3A_231 : i32
      %add3A_233 = arith.constant 13312 : i32
      %add3A_234 = arith.addi %add3A_233, %mul3A_232 : i32
      %get3A_235 = arith.index_cast %add3A_234 : i32 to index
      %get3A_236 = tpu.vector_load %arg8[%get3A_235] {strides = array<i32>} : memref<16384xi32, #tpu.memory_space<vmem>>, vector<16xi32>,
      %add3A_237 = arith.constant 0 : i32
      %add3A_238 = vector.broadcast %add3A_237 : i32 to vector<16xi32>
      %add3A_239 = arith.addi %get3A_236, %add3A_238 : vector<16xi32>
      %gather3A_240 = tpu.vector_load_idx %arg7[%add3A_239] : memref<2048xf32, #tpu.memory_space<vmem>>[vector<16xi32>], vector<16xf32>,
      %mul3A_241 = arith.constant 16 : i32
      %mul3A_242 = arith.muli %add3A_230, %mul3A_241 : i32
      %swap3A_243 = arith.constant 13 : i32
      %swap3A_244 = arith.constant 0 : i32
      %swap3A_245 = arith.index_cast %swap3A_243 : i32 to index
      %swap3A_246 = arith.index_cast %swap3A_244 : i32 to index
      %swap3A_247 = arith.index_cast %mul3A_242 : i32 to index
      %swap3A_248 = tpu.vector_load %arg10[%swap3A_245, %swap3A_246, %swap3A_247] {strides = array<i32>} : memref<16x2x1024xf32, #tpu.memory_space<vmem>>, vector<16xf32>,
      tpu.vector_store %arg10[%swap3A_245, %swap3A_246, %swap3A_247], %gather3A_240 {strides = array<i32>} : memref<16x2x1024xf32, #tpu.memory_space<vmem>>, vector<16xf32>,
      %mul3A_249 = arith.constant 16 : i32
      %mul3A_250 = arith.muli %add3A_230, %mul3A_249 : i32
      %get3A_251 = arith.constant 13 : i32
      %get3A_252 = arith.constant 0 : i32
      %get3A_253 = arith.index_cast %get3A_251 : i32 to index
      %get3A_254 = arith.index_cast %get3A_252 : i32 to index
      %get3A_255 = arith.index_cast %mul3A_250 : i32 to index
      %get3A_256 = tpu.vector_load %arg9[%get3A_253, %get3A_254, %get3A_255] {strides = array<i32>} : memref<16x2x1024xf32, #tpu.memory_space<vmem>>, vector<16xf32>,
      %sub3A_257 = arith.subf %gather3A_240, %get3A_256 : vector<16xf32>
      %mul3A_258 = arith.mulf %sub3A_257, %sub3A_257 : vector<16xf32>
      %add3A_259 = arith.addf %add3A_226, %mul3A_258 : vector<16xf32>
      %add3A_260 = arith.constant 1024 : i32
      %add3A_261 = vector.broadcast %add3A_260 : i32 to vector<16xi32>
      %add3A_262 = arith.addi %get3A_236, %add3A_261 : vector<16xi32>
      %gather3A_263 = tpu.vector_load_idx %arg7[%add3A_262] : memref<2048xf32, #tpu.memory_space<vmem>>[vector<16xi32>], vector<16xf32>,
      %mul3A_264 = arith.constant 16 : i32
      %mul3A_265 = arith.muli %add3A_230, %mul3A_264 : i32
      %swap3A_266 = arith.constant 13 : i32
      %swap3A_267 = arith.constant 1 : i32
      %swap3A_268 = arith.index_cast %swap3A_266 : i32 to index
      %swap3A_269 = arith.index_cast %swap3A_267 : i32 to index
      %swap3A_270 = arith.index_cast %mul3A_265 : i32 to index
      %swap3A_271 = tpu.vector_load %arg10[%swap3A_268, %swap3A_269, %swap3A_270] {strides = array<i32>} : memref<16x2x1024xf32, #tpu.memory_space<vmem>>, vector<16xf32>,
      tpu.vector_store %arg10[%swap3A_268, %swap3A_269, %swap3A_270], %gather3A_263 {strides = array<i32>} : memref<16x2x1024xf32, #tpu.memory_space<vmem>>, vector<16xf32>,
      %mul3A_272 = arith.constant 16 : i32
      %mul3A_273 = arith.muli %add3A_230, %mul3A_272 : i32
      %get3A_274 = arith.constant 13 : i32
      %get3A_275 = arith.constant 1 : i32
      %get3A_276 = arith.index_cast %get3A_274 : i32 to index
      %get3A_277 = arith.index_cast %get3A_275 : i32 to index
      %get3A_278 = arith.index_cast %mul3A_273 : i32 to index
      %get3A_279 = tpu.vector_load %arg9[%get3A_276, %get3A_277, %get3A_278] {strides = array<i32>} : memref<16x2x1024xf32, #tpu.memory_space<vmem>>, vector<16xf32>,
      %sub3A_280 = arith.subf %gather3A_263, %get3A_279 : vector<16xf32>
      %mul3A_281 = arith.mulf %sub3A_280, %sub3A_280 : vector<16xf32>
      %add3A_282 = arith.addf %add3A_259, %mul3A_281 : vector<16xf32>
      %mul3A_283 = arith.constant 4 : i32
      %mul3A_284 = arith.muli %scan3A_116, %mul3A_283 : i32
      %add3A_285 = arith.constant 3 : i32
      %add3A_286 = arith.addi %mul3A_284, %add3A_285 : i32
      %mul3A_287 = arith.constant 16 : i32
      %mul3A_288 = arith.muli %add3A_286, %mul3A_287 : i32
      %add3A_289 = arith.constant 13312 : i32
      %add3A_290 = arith.addi %add3A_289, %mul3A_288 : i32
      %get3A_291 = arith.index_cast %add3A_290 : i32 to index
      %get3A_292 = tpu.vector_load %arg8[%get3A_291] {strides = array<i32>} : memref<16384xi32, #tpu.memory_space<vmem>>, vector<16xi32>,
      %add3A_293 = arith.constant 0 : i32
      %add3A_294 = vector.broadcast %add3A_293 : i32 to vector<16xi32>
      %add3A_295 = arith.addi %get3A_292, %add3A_294 : vector<16xi32>
      %gather3A_296 = tpu.vector_load_idx %arg7[%add3A_295] : memref<2048xf32, #tpu.memory_space<vmem>>[vector<16xi32>], vector<16xf32>,
      %mul3A_297 = arith.constant 16 : i32
      %mul3A_298 = arith.muli %add3A_286, %mul3A_297 : i32
      %swap3A_299 = arith.constant 13 : i32
      %swap3A_300 = arith.constant 0 : i32
      %swap3A_301 = arith.index_cast %swap3A_299 : i32 to index
      %swap3A_302 = arith.index_cast %swap3A_300 : i32 to index
      %swap3A_303 = arith.index_cast %mul3A_298 : i32 to index
      %swap3A_304 = tpu.vector_load %arg10[%swap3A_301, %swap3A_302, %swap3A_303] {strides = array<i32>} : memref<16x2x1024xf32, #tpu.memory_space<vmem>>, vector<16xf32>,
      tpu.vector_store %arg10[%swap3A_301, %swap3A_302, %swap3A_303], %gather3A_296 {strides = array<i32>} : memref<16x2x1024xf32, #tpu.memory_space<vmem>>, vector<16xf32>,
      %mul3A_305 = arith.constant 16 : i32
      %mul3A_306 = arith.muli %add3A_286, %mul3A_305 : i32
      %get3A_307 = arith.constant 13 : i32
      %get3A_308 = arith.constant 0 : i32
      %get3A_309 = arith.index_cast %get3A_307 : i32 to index
      %get3A_310 = arith.index_cast %get3A_308 : i32 to index
      %get3A_311 = arith.index_cast %mul3A_306 : i32 to index
      %get3A_312 = tpu.vector_load %arg9[%get3A_309, %get3A_310, %get3A_311] {strides = array<i32>} : memref<16x2x1024xf32, #tpu.memory_space<vmem>>, vector<16xf32>,
      %sub3A_313 = arith.subf %gather3A_296, %get3A_312 : vector<16xf32>
      %mul3A_314 = arith.mulf %sub3A_313, %sub3A_313 : vector<16xf32>
      %add3A_315 = arith.addf %add3A_282, %mul3A_314 : vector<16xf32>
      %add3A_316 = arith.constant 1024 : i32
      %add3A_317 = vector.broadcast %add3A_316 : i32 to vector<16xi32>
      %add3A_318 = arith.addi %get3A_292, %add3A_317 : vector<16xi32>
      %gather3A_319 = tpu.vector_load_idx %arg7[%add3A_318] : memref<2048xf32, #tpu.memory_space<vmem>>[vector<16xi32>], vector<16xf32>,
      %mul3A_320 = arith.constant 16 : i32
      %mul3A_321 = arith.muli %add3A_286, %mul3A_320 : i32
      %swap3A_322 = arith.constant 13 : i32
      %swap3A_323 = arith.constant 1 : i32
      %swap3A_324 = arith.index_cast %swap3A_322 : i32 to index
      %swap3A_325 = arith.index_cast %swap3A_323 : i32 to index
      %swap3A_326 = arith.index_cast %mul3A_321 : i32 to index
      %swap3A_327 = tpu.vector_load %arg10[%swap3A_324, %swap3A_325, %swap3A_326] {strides = array<i32>} : memref<16x2x1024xf32, #tpu.memory_space<vmem>>, vector<16xf32>,
      tpu.vector_store %arg10[%swap3A_324, %swap3A_325, %swap3A_326], %gather3A_319 {strides = array<i32>} : memref<16x2x1024xf32, #tpu.memory_space<vmem>>, vector<16xf32>,
      %mul3A_328 = arith.constant 16 : i32
      %mul3A_329 = arith.muli %add3A_286, %mul3A_328 : i32
      %get3A_330 = arith.constant 13 : i32
      %get3A_331 = arith.constant 1 : i32
      %get3A_332 = arith.index_cast %get3A_330 : i32 to index
      %get3A_333 = arith.index_cast %get3A_331 : i32 to index
      %get3A_334 = arith.index_cast %mul3A_329 : i32 to index
      %get3A_335 = tpu.vector_load %arg9[%get3A_332, %get3A_333, %get3A_334] {strides = array<i32>} : memref<16x2x1024xf32, #tpu.memory_space<vmem>>, vector<16xf32>,
      %sub3A_336 = arith.subf %gather3A_319, %get3A_335 : vector<16xf32>
      %mul3A_337 = arith.mulf %sub3A_336, %sub3A_336 : vector<16xf32>
      %add3A_338 = arith.addf %add3A_315, %mul3A_337 : vector<16xf32>
      scf.yield %add3A_338 : vector<16xf32>
    }
    %scan3A_102 = arith.constant 16 : i32
    %scan3A_103 = arith.constant 0 : i32
    %scan3A_104 = arith.constant 16 : i32
    %scan3A_105 = arith.addi %scan3A_103, %scan3A_104 : i32
    %scan3A_106 = arith.constant 1 : i32
    %scan3A_107 = scf.for %scan3A_116 = %scan3A_103 to %scan3A_105 step %scan3A_106 iter_args(%scan3A_117 = %scan3A_101) -> (vector<16xf32>)  : i32 {
      %mul3A_118 = arith.constant 4 : i32
      %mul3A_119 = arith.muli %scan3A_116, %mul3A_118 : i32
      %add3A_120 = arith.constant 0 : i32
      %add3A_121 = arith.addi %mul3A_119, %add3A_120 : i32
      %mul3A_122 = arith.constant 16 : i32
      %mul3A_123 = arith.muli %add3A_121, %mul3A_122 : i32
      %add3A_124 = arith.constant 14336 : i32
      %add3A_125 = arith.addi %add3A_124, %mul3A_123 : i32
      %get3A = arith.index_cast %add3A_125 : i32 to index
      %get3A_126 = tpu.vector_load %arg8[%get3A] {strides = array<i32>} : memref<16384xi32, #tpu.memory_space<vmem>>, vector<16xi32>,
      %add3A_127 = arith.constant 0 : i32
      %add3A_128 = vector.broadcast %add3A_127 : i32 to vector<16xi32>
      %add3A_129 = arith.addi %get3A_126, %add3A_128 : vector<16xi32>
      %gather3A = tpu.vector_load_idx %arg7[%add3A_129] : memref<2048xf32, #tpu.memory_space<vmem>>[vector<16xi32>], vector<16xf32>,
      %mul3A_130 = arith.constant 16 : i32
      %mul3A_131 = arith.muli %add3A_121, %mul3A_130 : i32
      %swap3A_132 = arith.constant 14 : i32
      %swap3A_133 = arith.constant 0 : i32
      %swap3A_134 = arith.index_cast %swap3A_132 : i32 to index
      %swap3A_135 = arith.index_cast %swap3A_133 : i32 to index
      %swap3A_136 = arith.index_cast %mul3A_131 : i32 to index
      %swap3A_137 = tpu.vector_load %arg10[%swap3A_134, %swap3A_135, %swap3A_136] {strides = array<i32>} : memref<16x2x1024xf32, #tpu.memory_space<vmem>>, vector<16xf32>,
      tpu.vector_store %arg10[%swap3A_134, %swap3A_135, %swap3A_136], %gather3A {strides = array<i32>} : memref<16x2x1024xf32, #tpu.memory_space<vmem>>, vector<16xf32>,
      %mul3A_138 = arith.constant 16 : i32
      %mul3A_139 = arith.muli %add3A_121, %mul3A_138 : i32
      %get3A_140 = arith.constant 14 : i32
      %get3A_141 = arith.constant 0 : i32
      %get3A_142 = arith.index_cast %get3A_140 : i32 to index
      %get3A_143 = arith.index_cast %get3A_141 : i32 to index
      %get3A_144 = arith.index_cast %mul3A_139 : i32 to index
      %get3A_145 = tpu.vector_load %arg9[%get3A_142, %get3A_143, %get3A_144] {strides = array<i32>} : memref<16x2x1024xf32, #tpu.memory_space<vmem>>, vector<16xf32>,
      %sub3A = arith.subf %gather3A, %get3A_145 : vector<16xf32>
      %mul3A_146 = arith.mulf %sub3A, %sub3A : vector<16xf32>
      %add3A_147 = arith.addf %scan3A_117, %mul3A_146 : vector<16xf32>
      %add3A_148 = arith.constant 1024 : i32
      %add3A_149 = vector.broadcast %add3A_148 : i32 to vector<16xi32>
      %add3A_150 = arith.addi %get3A_126, %add3A_149 : vector<16xi32>
      %gather3A_151 = tpu.vector_load_idx %arg7[%add3A_150] : memref<2048xf32, #tpu.memory_space<vmem>>[vector<16xi32>], vector<16xf32>,
      %mul3A_152 = arith.constant 16 : i32
      %mul3A_153 = arith.muli %add3A_121, %mul3A_152 : i32
      %swap3A_154 = arith.constant 14 : i32
      %swap3A_155 = arith.constant 1 : i32
      %swap3A_156 = arith.index_cast %swap3A_154 : i32 to index
      %swap3A_157 = arith.index_cast %swap3A_155 : i32 to index
      %swap3A_158 = arith.index_cast %mul3A_153 : i32 to index
      %swap3A_159 = tpu.vector_load %arg10[%swap3A_156, %swap3A_157, %swap3A_158] {strides = array<i32>} : memref<16x2x1024xf32, #tpu.memory_space<vmem>>, vector<16xf32>,
      tpu.vector_store %arg10[%swap3A_156, %swap3A_157, %swap3A_158], %gather3A_151 {strides = array<i32>} : memref<16x2x1024xf32, #tpu.memory_space<vmem>>, vector<16xf32>,
      %mul3A_160 = arith.constant 16 : i32
      %mul3A_161 = arith.muli %add3A_121, %mul3A_160 : i32
      %get3A_162 = arith.constant 14 : i32
      %get3A_163 = arith.constant 1 : i32
      %get3A_164 = arith.index_cast %get3A_162 : i32 to index
      %get3A_165 = arith.index_cast %get3A_163 : i32 to index
      %get3A_166 = arith.index_cast %mul3A_161 : i32 to index
      %get3A_167 = tpu.vector_load %arg9[%get3A_164, %get3A_165, %get3A_166] {strides = array<i32>} : memref<16x2x1024xf32, #tpu.memory_space<vmem>>, vector<16xf32>,
      %sub3A_168 = arith.subf %gather3A_151, %get3A_167 : vector<16xf32>
      %mul3A_169 = arith.mulf %sub3A_168, %sub3A_168 : vector<16xf32>
      %add3A_170 = arith.addf %add3A_147, %mul3A_169 : vector<16xf32>
      %mul3A_171 = arith.constant 4 : i32
      %mul3A_172 = arith.muli %scan3A_116, %mul3A_171 : i32
      %add3A_173 = arith.constant 1 : i32
      %add3A_174 = arith.addi %mul3A_172, %add3A_173 : i32
      %mul3A_175 = arith.constant 16 : i32
      %mul3A_176 = arith.muli %add3A_174, %mul3A_175 : i32
      %add3A_177 = arith.constant 14336 : i32
      %add3A_178 = arith.addi %add3A_177, %mul3A_176 : i32
      %get3A_179 = arith.index_cast %add3A_178 : i32 to index
      %get3A_180 = tpu.vector_load %arg8[%get3A_179] {strides = array<i32>} : memref<16384xi32, #tpu.memory_space<vmem>>, vector<16xi32>,
      %add3A_181 = arith.constant 0 : i32
      %add3A_182 = vector.broadcast %add3A_181 : i32 to vector<16xi32>
      %add3A_183 = arith.addi %get3A_180, %add3A_182 : vector<16xi32>
      %gather3A_184 = tpu.vector_load_idx %arg7[%add3A_183] : memref<2048xf32, #tpu.memory_space<vmem>>[vector<16xi32>], vector<16xf32>,
      %mul3A_185 = arith.constant 16 : i32
      %mul3A_186 = arith.muli %add3A_174, %mul3A_185 : i32
      %swap3A_187 = arith.constant 14 : i32
      %swap3A_188 = arith.constant 0 : i32
      %swap3A_189 = arith.index_cast %swap3A_187 : i32 to index
      %swap3A_190 = arith.index_cast %swap3A_188 : i32 to index
      %swap3A_191 = arith.index_cast %mul3A_186 : i32 to index
      %swap3A_192 = tpu.vector_load %arg10[%swap3A_189, %swap3A_190, %swap3A_191] {strides = array<i32>} : memref<16x2x1024xf32, #tpu.memory_space<vmem>>, vector<16xf32>,
      tpu.vector_store %arg10[%swap3A_189, %swap3A_190, %swap3A_191], %gather3A_184 {strides = array<i32>} : memref<16x2x1024xf32, #tpu.memory_space<vmem>>, vector<16xf32>,
      %mul3A_193 = arith.constant 16 : i32
      %mul3A_194 = arith.muli %add3A_174, %mul3A_193 : i32
      %get3A_195 = arith.constant 14 : i32
      %get3A_196 = arith.constant 0 : i32
      %get3A_197 = arith.index_cast %get3A_195 : i32 to index
      %get3A_198 = arith.index_cast %get3A_196 : i32 to index
      %get3A_199 = arith.index_cast %mul3A_194 : i32 to index
      %get3A_200 = tpu.vector_load %arg9[%get3A_197, %get3A_198, %get3A_199] {strides = array<i32>} : memref<16x2x1024xf32, #tpu.memory_space<vmem>>, vector<16xf32>,
      %sub3A_201 = arith.subf %gather3A_184, %get3A_200 : vector<16xf32>
      %mul3A_202 = arith.mulf %sub3A_201, %sub3A_201 : vector<16xf32>
      %add3A_203 = arith.addf %add3A_170, %mul3A_202 : vector<16xf32>
      %add3A_204 = arith.constant 1024 : i32
      %add3A_205 = vector.broadcast %add3A_204 : i32 to vector<16xi32>
      %add3A_206 = arith.addi %get3A_180, %add3A_205 : vector<16xi32>
      %gather3A_207 = tpu.vector_load_idx %arg7[%add3A_206] : memref<2048xf32, #tpu.memory_space<vmem>>[vector<16xi32>], vector<16xf32>,
      %mul3A_208 = arith.constant 16 : i32
      %mul3A_209 = arith.muli %add3A_174, %mul3A_208 : i32
      %swap3A_210 = arith.constant 14 : i32
      %swap3A_211 = arith.constant 1 : i32
      %swap3A_212 = arith.index_cast %swap3A_210 : i32 to index
      %swap3A_213 = arith.index_cast %swap3A_211 : i32 to index
      %swap3A_214 = arith.index_cast %mul3A_209 : i32 to index
      %swap3A_215 = tpu.vector_load %arg10[%swap3A_212, %swap3A_213, %swap3A_214] {strides = array<i32>} : memref<16x2x1024xf32, #tpu.memory_space<vmem>>, vector<16xf32>,
      tpu.vector_store %arg10[%swap3A_212, %swap3A_213, %swap3A_214], %gather3A_207 {strides = array<i32>} : memref<16x2x1024xf32, #tpu.memory_space<vmem>>, vector<16xf32>,
      %mul3A_216 = arith.constant 16 : i32
      %mul3A_217 = arith.muli %add3A_174, %mul3A_216 : i32
      %get3A_218 = arith.constant 14 : i32
      %get3A_219 = arith.constant 1 : i32
      %get3A_220 = arith.index_cast %get3A_218 : i32 to index
      %get3A_221 = arith.index_cast %get3A_219 : i32 to index
      %get3A_222 = arith.index_cast %mul3A_217 : i32 to index
      %get3A_223 = tpu.vector_load %arg9[%get3A_220, %get3A_221, %get3A_222] {strides = array<i32>} : memref<16x2x1024xf32, #tpu.memory_space<vmem>>, vector<16xf32>,
      %sub3A_224 = arith.subf %gather3A_207, %get3A_223 : vector<16xf32>
      %mul3A_225 = arith.mulf %sub3A_224, %sub3A_224 : vector<16xf32>
      %add3A_226 = arith.addf %add3A_203, %mul3A_225 : vector<16xf32>
      %mul3A_227 = arith.constant 4 : i32
      %mul3A_228 = arith.muli %scan3A_116, %mul3A_227 : i32
      %add3A_229 = arith.constant 2 : i32
      %add3A_230 = arith.addi %mul3A_228, %add3A_229 : i32
      %mul3A_231 = arith.constant 16 : i32
      %mul3A_232 = arith.muli %add3A_230, %mul3A_231 : i32
      %add3A_233 = arith.constant 14336 : i32
      %add3A_234 = arith.addi %add3A_233, %mul3A_232 : i32
      %get3A_235 = arith.index_cast %add3A_234 : i32 to index
      %get3A_236 = tpu.vector_load %arg8[%get3A_235] {strides = array<i32>} : memref<16384xi32, #tpu.memory_space<vmem>>, vector<16xi32>,
      %add3A_237 = arith.constant 0 : i32
      %add3A_238 = vector.broadcast %add3A_237 : i32 to vector<16xi32>
      %add3A_239 = arith.addi %get3A_236, %add3A_238 : vector<16xi32>
      %gather3A_240 = tpu.vector_load_idx %arg7[%add3A_239] : memref<2048xf32, #tpu.memory_space<vmem>>[vector<16xi32>], vector<16xf32>,
      %mul3A_241 = arith.constant 16 : i32
      %mul3A_242 = arith.muli %add3A_230, %mul3A_241 : i32
      %swap3A_243 = arith.constant 14 : i32
      %swap3A_244 = arith.constant 0 : i32
      %swap3A_245 = arith.index_cast %swap3A_243 : i32 to index
      %swap3A_246 = arith.index_cast %swap3A_244 : i32 to index
      %swap3A_247 = arith.index_cast %mul3A_242 : i32 to index
      %swap3A_248 = tpu.vector_load %arg10[%swap3A_245, %swap3A_246, %swap3A_247] {strides = array<i32>} : memref<16x2x1024xf32, #tpu.memory_space<vmem>>, vector<16xf32>,
      tpu.vector_store %arg10[%swap3A_245, %swap3A_246, %swap3A_247], %gather3A_240 {strides = array<i32>} : memref<16x2x1024xf32, #tpu.memory_space<vmem>>, vector<16xf32>,
      %mul3A_249 = arith.constant 16 : i32
      %mul3A_250 = arith.muli %add3A_230, %mul3A_249 : i32
      %get3A_251 = arith.constant 14 : i32
      %get3A_252 = arith.constant 0 : i32
      %get3A_253 = arith.index_cast %get3A_251 : i32 to index
      %get3A_254 = arith.index_cast %get3A_252 : i32 to index
      %get3A_255 = arith.index_cast %mul3A_250 : i32 to index
      %get3A_256 = tpu.vector_load %arg9[%get3A_253, %get3A_254, %get3A_255] {strides = array<i32>} : memref<16x2x1024xf32, #tpu.memory_space<vmem>>, vector<16xf32>,
      %sub3A_257 = arith.subf %gather3A_240, %get3A_256 : vector<16xf32>
      %mul3A_258 = arith.mulf %sub3A_257, %sub3A_257 : vector<16xf32>
      %add3A_259 = arith.addf %add3A_226, %mul3A_258 : vector<16xf32>
      %add3A_260 = arith.constant 1024 : i32
      %add3A_261 = vector.broadcast %add3A_260 : i32 to vector<16xi32>
      %add3A_262 = arith.addi %get3A_236, %add3A_261 : vector<16xi32>
      %gather3A_263 = tpu.vector_load_idx %arg7[%add3A_262] : memref<2048xf32, #tpu.memory_space<vmem>>[vector<16xi32>], vector<16xf32>,
      %mul3A_264 = arith.constant 16 : i32
      %mul3A_265 = arith.muli %add3A_230, %mul3A_264 : i32
      %swap3A_266 = arith.constant 14 : i32
      %swap3A_267 = arith.constant 1 : i32
      %swap3A_268 = arith.index_cast %swap3A_266 : i32 to index
      %swap3A_269 = arith.index_cast %swap3A_267 : i32 to index
      %swap3A_270 = arith.index_cast %mul3A_265 : i32 to index
      %swap3A_271 = tpu.vector_load %arg10[%swap3A_268, %swap3A_269, %swap3A_270] {strides = array<i32>} : memref<16x2x1024xf32, #tpu.memory_space<vmem>>, vector<16xf32>,
      tpu.vector_store %arg10[%swap3A_268, %swap3A_269, %swap3A_270], %gather3A_263 {strides = array<i32>} : memref<16x2x1024xf32, #tpu.memory_space<vmem>>, vector<16xf32>,
      %mul3A_272 = arith.constant 16 : i32
      %mul3A_273 = arith.muli %add3A_230, %mul3A_272 : i32
      %get3A_274 = arith.constant 14 : i32
      %get3A_275 = arith.constant 1 : i32
      %get3A_276 = arith.index_cast %get3A_274 : i32 to index
      %get3A_277 = arith.index_cast %get3A_275 : i32 to index
      %get3A_278 = arith.index_cast %mul3A_273 : i32 to index
      %get3A_279 = tpu.vector_load %arg9[%get3A_276, %get3A_277, %get3A_278] {strides = array<i32>} : memref<16x2x1024xf32, #tpu.memory_space<vmem>>, vector<16xf32>,
      %sub3A_280 = arith.subf %gather3A_263, %get3A_279 : vector<16xf32>
      %mul3A_281 = arith.mulf %sub3A_280, %sub3A_280 : vector<16xf32>
      %add3A_282 = arith.addf %add3A_259, %mul3A_281 : vector<16xf32>
      %mul3A_283 = arith.constant 4 : i32
      %mul3A_284 = arith.muli %scan3A_116, %mul3A_283 : i32
      %add3A_285 = arith.constant 3 : i32
      %add3A_286 = arith.addi %mul3A_284, %add3A_285 : i32
      %mul3A_287 = arith.constant 16 : i32
      %mul3A_288 = arith.muli %add3A_286, %mul3A_287 : i32
      %add3A_289 = arith.constant 14336 : i32
      %add3A_290 = arith.addi %add3A_289, %mul3A_288 : i32
      %get3A_291 = arith.index_cast %add3A_290 : i32 to index
      %get3A_292 = tpu.vector_load %arg8[%get3A_291] {strides = array<i32>} : memref<16384xi32, #tpu.memory_space<vmem>>, vector<16xi32>,
      %add3A_293 = arith.constant 0 : i32
      %add3A_294 = vector.broadcast %add3A_293 : i32 to vector<16xi32>
      %add3A_295 = arith.addi %get3A_292, %add3A_294 : vector<16xi32>
      %gather3A_296 = tpu.vector_load_idx %arg7[%add3A_295] : memref<2048xf32, #tpu.memory_space<vmem>>[vector<16xi32>], vector<16xf32>,
      %mul3A_297 = arith.constant 16 : i32
      %mul3A_298 = arith.muli %add3A_286, %mul3A_297 : i32
      %swap3A_299 = arith.constant 14 : i32
      %swap3A_300 = arith.constant 0 : i32
      %swap3A_301 = arith.index_cast %swap3A_299 : i32 to index
      %swap3A_302 = arith.index_cast %swap3A_300 : i32 to index
      %swap3A_303 = arith.index_cast %mul3A_298 : i32 to index
      %swap3A_304 = tpu.vector_load %arg10[%swap3A_301, %swap3A_302, %swap3A_303] {strides = array<i32>} : memref<16x2x1024xf32, #tpu.memory_space<vmem>>, vector<16xf32>,
      tpu.vector_store %arg10[%swap3A_301, %swap3A_302, %swap3A_303], %gather3A_296 {strides = array<i32>} : memref<16x2x1024xf32, #tpu.memory_space<vmem>>, vector<16xf32>,
      %mul3A_305 = arith.constant 16 : i32
      %mul3A_306 = arith.muli %add3A_286, %mul3A_305 : i32
      %get3A_307 = arith.constant 14 : i32
      %get3A_308 = arith.constant 0 : i32
      %get3A_309 = arith.index_cast %get3A_307 : i32 to index
      %get3A_310 = arith.index_cast %get3A_308 : i32 to index
      %get3A_311 = arith.index_cast %mul3A_306 : i32 to index
      %get3A_312 = tpu.vector_load %arg9[%get3A_309, %get3A_310, %get3A_311] {strides = array<i32>} : memref<16x2x1024xf32, #tpu.memory_space<vmem>>, vector<16xf32>,
      %sub3A_313 = arith.subf %gather3A_296, %get3A_312 : vector<16xf32>
      %mul3A_314 = arith.mulf %sub3A_313, %sub3A_313 : vector<16xf32>
      %add3A_315 = arith.addf %add3A_282, %mul3A_314 : vector<16xf32>
      %add3A_316 = arith.constant 1024 : i32
      %add3A_317 = vector.broadcast %add3A_316 : i32 to vector<16xi32>
      %add3A_318 = arith.addi %get3A_292, %add3A_317 : vector<16xi32>
      %gather3A_319 = tpu.vector_load_idx %arg7[%add3A_318] : memref<2048xf32, #tpu.memory_space<vmem>>[vector<16xi32>], vector<16xf32>,
      %mul3A_320 = arith.constant 16 : i32
      %mul3A_321 = arith.muli %add3A_286, %mul3A_320 : i32
      %swap3A_322 = arith.constant 14 : i32
      %swap3A_323 = arith.constant 1 : i32
      %swap3A_324 = arith.index_cast %swap3A_322 : i32 to index
      %swap3A_325 = arith.index_cast %swap3A_323 : i32 to index
      %swap3A_326 = arith.index_cast %mul3A_321 : i32 to index
      %swap3A_327 = tpu.vector_load %arg10[%swap3A_324, %swap3A_325, %swap3A_326] {strides = array<i32>} : memref<16x2x1024xf32, #tpu.memory_space<vmem>>, vector<16xf32>,
      tpu.vector_store %arg10[%swap3A_324, %swap3A_325, %swap3A_326], %gather3A_319 {strides = array<i32>} : memref<16x2x1024xf32, #tpu.memory_space<vmem>>, vector<16xf32>,
      %mul3A_328 = arith.constant 16 : i32
      %mul3A_329 = arith.muli %add3A_286, %mul3A_328 : i32
      %get3A_330 = arith.constant 14 : i32
      %get3A_331 = arith.constant 1 : i32
      %get3A_332 = arith.index_cast %get3A_330 : i32 to index
      %get3A_333 = arith.index_cast %get3A_331 : i32 to index
      %get3A_334 = arith.index_cast %mul3A_329 : i32 to index
      %get3A_335 = tpu.vector_load %arg9[%get3A_332, %get3A_333, %get3A_334] {strides = array<i32>} : memref<16x2x1024xf32, #tpu.memory_space<vmem>>, vector<16xf32>,
      %sub3A_336 = arith.subf %gather3A_319, %get3A_335 : vector<16xf32>
      %mul3A_337 = arith.mulf %sub3A_336, %sub3A_336 : vector<16xf32>
      %add3A_338 = arith.addf %add3A_315, %mul3A_337 : vector<16xf32>
      scf.yield %add3A_338 : vector<16xf32>
    }
    %scan3A_108 = arith.constant 16 : i32
    %scan3A_109 = arith.constant 0 : i32
    %scan3A_110 = arith.constant 16 : i32
    %scan3A_111 = arith.addi %scan3A_109, %scan3A_110 : i32
    %scan3A_112 = arith.constant 1 : i32
    %scan3A_113 = scf.for %scan3A_116 = %scan3A_109 to %scan3A_111 step %scan3A_112 iter_args(%scan3A_117 = %scan3A_107) -> (vector<16xf32>)  : i32 {
      %mul3A_118 = arith.constant 4 : i32
      %mul3A_119 = arith.muli %scan3A_116, %mul3A_118 : i32
      %add3A_120 = arith.constant 0 : i32
      %add3A_121 = arith.addi %mul3A_119, %add3A_120 : i32
      %mul3A_122 = arith.constant 16 : i32
      %mul3A_123 = arith.muli %add3A_121, %mul3A_122 : i32
      %add3A_124 = arith.constant 15360 : i32
      %add3A_125 = arith.addi %add3A_124, %mul3A_123 : i32
      %get3A = arith.index_cast %add3A_125 : i32 to index
      %get3A_126 = tpu.vector_load %arg8[%get3A] {strides = array<i32>} : memref<16384xi32, #tpu.memory_space<vmem>>, vector<16xi32>,
      %add3A_127 = arith.constant 0 : i32
      %add3A_128 = vector.broadcast %add3A_127 : i32 to vector<16xi32>
      %add3A_129 = arith.addi %get3A_126, %add3A_128 : vector<16xi32>
      %gather3A = tpu.vector_load_idx %arg7[%add3A_129] : memref<2048xf32, #tpu.memory_space<vmem>>[vector<16xi32>], vector<16xf32>,
      %mul3A_130 = arith.constant 16 : i32
      %mul3A_131 = arith.muli %add3A_121, %mul3A_130 : i32
      %swap3A_132 = arith.constant 15 : i32
      %swap3A_133 = arith.constant 0 : i32
      %swap3A_134 = arith.index_cast %swap3A_132 : i32 to index
      %swap3A_135 = arith.index_cast %swap3A_133 : i32 to index
      %swap3A_136 = arith.index_cast %mul3A_131 : i32 to index
      %swap3A_137 = tpu.vector_load %arg10[%swap3A_134, %swap3A_135, %swap3A_136] {strides = array<i32>} : memref<16x2x1024xf32, #tpu.memory_space<vmem>>, vector<16xf32>,
      tpu.vector_store %arg10[%swap3A_134, %swap3A_135, %swap3A_136], %gather3A {strides = array<i32>} : memref<16x2x1024xf32, #tpu.memory_space<vmem>>, vector<16xf32>,
      %mul3A_138 = arith.constant 16 : i32
      %mul3A_139 = arith.muli %add3A_121, %mul3A_138 : i32
      %get3A_140 = arith.constant 15 : i32
      %get3A_141 = arith.constant 0 : i32
      %get3A_142 = arith.index_cast %get3A_140 : i32 to index
      %get3A_143 = arith.index_cast %get3A_141 : i32 to index
      %get3A_144 = arith.index_cast %mul3A_139 : i32 to index
      %get3A_145 = tpu.vector_load %arg9[%get3A_142, %get3A_143, %get3A_144] {strides = array<i32>} : memref<16x2x1024xf32, #tpu.memory_space<vmem>>, vector<16xf32>,
      %sub3A = arith.subf %gather3A, %get3A_145 : vector<16xf32>
      %mul3A_146 = arith.mulf %sub3A, %sub3A : vector<16xf32>
      %add3A_147 = arith.addf %scan3A_117, %mul3A_146 : vector<16xf32>
      %add3A_148 = arith.constant 1024 : i32
      %add3A_149 = vector.broadcast %add3A_148 : i32 to vector<16xi32>
      %add3A_150 = arith.addi %get3A_126, %add3A_149 : vector<16xi32>
      %gather3A_151 = tpu.vector_load_idx %arg7[%add3A_150] : memref<2048xf32, #tpu.memory_space<vmem>>[vector<16xi32>], vector<16xf32>,
      %mul3A_152 = arith.constant 16 : i32
      %mul3A_153 = arith.muli %add3A_121, %mul3A_152 : i32
      %swap3A_154 = arith.constant 15 : i32
      %swap3A_155 = arith.constant 1 : i32
      %swap3A_156 = arith.index_cast %swap3A_154 : i32 to index
      %swap3A_157 = arith.index_cast %swap3A_155 : i32 to index
      %swap3A_158 = arith.index_cast %mul3A_153 : i32 to index
      %swap3A_159 = tpu.vector_load %arg10[%swap3A_156, %swap3A_157, %swap3A_158] {strides = array<i32>} : memref<16x2x1024xf32, #tpu.memory_space<vmem>>, vector<16xf32>,
      tpu.vector_store %arg10[%swap3A_156, %swap3A_157, %swap3A_158], %gather3A_151 {strides = array<i32>} : memref<16x2x1024xf32, #tpu.memory_space<vmem>>, vector<16xf32>,
      %mul3A_160 = arith.constant 16 : i32
      %mul3A_161 = arith.muli %add3A_121, %mul3A_160 : i32
      %get3A_162 = arith.constant 15 : i32
      %get3A_163 = arith.constant 1 : i32
      %get3A_164 = arith.index_cast %get3A_162 : i32 to index
      %get3A_165 = arith.index_cast %get3A_163 : i32 to index
      %get3A_166 = arith.index_cast %mul3A_161 : i32 to index
      %get3A_167 = tpu.vector_load %arg9[%get3A_164, %get3A_165, %get3A_166] {strides = array<i32>} : memref<16x2x1024xf32, #tpu.memory_space<vmem>>, vector<16xf32>,
      %sub3A_168 = arith.subf %gather3A_151, %get3A_167 : vector<16xf32>
      %mul3A_169 = arith.mulf %sub3A_168, %sub3A_168 : vector<16xf32>
      %add3A_170 = arith.addf %add3A_147, %mul3A_169 : vector<16xf32>
      %mul3A_171 = arith.constant 4 : i32
      %mul3A_172 = arith.muli %scan3A_116, %mul3A_171 : i32
      %add3A_173 = arith.constant 1 : i32
      %add3A_174 = arith.addi %mul3A_172, %add3A_173 : i32
      %mul3A_175 = arith.constant 16 : i32
      %mul3A_176 = arith.muli %add3A_174, %mul3A_175 : i32
      %add3A_177 = arith.constant 15360 : i32
      %add3A_178 = arith.addi %add3A_177, %mul3A_176 : i32
      %get3A_179 = arith.index_cast %add3A_178 : i32 to index
      %get3A_180 = tpu.vector_load %arg8[%get3A_179] {strides = array<i32>} : memref<16384xi32, #tpu.memory_space<vmem>>, vector<16xi32>,
      %add3A_181 = arith.constant 0 : i32
      %add3A_182 = vector.broadcast %add3A_181 : i32 to vector<16xi32>
      %add3A_183 = arith.addi %get3A_180, %add3A_182 : vector<16xi32>
      %gather3A_184 = tpu.vector_load_idx %arg7[%add3A_183] : memref<2048xf32, #tpu.memory_space<vmem>>[vector<16xi32>], vector<16xf32>,
      %mul3A_185 = arith.constant 16 : i32
      %mul3A_186 = arith.muli %add3A_174, %mul3A_185 : i32
      %swap3A_187 = arith.constant 15 : i32
      %swap3A_188 = arith.constant 0 : i32
      %swap3A_189 = arith.index_cast %swap3A_187 : i32 to index
      %swap3A_190 = arith.index_cast %swap3A_188 : i32 to index
      %swap3A_191 = arith.index_cast %mul3A_186 : i32 to index
      %swap3A_192 = tpu.vector_load %arg10[%swap3A_189, %swap3A_190, %swap3A_191] {strides = array<i32>} : memref<16x2x1024xf32, #tpu.memory_space<vmem>>, vector<16xf32>,
      tpu.vector_store %arg10[%swap3A_189, %swap3A_190, %swap3A_191], %gather3A_184 {strides = array<i32>} : memref<16x2x1024xf32, #tpu.memory_space<vmem>>, vector<16xf32>,
      %mul3A_193 = arith.constant 16 : i32
      %mul3A_194 = arith.muli %add3A_174, %mul3A_193 : i32
      %get3A_195 = arith.constant 15 : i32
      %get3A_196 = arith.constant 0 : i32
      %get3A_197 = arith.index_cast %get3A_195 : i32 to index
      %get3A_198 = arith.index_cast %get3A_196 : i32 to index
      %get3A_199 = arith.index_cast %mul3A_194 : i32 to index
      %get3A_200 = tpu.vector_load %arg9[%get3A_197, %get3A_198, %get3A_199] {strides = array<i32>} : memref<16x2x1024xf32, #tpu.memory_space<vmem>>, vector<16xf32>,
      %sub3A_201 = arith.subf %gather3A_184, %get3A_200 : vector<16xf32>
      %mul3A_202 = arith.mulf %sub3A_201, %sub3A_201 : vector<16xf32>
      %add3A_203 = arith.addf %add3A_170, %mul3A_202 : vector<16xf32>
      %add3A_204 = arith.constant 1024 : i32
      %add3A_205 = vector.broadcast %add3A_204 : i32 to vector<16xi32>
      %add3A_206 = arith.addi %get3A_180, %add3A_205 : vector<16xi32>
      %gather3A_207 = tpu.vector_load_idx %arg7[%add3A_206] : memref<2048xf32, #tpu.memory_space<vmem>>[vector<16xi32>], vector<16xf32>,
      %mul3A_208 = arith.constant 16 : i32
      %mul3A_209 = arith.muli %add3A_174, %mul3A_208 : i32
      %swap3A_210 = arith.constant 15 : i32
      %swap3A_211 = arith.constant 1 : i32
      %swap3A_212 = arith.index_cast %swap3A_210 : i32 to index
      %swap3A_213 = arith.index_cast %swap3A_211 : i32 to index
      %swap3A_214 = arith.index_cast %mul3A_209 : i32 to index
      %swap3A_215 = tpu.vector_load %arg10[%swap3A_212, %swap3A_213, %swap3A_214] {strides = array<i32>} : memref<16x2x1024xf32, #tpu.memory_space<vmem>>, vector<16xf32>,
      tpu.vector_store %arg10[%swap3A_212, %swap3A_213, %swap3A_214], %gather3A_207 {strides = array<i32>} : memref<16x2x1024xf32, #tpu.memory_space<vmem>>, vector<16xf32>,
      %mul3A_216 = arith.constant 16 : i32
      %mul3A_217 = arith.muli %add3A_174, %mul3A_216 : i32
      %get3A_218 = arith.constant 15 : i32
      %get3A_219 = arith.constant 1 : i32
      %get3A_220 = arith.index_cast %get3A_218 : i32 to index
      %get3A_221 = arith.index_cast %get3A_219 : i32 to index
      %get3A_222 = arith.index_cast %mul3A_217 : i32 to index
      %get3A_223 = tpu.vector_load %arg9[%get3A_220, %get3A_221, %get3A_222] {strides = array<i32>} : memref<16x2x1024xf32, #tpu.memory_space<vmem>>, vector<16xf32>,
      %sub3A_224 = arith.subf %gather3A_207, %get3A_223 : vector<16xf32>
      %mul3A_225 = arith.mulf %sub3A_224, %sub3A_224 : vector<16xf32>
      %add3A_226 = arith.addf %add3A_203, %mul3A_225 : vector<16xf32>
      %mul3A_227 = arith.constant 4 : i32
      %mul3A_228 = arith.muli %scan3A_116, %mul3A_227 : i32
      %add3A_229 = arith.constant 2 : i32
      %add3A_230 = arith.addi %mul3A_228, %add3A_229 : i32
      %mul3A_231 = arith.constant 16 : i32
      %mul3A_232 = arith.muli %add3A_230, %mul3A_231 : i32
      %add3A_233 = arith.constant 15360 : i32
      %add3A_234 = arith.addi %add3A_233, %mul3A_232 : i32
      %get3A_235 = arith.index_cast %add3A_234 : i32 to index
      %get3A_236 = tpu.vector_load %arg8[%get3A_235] {strides = array<i32>} : memref<16384xi32, #tpu.memory_space<vmem>>, vector<16xi32>,
      %add3A_237 = arith.constant 0 : i32
      %add3A_238 = vector.broadcast %add3A_237 : i32 to vector<16xi32>
      %add3A_239 = arith.addi %get3A_236, %add3A_238 : vector<16xi32>
      %gather3A_240 = tpu.vector_load_idx %arg7[%add3A_239] : memref<2048xf32, #tpu.memory_space<vmem>>[vector<16xi32>], vector<16xf32>,
      %mul3A_241 = arith.constant 16 : i32
      %mul3A_242 = arith.muli %add3A_230, %mul3A_241 : i32
      %swap3A_243 = arith.constant 15 : i32
      %swap3A_244 = arith.constant 0 : i32
      %swap3A_245 = arith.index_cast %swap3A_243 : i32 to index
      %swap3A_246 = arith.index_cast %swap3A_244 : i32 to index
      %swap3A_247 = arith.index_cast %mul3A_242 : i32 to index
      %swap3A_248 = tpu.vector_load %arg10[%swap3A_245, %swap3A_246, %swap3A_247] {strides = array<i32>} : memref<16x2x1024xf32, #tpu.memory_space<vmem>>, vector<16xf32>,
      tpu.vector_store %arg10[%swap3A_245, %swap3A_246, %swap3A_247], %gather3A_240 {strides = array<i32>} : memref<16x2x1024xf32, #tpu.memory_space<vmem>>, vector<16xf32>,
      %mul3A_249 = arith.constant 16 : i32
      %mul3A_250 = arith.muli %add3A_230, %mul3A_249 : i32
      %get3A_251 = arith.constant 15 : i32
      %get3A_252 = arith.constant 0 : i32
      %get3A_253 = arith.index_cast %get3A_251 : i32 to index
      %get3A_254 = arith.index_cast %get3A_252 : i32 to index
      %get3A_255 = arith.index_cast %mul3A_250 : i32 to index
      %get3A_256 = tpu.vector_load %arg9[%get3A_253, %get3A_254, %get3A_255] {strides = array<i32>} : memref<16x2x1024xf32, #tpu.memory_space<vmem>>, vector<16xf32>,
      %sub3A_257 = arith.subf %gather3A_240, %get3A_256 : vector<16xf32>
      %mul3A_258 = arith.mulf %sub3A_257, %sub3A_257 : vector<16xf32>
      %add3A_259 = arith.addf %add3A_226, %mul3A_258 : vector<16xf32>
      %add3A_260 = arith.constant 1024 : i32
      %add3A_261 = vector.broadcast %add3A_260 : i32 to vector<16xi32>
      %add3A_262 = arith.addi %get3A_236, %add3A_261 : vector<16xi32>
      %gather3A_263 = tpu.vector_load_idx %arg7[%add3A_262] : memref<2048xf32, #tpu.memory_space<vmem>>[vector<16xi32>], vector<16xf32>,
      %mul3A_264 = arith.constant 16 : i32
      %mul3A_265 = arith.muli %add3A_230, %mul3A_264 : i32
      %swap3A_266 = arith.constant 15 : i32
      %swap3A_267 = arith.constant 1 : i32
      %swap3A_268 = arith.index_cast %swap3A_266 : i32 to index
      %swap3A_269 = arith.index_cast %swap3A_267 : i32 to index
      %swap3A_270 = arith.index_cast %mul3A_265 : i32 to index
      %swap3A_271 = tpu.vector_load %arg10[%swap3A_268, %swap3A_269, %swap3A_270] {strides = array<i32>} : memref<16x2x1024xf32, #tpu.memory_space<vmem>>, vector<16xf32>,
      tpu.vector_store %arg10[%swap3A_268, %swap3A_269, %swap3A_270], %gather3A_263 {strides = array<i32>} : memref<16x2x1024xf32, #tpu.memory_space<vmem>>, vector<16xf32>,
      %mul3A_272 = arith.constant 16 : i32
      %mul3A_273 = arith.muli %add3A_230, %mul3A_272 : i32
      %get3A_274 = arith.constant 15 : i32
      %get3A_275 = arith.constant 1 : i32
      %get3A_276 = arith.index_cast %get3A_274 : i32 to index
      %get3A_277 = arith.index_cast %get3A_275 : i32 to index
      %get3A_278 = arith.index_cast %mul3A_273 : i32 to index
      %get3A_279 = tpu.vector_load %arg9[%get3A_276, %get3A_277, %get3A_278] {strides = array<i32>} : memref<16x2x1024xf32, #tpu.memory_space<vmem>>, vector<16xf32>,
      %sub3A_280 = arith.subf %gather3A_263, %get3A_279 : vector<16xf32>
      %mul3A_281 = arith.mulf %sub3A_280, %sub3A_280 : vector<16xf32>
      %add3A_282 = arith.addf %add3A_259, %mul3A_281 : vector<16xf32>
      %mul3A_283 = arith.constant 4 : i32
      %mul3A_284 = arith.muli %scan3A_116, %mul3A_283 : i32
      %add3A_285 = arith.constant 3 : i32
      %add3A_286 = arith.addi %mul3A_284, %add3A_285 : i32
      %mul3A_287 = arith.constant 16 : i32
      %mul3A_288 = arith.muli %add3A_286, %mul3A_287 : i32
      %add3A_289 = arith.constant 15360 : i32
      %add3A_290 = arith.addi %add3A_289, %mul3A_288 : i32
      %get3A_291 = arith.index_cast %add3A_290 : i32 to index
      %get3A_292 = tpu.vector_load %arg8[%get3A_291] {strides = array<i32>} : memref<16384xi32, #tpu.memory_space<vmem>>, vector<16xi32>,
      %add3A_293 = arith.constant 0 : i32
      %add3A_294 = vector.broadcast %add3A_293 : i32 to vector<16xi32>
      %add3A_295 = arith.addi %get3A_292, %add3A_294 : vector<16xi32>
      %gather3A_296 = tpu.vector_load_idx %arg7[%add3A_295] : memref<2048xf32, #tpu.memory_space<vmem>>[vector<16xi32>], vector<16xf32>,
      %mul3A_297 = arith.constant 16 : i32
      %mul3A_298 = arith.muli %add3A_286, %mul3A_297 : i32
      %swap3A_299 = arith.constant 15 : i32
      %swap3A_300 = arith.constant 0 : i32
      %swap3A_301 = arith.index_cast %swap3A_299 : i32 to index
      %swap3A_302 = arith.index_cast %swap3A_300 : i32 to index
      %swap3A_303 = arith.index_cast %mul3A_298 : i32 to index
      %swap3A_304 = tpu.vector_load %arg10[%swap3A_301, %swap3A_302, %swap3A_303] {strides = array<i32>} : memref<16x2x1024xf32, #tpu.memory_space<vmem>>, vector<16xf32>,
      tpu.vector_store %arg10[%swap3A_301, %swap3A_302, %swap3A_303], %gather3A_296 {strides = array<i32>} : memref<16x2x1024xf32, #tpu.memory_space<vmem>>, vector<16xf32>,
      %mul3A_305 = arith.constant 16 : i32
      %mul3A_306 = arith.muli %add3A_286, %mul3A_305 : i32
      %get3A_307 = arith.constant 15 : i32
      %get3A_308 = arith.constant 0 : i32
      %get3A_309 = arith.index_cast %get3A_307 : i32 to index
      %get3A_310 = arith.index_cast %get3A_308 : i32 to index
      %get3A_311 = arith.index_cast %mul3A_306 : i32 to index
      %get3A_312 = tpu.vector_load %arg9[%get3A_309, %get3A_310, %get3A_311] {strides = array<i32>} : memref<16x2x1024xf32, #tpu.memory_space<vmem>>, vector<16xf32>,
      %sub3A_313 = arith.subf %gather3A_296, %get3A_312 : vector<16xf32>
      %mul3A_314 = arith.mulf %sub3A_313, %sub3A_313 : vector<16xf32>
      %add3A_315 = arith.addf %add3A_282, %mul3A_314 : vector<16xf32>
      %add3A_316 = arith.constant 1024 : i32
      %add3A_317 = vector.broadcast %add3A_316 : i32 to vector<16xi32>
      %add3A_318 = arith.addi %get3A_292, %add3A_317 : vector<16xi32>
      %gather3A_319 = tpu.vector_load_idx %arg7[%add3A_318] : memref<2048xf32, #tpu.memory_space<vmem>>[vector<16xi32>], vector<16xf32>,
      %mul3A_320 = arith.constant 16 : i32
      %mul3A_321 = arith.muli %add3A_286, %mul3A_320 : i32
      %swap3A_322 = arith.constant 15 : i32
      %swap3A_323 = arith.constant 1 : i32
      %swap3A_324 = arith.index_cast %swap3A_322 : i32 to index
      %swap3A_325 = arith.index_cast %swap3A_323 : i32 to index
      %swap3A_326 = arith.index_cast %mul3A_321 : i32 to index
      %swap3A_327 = tpu.vector_load %arg10[%swap3A_324, %swap3A_325, %swap3A_326] {strides = array<i32>} : memref<16x2x1024xf32, #tpu.memory_space<vmem>>, vector<16xf32>,
      tpu.vector_store %arg10[%swap3A_324, %swap3A_325, %swap3A_326], %gather3A_319 {strides = array<i32>} : memref<16x2x1024xf32, #tpu.memory_space<vmem>>, vector<16xf32>,
      %mul3A_328 = arith.constant 16 : i32
      %mul3A_329 = arith.muli %add3A_286, %mul3A_328 : i32
      %get3A_330 = arith.constant 15 : i32
      %get3A_331 = arith.constant 1 : i32
      %get3A_332 = arith.index_cast %get3A_330 : i32 to index
      %get3A_333 = arith.index_cast %get3A_331 : i32 to index
      %get3A_334 = arith.index_cast %mul3A_329 : i32 to index
      %get3A_335 = tpu.vector_load %arg9[%get3A_332, %get3A_333, %get3A_334] {strides = array<i32>} : memref<16x2x1024xf32, #tpu.memory_space<vmem>>, vector<16xf32>,
      %sub3A_336 = arith.subf %gather3A_319, %get3A_335 : vector<16xf32>
      %mul3A_337 = arith.mulf %sub3A_336, %sub3A_336 : vector<16xf32>
      %add3A_338 = arith.addf %add3A_315, %mul3A_337 : vector<16xf32>
      scf.yield %add3A_338 : vector<16xf32>
    }
    %scan3A_114 = arith.constant 16 : i32
    %swap3A = arith.constant 0 : index
    %swap3A_115 = tpu.vector_load %arg11[%swap3A] {strides = array<i32>} : memref<16xf32, #tpu.memory_space<vmem>>, vector<16xf32>,
    tpu.vector_store %arg11[%swap3A], %scan3A_113 {strides = array<i32>} : memref<16xf32, #tpu.memory_space<vmem>>, vector<16xf32>,
    "tpu.region"() ({
      %run_scoped3A = tpu.sem_alloc : memref<!tpu.dma_semaphore, #tpu.memory_space<semaphore_mem>>
      %dma_start3A_116 = arith.constant 0 : i32
      %dma_start3A_117 = arith.constant 0 : i32
      %dma_start3A_118 = tpu.memref_slice %arg5[%dma_start3A_116, %mul3A_2, %dma_start3A_117] : memref<16x64x1024xf32, #tpu.memory_space<hbm>> -> memref<16x2x1024xf32, #tpu.memory_space<hbm>>
      %dma_start3A_119 = arith.constant 0 : i32
      %dma_start3A_120 = arith.constant 0 : i32
      %dma_start3A_121 = tpu.memref_slice %arg5[%dma_start3A_119, %mul3A_2, %dma_start3A_120] : memref<16x64x1024xf32, #tpu.memory_space<hbm>> -> memref<16x2x1024xf32, #tpu.memory_space<hbm>>
      tpu.enqueue_dma source(%arg10 : memref<16x2x1024xf32, #tpu.memory_space<vmem>>) target(%dma_start3A_121 : memref<16x2x1024xf32, #tpu.memory_space<hbm>>) target_semaphore(%run_scoped3A : memref<!tpu.dma_semaphore, #tpu.memory_space<semaphore_mem>>)
      %dma_wait3A_122 = arith.constant 0 : i32
      %dma_wait3A_123 = arith.constant 0 : i32
      %dma_wait3A_124 = tpu.memref_slice %arg5[%dma_wait3A_122, %mul3A_2, %dma_wait3A_123] : memref<16x64x1024xf32, #tpu.memory_space<hbm>> -> memref<16x2x1024xf32, #tpu.memory_space<hbm>>
      %dma_wait3A_125 = arith.constant 0 : i32
      %dma_wait3A_126 = arith.constant 0 : i32
      %dma_wait3A_127 = tpu.memref_slice %arg5[%dma_wait3A_125, %mul3A_2, %dma_wait3A_126] : memref<16x64x1024xf32, #tpu.memory_space<hbm>> -> memref<16x2x1024xf32, #tpu.memory_space<hbm>>
      tpu.wait_dma2 semaphore(%run_scoped3A : memref<!tpu.dma_semaphore, #tpu.memory_space<semaphore_mem>>) src(%arg10 : memref<16x2x1024xf32, #tpu.memory_space<vmem>>) dst(%dma_wait3A_127 : memref<16x2x1024xf32, #tpu.memory_space<hbm>>)
      tpu.yield
    }) : () -> ()
    "tpu.region"() ({
      %run_scoped3A = tpu.sem_alloc : memref<!tpu.dma_semaphore, #tpu.memory_space<semaphore_mem>>
      %dma_start3A_116 = arith.constant 0 : i32
      %dma_start3A_117 = tpu.memref_slice %arg6[%add3A, %dma_start3A_116] : memref<32x16xf32, #tpu.memory_space<hbm>> -> memref<1x16xf32, #tpu.memory_space<hbm>>
      %dma_start3A_118 = tpu.memref_squeeze %dma_start3A_117 : memref<1x16xf32, #tpu.memory_space<hbm>> -> memref<16xf32, #tpu.memory_space<hbm>>
      %dma_start3A_119 = arith.constant 0 : i32
      %dma_start3A_120 = tpu.memref_slice %arg6[%add3A, %dma_start3A_119] : memref<32x16xf32, #tpu.memory_space<hbm>> -> memref<1x16xf32, #tpu.memory_space<hbm>>
      %dma_start3A_121 = tpu.memref_squeeze %dma_start3A_120 : memref<1x16xf32, #tpu.memory_space<hbm>> -> memref<16xf32, #tpu.memory_space<hbm>>
      tpu.enqueue_dma source(%arg11 : memref<16xf32, #tpu.memory_space<vmem>>) target(%dma_start3A_121 : memref<16xf32, #tpu.memory_space<hbm>>) target_semaphore(%run_scoped3A : memref<!tpu.dma_semaphore, #tpu.memory_space<semaphore_mem>>)
      %dma_wait3A_122 = arith.constant 0 : i32
      %dma_wait3A_123 = tpu.memref_slice %arg6[%add3A, %dma_wait3A_122] : memref<32x16xf32, #tpu.memory_space<hbm>> -> memref<1x16xf32, #tpu.memory_space<hbm>>
      %dma_wait3A_124 = tpu.memref_squeeze %dma_wait3A_123 : memref<1x16xf32, #tpu.memory_space<hbm>> -> memref<16xf32, #tpu.memory_space<hbm>>
      %dma_wait3A_125 = arith.constant 0 : i32
      %dma_wait3A_126 = tpu.memref_slice %arg6[%add3A, %dma_wait3A_125] : memref<32x16xf32, #tpu.memory_space<hbm>> -> memref<1x16xf32, #tpu.memory_space<hbm>>
      %dma_wait3A_127 = tpu.memref_squeeze %dma_wait3A_126 : memref<1x16xf32, #tpu.memory_space<hbm>> -> memref<16xf32, #tpu.memory_space<hbm>>
      tpu.wait_dma2 semaphore(%run_scoped3A : memref<!tpu.dma_semaphore, #tpu.memory_space<semaphore_mem>>) src(%arg11 : memref<16xf32, #tpu.memory_space<vmem>>) dst(%dma_wait3A_127 : memref<16xf32, #tpu.memory_space<hbm>>)
      tpu.yield
    }) : () -> ()
    return
  }
}

module attributes {stable_mosaic.version = 14 : i64} {
  func.func @_tc_body(%arg0: i32, %arg1: memref<4x64x1024xf32, #tpu.memory_space<vmem>>, %arg2: memref<1024x64xf32, #tpu.memory_space<vmem>>, %arg3: memref<4x1x1024xi32, #tpu.memory_space<vmem>>, %arg4: memref<64x1024xf32, #tpu.memory_space<vmem>>) attributes {dimension_semantics = [#tpu.dimension_semantics<arbitrary>], iteration_bounds = array<i64: 4>, scalar_prefetch = 0 : i64, scratch_operands = 0 : i64, tpu.core_type = #tpu.core_type<tc>, window_params = [{transform_indices = @transform_0, window_bounds = array<i64: 4, 64, 1024>}, {pipeline_mode = #tpu.pipeline_mode<synchronous>, transform_indices = @transform_1, window_bounds = array<i64: 1024, 64>}, {transform_indices = @transform_2, window_bounds = array<i64: 4, 1, 1024>}, {pipeline_mode = #tpu.pipeline_mode<synchronous>, transform_indices = @transform_3, window_bounds = array<i64: 64, 1024>}]} {
    %get3A = arith.constant 0 : index
    %get3A_0 = arith.constant 0 : index
    %get3A_1 = vector.load %arg2[%get3A, %get3A_0] : memref<1024x64xf32, #tpu.memory_space<vmem>>, vector<1024x64xf32>
    %add3A = arith.addf %get3A_1, %get3A_1 : vector<1024x64xf32>
    %mul3A = arith.mulf %get3A_1, %get3A_1 : vector<1024x64xf32>
    %reduce_sum3A = arith.constant dense<0.000000e+00> : vector<1024xf32>
    %reduce_sum3A_2 = vector.multi_reduction <add>, %mul3A, %reduce_sum3A [1] : vector<1024x64xf32> to vector<1024xf32>
    %eq3A = arith.constant 0 : i32
    %eq3A_3 = arith.cmpi eq, %arg0, %eq3A : i32
    %convert_element_type3A = arith.extui %eq3A_3 : i1 to i32
    %cond3A = arith.constant 0 : i32
    %cond3A_4 = arith.cmpi ne, %convert_element_type3A, %cond3A : i32
    scf.if %cond3A_4 {
      %transpose3A = tpu.transpose %get3A_1, [1, 0] : vector<1024x64xf32> -> vector<64x1024xf32>
      %swap3A_92 = arith.constant 0 : index
      %swap3A_93 = arith.constant 0 : index
      %swap3A_94 = vector.load %arg4[%swap3A_92, %swap3A_93] : memref<64x1024xf32, #tpu.memory_space<vmem>>, vector<64x1024xf32>
      tpu.vector_store %arg4[%swap3A_92, %swap3A_93], %transpose3A {strides = array<i32>} : memref<64x1024xf32, #tpu.memory_space<vmem>>, vector<64x1024xf32>,
    } else {
    }
    %get3A_5 = arith.constant 0 : index
    %get3A_6 = arith.constant 0 : index
    %get3A_7 = arith.constant 0 : index
    %get3A_8 = vector.load %arg1[%get3A_5, %get3A_6, %get3A_7] : memref<4x64x1024xf32, #tpu.memory_space<vmem>>, vector<1x64x1024xf32>
    %get3A_9 = vector.shape_cast %get3A_8 : vector<1x64x1024xf32> to vector<64x1024xf32>
    %dot_general3A = arith.constant dense<0.000000e+00> : vector<1024x1024xf32>
    %dot_general3A_10 = tpu.matmul %add3A, %get3A_9, %dot_general3A {dimension_numbers = #tpu.dot_dimension_numbers<[1], [0], [0], [1], [0, 0, 1, 1], [], []>, transpose_lhs_hint = false} : vector<1024x64xf32>, vector<64x1024xf32>, vector<1024x1024xf32> -> vector<1024x1024xf32>
    %mul3A_11 = arith.mulf %get3A_9, %get3A_9 : vector<64x1024xf32>
    %reduce_sum3A_12 = arith.constant dense<0.000000e+00> : vector<1024xf32>
    %reduce_sum3A_13 = vector.multi_reduction <add>, %mul3A_11, %reduce_sum3A_12 [0] : vector<64x1024xf32> to vector<1024xf32>
    %broadcast_in_dim3A = vector.shape_cast %reduce_sum3A_13 : vector<1024xf32> to vector<1x1024xf32>
    %broadcast_in_dim3A_14 = vector.shape_cast %reduce_sum3A_2 : vector<1024xf32> to vector<1024x1xf32>
    %add3A_15 = vector.broadcast %broadcast_in_dim3A : vector<1x1024xf32> to vector<1024x1024xf32>
    %add3A_16 = vector.broadcast %broadcast_in_dim3A_14 : vector<1024x1xf32> to vector<1024x1024xf32>
    %add3A_17 = arith.addf %add3A_15, %add3A_16 : vector<1024x1024xf32>
    %sub3A = arith.subf %add3A_17, %dot_general3A_10 : vector<1024x1024xf32>
    %argmin3A = tpu.reduce_index %sub3A {axis = 0 : i32, kind = #tpu.reduction_kind<arg_min>} : vector<1024x1024xf32> -> vector<1024xi32>
    %swap3A = arith.constant 0 : index
    %swap3A_18 = arith.constant 0 : index
    %swap3A_19 = arith.constant 0 : index
    %swap3A_20 = vector.load %arg3[%swap3A, %swap3A_18, %swap3A_19] : memref<4x1x1024xi32, #tpu.memory_space<vmem>>, vector<1x1x1024xi32>
    %swap3A_21 = vector.shape_cast %swap3A_20 : vector<1x1x1024xi32> to vector<1024xi32>
    %swap3A_22 = vector.shape_cast %argmin3A : vector<1024xi32> to vector<1x1x1024xi32>
    tpu.vector_store %arg3[%swap3A, %swap3A_18, %swap3A_19], %swap3A_22 {strides = array<i32>} : memref<4x1x1024xi32, #tpu.memory_space<vmem>>, vector<1x1x1024xi32>,
    %get3A_23 = arith.constant 1 : index
    %get3A_24 = arith.constant 0 : index
    %get3A_25 = arith.constant 0 : index
    %get3A_26 = vector.load %arg1[%get3A_23, %get3A_24, %get3A_25] : memref<4x64x1024xf32, #tpu.memory_space<vmem>>, vector<1x64x1024xf32>
    %get3A_27 = vector.shape_cast %get3A_26 : vector<1x64x1024xf32> to vector<64x1024xf32>
    %dot_general3A_28 = arith.constant dense<0.000000e+00> : vector<1024x1024xf32>
    %dot_general3A_29 = tpu.matmul %add3A, %get3A_27, %dot_general3A_28 {dimension_numbers = #tpu.dot_dimension_numbers<[1], [0], [0], [1], [0, 0, 1, 1], [], []>, transpose_lhs_hint = false} : vector<1024x64xf32>, vector<64x1024xf32>, vector<1024x1024xf32> -> vector<1024x1024xf32>
    %mul3A_30 = arith.mulf %get3A_27, %get3A_27 : vector<64x1024xf32>
    %reduce_sum3A_31 = arith.constant dense<0.000000e+00> : vector<1024xf32>
    %reduce_sum3A_32 = vector.multi_reduction <add>, %mul3A_30, %reduce_sum3A_31 [0] : vector<64x1024xf32> to vector<1024xf32>
    %broadcast_in_dim3A_33 = vector.shape_cast %reduce_sum3A_32 : vector<1024xf32> to vector<1x1024xf32>
    %broadcast_in_dim3A_34 = vector.shape_cast %reduce_sum3A_2 : vector<1024xf32> to vector<1024x1xf32>
    %add3A_35 = vector.broadcast %broadcast_in_dim3A_33 : vector<1x1024xf32> to vector<1024x1024xf32>
    %add3A_36 = vector.broadcast %broadcast_in_dim3A_34 : vector<1024x1xf32> to vector<1024x1024xf32>
    %add3A_37 = arith.addf %add3A_35, %add3A_36 : vector<1024x1024xf32>
    %sub3A_38 = arith.subf %add3A_37, %dot_general3A_29 : vector<1024x1024xf32>
    %argmin3A_39 = tpu.reduce_index %sub3A_38 {axis = 0 : i32, kind = #tpu.reduction_kind<arg_min>} : vector<1024x1024xf32> -> vector<1024xi32>
    %swap3A_40 = arith.constant 1 : index
    %swap3A_41 = arith.constant 0 : index
    %swap3A_42 = arith.constant 0 : index
    %swap3A_43 = vector.load %arg3[%swap3A_40, %swap3A_41, %swap3A_42] : memref<4x1x1024xi32, #tpu.memory_space<vmem>>, vector<1x1x1024xi32>
    %swap3A_44 = vector.shape_cast %swap3A_43 : vector<1x1x1024xi32> to vector<1024xi32>
    %swap3A_45 = vector.shape_cast %argmin3A_39 : vector<1024xi32> to vector<1x1x1024xi32>
    tpu.vector_store %arg3[%swap3A_40, %swap3A_41, %swap3A_42], %swap3A_45 {strides = array<i32>} : memref<4x1x1024xi32, #tpu.memory_space<vmem>>, vector<1x1x1024xi32>,
    %get3A_46 = arith.constant 2 : index
    %get3A_47 = arith.constant 0 : index
    %get3A_48 = arith.constant 0 : index
    %get3A_49 = vector.load %arg1[%get3A_46, %get3A_47, %get3A_48] : memref<4x64x1024xf32, #tpu.memory_space<vmem>>, vector<1x64x1024xf32>
    %get3A_50 = vector.shape_cast %get3A_49 : vector<1x64x1024xf32> to vector<64x1024xf32>
    %dot_general3A_51 = arith.constant dense<0.000000e+00> : vector<1024x1024xf32>
    %dot_general3A_52 = tpu.matmul %add3A, %get3A_50, %dot_general3A_51 {dimension_numbers = #tpu.dot_dimension_numbers<[1], [0], [0], [1], [0, 0, 1, 1], [], []>, transpose_lhs_hint = false} : vector<1024x64xf32>, vector<64x1024xf32>, vector<1024x1024xf32> -> vector<1024x1024xf32>
    %mul3A_53 = arith.mulf %get3A_50, %get3A_50 : vector<64x1024xf32>
    %reduce_sum3A_54 = arith.constant dense<0.000000e+00> : vector<1024xf32>
    %reduce_sum3A_55 = vector.multi_reduction <add>, %mul3A_53, %reduce_sum3A_54 [0] : vector<64x1024xf32> to vector<1024xf32>
    %broadcast_in_dim3A_56 = vector.shape_cast %reduce_sum3A_55 : vector<1024xf32> to vector<1x1024xf32>
    %broadcast_in_dim3A_57 = vector.shape_cast %reduce_sum3A_2 : vector<1024xf32> to vector<1024x1xf32>
    %add3A_58 = vector.broadcast %broadcast_in_dim3A_56 : vector<1x1024xf32> to vector<1024x1024xf32>
    %add3A_59 = vector.broadcast %broadcast_in_dim3A_57 : vector<1024x1xf32> to vector<1024x1024xf32>
    %add3A_60 = arith.addf %add3A_58, %add3A_59 : vector<1024x1024xf32>
    %sub3A_61 = arith.subf %add3A_60, %dot_general3A_52 : vector<1024x1024xf32>
    %argmin3A_62 = tpu.reduce_index %sub3A_61 {axis = 0 : i32, kind = #tpu.reduction_kind<arg_min>} : vector<1024x1024xf32> -> vector<1024xi32>
    %swap3A_63 = arith.constant 2 : index
    %swap3A_64 = arith.constant 0 : index
    %swap3A_65 = arith.constant 0 : index
    %swap3A_66 = vector.load %arg3[%swap3A_63, %swap3A_64, %swap3A_65] : memref<4x1x1024xi32, #tpu.memory_space<vmem>>, vector<1x1x1024xi32>
    %swap3A_67 = vector.shape_cast %swap3A_66 : vector<1x1x1024xi32> to vector<1024xi32>
    %swap3A_68 = vector.shape_cast %argmin3A_62 : vector<1024xi32> to vector<1x1x1024xi32>
    tpu.vector_store %arg3[%swap3A_63, %swap3A_64, %swap3A_65], %swap3A_68 {strides = array<i32>} : memref<4x1x1024xi32, #tpu.memory_space<vmem>>, vector<1x1x1024xi32>,
    %get3A_69 = arith.constant 3 : index
    %get3A_70 = arith.constant 0 : index
    %get3A_71 = arith.constant 0 : index
    %get3A_72 = vector.load %arg1[%get3A_69, %get3A_70, %get3A_71] : memref<4x64x1024xf32, #tpu.memory_space<vmem>>, vector<1x64x1024xf32>
    %get3A_73 = vector.shape_cast %get3A_72 : vector<1x64x1024xf32> to vector<64x1024xf32>
    %dot_general3A_74 = arith.constant dense<0.000000e+00> : vector<1024x1024xf32>
    %dot_general3A_75 = tpu.matmul %add3A, %get3A_73, %dot_general3A_74 {dimension_numbers = #tpu.dot_dimension_numbers<[1], [0], [0], [1], [0, 0, 1, 1], [], []>, transpose_lhs_hint = false} : vector<1024x64xf32>, vector<64x1024xf32>, vector<1024x1024xf32> -> vector<1024x1024xf32>
    %mul3A_76 = arith.mulf %get3A_73, %get3A_73 : vector<64x1024xf32>
    %reduce_sum3A_77 = arith.constant dense<0.000000e+00> : vector<1024xf32>
    %reduce_sum3A_78 = vector.multi_reduction <add>, %mul3A_76, %reduce_sum3A_77 [0] : vector<64x1024xf32> to vector<1024xf32>
    %broadcast_in_dim3A_79 = vector.shape_cast %reduce_sum3A_78 : vector<1024xf32> to vector<1x1024xf32>
    %broadcast_in_dim3A_80 = vector.shape_cast %reduce_sum3A_2 : vector<1024xf32> to vector<1024x1xf32>
    %add3A_81 = vector.broadcast %broadcast_in_dim3A_79 : vector<1x1024xf32> to vector<1024x1024xf32>
    %add3A_82 = vector.broadcast %broadcast_in_dim3A_80 : vector<1024x1xf32> to vector<1024x1024xf32>
    %add3A_83 = arith.addf %add3A_81, %add3A_82 : vector<1024x1024xf32>
    %sub3A_84 = arith.subf %add3A_83, %dot_general3A_75 : vector<1024x1024xf32>
    %argmin3A_85 = tpu.reduce_index %sub3A_84 {axis = 0 : i32, kind = #tpu.reduction_kind<arg_min>} : vector<1024x1024xf32> -> vector<1024xi32>
    %swap3A_86 = arith.constant 3 : index
    %swap3A_87 = arith.constant 0 : index
    %swap3A_88 = arith.constant 0 : index
    %swap3A_89 = vector.load %arg3[%swap3A_86, %swap3A_87, %swap3A_88] : memref<4x1x1024xi32, #tpu.memory_space<vmem>>, vector<1x1x1024xi32>
    %swap3A_90 = vector.shape_cast %swap3A_89 : vector<1x1x1024xi32> to vector<1024xi32>
    %swap3A_91 = vector.shape_cast %argmin3A_85 : vector<1024xi32> to vector<1x1x1024xi32>
    tpu.vector_store %arg3[%swap3A_86, %swap3A_87, %swap3A_88], %swap3A_91 {strides = array<i32>} : memref<4x1x1024xi32, #tpu.memory_space<vmem>>, vector<1x1x1024xi32>,
    return
  }
  func.func @transform_0(%arg0: i32) -> (i32, i32, i32) {
    %c0_i32 = arith.constant 0 : i32
    %c0_i32_0 = arith.constant 0 : i32
    %c0_i32_1 = arith.constant 0 : i32
    return %arg0, %c0_i32, %c0_i32_0 : i32, i32, i32
  }
  func.func @transform_1(%arg0: i32) -> (i32, i32) {
    %c0_i32 = arith.constant 0 : i32
    %c0_i32_0 = arith.constant 0 : i32
    %c0_i32_1 = arith.constant 0 : i32
    return %c0_i32, %c0_i32_0 : i32, i32
  }
  func.func @transform_2(%arg0: i32) -> (i32, i32, i32) {
    %c0_i32 = arith.constant 0 : i32
    %c0_i32_0 = arith.constant 0 : i32
    %c0_i32_1 = arith.constant 0 : i32
    return %arg0, %c0_i32, %c0_i32_0 : i32, i32, i32
  }
  func.func @transform_3(%arg0: i32) -> (i32, i32) {
    %c0_i32 = arith.constant 0 : i32
    %c0_i32_0 = arith.constant 0 : i32
    %c0_i32_1 = arith.constant 0 : i32
    return %c0_i32, %c0_i32_0 : i32, i32
  }
}

</mosaic_0001>

<sc_bundles>
// kernel: kernel.4.cloned.1.call-start
scs
__scs_entry_jumppad:
0x0: {  	(pc) =	sbr.rel $0x88, $3  }
0x1: {  	(tag) =	ssettag $0x0;
	lr =	simm.s32 $0x1  }
0x2: {  	[smem:$0x3F9F] =	sst lr;
	_ =	strace $0xD0000000  }
0x3: {  	_ = 	snop  }
0x4: {  	_ = 	snop  }
0x5: {  	_ = 	snop  }
0x6: {  	_ = 	snop  }
0x7: {  	_ = 	snop  }
__scs_overlays_trampoline_lowered:
0x8: {  	[smem:$0x3FAE] =	sst s0  }
0x9: {  	[smem:$0x3FAF] =	sst s1  }
0xa: {  	[smem:$0x3FB0] =	sst s2  }
0xb: {  	[smem:$0x3FB1] =	sst s3  }
0xc: {  	[smem:$0x3FB2] =	sst s4  }
0xd: {  	[smem:$0x3FB3] =	sst s5  }
0xe: {  	[smem:$0x3FB4] =	sst s6  }
0xf: {  	[smem:$0x3FB5] =	sst s7  }
0x10: {  	[smem:$0x3FB6] =	sst s8  }
0x11: {  	[smem:$0x3FB7] =	sst s9;
	s0 =	simm.s32 @!p0 $0x0  }
0x12: {  	s1 =	sld [smem:$0x3F9D];
	s0 =	simm.s32 @p0 $0x1  }
0x13: {  	[smem:$0x3FB8] =	sst s0;
	s0 =	simm.s32 @!p1 $0x0  }
0x14: {  	s2 =	sld [smem:$0x3F9C];
	s0 =	simm.s32 @p1 $0x1  }
0x15: {  	[smem:$0x3FB9] =	sst s0;
	s0 =	simm.s32 @!p2 $0x0  }
0x16: {  	s3 =	sld [smem:$0x3FDB];
	s0 =	simm.s32 @p2 $0x1  }
0x17: {  	s4 =	simm.s32 $0x1BF5;
	[smem:$0x3FBB] =	sst s0  }
0x18: {  	s0 =	sld [smem:$0x3F9E];
	_ =	swait.ge [sflag:s4], $0x0  }
0x19: {  	s7 =	sld [smem:$0x3F9F]  }
0x1a: {  	s8 =	sadd.s32 $0xFFFFE003, lr  }
0x1b: {  	s9 =	sadd.s32 $0xFFFFFEF7, lr;
	s5 =	simm.s32 $0xFFFFFFFF;
	p2 =	slt.u32 s8, $0xFFFFF086  }
0x1c: {  	p1 =	slt.u32 s9, $0xF7A;
	s5 =	simm.s32 @!p2 $0x0  }
0x1d: {  	s5 =	simm.s32 @p1 $0x1;
	p0 =	seq.s32 s7, s2  }
0x1e: {  	s7 =	smul.u32 @!p0 $0xF7A, s2;
	p2 =	seq.s32 @!p0 s5, $0x0  }
0x1f: {  	s9 =	smul.u32 $0xF7A, s1;
	s8 =	simm.s32 @!p0 $0x1BF5;
	p2 =	por !p2, p0  }
0x20: {  	[sflag:s8] =	ssyncset.s32 @!p0 $0xFFFFF086;
	s6 =	sadd.s32 @!p0 s3, s7;
	s7 =	simm.s32 @!p0 $0x108  }
0x21: {  	s3 =	sadd.s32 s3, s9;
	s6 =	sadd.s32 @!p0 $0x88, s6;
	s7 =	simm.s32 @p2 $0x1082  }
0x22: {  	[simem:s7], [sflag:s8] =	dma.local @!p0 [hbm:s6], $0xF7A  }
0x23: {  	s9 =	sor.u32 $0xD0000000, s2;
	s6 =	simm.s32 $0x108;
	_ =	swait.ge @!p0 [sflag:s8], $0x0  }
0x24: {  	s3 =	sadd.s32 $0x88, s3;
	s6 =	simm.s32 @!p1 $0x1082;
	[sflag:s4] =	ssyncset.s32 $0xFFFFF086  }
0x25: {  	[simem:s6], [sflag:s4] =	dma.local [hbm:s3], $0xF7A  }
0x26: {  	[smem:$0x3F9F] =	sst s1;
	(tag) =	ssettag s2;
	_ =	strace s9  }
0x27: {  	s1 =	sld [smem:$0x3FAF]  }
0x28: {  	s2 =	sld [smem:$0x3FB0]  }
0x29: {  	s4 =	sld [smem:$0x3FB2]  }
0x2a: {  	p0 =	seq.s32 s5, $0x0;
	s5 =	sld [smem:$0x3FB3]  }
0x2b: {  	s6 =	sld [smem:$0x3FB4]  }
0x2c: {  	s7 =	sld [smem:$0x3FB5]  }
0x2d: {  	s3 =	simm.s32 $0x108;
	s8 =	sld [smem:$0x3FB6]  }
0x2e: {  	s3 =	simm.s32 @!p0 $0x1082;
	s9 =	sld [smem:$0x3FB7]  }
0x2f: {  	lr =	sadd.s32 s0, s3;
	s0 =	sld [smem:$0x3FAE]  }
0x30: {  	s3 =	sld [smem:$0x3FB1]  }
0x31: {  	[smem:$0x3FBA] =	sst s10  }
0x32: {  	s10 =	sld [smem:$0x3FB8];
	_ =	sdelay $0x3  }
0x33: {  	p0 =	seq.s32 s10, $0x1;
	s10 =	sld [smem:$0x3FBA];
	_ =	sdelay $0x3  }
0x34: {  	[smem:$0x3FBA] =	sst s10  }
0x35: {  	s10 =	sld [smem:$0x3FB9];
	_ =	sdelay $0x3  }
0x36: {  	p1 =	seq.s32 s10, $0x1;
	s10 =	sld [smem:$0x3FBA];
	_ =	sdelay $0x3  }
0x37: {  	[smem:$0x3FBA] =	sst s10  }
0x38: {  	s10 =	sld [smem:$0x3FBB]  }
0x39: {  	_ = 	snop;
	(pc) =	sbr.ind lr, $3  }
0x3a: {  	_ = 	snop  }
0x3b: {  	_ = 	snop  }
0x3c: {  	p2 =	seq.s32 s10, $0x1;
	s10 =	sld [smem:$0x3FBA]  }
0x3d: {  	_ =	shalt  }
0x3e: {  	_ =	shalt  }
0x3f: {  	_ =	shalt  }
0x40: {  	_ =	shalt  }
0x41: {  	_ =	shalt  }
0x42: {  	_ =	shalt  }
0x43: {  	_ =	shalt  }
0x44: {  	_ =	shalt  }
0x45: {  	_ =	shalt  }
0x46: {  	_ =	shalt  }
0x47: {  	_ =	shalt  }
0x48: {  	_ =	shalt  }
0x49: {  	_ =	shalt  }
0x4a: {  	_ =	shalt  }
0x4b: {  	_ =	shalt  }
0x4c: {  	_ =	shalt  }
0x4d: {  	_ =	shalt  }
0x4e: {  	_ =	shalt  }
0x4f: {  	_ =	shalt  }
0x50: {  	_ =	shalt  }
0x51: {  	_ =	shalt  }
0x52: {  	_ =	shalt  }
0x53: {  	_ =	shalt  }
0x54: {  	_ =	shalt  }
0x55: {  	_ =	shalt  }
0x56: {  	_ =	shalt  }
0x57: {  	_ =	shalt  }
0x58: {  	_ =	shalt  }
0x59: {  	_ =	shalt  }
0x5a: {  	_ =	shalt  }
0x5b: {  	_ =	shalt  }
0x5c: {  	_ =	shalt  }
0x5d: {  	_ =	shalt  }
0x5e: {  	_ =	shalt  }
0x5f: {  	_ =	shalt  }
0x60: {  	_ =	shalt  }
0x61: {  	_ =	shalt  }
0x62: {  	_ =	shalt  }
0x63: {  	_ =	shalt  }
0x64: {  	_ =	shalt  }
0x65: {  	_ =	shalt  }
0x66: {  	_ =	shalt  }
0x67: {  	_ =	shalt  }
0x68: {  	_ =	shalt  }
0x69: {  	_ =	shalt  }
0x6a: {  	_ =	shalt  }
0x6b: {  	_ =	shalt  }
0x6c: {  	_ =	shalt  }
0x6d: {  	_ =	shalt  }
0x6e: {  	_ =	shalt  }
0x6f: {  	_ =	shalt  }
0x70: {  	_ =	shalt  }
0x71: {  	_ =	shalt  }
0x72: {  	_ =	shalt  }
0x73: {  	_ =	shalt  }
0x74: {  	_ =	shalt  }
0x75: {  	_ =	shalt  }
0x76: {  	_ =	shalt  }
0x77: {  	_ =	shalt  }
0x78: {  	_ =	shalt  }
0x79: {  	_ =	shalt  }
0x7a: {  	_ =	shalt  }
0x7b: {  	_ =	shalt  }
0x7c: {  	_ =	shalt  }
0x7d: {  	_ =	shalt  }
0x7e: {  	_ =	shalt  }
0x7f: {  	_ =	shalt  }
0x80: {  	_ =	shalt  }
0x81: {  	_ =	shalt  }
0x82: {  	_ =	shalt  }
0x83: {  	_ =	shalt  }
0x84: {  	_ =	shalt  }
0x85: {  	_ =	shalt  }
0x86: {  	_ =	shalt  }
0x87: {  	_ =	shalt  }
.Lfunc_end0:
.L_simem_size_0:
called_computation_lowered:
.L_overlay_start_0:
0x88: {  	s2 =	sld [smem:$0x3FD9]  }
0x89: {  	s3 =	sld [smem:$0x3FFE];
	_ =	sdelay $0x1  }
0x8a: {  	s1 =	srdreg.scid  }
0x8b: {  	s0 =	sand.u32 $0x1, s1  }
0x8c: {  	s14 =	sshll.u32 s0, $0xA;
	s2 =	sadd.s32 s3, s2  }
0x8d: {  	s2 =	sadd.s32 s2, s14  }
0x8e: {  	[smem:$0x3FC6] =	sst s2  }
0x8f: {  	_ = 	snop  }
0x90: {  	s2 =	sld [smem:$0x3FD0];
	_ =	sdelay $0x2  }
0x91: {  	s15 =	simm.s32 $0xA;
	s4 =	simm.s32 $0x10  }
0x92: {  	[smem:s4], [sflag:s15] =	dma.local [hbm:s2], $0x1  }
0x93: {  	_ =	swait.eq [sflag:s15], $0x1  }
0x94: {  	[sflag:s15] =	ssyncset.done $0x0  }
0x95: {  	s16 =	sld [smem:$0x11];
	[sflag:s15] =	ssyncadd.s32 $0xFFFFFFFF  }
0x96: {  	s17 =	sld [smem:$0x12];
	(tm) =	ssettm $0x1  }
0x97: {  	s18 =	sld [smem:$0x3FFB];
	_ =	sdelay $0x3  }
0x98: {  	_ =	strace s18  }
0x99: {  	s4 =	sld [smem:$0x3FFC];
	_ =	sdelay $0x3  }
0x9a: {  	_ =	strace s4  }
0x9b: {  	s4 =	sld [smem:$0x3FFD];
	_ =	sdelay $0x3  }
0x9c: {  	_ =	strace s4  }
0x9d: {  	_ =	strace $0x8FFFFFFF  }
0x9e: {  	s19 =	sld [smem:$0x3FDB];
	_ =	sdelay $0x1  }
0x9f: {  	s5 =	simm.s32 $_scs_section_size  }
0xa0: {  	s6 =	simm.s32 $_size__tile_overlayer_lowered;
	s7 =	simm.s32 $_tile_overlayer_lowered  }
0xa1: {  	s22 =	simm.s32 $0x1BFF;
	s21 =	sshll.u32 s7, $0x1;
	s4 =	sadd.s32 s5, s19  }
0xa2: {  	s8 =	simm.s32 $0x0;
	s20 =	sshll.u32 s6, $0x1;
	s6 =	sadd.s32 s21, s4  }
0xa3: {  	[timem:s8], [sflag:s22] =	dma.local [hbm:s6], s20  }
0xa4: {  	_ =	swait.ge [sflag:s22], s20  }
0xa5: {  	s5 =	ssub.s32 $0x0, s20;
	[sflag:s22] =	ssyncset.done $0x0  }
0xa6: {  	[sflag:s22] =	ssyncadd.s32 s5;
	_ =	sdelay $0x1  }
0xa7: {  	s23 =	simm.s32 $0x1B8B  }
0xa8: {  	_ =	swait.ge [sflag:s23], $0x1  }
0xa9: {  	[sflag:s23] =	ssyncset.done $0x0  }
0xaa: {  	s25 =	simm.s32 $0x1B8E;
	s24 =	sld [smem:$0x3FFE];
	[sflag:s23] =	ssyncadd.s32 $0xFFFFFFFF  }
0xab: {  	s26 =	simm.s32 $execute0_lowered;
	[smem:$0x3FD2] =	sst s25  }
0xac: {  	s6 =	sshll.u32 s26, $0x1;
	_ =	strace $0x80000046;
	[dreg:$0x1] =	wrdreg $0xFFFFFFFF  }
0xad: {  	s28 =	simm.s32 $_size_execute0_lowered;
	s4 =	sadd.s32 s4, s6;
	[dreg:$0x0] =	wrdreg $0x0  }
0xae: {  	s6 =	sshll.u32 s28, $0x1;
	[dreg:$0x2] =	wrdreg s4  }
0xaf: {  	[dreg:$0x3] =	wrdreg s6  }
0xb0: {  	[dreg:$0x4] =	wrdreg $0xC0  }
0xb1: {  	_ =	task [dreg:s8], $0x5FFFF  }
0xb2: {  	[dreg:$0x1] =	wrdreg $0xFFFFFFFF  }
0xb3: {  	[dreg:$0x0] =	wrdreg $0x60  }
0xb4: {  	[dreg:$0x2] =	wrdreg s24  }
0xb5: {  	[dreg:$0x3] =	wrdreg s17  }
0xb6: {  	[dreg:$0x4] =	wrdreg s16  }
0xb7: {  	[dreg:$0x5] =	wrdreg $0x9  }
0xb8: {  	_ =	task.clear_ibuf [dreg:s8], $0x6FFFF;
	_ =	strace $0x90000046  }
0xb9: {  	s29 =	simm.s32 $0x9;
	_ =	strace $0x80000048  }
0xba: {  	_ =	swait.ge [sflag:s29], $0x1  }
0xbb: {  	[sflag:s29] =	ssyncadd.s32 $0xFFFFFFFF  }
0xbc: {  	_ =	strace $0x90000048  }
0xbd: {  	_ =	sfence  }
0xbe: {  	s30 =	sld [smem:$0x0];
	_ =	sdelay $0x2  }
0xbf: {  	s31 =	sshll.u32 s1, $0xD;
	s1 =	sshrl.u32 s1, $0x2  }
0xc0: {  	s3 =	sand.u32 $0x4000, s31;
	s1 =	sadd.s32 s1, s30  }
0xc1: {  	s0 =	sor.u32 s3, s0;
	s1 =	sshll.u32 s1, $0x11  }
0xc2: {  	s0 =	sor.u32 s1, s0  }
0xc3: {  	s0 =	sadd.s32 $0x8F2B, s0  }
0xc4: {  	[sflag:s0] =	ssyncadd.remote.s32 $0x1  }
0xc5: {  	_ =	sfence.sel $0xFFFF  }
0xc6: {  	[dreg:$0x0] =	wrdreg $0xFFFFFFFF;
	(pc) =	sbr.abs _section_cstart, $3  }
0xc7: {  	[dreg:$0x1] =	wrdreg $0xFFFFFFFF  }
0xc8: {  	_ =	task.clear_ibuf [dreg:s8], $0x2FFFF;
	_ =	strace $0x9FFFFFFF  }
0xc9: {  	(tm) =	ssettm $0x7FFFFFFF  }
tec
execute0_lowered:
.L_overlay_start_1:
0x0: {  	(tag) =	ssettag $0x1  }
0x1: {  	s0 =	rddreg [dreg:$0x0]  }
0x2: {  	s1 =	srdreg.scid;
	s6 =	stileid.u32  }
0x3: {  	s2 =	rddreg [dreg:$0x2];
	s3 =	simm.s32 $0x0;
	s28 =	simm.s32 $0x2  }
0x4: {  	s29 =	simm.s32 $0x3;
	s1 =	sand.u32 $0x1, s1;
	s4 =	sshll.u32 s6, $0x1  }
0x5: {  	s31 =	simm.s32 $0x4;
	[smem:$0x7FF] =	sst s3;
	s4 =	sor.u32 s1, s4  }
0x6: {  	s6 =	sshll.u32 s6, $0xC;
	s1 =	ssub.s32 $0x2, s1;
	s5 =	sshll.u32 s4, $0x8  }
0x7: {  	s7 =	sshrl.u32 s1, $0x1;
	s6 =	sor.u32 s6, s5;
	s5 =	sadd.s32 s5, s0  }
0x8: {  	_ =	strace $0x80000047;
	s1 =	ssub.s32 s1, s7;
	s21 =	sadd.s32 $0xA00, s5  }
0x9: {  	s6 =	sand.u32 $0xE300, s6;
	s22 =	smax.u32 s1, $0x1;
	[dreg:$0x4] =	wrdreg s21  }
0xa: {  	s4 =	sshll.u32 s4, $0x4;
	s6 =	sshrl.u32 s6, $0x3;
	[dreg:$0x6] =	wrdreg s22  }
0xb: {  	s8 =	sadd.s32 s6, s0;
	s0 =	sadd.s32 s4, s0;
	s5 =	sadd.s32 s2, s6  }
0xc: {  	s6 =	sadd.s32 $0x2A00, s8;
	s0 =	sadd.s32 $0x22A00, s0;
	s23 =	sadd.s32 $0x2000, s5  }
0xd: {  	s24 =	sadd.s32 $0x4000, s5;
	s25 =	sadd.s32 $0x6000, s5;
	s26 =	sadd.s32 $0x8000, s5  }
0xe: {  	s30 =	sadd.s32 $0xA000, s5;
	s14 =	sadd.s32 $0xC000, s5;
	[dreg:$0x5] =	wrdreg s0  }
0xf: {  	s15 =	sadd.s32 $0xE000, s5;
	s16 =	sadd.s32 $0x10000, s5;
	[dreg:$0x7] =	wrdreg s23  }
0x10: {  	s17 =	sadd.s32 $0x12000, s5;
	s18 =	sadd.s32 $0x14000, s5;
	[dreg:$0x8] =	wrdreg s24  }
0x11: {  	s19 =	sadd.s32 $0x16000, s5;
	s20 =	sadd.s32 $0x18000, s5;
	[dreg:$0x9] =	wrdreg s25  }
0x12: {  	s21 =	sadd.s32 $0x1A000, s5;
	s22 =	sadd.s32 $0x1C000, s5;
	[dreg:$0xa] =	wrdreg s26  }
0x13: {  	[dreg:$0xb] =	wrdreg s30;
	s23 =	sadd.s32 $0x1E000, s5;
	s24 =	simm.s32 $0x100  }
0x14: {  	s25 =	simm.s32 $0x400;
	s26 =	simm.s32 $0x1;
	s0 =	simm.s32 $0x0  }
.LBB2_1:
0x15: {  	s1 =	rddreg [dreg:$0x4]  }
0x16: {  	[tilespmem:s3], [sflag:$0x1] =	stream.linear.gather [hbm4b:s1+s3], $0x800, $0x38;
	[tilespmem:$0x14880] =	vst v63  }
0x17: {  	s30 =	simm.s32 $0x800;
	s11 =	rddreg [dreg:$0x1]  }
0x18: {  	[tilespmem:s30], [sflag:$0x2] =	stream.linear.gather [hbm4b:s11+s3], $0x4000, $0x38;
	[tilespmem:$0x14880] =	vst v63  }
0x19: {  	s12 =	simm.s32 $0x4800  }
0x1a: {  	[tilespmem:s12], [sflag:$0x3] =	stream.strided.gather [hbm4b:s5+s24], $0x800, s25, s24, $0x38;
	[tilespmem:$0x14880] =	vst v63  }
0x1b: {  	s13 =	rddreg [dreg:$0x7];
	s2 =	simm.s32 $0x5000  }
0x1c: {  	[tilespmem:s2], [sflag:$0x3] =	stream.strided.gather [hbm4b:s13+s24], $0x800, s25, s24, $0x38;
	[tilespmem:$0x14880] =	vst v63  }
0x1d: {  	s4 =	simm.s32 $0x5800;
	s2 =	rddreg [dreg:$0x8]  }
0x1e: {  	[tilespmem:s4], [sflag:$0x3] =	stream.strided.gather [hbm4b:s2+s24], $0x800, s25, s24, $0x38;
	[tilespmem:$0x14880] =	vst v63  }
0x1f: {  	s7 =	rddreg [dreg:$0x9];
	s8 =	simm.s32 $0x6000  }
0x20: {  	[tilespmem:s8], [sflag:$0x3] =	stream.strided.gather [hbm4b:s7+s24], $0x800, s25, s24, $0x38;
	[tilespmem:$0x14880] =	vst v63  }
0x21: {  	s9 =	rddreg [dreg:$0xa];
	s10 =	simm.s32 $0x6800  }
0x22: {  	[tilespmem:s10], [sflag:$0x3] =	stream.strided.gather [hbm4b:s9+s24], $0x800, s25, s24, $0x38;
	[tilespmem:$0x14880] =	vst v63  }
0x23: {  	s11 =	rddreg [dreg:$0xb];
	s12 =	simm.s32 $0x7000  }
0x24: {  	[tilespmem:s12], [sflag:$0x3] =	stream.strided.gather [hbm4b:s11+s24], $0x800, s25, s24, $0x38;
	[tilespmem:$0x14880] =	vst v63  }
0x25: {  	s13 =	simm.s32 $0x7800  }
0x26: {  	[tilespmem:s13], [sflag:$0x3] =	stream.strided.gather [hbm4b:s14+s24], $0x800, s25, s24, $0x38;
	[tilespmem:$0x14880] =	vst v63  }
0x27: {  	s2 =	simm.s32 $0x8000  }
0x28: {  	[tilespmem:s2], [sflag:$0x3] =	stream.strided.gather [hbm4b:s15+s24], $0x800, s25, s24, $0x38;
	[tilespmem:$0x14880] =	vst v63  }
0x29: {  	s4 =	simm.s32 $0x8800  }
0x2a: {  	[tilespmem:s4], [sflag:$0x3] =	stream.strided.gather [hbm4b:s16+s24], $0x800, s25, s24, $0x38;
	[tilespmem:$0x14880] =	vst v63  }
0x2b: {  	s7 =	simm.s32 $0x9000  }
0x2c: {  	[tilespmem:s7], [sflag:$0x3] =	stream.strided.gather [hbm4b:s17+s24], $0x800, s25, s24, $0x38;
	[tilespmem:$0x14880] =	vst v63  }
0x2d: {  	s8 =	simm.s32 $0x9800  }
0x2e: {  	[tilespmem:s8], [sflag:$0x3] =	stream.strided.gather [hbm4b:s18+s24], $0x800, s25, s24, $0x38;
	[tilespmem:$0x14880] =	vst v63  }
0x2f: {  	s9 =	simm.s32 $0xA000  }
0x30: {  	[tilespmem:s9], [sflag:$0x3] =	stream.strided.gather [hbm4b:s19+s24], $0x800, s25, s24, $0x38;
	[tilespmem:$0x14880] =	vst v63  }
0x31: {  	s10 =	simm.s32 $0xA800  }
0x32: {  	[tilespmem:s10], [sflag:$0x3] =	stream.strided.gather [hbm4b:s20+s24], $0x800, s25, s24, $0x38;
	[tilespmem:$0x14880] =	vst v63  }
0x33: {  	s11 =	simm.s32 $0xB000  }
0x34: {  	[tilespmem:s11], [sflag:$0x3] =	stream.strided.gather [hbm4b:s21+s24], $0x800, s25, s24, $0x38;
	[tilespmem:$0x14880] =	vst v63  }
0x35: {  	s12 =	simm.s32 $0xB800  }
0x36: {  	[tilespmem:s12], [sflag:$0x3] =	stream.strided.gather [hbm4b:s22+s24], $0x800, s25, s24, $0x38;
	[tilespmem:$0x14880] =	vst v63  }
0x37: {  	s13 =	simm.s32 $0xC000  }
0x38: {  	[tilespmem:s13], [sflag:$0x3] =	stream.strided.gather [hbm4b:s23+s24], $0x800, s25, s24, $0x38;
	[tilespmem:$0x14880] =	vst v63  }
0x39: {  	_ =	swait.ge [sflag:s26], $0x800  }
0x3a: {  	[sflag:s26] =	ssyncset.done $0x0  }
0x3b: {  	[sflag:s26] =	ssyncadd.s32 $0xFFFFF800  }
0x3c: {  	_ =	swait.ge [sflag:s28], $0x4000  }
0x3d: {  	[sflag:s28] =	ssyncset.done $0x0  }
0x3e: {  	[sflag:s28] =	ssyncadd.s32 $0xFFFFC000  }
0x3f: {  	_ =	swait.ge [sflag:s29], $0x8000  }
0x40: {  	p0 =	por $0x0, $0x0;
	p1 =	por $0x0, $0x0;
	[sflag:s29] =	ssyncset.done $0x0  }
0x41: {  	v0 =	vimm.f32 $0.0e+00;
	s1 =	simm.s32 $0x0;
	s4 =	simm.s32 $0x0;
	[sflag:s29] =	ssyncadd.s32 $0xFFFF8000  }
.LBB2_2:
0x42: {  	v1 =	vld [tilespmem:s30+$0x0];
	_ =	sdelay $0x6  }
0x43: {  	s2 =	simm.s32 $0x0  }
0x44: {  	v2 =	vld.idx.msk [tilespmem:v1+s2+$0x0], $0xffff  }
0x45: {  	v1 =	vadd.s32 $0x400, v1;
	_ =	sdelay $0x1  }
0x46: {  	s7 =	sand.u32 $0x40, s1;
	s8 =	sand.u32 $0x700, s4  }
0x47: {  	s9 =	sor.u32 s7, s8  }
0x48: {  	[tilespmem:s9+$0xC800] =	vst v2  }
0x49: {  	s10 =	simm.s32 $0x1;
	v1 =	vld.idx.msk [tilespmem:v1+s2+$0x0], $0xffff  }
0x4a: {  	s10 =	simm.s32 @!p1 $0x0  }
0x4b: {  	s10 =	sshll.u32 s10, $0x6  }
0x4c: {  	s11 =	sand.u32 $0x380, s1;
	s10 =	sadd.s32 s10, s4  }
0x4d: {  	s12 =	sor.u32 $0x10, s7;
	s11 =	sor.u32 $0x800, s11;
	v3 =	vld [tilespmem:s9+$0x4800];
	s9 =	sor.u32 $0x80, s10  }
0x4e: {  	s13 =	sor.u32 s12, s11;
	[tilespmem:s9+$0xC800] =	vst v1  }
0x4f: {  	v4 =	vld [tilespmem:s13+$0x0];
	_ =	sdelay $0x7  }
0x50: {  	v5 =	vld.idx.msk [tilespmem:v4+s2+$0x0], $0xffff  }
0x51: {  	v4 =	vadd.s32 $0x400, v4;
	_ =	sdelay $0x2  }
0x52: {  	s12 =	sor.u32 s8, s12  }
0x53: {  	v6 =	vld [tilespmem:s9+$0x4800];
	[tilespmem:s12+$0xC800] =	vst v5  }
0x54: {  	v4 =	vld.idx.msk [tilespmem:v4+s2+$0x0], $0xffff;
	_ =	sdelay $0x2  }
0x55: {  	s13 =	sadd.s32 $0x10, s10  }
0x56: {  	v7 =	vld [tilespmem:s12+$0x4800];
	s9 =	sor.u32 $0x80, s13;
	s12 =	sor.u32 $0x20, s7  }
0x57: {  	s13 =	sor.u32 s12, s11;
	[tilespmem:s9+$0xC800] =	vst v4  }
0x58: {  	v8 =	vld [tilespmem:s13+$0x0];
	_ =	sdelay $0x7  }
0x59: {  	v9 =	vld.idx.msk [tilespmem:v8+s2+$0x0], $0xffff  }
0x5a: {  	v8 =	vadd.s32 $0x400, v8;
	_ =	sdelay $0x2  }
0x5b: {  	s12 =	sor.u32 s8, s12  }
0x5c: {  	v10 =	vld [tilespmem:s9+$0x4800];
	[tilespmem:s12+$0xC800] =	vst v9  }
0x5d: {  	v8 =	vld.idx.msk [tilespmem:v8+s2+$0x0], $0xffff;
	_ =	sdelay $0x2  }
0x5e: {  	s13 =	sadd.s32 $0x20, s10  }
0x5f: {  	s7 =	sor.u32 $0x30, s7;
	v11 =	vld [tilespmem:s12+$0x4800];
	s12 =	sor.u32 $0x80, s13  }
0x60: {  	s11 =	sor.u32 s7, s11;
	[tilespmem:s12+$0xC800] =	vst v8  }
0x61: {  	v12 =	vld [tilespmem:s11+$0x0];
	_ =	sdelay $0x5  }
0x62: {  	v2 =	vsub.f32 v2, v3;
	_ =	sdelay $0x1  }
0x63: {  	v2 =	vmul.f32 v2, v2;
	v1 =	vsub.f32 v1, v6;
	v3 =	vld.idx.msk [tilespmem:v12+s2+$0x0], $0xffff  }
0x64: {  	v60 =	vadd.s32 $0x400, v12  }
0x65: {  	v0 =	vadd.f32 v2, v0;
	v1 =	vmul.f32 v1, v1;
	v2 =	vsub.f32 v5, v7  }
0x66: {  	v61 =	vld [tilespmem:s12+$0x4800]  }
0x67: {  	v0 =	vadd.f32 v1, v0;
	s7 =	sor.u32 s8, s7;
	v1 =	vmul.f32 v2, v2;
	v2 =	vsub.f32 v4, v10  }
0x68: {  	s13 =	sadd.s32 $0x30, s10;
	v62 =	vld [tilespmem:s7+$0x4800];
	[tilespmem:s7+$0xC800] =	vst v3  }
0x69: {  	v0 =	vadd.f32 v1, v0;
	v1 =	vmul.f32 v2, v2;
	v2 =	vsub.f32 v9, v11;
	s7 =	sor.u32 $0x80, s13;
	v6 =	vld.idx.msk [tilespmem:v60+s2+$0x0], $0xffff  }
0x6a: {  	v63 =	vld [tilespmem:s7+$0x4800]  }
0x6b: {  	v0 =	vadd.f32 v1, v0;
	v2 =	vmul.f32 v2, v2;
	v1 =	vsub.f32 v8, v61;
	_ =	sdelay $0x1  }
0x6c: {  	v0 =	vadd.f32 v2, v0;
	v1 =	vmul.f32 v1, v1;
	v2 =	vsub.f32 v3, v62  }
0x6d: {  	p2 =	sne.s32 s4, $0x780  }
.Ltmp0:
0x6e: {  	v0 =	vadd.f32 v1, v0;
	v1 =	vmul.f32 v2, v2;
	v2 =	vsub.f32 v6, v63;
	(pc) =	sbr.rel @p2 .LBB2_2-.Ltmp0, $4  }
0x6f: {  	_ = 	snop  }
0x70: {  	v0 =	vadd.f32 v1, v0;
	v1 =	vmul.f32 v2, v2  }
0x71: {  	s1 =	sadd.s32 $0x40, s1  }
0x72: {  	s30 =	sadd.s32 $0x40, s30;
	p1 =	por !p1, !p1;
	s4 =	sadd.s32 $0x80, s4;
	[tilespmem:s7+$0xC800] =	vst v6;
	v0 =	vadd.f32 v1, v0  }
0x73: {  	s1 =	simm.s32 $0xC30;
	s4 =	simm.s32 $0x0;
	s30 =	simm.s32 $0x0  }
.LBB2_4:
0x74: {  	s7 =	sand.u32 $0x3C0, s4  }
0x75: {  	v1 =	vld [tilespmem:s7+$0xC00];
	_ =	sdelay $0x7  }
0x76: {  	v2 =	vld.idx.msk [tilespmem:v1+s2+$0x0], $0xffff  }
0x77: {  	v1 =	vadd.s32 $0x400, v1;
	_ =	sdelay $0x1  }
0x78: {  	s10 =	sand.u32 $0x40, s4;
	s8 =	sand.u32 $0x700, s30  }
0x79: {  	s7 =	sor.u32 s10, s8  }
0x7a: {  	[tilespmem:s7+$0xD000] =	vst v2  }
0x7b: {  	s8 =	simm.s32 $0x1;
	v1 =	vld.idx.msk [tilespmem:v1+s2+$0x0], $0xffff  }
0x7c: {  	s8 =	simm.s32 @!p0 $0x0  }
0x7d: {  	s8 =	sshll.u32 s8, $0x6  }
0x7e: {  	s8 =	sadd.s32 s8, s30  }
0x7f: {  	s9 =	sor.u32 $0x880, s8  }
0x80: {  	v3 =	vld [tilespmem:s7+$0x5000];
	[tilespmem:s9+$0xC800] =	vst v1  }
0x81: {  	v4 =	vld [tilespmem:s1+$0xFFFFFFE0];
	_ =	sdelay $0x7  }
0x82: {  	v5 =	vld.idx.msk [tilespmem:v4+s2+$0x0], $0xffff  }
0x83: {  	v4 =	vadd.s32 $0x400, v4;
	_ =	sdelay $0x3  }
0x84: {  	v6 =	vld [tilespmem:s9+$0x4800];
	[tilespmem:s7+$0xD010] =	vst v5  }
0x85: {  	v4 =	vld.idx.msk [tilespmem:v4+s2+$0x0], $0xffff;
	_ =	sdelay $0x2  }
0x86: {  	s11 =	sadd.s32 $0x10, s8  }
0x87: {  	s9 =	sor.u32 $0x880, s11  }
0x88: {  	v7 =	vld [tilespmem:s7+$0x5010];
	[tilespmem:s9+$0xC800] =	vst v4  }
0x89: {  	v8 =	vld [tilespmem:s1+$0xFFFFFFF0];
	_ =	sdelay $0x7  }
0x8a: {  	v9 =	vld.idx.msk [tilespmem:v8+s2+$0x0], $0xffff  }
0x8b: {  	v8 =	vadd.s32 $0x400, v8;
	_ =	sdelay $0x3  }
0x8c: {  	v10 =	vld [tilespmem:s9+$0x4800];
	[tilespmem:s7+$0xD020] =	vst v9  }
0x8d: {  	v8 =	vld.idx.msk [tilespmem:v8+s2+$0x0], $0xffff;
	_ =	sdelay $0x2  }
0x8e: {  	s12 =	sadd.s32 $0x20, s8  }
0x8f: {  	s9 =	sor.u32 $0x880, s12  }
0x90: {  	v11 =	vld [tilespmem:s7+$0x5020];
	[tilespmem:s9+$0xC800] =	vst v8  }
0x91: {  	v12 =	vld [tilespmem:s1+$0x0];
	_ =	sdelay $0x5  }
0x92: {  	v2 =	vsub.f32 v2, v3;
	_ =	sdelay $0x1  }
0x93: {  	v2 =	vmul.f32 v2, v2;
	v1 =	vsub.f32 v1, v6;
	v3 =	vld.idx.msk [tilespmem:v12+s2+$0x0], $0xffff  }
0x94: {  	v60 =	vadd.s32 $0x400, v12  }
0x95: {  	v0 =	vadd.f32 v2, v0;
	v1 =	vmul.f32 v1, v1;
	v2 =	vsub.f32 v5, v7  }
0x96: {  	v61 =	vld [tilespmem:s9+$0x4800]  }
0x97: {  	v0 =	vadd.f32 v1, v0;
	v1 =	vmul.f32 v2, v2;
	v2 =	vsub.f32 v4, v10  }
0x98: {  	s13 =	sadd.s32 $0x30, s8;
	v62 =	vld [tilespmem:s7+$0x5030];
	[tilespmem:s7+$0xD030] =	vst v3  }
0x99: {  	v0 =	vadd.f32 v1, v0;
	v1 =	vmul.f32 v2, v2;
	v2 =	vsub.f32 v9, v11;
	s7 =	sor.u32 $0x880, s13;
	v6 =	vld.idx.msk [tilespmem:v60+s2+$0x0], $0xffff  }
0x9a: {  	v63 =	vld [tilespmem:s7+$0x4800]  }
0x9b: {  	v0 =	vadd.f32 v1, v0;
	v2 =	vmul.f32 v2, v2;
	v1 =	vsub.f32 v8, v61;
	_ =	sdelay $0x1  }
0x9c: {  	v0 =	vadd.f32 v2, v0;
	v1 =	vmul.f32 v1, v1;
	v2 =	vsub.f32 v3, v62  }
0x9d: {  	p1 =	sne.s32 s30, $0x780  }
.Ltmp1:
0x9e: {  	v0 =	vadd.f32 v1, v0;
	v1 =	vmul.f32 v2, v2;
	v2 =	vsub.f32 v6, v63;
	(pc) =	sbr.rel @p1 .LBB2_4-.Ltmp1, $4  }
0x9f: {  	_ = 	snop  }
0xa0: {  	v0 =	vadd.f32 v1, v0;
	v1 =	vmul.f32 v2, v2  }
0xa1: {  	s4 =	sadd.s32 $0x40, s4  }
0xa2: {  	p0 =	por !p0, !p0;
	s30 =	sadd.s32 $0x80, s30;
	s1 =	sadd.s32 $0x40, s1;
	[tilespmem:s7+$0xC800] =	vst v6;
	v0 =	vadd.f32 v1, v0  }
0xa3: {  	p0 =	por $0x0, $0x0  }
0xa4: {  	s1 =	simm.s32 $0x1030;
	p1 =	por $0x0, $0x0;
	s4 =	simm.s32 $0x0  }
.LBB2_6:
0xa5: {  	s7 =	sand.u32 $0x3C0, s2  }
0xa6: {  	v1 =	vld [tilespmem:s7+$0x1000];
	_ =	sdelay $0x6  }
0xa7: {  	s30 =	simm.s32 $0x0  }
0xa8: {  	v2 =	vld.idx.msk [tilespmem:v1+s30+$0x0], $0xffff  }
0xa9: {  	v1 =	vadd.s32 $0x400, v1;
	_ =	sdelay $0x1  }
0xaa: {  	s10 =	sand.u32 $0x40, s2;
	s8 =	sand.u32 $0x700, s4  }
0xab: {  	s7 =	sor.u32 s10, s8  }
0xac: {  	[tilespmem:s7+$0xD800] =	vst v2  }
0xad: {  	s8 =	simm.s32 $0x1;
	v1 =	vld.idx.msk [tilespmem:v1+s30+$0x0], $0xffff  }
0xae: {  	s8 =	simm.s32 @!p1 $0x0  }
0xaf: {  	s8 =	sshll.u32 s8, $0x6  }
0xb0: {  	s8 =	sadd.s32 s8, s4  }
0xb1: {  	s9 =	sor.u32 $0x1080, s8  }
0xb2: {  	v3 =	vld [tilespmem:s7+$0x5800];
	[tilespmem:s9+$0xC800] =	vst v1  }
0xb3: {  	v4 =	vld [tilespmem:s1+$0xFFFFFFE0];
	_ =	sdelay $0x7  }
0xb4: {  	v5 =	vld.idx.msk [tilespmem:v4+s30+$0x0], $0xffff  }
0xb5: {  	v4 =	vadd.s32 $0x400, v4;
	_ =	sdelay $0x3  }
0xb6: {  	v6 =	vld [tilespmem:s9+$0x4800];
	[tilespmem:s7+$0xD810] =	vst v5  }
0xb7: {  	v4 =	vld.idx.msk [tilespmem:v4+s30+$0x0], $0xffff;
	_ =	sdelay $0x2  }
0xb8: {  	s11 =	sadd.s32 $0x10, s8  }
0xb9: {  	s9 =	sor.u32 $0x1080, s11  }
0xba: {  	v7 =	vld [tilespmem:s7+$0x5810];
	[tilespmem:s9+$0xC800] =	vst v4  }
0xbb: {  	v8 =	vld [tilespmem:s1+$0xFFFFFFF0];
	_ =	sdelay $0x7  }
0xbc: {  	v9 =	vld.idx.msk [tilespmem:v8+s30+$0x0], $0xffff  }
0xbd: {  	v8 =	vadd.s32 $0x400, v8;
	_ =	sdelay $0x3  }
0xbe: {  	v10 =	vld [tilespmem:s9+$0x4800];
	[tilespmem:s7+$0xD820] =	vst v9  }
0xbf: {  	v8 =	vld.idx.msk [tilespmem:v8+s30+$0x0], $0xffff;
	_ =	sdelay $0x2  }
0xc0: {  	s12 =	sadd.s32 $0x20, s8  }
0xc1: {  	s9 =	sor.u32 $0x1080, s12  }
0xc2: {  	v11 =	vld [tilespmem:s7+$0x5820];
	[tilespmem:s9+$0xC800] =	vst v8  }
0xc3: {  	v12 =	vld [tilespmem:s1+$0x0];
	_ =	sdelay $0x5  }
0xc4: {  	v2 =	vsub.f32 v2, v3;
	_ =	sdelay $0x1  }
0xc5: {  	v2 =	vmul.f32 v2, v2;
	v1 =	vsub.f32 v1, v6;
	v3 =	vld.idx.msk [tilespmem:v12+s30+$0x0], $0xffff  }
0xc6: {  	v60 =	vadd.s32 $0x400, v12  }
0xc7: {  	v0 =	vadd.f32 v2, v0;
	v1 =	vmul.f32 v1, v1;
	v2 =	vsub.f32 v5, v7  }
0xc8: {  	v61 =	vld [tilespmem:s9+$0x4800]  }
0xc9: {  	v0 =	vadd.f32 v1, v0;
	v1 =	vmul.f32 v2, v2;
	v2 =	vsub.f32 v4, v10  }
0xca: {  	s13 =	sadd.s32 $0x30, s8;
	v62 =	vld [tilespmem:s7+$0x5830];
	[tilespmem:s7+$0xD830] =	vst v3  }
0xcb: {  	v0 =	vadd.f32 v1, v0;
	v1 =	vmul.f32 v2, v2;
	v2 =	vsub.f32 v9, v11;
	s7 =	sor.u32 $0x1080, s13;
	v6 =	vld.idx.msk [tilespmem:v60+s30+$0x0], $0xffff  }
0xcc: {  	v63 =	vld [tilespmem:s7+$0x4800]  }
0xcd: {  	v0 =	vadd.f32 v1, v0;
	v2 =	vmul.f32 v2, v2;
	v1 =	vsub.f32 v8, v61;
	_ =	sdelay $0x1  }
0xce: {  	v0 =	vadd.f32 v2, v0;
	v1 =	vmul.f32 v1, v1;
	v2 =	vsub.f32 v3, v62  }
0xcf: {  	p2 =	sne.s32 s4, $0x780  }
.Ltmp2:
0xd0: {  	v0 =	vadd.f32 v1, v0;
	v1 =	vmul.f32 v2, v2;
	v2 =	vsub.f32 v6, v63;
	(pc) =	sbr.rel @p2 .LBB2_6-.Ltmp2, $4  }
0xd1: {  	_ = 	snop  }
0xd2: {  	v0 =	vadd.f32 v1, v0;
	v1 =	vmul.f32 v2, v2  }
0xd3: {  	s2 =	sadd.s32 $0x40, s2  }
0xd4: {  	p1 =	por !p1, !p1;
	s4 =	sadd.s32 $0x80, s4;
	s1 =	sadd.s32 $0x40, s1;
	[tilespmem:s7+$0xC800] =	vst v6;
	v0 =	vadd.f32 v1, v0  }
0xd5: {  	s1 =	simm.s32 $0x1430;
	s2 =	simm.s32 $0x0;
	s4 =	simm.s32 $0x0  }
.LBB2_8:
0xd6: {  	s7 =	sand.u32 $0x3C0, s2  }
0xd7: {  	v1 =	vld [tilespmem:s7+$0x1400];
	_ =	sdelay $0x7  }
0xd8: {  	v2 =	vld.idx.msk [tilespmem:v1+s30+$0x0], $0xffff  }
0xd9: {  	v1 =	vadd.s32 $0x400, v1;
	_ =	sdelay $0x1  }
0xda: {  	s10 =	sand.u32 $0x40, s2;
	s8 =	sand.u32 $0x700, s4  }
0xdb: {  	s7 =	sor.u32 s10, s8  }
0xdc: {  	[tilespmem:s7+$0xE000] =	vst v2  }
0xdd: {  	s8 =	simm.s32 $0x1;
	v1 =	vld.idx.msk [tilespmem:v1+s30+$0x0], $0xffff  }
0xde: {  	s8 =	simm.s32 @!p0 $0x0  }
0xdf: {  	s8 =	sshll.u32 s8, $0x6  }
0xe0: {  	s8 =	sadd.s32 s8, s4  }
0xe1: {  	s9 =	sor.u32 $0x1880, s8  }
0xe2: {  	v3 =	vld [tilespmem:s7+$0x6000];
	[tilespmem:s9+$0xC800] =	vst v1  }
0xe3: {  	v4 =	vld [tilespmem:s1+$0xFFFFFFE0];
	_ =	sdelay $0x7  }
0xe4: {  	v5 =	vld.idx.msk [tilespmem:v4+s30+$0x0], $0xffff  }
0xe5: {  	v4 =	vadd.s32 $0x400, v4;
	_ =	sdelay $0x3  }
0xe6: {  	v6 =	vld [tilespmem:s9+$0x4800];
	[tilespmem:s7+$0xE010] =	vst v5  }
0xe7: {  	v4 =	vld.idx.msk [tilespmem:v4+s30+$0x0], $0xffff;
	_ =	sdelay $0x2  }
0xe8: {  	s11 =	sadd.s32 $0x10, s8  }
0xe9: {  	s9 =	sor.u32 $0x1880, s11  }
0xea: {  	v7 =	vld [tilespmem:s7+$0x6010];
	[tilespmem:s9+$0xC800] =	vst v4  }
0xeb: {  	v8 =	vld [tilespmem:s1+$0xFFFFFFF0];
	_ =	sdelay $0x7  }
0xec: {  	v9 =	vld.idx.msk [tilespmem:v8+s30+$0x0], $0xffff  }
0xed: {  	v8 =	vadd.s32 $0x400, v8;
	_ =	sdelay $0x3  }
0xee: {  	v10 =	vld [tilespmem:s9+$0x4800];
	[tilespmem:s7+$0xE020] =	vst v9  }
0xef: {  	v8 =	vld.idx.msk [tilespmem:v8+s30+$0x0], $0xffff;
	_ =	sdelay $0x2  }
0xf0: {  	s12 =	sadd.s32 $0x20, s8  }
0xf1: {  	s9 =	sor.u32 $0x1880, s12  }
0xf2: {  	v11 =	vld [tilespmem:s7+$0x6020];
	[tilespmem:s9+$0xC800] =	vst v8  }
0xf3: {  	v12 =	vld [tilespmem:s1+$0x0];
	_ =	sdelay $0x5  }
0xf4: {  	v2 =	vsub.f32 v2, v3;
	_ =	sdelay $0x1  }
0xf5: {  	v2 =	vmul.f32 v2, v2;
	v1 =	vsub.f32 v1, v6;
	v3 =	vld.idx.msk [tilespmem:v12+s30+$0x0], $0xffff  }
0xf6: {  	v60 =	vadd.s32 $0x400, v12  }
0xf7: {  	v0 =	vadd.f32 v2, v0;
	v1 =	vmul.f32 v1, v1;
	v2 =	vsub.f32 v5, v7  }
0xf8: {  	v61 =	vld [tilespmem:s9+$0x4800]  }
0xf9: {  	v0 =	vadd.f32 v1, v0;
	v1 =	vmul.f32 v2, v2;
	v2 =	vsub.f32 v4, v10  }
0xfa: {  	s13 =	sadd.s32 $0x30, s8;
	v62 =	vld [tilespmem:s7+$0x6030];
	[tilespmem:s7+$0xE030] =	vst v3  }
0xfb: {  	v0 =	vadd.f32 v1, v0;
	v1 =	vmul.f32 v2, v2;
	v2 =	vsub.f32 v9, v11;
	s7 =	sor.u32 $0x1880, s13;
	v6 =	vld.idx.msk [tilespmem:v60+s30+$0x0], $0xffff  }
0xfc: {  	v63 =	vld [tilespmem:s7+$0x4800]  }
0xfd: {  	v0 =	vadd.f32 v1, v0;
	v2 =	vmul.f32 v2, v2;
	v1 =	vsub.f32 v8, v61;
	_ =	sdelay $0x1  }
0xfe: {  	v0 =	vadd.f32 v2, v0;
	v1 =	vmul.f32 v1, v1;
	v2 =	vsub.f32 v3, v62  }
0xff: {  	p1 =	sne.s32 s4, $0x780  }
.Ltmp3:
0x100: {  	v0 =	vadd.f32 v1, v0;
	v1 =	vmul.f32 v2, v2;
	v2 =	vsub.f32 v6, v63;
	(pc) =	sbr.rel @p1 .LBB2_8-.Ltmp3, $4  }
0x101: {  	_ = 	snop  }
0x102: {  	v0 =	vadd.f32 v1, v0;
	v1 =	vmul.f32 v2, v2  }
0x103: {  	s2 =	sadd.s32 $0x40, s2  }
0x104: {  	p0 =	por !p0, !p0;
	s4 =	sadd.s32 $0x80, s4;
	s1 =	sadd.s32 $0x40, s1;
	[tilespmem:s7+$0xC800] =	vst v6;
	v0 =	vadd.f32 v1, v0  }
0x105: {  	p0 =	por $0x0, $0x0  }
0x106: {  	s1 =	simm.s32 $0x1830;
	p1 =	por $0x0, $0x0;
	s4 =	simm.s32 $0x0  }
.LBB2_10:
0x107: {  	s2 =	sand.u32 $0x3C0, s30  }
0x108: {  	v1 =	vld [tilespmem:s2+$0x1800];
	_ =	sdelay $0x6  }
0x109: {  	s2 =	simm.s32 $0x0  }
0x10a: {  	v2 =	vld.idx.msk [tilespmem:v1+s2+$0x0], $0xffff  }
0x10b: {  	v1 =	vadd.s32 $0x400, v1;
	_ =	sdelay $0x1  }
0x10c: {  	s7 =	sand.u32 $0x40, s30;
	s8 =	sand.u32 $0x700, s4  }
0x10d: {  	s7 =	sor.u32 s7, s8  }
0x10e: {  	[tilespmem:s7+$0xE800] =	vst v2  }
0x10f: {  	s8 =	simm.s32 $0x1;
	v1 =	vld.idx.msk [tilespmem:v1+s2+$0x0], $0xffff  }
0x110: {  	s8 =	simm.s32 @!p1 $0x0  }
0x111: {  	s8 =	sshll.u32 s8, $0x6  }
0x112: {  	s8 =	sadd.s32 s8, s4  }
0x113: {  	s9 =	sor.u32 $0x2080, s8  }
0x114: {  	v3 =	vld [tilespmem:s7+$0x6800];
	[tilespmem:s9+$0xC800] =	vst v1  }
0x115: {  	v4 =	vld [tilespmem:s1+$0xFFFFFFE0];
	_ =	sdelay $0x7  }
0x116: {  	v5 =	vld.idx.msk [tilespmem:v4+s2+$0x0], $0xffff  }
0x117: {  	v4 =	vadd.s32 $0x400, v4;
	_ =	sdelay $0x3  }
0x118: {  	v6 =	vld [tilespmem:s9+$0x4800];
	[tilespmem:s7+$0xE810] =	vst v5  }
0x119: {  	v4 =	vld.idx.msk [tilespmem:v4+s2+$0x0], $0xffff;
	_ =	sdelay $0x2  }
0x11a: {  	s11 =	sadd.s32 $0x10, s8  }
0x11b: {  	s9 =	sor.u32 $0x2080, s11  }
0x11c: {  	v7 =	vld [tilespmem:s7+$0x6810];
	[tilespmem:s9+$0xC800] =	vst v4  }
0x11d: {  	v8 =	vld [tilespmem:s1+$0xFFFFFFF0];
	_ =	sdelay $0x7  }
0x11e: {  	v9 =	vld.idx.msk [tilespmem:v8+s2+$0x0], $0xffff  }
0x11f: {  	v8 =	vadd.s32 $0x400, v8;
	_ =	sdelay $0x3  }
0x120: {  	v10 =	vld [tilespmem:s9+$0x4800];
	[tilespmem:s7+$0xE820] =	vst v9  }
0x121: {  	v8 =	vld.idx.msk [tilespmem:v8+s2+$0x0], $0xffff;
	_ =	sdelay $0x2  }
0x122: {  	s12 =	sadd.s32 $0x20, s8  }
0x123: {  	s9 =	sor.u32 $0x2080, s12  }
0x124: {  	v11 =	vld [tilespmem:s7+$0x6820];
	[tilespmem:s9+$0xC800] =	vst v8  }
0x125: {  	v12 =	vld [tilespmem:s1+$0x0];
	_ =	sdelay $0x5  }
0x126: {  	v2 =	vsub.f32 v2, v3;
	_ =	sdelay $0x1  }
0x127: {  	v2 =	vmul.f32 v2, v2;
	v1 =	vsub.f32 v1, v6;
	v3 =	vld.idx.msk [tilespmem:v12+s2+$0x0], $0xffff  }
0x128: {  	v60 =	vadd.s32 $0x400, v12  }
0x129: {  	v0 =	vadd.f32 v2, v0;
	v1 =	vmul.f32 v1, v1;
	v2 =	vsub.f32 v5, v7  }
0x12a: {  	v61 =	vld [tilespmem:s9+$0x4800]  }
0x12b: {  	v0 =	vadd.f32 v1, v0;
	v1 =	vmul.f32 v2, v2;
	v2 =	vsub.f32 v4, v10  }
0x12c: {  	s13 =	sadd.s32 $0x30, s8;
	v62 =	vld [tilespmem:s7+$0x6830];
	[tilespmem:s7+$0xE830] =	vst v3  }
0x12d: {  	v0 =	vadd.f32 v1, v0;
	v1 =	vmul.f32 v2, v2;
	v2 =	vsub.f32 v9, v11;
	s7 =	sor.u32 $0x2080, s13;
	v6 =	vld.idx.msk [tilespmem:v60+s2+$0x0], $0xffff  }
0x12e: {  	v63 =	vld [tilespmem:s7+$0x4800]  }
0x12f: {  	v0 =	vadd.f32 v1, v0;
	v2 =	vmul.f32 v2, v2;
	v1 =	vsub.f32 v8, v61;
	_ =	sdelay $0x1  }
0x130: {  	v0 =	vadd.f32 v2, v0;
	v1 =	vmul.f32 v1, v1;
	v2 =	vsub.f32 v3, v62  }
0x131: {  	p2 =	sne.s32 s4, $0x780  }
.Ltmp4:
0x132: {  	v0 =	vadd.f32 v1, v0;
	v1 =	vmul.f32 v2, v2;
	v2 =	vsub.f32 v6, v63;
	(pc) =	sbr.rel @p2 .LBB2_10-.Ltmp4, $4  }
0x133: {  	_ = 	snop  }
0x134: {  	v0 =	vadd.f32 v1, v0;
	v1 =	vmul.f32 v2, v2  }
0x135: {  	s30 =	sadd.s32 $0x40, s30  }
0x136: {  	p1 =	por !p1, !p1;
	s4 =	sadd.s32 $0x80, s4;
	s1 =	sadd.s32 $0x40, s1;
	[tilespmem:s7+$0xC800] =	vst v6;
	v0 =	vadd.f32 v1, v0  }
0x137: {  	s1 =	simm.s32 $0x1C30;
	s4 =	simm.s32 $0x0;
	s30 =	simm.s32 $0x0  }
.LBB2_12:
0x138: {  	s7 =	sand.u32 $0x3C0, s4  }
0x139: {  	v1 =	vld [tilespmem:s7+$0x1C00];
	_ =	sdelay $0x7  }
0x13a: {  	v2 =	vld.idx.msk [tilespmem:v1+s2+$0x0], $0xffff  }
0x13b: {  	v1 =	vadd.s32 $0x400, v1;
	_ =	sdelay $0x1  }
0x13c: {  	s10 =	sand.u32 $0x40, s4;
	s8 =	sand.u32 $0x700, s30  }
0x13d: {  	s7 =	sor.u32 s10, s8  }
0x13e: {  	[tilespmem:s7+$0xF000] =	vst v2  }
0x13f: {  	s8 =	simm.s32 $0x1;
	v1 =	vld.idx.msk [tilespmem:v1+s2+$0x0], $0xffff  }
0x140: {  	s8 =	simm.s32 @!p0 $0x0  }
0x141: {  	s8 =	sshll.u32 s8, $0x6  }
0x142: {  	s8 =	sadd.s32 s8, s30  }
0x143: {  	s9 =	sor.u32 $0x2880, s8  }
0x144: {  	v3 =	vld [tilespmem:s7+$0x7000];
	[tilespmem:s9+$0xC800] =	vst v1  }
0x145: {  	v4 =	vld [tilespmem:s1+$0xFFFFFFE0];
	_ =	sdelay $0x7  }
0x146: {  	v5 =	vld.idx.msk [tilespmem:v4+s2+$0x0], $0xffff  }
0x147: {  	v4 =	vadd.s32 $0x400, v4;
	_ =	sdelay $0x3  }
0x148: {  	v6 =	vld [tilespmem:s9+$0x4800];
	[tilespmem:s7+$0xF010] =	vst v5  }
0x149: {  	v4 =	vld.idx.msk [tilespmem:v4+s2+$0x0], $0xffff;
	_ =	sdelay $0x2  }
0x14a: {  	s11 =	sadd.s32 $0x10, s8  }
0x14b: {  	s9 =	sor.u32 $0x2880, s11  }
0x14c: {  	v7 =	vld [tilespmem:s7+$0x7010];
	[tilespmem:s9+$0xC800] =	vst v4  }
0x14d: {  	v8 =	vld [tilespmem:s1+$0xFFFFFFF0];
	_ =	sdelay $0x7  }
0x14e: {  	v9 =	vld.idx.msk [tilespmem:v8+s2+$0x0], $0xffff  }
0x14f: {  	v8 =	vadd.s32 $0x400, v8;
	_ =	sdelay $0x3  }
0x150: {  	v10 =	vld [tilespmem:s9+$0x4800];
	[tilespmem:s7+$0xF020] =	vst v9  }
0x151: {  	v8 =	vld.idx.msk [tilespmem:v8+s2+$0x0], $0xffff;
	_ =	sdelay $0x2  }
0x152: {  	s12 =	sadd.s32 $0x20, s8  }
0x153: {  	s9 =	sor.u32 $0x2880, s12  }
0x154: {  	v11 =	vld [tilespmem:s7+$0x7020];
	[tilespmem:s9+$0xC800] =	vst v8  }
0x155: {  	v12 =	vld [tilespmem:s1+$0x0];
	_ =	sdelay $0x5  }
0x156: {  	v2 =	vsub.f32 v2, v3;
	_ =	sdelay $0x1  }
0x157: {  	v2 =	vmul.f32 v2, v2;
	v1 =	vsub.f32 v1, v6;
	v3 =	vld.idx.msk [tilespmem:v12+s2+$0x0], $0xffff  }
0x158: {  	v60 =	vadd.s32 $0x400, v12  }
0x159: {  	v0 =	vadd.f32 v2, v0;
	v1 =	vmul.f32 v1, v1;
	v2 =	vsub.f32 v5, v7  }
0x15a: {  	v61 =	vld [tilespmem:s9+$0x4800]  }
0x15b: {  	v0 =	vadd.f32 v1, v0;
	v1 =	vmul.f32 v2, v2;
	v2 =	vsub.f32 v4, v10  }
0x15c: {  	s13 =	sadd.s32 $0x30, s8;
	v62 =	vld [tilespmem:s7+$0x7030];
	[tilespmem:s7+$0xF030] =	vst v3  }
0x15d: {  	v0 =	vadd.f32 v1, v0;
	v1 =	vmul.f32 v2, v2;
	v2 =	vsub.f32 v9, v11;
	s7 =	sor.u32 $0x2880, s13;
	v6 =	vld.idx.msk [tilespmem:v60+s2+$0x0], $0xffff  }
0x15e: {  	v63 =	vld [tilespmem:s7+$0x4800]  }
0x15f: {  	v0 =	vadd.f32 v1, v0;
	v2 =	vmul.f32 v2, v2;
	v1 =	vsub.f32 v8, v61;
	_ =	sdelay $0x1  }
0x160: {  	v0 =	vadd.f32 v2, v0;
	v1 =	vmul.f32 v1, v1;
	v2 =	vsub.f32 v3, v62  }
0x161: {  	p1 =	sne.s32 s30, $0x780  }
.Ltmp5:
0x162: {  	v0 =	vadd.f32 v1, v0;
	v1 =	vmul.f32 v2, v2;
	v2 =	vsub.f32 v6, v63;
	(pc) =	sbr.rel @p1 .LBB2_12-.Ltmp5, $4  }
0x163: {  	_ = 	snop  }
0x164: {  	v0 =	vadd.f32 v1, v0;
	v1 =	vmul.f32 v2, v2  }
0x165: {  	s4 =	sadd.s32 $0x40, s4  }
0x166: {  	p0 =	por !p0, !p0;
	s30 =	sadd.s32 $0x80, s30;
	s1 =	sadd.s32 $0x40, s1;
	[tilespmem:s7+$0xC800] =	vst v6;
	v0 =	vadd.f32 v1, v0  }
0x167: {  	p0 =	por $0x0, $0x0  }
0x168: {  	s1 =	simm.s32 $0x2030;
	p1 =	por $0x0, $0x0;
	s4 =	simm.s32 $0x0  }
.LBB2_14:
0x169: {  	s7 =	sand.u32 $0x3C0, s2  }
0x16a: {  	v1 =	vld [tilespmem:s7+$0x2000];
	_ =	sdelay $0x6  }
0x16b: {  	s30 =	simm.s32 $0x0  }
0x16c: {  	v2 =	vld.idx.msk [tilespmem:v1+s30+$0x0], $0xffff  }
0x16d: {  	v1 =	vadd.s32 $0x400, v1;
	_ =	sdelay $0x1  }
0x16e: {  	s10 =	sand.u32 $0x40, s2;
	s8 =	sand.u32 $0x700, s4  }
0x16f: {  	s7 =	sor.u32 s10, s8  }
0x170: {  	[tilespmem:s7+$0xF800] =	vst v2  }
0x171: {  	s8 =	simm.s32 $0x1;
	v1 =	vld.idx.msk [tilespmem:v1+s30+$0x0], $0xffff  }
0x172: {  	s8 =	simm.s32 @!p1 $0x0  }
0x173: {  	s8 =	sshll.u32 s8, $0x6  }
0x174: {  	s8 =	sadd.s32 s8, s4  }
0x175: {  	s9 =	sor.u32 $0x3080, s8  }
0x176: {  	v3 =	vld [tilespmem:s7+$0x7800];
	[tilespmem:s9+$0xC800] =	vst v1  }
0x177: {  	v4 =	vld [tilespmem:s1+$0xFFFFFFE0];
	_ =	sdelay $0x7  }
0x178: {  	v5 =	vld.idx.msk [tilespmem:v4+s30+$0x0], $0xffff  }
0x179: {  	v4 =	vadd.s32 $0x400, v4;
	_ =	sdelay $0x3  }
0x17a: {  	v6 =	vld [tilespmem:s9+$0x4800];
	[tilespmem:s7+$0xF810] =	vst v5  }
0x17b: {  	v4 =	vld.idx.msk [tilespmem:v4+s30+$0x0], $0xffff;
	_ =	sdelay $0x2  }
0x17c: {  	s11 =	sadd.s32 $0x10, s8  }
0x17d: {  	s9 =	sor.u32 $0x3080, s11  }
0x17e: {  	v7 =	vld [tilespmem:s7+$0x7810];
	[tilespmem:s9+$0xC800] =	vst v4  }
0x17f: {  	v8 =	vld [tilespmem:s1+$0xFFFFFFF0];
	_ =	sdelay $0x7  }
0x180: {  	v9 =	vld.idx.msk [tilespmem:v8+s30+$0x0], $0xffff  }
0x181: {  	v8 =	vadd.s32 $0x400, v8;
	_ =	sdelay $0x3  }
0x182: {  	v10 =	vld [tilespmem:s9+$0x4800];
	[tilespmem:s7+$0xF820] =	vst v9  }
0x183: {  	v8 =	vld.idx.msk [tilespmem:v8+s30+$0x0], $0xffff;
	_ =	sdelay $0x2  }
0x184: {  	s12 =	sadd.s32 $0x20, s8  }
0x185: {  	s9 =	sor.u32 $0x3080, s12  }
0x186: {  	v11 =	vld [tilespmem:s7+$0x7820];
	[tilespmem:s9+$0xC800] =	vst v8  }
0x187: {  	v12 =	vld [tilespmem:s1+$0x0];
	_ =	sdelay $0x5  }
0x188: {  	v2 =	vsub.f32 v2, v3;
	_ =	sdelay $0x1  }
0x189: {  	v2 =	vmul.f32 v2, v2;
	v1 =	vsub.f32 v1, v6;
	v3 =	vld.idx.msk [tilespmem:v12+s30+$0x0], $0xffff  }
0x18a: {  	v60 =	vadd.s32 $0x400, v12  }
0x18b: {  	v0 =	vadd.f32 v2, v0;
	v1 =	vmul.f32 v1, v1;
	v2 =	vsub.f32 v5, v7  }
0x18c: {  	v61 =	vld [tilespmem:s9+$0x4800]  }
0x18d: {  	v0 =	vadd.f32 v1, v0;
	v1 =	vmul.f32 v2, v2;
	v2 =	vsub.f32 v4, v10  }
0x18e: {  	s13 =	sadd.s32 $0x30, s8;
	v62 =	vld [tilespmem:s7+$0x7830];
	[tilespmem:s7+$0xF830] =	vst v3  }
0x18f: {  	v0 =	vadd.f32 v1, v0;
	v1 =	vmul.f32 v2, v2;
	v2 =	vsub.f32 v9, v11;
	s7 =	sor.u32 $0x3080, s13;
	v6 =	vld.idx.msk [tilespmem:v60+s30+$0x0], $0xffff  }
0x190: {  	v63 =	vld [tilespmem:s7+$0x4800]  }
0x191: {  	v0 =	vadd.f32 v1, v0;
	v2 =	vmul.f32 v2, v2;
	v1 =	vsub.f32 v8, v61;
	_ =	sdelay $0x1  }
0x192: {  	v0 =	vadd.f32 v2, v0;
	v1 =	vmul.f32 v1, v1;
	v2 =	vsub.f32 v3, v62  }
0x193: {  	p2 =	sne.s32 s4, $0x780  }
.Ltmp6:
0x194: {  	v0 =	vadd.f32 v1, v0;
	v1 =	vmul.f32 v2, v2;
	v2 =	vsub.f32 v6, v63;
	(pc) =	sbr.rel @p2 .LBB2_14-.Ltmp6, $4  }
0x195: {  	_ = 	snop  }
0x196: {  	v0 =	vadd.f32 v1, v0;
	v1 =	vmul.f32 v2, v2  }
0x197: {  	s2 =	sadd.s32 $0x40, s2  }
0x198: {  	p1 =	por !p1, !p1;
	s4 =	sadd.s32 $0x80, s4;
	s1 =	sadd.s32 $0x40, s1;
	[tilespmem:s7+$0xC800] =	vst v6;
	v0 =	vadd.f32 v1, v0  }
0x199: {  	s1 =	simm.s32 $0x2430;
	s2 =	simm.s32 $0x0;
	s4 =	simm.s32 $0x0  }
.LBB2_16:
0x19a: {  	s7 =	sand.u32 $0x3C0, s2  }
0x19b: {  	v1 =	vld [tilespmem:s7+$0x2400];
	_ =	sdelay $0x7  }
0x19c: {  	v2 =	vld.idx.msk [tilespmem:v1+s30+$0x0], $0xffff  }
0x19d: {  	v1 =	vadd.s32 $0x400, v1;
	_ =	sdelay $0x1  }
0x19e: {  	s10 =	sand.u32 $0x40, s2;
	s8 =	sand.u32 $0x700, s4  }
0x19f: {  	s7 =	sor.u32 s10, s8  }
0x1a0: {  	[tilespmem:s7+$0x10000] =	vst v2  }
0x1a1: {  	s8 =	simm.s32 $0x1;
	v1 =	vld.idx.msk [tilespmem:v1+s30+$0x0], $0xffff  }
0x1a2: {  	s8 =	simm.s32 @!p0 $0x0  }
0x1a3: {  	s8 =	sshll.u32 s8, $0x6  }
0x1a4: {  	s8 =	sadd.s32 s8, s4  }
0x1a5: {  	s9 =	sor.u32 $0x3880, s8  }
0x1a6: {  	v3 =	vld [tilespmem:s7+$0x8000];
	[tilespmem:s9+$0xC800] =	vst v1  }
0x1a7: {  	v4 =	vld [tilespmem:s1+$0xFFFFFFE0];
	_ =	sdelay $0x7  }
0x1a8: {  	v5 =	vld.idx.msk [tilespmem:v4+s30+$0x0], $0xffff  }
0x1a9: {  	v4 =	vadd.s32 $0x400, v4;
	_ =	sdelay $0x3  }
0x1aa: {  	v6 =	vld [tilespmem:s9+$0x4800];
	[tilespmem:s7+$0x10010] =	vst v5  }
0x1ab: {  	v4 =	vld.idx.msk [tilespmem:v4+s30+$0x0], $0xffff;
	_ =	sdelay $0x2  }
0x1ac: {  	s11 =	sadd.s32 $0x10, s8  }
0x1ad: {  	s9 =	sor.u32 $0x3880, s11  }
0x1ae: {  	v7 =	vld [tilespmem:s7+$0x8010];
	[tilespmem:s9+$0xC800] =	vst v4  }
0x1af: {  	v8 =	vld [tilespmem:s1+$0xFFFFFFF0];
	_ =	sdelay $0x7  }
0x1b0: {  	v9 =	vld.idx.msk [tilespmem:v8+s30+$0x0], $0xffff  }
0x1b1: {  	v8 =	vadd.s32 $0x400, v8;
	_ =	sdelay $0x3  }
0x1b2: {  	v10 =	vld [tilespmem:s9+$0x4800];
	[tilespmem:s7+$0x10020] =	vst v9  }
0x1b3: {  	v8 =	vld.idx.msk [tilespmem:v8+s30+$0x0], $0xffff;
	_ =	sdelay $0x2  }
0x1b4: {  	s12 =	sadd.s32 $0x20, s8  }
0x1b5: {  	s9 =	sor.u32 $0x3880, s12  }
0x1b6: {  	v11 =	vld [tilespmem:s7+$0x8020];
	[tilespmem:s9+$0xC800] =	vst v8  }
0x1b7: {  	v12 =	vld [tilespmem:s1+$0x0];
	_ =	sdelay $0x5  }
0x1b8: {  	v2 =	vsub.f32 v2, v3;
	_ =	sdelay $0x1  }
0x1b9: {  	v2 =	vmul.f32 v2, v2;
	v1 =	vsub.f32 v1, v6;
	v3 =	vld.idx.msk [tilespmem:v12+s30+$0x0], $0xffff  }
0x1ba: {  	v60 =	vadd.s32 $0x400, v12  }
0x1bb: {  	v0 =	vadd.f32 v2, v0;
	v1 =	vmul.f32 v1, v1;
	v2 =	vsub.f32 v5, v7  }
0x1bc: {  	v61 =	vld [tilespmem:s9+$0x4800]  }
0x1bd: {  	v0 =	vadd.f32 v1, v0;
	v1 =	vmul.f32 v2, v2;
	v2 =	vsub.f32 v4, v10  }
0x1be: {  	s13 =	sadd.s32 $0x30, s8;
	v62 =	vld [tilespmem:s7+$0x8030];
	[tilespmem:s7+$0x10030] =	vst v3  }
0x1bf: {  	v0 =	vadd.f32 v1, v0;
	v1 =	vmul.f32 v2, v2;
	v2 =	vsub.f32 v9, v11;
	s7 =	sor.u32 $0x3880, s13;
	v6 =	vld.idx.msk [tilespmem:v60+s30+$0x0], $0xffff  }
0x1c0: {  	v63 =	vld [tilespmem:s7+$0x4800]  }
0x1c1: {  	v0 =	vadd.f32 v1, v0;
	v2 =	vmul.f32 v2, v2;
	v1 =	vsub.f32 v8, v61;
	_ =	sdelay $0x1  }
0x1c2: {  	v0 =	vadd.f32 v2, v0;
	v1 =	vmul.f32 v1, v1;
	v2 =	vsub.f32 v3, v62  }
0x1c3: {  	p1 =	sne.s32 s4, $0x780  }
.Ltmp7:
0x1c4: {  	v0 =	vadd.f32 v1, v0;
	v1 =	vmul.f32 v2, v2;
	v2 =	vsub.f32 v6, v63;
	(pc) =	sbr.rel @p1 .LBB2_16-.Ltmp7, $4  }
0x1c5: {  	_ = 	snop  }
0x1c6: {  	v0 =	vadd.f32 v1, v0;
	v1 =	vmul.f32 v2, v2  }
0x1c7: {  	s2 =	sadd.s32 $0x40, s2  }
0x1c8: {  	p0 =	por !p0, !p0;
	s4 =	sadd.s32 $0x80, s4;
	s1 =	sadd.s32 $0x40, s1;
	[tilespmem:s7+$0xC800] =	vst v6;
	v0 =	vadd.f32 v1, v0  }
0x1c9: {  	p0 =	por $0x0, $0x0  }
0x1ca: {  	s1 =	simm.s32 $0x2830;
	p1 =	por $0x0, $0x0;
	s4 =	simm.s32 $0x0  }
.LBB2_18:
0x1cb: {  	s2 =	sand.u32 $0x3C0, s30  }
0x1cc: {  	v1 =	vld [tilespmem:s2+$0x2800];
	_ =	sdelay $0x6  }
0x1cd: {  	s2 =	simm.s32 $0x0  }
0x1ce: {  	v2 =	vld.idx.msk [tilespmem:v1+s2+$0x0], $0xffff  }
0x1cf: {  	v1 =	vadd.s32 $0x400, v1;
	_ =	sdelay $0x1  }
0x1d0: {  	s7 =	sand.u32 $0x40, s30;
	s8 =	sand.u32 $0x700, s4  }
0x1d1: {  	s7 =	sor.u32 s7, s8  }
0x1d2: {  	[tilespmem:s7+$0x10800] =	vst v2  }
0x1d3: {  	s8 =	simm.s32 $0x1;
	v1 =	vld.idx.msk [tilespmem:v1+s2+$0x0], $0xffff  }
0x1d4: {  	s8 =	simm.s32 @!p1 $0x0  }
0x1d5: {  	s8 =	sshll.u32 s8, $0x6  }
0x1d6: {  	s8 =	sadd.s32 s8, s4  }
0x1d7: {  	s9 =	sor.u32 $0x4080, s8  }
0x1d8: {  	v3 =	vld [tilespmem:s7+$0x8800];
	[tilespmem:s9+$0xC800] =	vst v1  }
0x1d9: {  	v4 =	vld [tilespmem:s1+$0xFFFFFFE0];
	_ =	sdelay $0x7  }
0x1da: {  	v5 =	vld.idx.msk [tilespmem:v4+s2+$0x0], $0xffff  }
0x1db: {  	v4 =	vadd.s32 $0x400, v4;
	_ =	sdelay $0x3  }
0x1dc: {  	v6 =	vld [tilespmem:s9+$0x4800];
	[tilespmem:s7+$0x10810] =	vst v5  }
0x1dd: {  	v4 =	vld.idx.msk [tilespmem:v4+s2+$0x0], $0xffff;
	_ =	sdelay $0x2  }
0x1de: {  	s11 =	sadd.s32 $0x10, s8  }
0x1df: {  	s9 =	sor.u32 $0x4080, s11  }
0x1e0: {  	v7 =	vld [tilespmem:s7+$0x8810];
	[tilespmem:s9+$0xC800] =	vst v4  }
0x1e1: {  	v8 =	vld [tilespmem:s1+$0xFFFFFFF0];
	_ =	sdelay $0x7  }
0x1e2: {  	v9 =	vld.idx.msk [tilespmem:v8+s2+$0x0], $0xffff  }
0x1e3: {  	v8 =	vadd.s32 $0x400, v8;
	_ =	sdelay $0x3  }
0x1e4: {  	v10 =	vld [tilespmem:s9+$0x4800];
	[tilespmem:s7+$0x10820] =	vst v9  }
0x1e5: {  	v8 =	vld.idx.msk [tilespmem:v8+s2+$0x0], $0xffff;
	_ =	sdelay $0x2  }
0x1e6: {  	s12 =	sadd.s32 $0x20, s8  }
0x1e7: {  	s9 =	sor.u32 $0x4080, s12  }
0x1e8: {  	v11 =	vld [tilespmem:s7+$0x8820];
	[tilespmem:s9+$0xC800] =	vst v8  }
0x1e9: {  	v12 =	vld [tilespmem:s1+$0x0];
	_ =	sdelay $0x5  }
0x1ea: {  	v2 =	vsub.f32 v2, v3;
	_ =	sdelay $0x1  }
0x1eb: {  	v2 =	vmul.f32 v2, v2;
	v1 =	vsub.f32 v1, v6;
	v3 =	vld.idx.msk [tilespmem:v12+s2+$0x0], $0xffff  }
0x1ec: {  	v60 =	vadd.s32 $0x400, v12  }
0x1ed: {  	v0 =	vadd.f32 v2, v0;
	v1 =	vmul.f32 v1, v1;
	v2 =	vsub.f32 v5, v7  }
0x1ee: {  	v61 =	vld [tilespmem:s9+$0x4800]  }
0x1ef: {  	v0 =	vadd.f32 v1, v0;
	v1 =	vmul.f32 v2, v2;
	v2 =	vsub.f32 v4, v10  }
0x1f0: {  	s13 =	sadd.s32 $0x30, s8;
	v62 =	vld [tilespmem:s7+$0x8830];
	[tilespmem:s7+$0x10830] =	vst v3  }
0x1f1: {  	v0 =	vadd.f32 v1, v0;
	v1 =	vmul.f32 v2, v2;
	v2 =	vsub.f32 v9, v11;
	s7 =	sor.u32 $0x4080, s13;
	v6 =	vld.idx.msk [tilespmem:v60+s2+$0x0], $0xffff  }
0x1f2: {  	v63 =	vld [tilespmem:s7+$0x4800]  }
0x1f3: {  	v0 =	vadd.f32 v1, v0;
	v2 =	vmul.f32 v2, v2;
	v1 =	vsub.f32 v8, v61;
	_ =	sdelay $0x1  }
0x1f4: {  	v0 =	vadd.f32 v2, v0;
	v1 =	vmul.f32 v1, v1;
	v2 =	vsub.f32 v3, v62  }
0x1f5: {  	p2 =	sne.s32 s4, $0x780  }
.Ltmp8:
0x1f6: {  	v0 =	vadd.f32 v1, v0;
	v1 =	vmul.f32 v2, v2;
	v2 =	vsub.f32 v6, v63;
	(pc) =	sbr.rel @p2 .LBB2_18-.Ltmp8, $4  }
0x1f7: {  	_ = 	snop  }
0x1f8: {  	v0 =	vadd.f32 v1, v0;
	v1 =	vmul.f32 v2, v2  }
0x1f9: {  	s30 =	sadd.s32 $0x40, s30  }
0x1fa: {  	p1 =	por !p1, !p1;
	s4 =	sadd.s32 $0x80, s4;
	s1 =	sadd.s32 $0x40, s1;
	[tilespmem:s7+$0xC800] =	vst v6;
	v0 =	vadd.f32 v1, v0  }
0x1fb: {  	s1 =	simm.s32 $0x2C30;
	s4 =	simm.s32 $0x0;
	s30 =	simm.s32 $0x0  }
.LBB2_20:
0x1fc: {  	s7 =	sand.u32 $0x3C0, s4  }
0x1fd: {  	v1 =	vld [tilespmem:s7+$0x2C00];
	_ =	sdelay $0x7  }
0x1fe: {  	v2 =	vld.idx.msk [tilespmem:v1+s2+$0x0], $0xffff  }
0x1ff: {  	v1 =	vadd.s32 $0x400, v1;
	_ =	sdelay $0x1  }
0x200: {  	s10 =	sand.u32 $0x40, s4;
	s8 =	sand.u32 $0x700, s30  }
0x201: {  	s7 =	sor.u32 s10, s8  }
0x202: {  	[tilespmem:s7+$0x11000] =	vst v2  }
0x203: {  	s8 =	simm.s32 $0x1;
	v1 =	vld.idx.msk [tilespmem:v1+s2+$0x0], $0xffff  }
0x204: {  	s8 =	simm.s32 @!p0 $0x0  }
0x205: {  	s8 =	sshll.u32 s8, $0x6  }
0x206: {  	s8 =	sadd.s32 s8, s30  }
0x207: {  	s9 =	sor.u32 $0x4880, s8  }
0x208: {  	v3 =	vld [tilespmem:s7+$0x9000];
	[tilespmem:s9+$0xC800] =	vst v1  }
0x209: {  	v4 =	vld [tilespmem:s1+$0xFFFFFFE0];
	_ =	sdelay $0x7  }
0x20a: {  	v5 =	vld.idx.msk [tilespmem:v4+s2+$0x0], $0xffff  }
0x20b: {  	v4 =	vadd.s32 $0x400, v4;
	_ =	sdelay $0x3  }
0x20c: {  	v6 =	vld [tilespmem:s9+$0x4800];
	[tilespmem:s7+$0x11010] =	vst v5  }
0x20d: {  	v4 =	vld.idx.msk [tilespmem:v4+s2+$0x0], $0xffff;
	_ =	sdelay $0x2  }
0x20e: {  	s11 =	sadd.s32 $0x10, s8  }
0x20f: {  	s9 =	sor.u32 $0x4880, s11  }
0x210: {  	v7 =	vld [tilespmem:s7+$0x9010];
	[tilespmem:s9+$0xC800] =	vst v4  }
0x211: {  	v8 =	vld [tilespmem:s1+$0xFFFFFFF0];
	_ =	sdelay $0x7  }
0x212: {  	v9 =	vld.idx.msk [tilespmem:v8+s2+$0x0], $0xffff  }
0x213: {  	v8 =	vadd.s32 $0x400, v8;
	_ =	sdelay $0x3  }
0x214: {  	v10 =	vld [tilespmem:s9+$0x4800];
	[tilespmem:s7+$0x11020] =	vst v9  }
0x215: {  	v8 =	vld.idx.msk [tilespmem:v8+s2+$0x0], $0xffff;
	_ =	sdelay $0x2  }
0x216: {  	s12 =	sadd.s32 $0x20, s8  }
0x217: {  	s9 =	sor.u32 $0x4880, s12  }
0x218: {  	v11 =	vld [tilespmem:s7+$0x9020];
	[tilespmem:s9+$0xC800] =	vst v8  }
0x219: {  	v12 =	vld [tilespmem:s1+$0x0];
	_ =	sdelay $0x5  }
0x21a: {  	v2 =	vsub.f32 v2, v3;
	_ =	sdelay $0x1  }
0x21b: {  	v2 =	vmul.f32 v2, v2;
	v1 =	vsub.f32 v1, v6;
	v3 =	vld.idx.msk [tilespmem:v12+s2+$0x0], $0xffff  }
0x21c: {  	v60 =	vadd.s32 $0x400, v12  }
0x21d: {  	v0 =	vadd.f32 v2, v0;
	v1 =	vmul.f32 v1, v1;
	v2 =	vsub.f32 v5, v7  }
0x21e: {  	v61 =	vld [tilespmem:s9+$0x4800]  }
0x21f: {  	v0 =	vadd.f32 v1, v0;
	v1 =	vmul.f32 v2, v2;
	v2 =	vsub.f32 v4, v10  }
0x220: {  	s13 =	sadd.s32 $0x30, s8;
	v62 =	vld [tilespmem:s7+$0x9030];
	[tilespmem:s7+$0x11030] =	vst v3  }
0x221: {  	v0 =	vadd.f32 v1, v0;
	v1 =	vmul.f32 v2, v2;
	v2 =	vsub.f32 v9, v11;
	s7 =	sor.u32 $0x4880, s13;
	v6 =	vld.idx.msk [tilespmem:v60+s2+$0x0], $0xffff  }
0x222: {  	v63 =	vld [tilespmem:s7+$0x4800]  }
0x223: {  	v0 =	vadd.f32 v1, v0;
	v2 =	vmul.f32 v2, v2;
	v1 =	vsub.f32 v8, v61;
	_ =	sdelay $0x1  }
0x224: {  	v0 =	vadd.f32 v2, v0;
	v1 =	vmul.f32 v1, v1;
	v2 =	vsub.f32 v3, v62  }
0x225: {  	p1 =	sne.s32 s30, $0x780  }
.Ltmp9:
0x226: {  	v0 =	vadd.f32 v1, v0;
	v1 =	vmul.f32 v2, v2;
	v2 =	vsub.f32 v6, v63;
	(pc) =	sbr.rel @p1 .LBB2_20-.Ltmp9, $4  }
0x227: {  	_ = 	snop  }
0x228: {  	v0 =	vadd.f32 v1, v0;
	v1 =	vmul.f32 v2, v2  }
0x229: {  	s4 =	sadd.s32 $0x40, s4  }
0x22a: {  	p0 =	por !p0, !p0;
	s30 =	sadd.s32 $0x80, s30;
	s1 =	sadd.s32 $0x40, s1;
	[tilespmem:s7+$0xC800] =	vst v6;
	v0 =	vadd.f32 v1, v0  }
0x22b: {  	p0 =	por $0x0, $0x0  }
0x22c: {  	s1 =	simm.s32 $0x3030;
	p1 =	por $0x0, $0x0;
	s4 =	simm.s32 $0x0  }
.LBB2_22:
0x22d: {  	s7 =	sand.u32 $0x3C0, s2  }
0x22e: {  	v1 =	vld [tilespmem:s7+$0x3000];
	_ =	sdelay $0x6  }
0x22f: {  	s30 =	simm.s32 $0x0  }
0x230: {  	v2 =	vld.idx.msk [tilespmem:v1+s30+$0x0], $0xffff  }
0x231: {  	v1 =	vadd.s32 $0x400, v1;
	_ =	sdelay $0x1  }
0x232: {  	s10 =	sand.u32 $0x40, s2;
	s8 =	sand.u32 $0x700, s4  }
0x233: {  	s7 =	sor.u32 s10, s8  }
0x234: {  	[tilespmem:s7+$0x11800] =	vst v2  }
0x235: {  	s8 =	simm.s32 $0x1;
	v1 =	vld.idx.msk [tilespmem:v1+s30+$0x0], $0xffff  }
0x236: {  	s8 =	simm.s32 @!p1 $0x0  }
0x237: {  	s8 =	sshll.u32 s8, $0x6  }
0x238: {  	s8 =	sadd.s32 s8, s4  }
0x239: {  	s9 =	sor.u32 $0x5080, s8  }
0x23a: {  	v3 =	vld [tilespmem:s7+$0x9800];
	[tilespmem:s9+$0xC800] =	vst v1  }
0x23b: {  	v4 =	vld [tilespmem:s1+$0xFFFFFFE0];
	_ =	sdelay $0x7  }
0x23c: {  	v5 =	vld.idx.msk [tilespmem:v4+s30+$0x0], $0xffff  }
0x23d: {  	v4 =	vadd.s32 $0x400, v4;
	_ =	sdelay $0x3  }
0x23e: {  	v6 =	vld [tilespmem:s9+$0x4800];
	[tilespmem:s7+$0x11810] =	vst v5  }
0x23f: {  	v4 =	vld.idx.msk [tilespmem:v4+s30+$0x0], $0xffff;
	_ =	sdelay $0x2  }
0x240: {  	s11 =	sadd.s32 $0x10, s8  }
0x241: {  	s9 =	sor.u32 $0x5080, s11  }
0x242: {  	v7 =	vld [tilespmem:s7+$0x9810];
	[tilespmem:s9+$0xC800] =	vst v4  }
0x243: {  	v8 =	vld [tilespmem:s1+$0xFFFFFFF0];
	_ =	sdelay $0x7  }
0x244: {  	v9 =	vld.idx.msk [tilespmem:v8+s30+$0x0], $0xffff  }
0x245: {  	v8 =	vadd.s32 $0x400, v8;
	_ =	sdelay $0x3  }
0x246: {  	v10 =	vld [tilespmem:s9+$0x4800];
	[tilespmem:s7+$0x11820] =	vst v9  }
0x247: {  	v8 =	vld.idx.msk [tilespmem:v8+s30+$0x0], $0xffff;
	_ =	sdelay $0x2  }
0x248: {  	s12 =	sadd.s32 $0x20, s8  }
0x249: {  	s9 =	sor.u32 $0x5080, s12  }
0x24a: {  	v11 =	vld [tilespmem:s7+$0x9820];
	[tilespmem:s9+$0xC800] =	vst v8  }
0x24b: {  	v12 =	vld [tilespmem:s1+$0x0];
	_ =	sdelay $0x5  }
0x24c: {  	v2 =	vsub.f32 v2, v3;
	_ =	sdelay $0x1  }
0x24d: {  	v2 =	vmul.f32 v2, v2;
	v1 =	vsub.f32 v1, v6;
	v3 =	vld.idx.msk [tilespmem:v12+s30+$0x0], $0xffff  }
0x24e: {  	v60 =	vadd.s32 $0x400, v12  }
0x24f: {  	v0 =	vadd.f32 v2, v0;
	v1 =	vmul.f32 v1, v1;
	v2 =	vsub.f32 v5, v7  }
0x250: {  	v61 =	vld [tilespmem:s9+$0x4800]  }
0x251: {  	v0 =	vadd.f32 v1, v0;
	v1 =	vmul.f32 v2, v2;
	v2 =	vsub.f32 v4, v10  }
0x252: {  	s13 =	sadd.s32 $0x30, s8;
	v62 =	vld [tilespmem:s7+$0x9830];
	[tilespmem:s7+$0x11830] =	vst v3  }
0x253: {  	v0 =	vadd.f32 v1, v0;
	v1 =	vmul.f32 v2, v2;
	v2 =	vsub.f32 v9, v11;
	s7 =	sor.u32 $0x5080, s13;
	v6 =	vld.idx.msk [tilespmem:v60+s30+$0x0], $0xffff  }
0x254: {  	v63 =	vld [tilespmem:s7+$0x4800]  }
0x255: {  	v0 =	vadd.f32 v1, v0;
	v2 =	vmul.f32 v2, v2;
	v1 =	vsub.f32 v8, v61;
	_ =	sdelay $0x1  }
0x256: {  	v0 =	vadd.f32 v2, v0;
	v1 =	vmul.f32 v1, v1;
	v2 =	vsub.f32 v3, v62  }
0x257: {  	p2 =	sne.s32 s4, $0x780  }
.Ltmp10:
0x258: {  	v0 =	vadd.f32 v1, v0;
	v1 =	vmul.f32 v2, v2;
	v2 =	vsub.f32 v6, v63;
	(pc) =	sbr.rel @p2 .LBB2_22-.Ltmp10, $4  }
0x259: {  	_ = 	snop  }
0x25a: {  	v0 =	vadd.f32 v1, v0;
	v1 =	vmul.f32 v2, v2  }
0x25b: {  	s2 =	sadd.s32 $0x40, s2  }
0x25c: {  	p1 =	por !p1, !p1;
	s4 =	sadd.s32 $0x80, s4;
	s1 =	sadd.s32 $0x40, s1;
	[tilespmem:s7+$0xC800] =	vst v6;
	v0 =	vadd.f32 v1, v0  }
0x25d: {  	s1 =	simm.s32 $0x3430;
	s2 =	simm.s32 $0x0;
	s4 =	simm.s32 $0x0  }
.LBB2_24:
0x25e: {  	s7 =	sand.u32 $0x3C0, s2  }
0x25f: {  	v1 =	vld [tilespmem:s7+$0x3400];
	_ =	sdelay $0x7  }
0x260: {  	v2 =	vld.idx.msk [tilespmem:v1+s30+$0x0], $0xffff  }
0x261: {  	v1 =	vadd.s32 $0x400, v1;
	_ =	sdelay $0x1  }
0x262: {  	s10 =	sand.u32 $0x40, s2;
	s8 =	sand.u32 $0x700, s4  }
0x263: {  	s7 =	sor.u32 s10, s8  }
0x264: {  	[tilespmem:s7+$0x12000] =	vst v2  }
0x265: {  	s8 =	simm.s32 $0x1;
	v1 =	vld.idx.msk [tilespmem:v1+s30+$0x0], $0xffff  }
0x266: {  	s8 =	simm.s32 @!p0 $0x0  }
0x267: {  	s8 =	sshll.u32 s8, $0x6  }
0x268: {  	s8 =	sadd.s32 s8, s4  }
0x269: {  	s9 =	sor.u32 $0x5880, s8  }
0x26a: {  	v3 =	vld [tilespmem:s7+$0xA000];
	[tilespmem:s9+$0xC800] =	vst v1  }
0x26b: {  	v4 =	vld [tilespmem:s1+$0xFFFFFFE0];
	_ =	sdelay $0x7  }
0x26c: {  	v5 =	vld.idx.msk [tilespmem:v4+s30+$0x0], $0xffff  }
0x26d: {  	v4 =	vadd.s32 $0x400, v4;
	_ =	sdelay $0x3  }
0x26e: {  	v6 =	vld [tilespmem:s9+$0x4800];
	[tilespmem:s7+$0x12010] =	vst v5  }
0x26f: {  	v4 =	vld.idx.msk [tilespmem:v4+s30+$0x0], $0xffff;
	_ =	sdelay $0x2  }
0x270: {  	s11 =	sadd.s32 $0x10, s8  }
0x271: {  	s9 =	sor.u32 $0x5880, s11  }
0x272: {  	v7 =	vld [tilespmem:s7+$0xA010];
	[tilespmem:s9+$0xC800] =	vst v4  }
0x273: {  	v8 =	vld [tilespmem:s1+$0xFFFFFFF0];
	_ =	sdelay $0x7  }
0x274: {  	v9 =	vld.idx.msk [tilespmem:v8+s30+$0x0], $0xffff  }
0x275: {  	v8 =	vadd.s32 $0x400, v8;
	_ =	sdelay $0x3  }
0x276: {  	v10 =	vld [tilespmem:s9+$0x4800];
	[tilespmem:s7+$0x12020] =	vst v9  }
0x277: {  	v8 =	vld.idx.msk [tilespmem:v8+s30+$0x0], $0xffff;
	_ =	sdelay $0x2  }
0x278: {  	s12 =	sadd.s32 $0x20, s8  }
0x279: {  	s9 =	sor.u32 $0x5880, s12  }
0x27a: {  	v11 =	vld [tilespmem:s7+$0xA020];
	[tilespmem:s9+$0xC800] =	vst v8  }
0x27b: {  	v12 =	vld [tilespmem:s1+$0x0];
	_ =	sdelay $0x5  }
0x27c: {  	v2 =	vsub.f32 v2, v3;
	_ =	sdelay $0x1  }
0x27d: {  	v2 =	vmul.f32 v2, v2;
	v1 =	vsub.f32 v1, v6;
	v3 =	vld.idx.msk [tilespmem:v12+s30+$0x0], $0xffff  }
0x27e: {  	v60 =	vadd.s32 $0x400, v12  }
0x27f: {  	v0 =	vadd.f32 v2, v0;
	v1 =	vmul.f32 v1, v1;
	v2 =	vsub.f32 v5, v7  }
0x280: {  	v61 =	vld [tilespmem:s9+$0x4800]  }
0x281: {  	v0 =	vadd.f32 v1, v0;
	v1 =	vmul.f32 v2, v2;
	v2 =	vsub.f32 v4, v10  }
0x282: {  	s13 =	sadd.s32 $0x30, s8;
	v62 =	vld [tilespmem:s7+$0xA030];
	[tilespmem:s7+$0x12030] =	vst v3  }
0x283: {  	v0 =	vadd.f32 v1, v0;
	v1 =	vmul.f32 v2, v2;
	v2 =	vsub.f32 v9, v11;
	s7 =	sor.u32 $0x5880, s13;
	v6 =	vld.idx.msk [tilespmem:v60+s30+$0x0], $0xffff  }
0x284: {  	v63 =	vld [tilespmem:s7+$0x4800]  }
0x285: {  	v0 =	vadd.f32 v1, v0;
	v2 =	vmul.f32 v2, v2;
	v1 =	vsub.f32 v8, v61;
	_ =	sdelay $0x1  }
0x286: {  	v0 =	vadd.f32 v2, v0;
	v1 =	vmul.f32 v1, v1;
	v2 =	vsub.f32 v3, v62  }
0x287: {  	p1 =	sne.s32 s4, $0x780  }
.Ltmp11:
0x288: {  	v0 =	vadd.f32 v1, v0;
	v1 =	vmul.f32 v2, v2;
	v2 =	vsub.f32 v6, v63;
	(pc) =	sbr.rel @p1 .LBB2_24-.Ltmp11, $4  }
0x289: {  	_ = 	snop  }
0x28a: {  	v0 =	vadd.f32 v1, v0;
	v1 =	vmul.f32 v2, v2  }
0x28b: {  	s2 =	sadd.s32 $0x40, s2  }
0x28c: {  	p0 =	por !p0, !p0;
	s4 =	sadd.s32 $0x80, s4;
	s1 =	sadd.s32 $0x40, s1;
	[tilespmem:s7+$0xC800] =	vst v6;
	v0 =	vadd.f32 v1, v0  }
0x28d: {  	p0 =	por $0x0, $0x0  }
0x28e: {  	s1 =	simm.s32 $0x3830;
	p1 =	por $0x0, $0x0;
	s4 =	simm.s32 $0x0  }
.LBB2_26:
0x28f: {  	s2 =	sand.u32 $0x3C0, s30  }
0x290: {  	v1 =	vld [tilespmem:s2+$0x3800];
	_ =	sdelay $0x6  }
0x291: {  	s2 =	simm.s32 $0x0  }
0x292: {  	v2 =	vld.idx.msk [tilespmem:v1+s2+$0x0], $0xffff  }
0x293: {  	v1 =	vadd.s32 $0x400, v1;
	_ =	sdelay $0x1  }
0x294: {  	s7 =	sand.u32 $0x40, s30;
	s8 =	sand.u32 $0x700, s4  }
0x295: {  	s7 =	sor.u32 s7, s8  }
0x296: {  	[tilespmem:s7+$0x12800] =	vst v2  }
0x297: {  	s8 =	simm.s32 $0x1;
	v1 =	vld.idx.msk [tilespmem:v1+s2+$0x0], $0xffff  }
0x298: {  	s8 =	simm.s32 @!p1 $0x0  }
0x299: {  	s8 =	sshll.u32 s8, $0x6  }
0x29a: {  	s8 =	sadd.s32 s8, s4  }
0x29b: {  	s9 =	sor.u32 $0x6080, s8  }
0x29c: {  	v3 =	vld [tilespmem:s7+$0xA800];
	[tilespmem:s9+$0xC800] =	vst v1  }
0x29d: {  	v4 =	vld [tilespmem:s1+$0xFFFFFFE0];
	_ =	sdelay $0x7  }
0x29e: {  	v5 =	vld.idx.msk [tilespmem:v4+s2+$0x0], $0xffff  }
0x29f: {  	v4 =	vadd.s32 $0x400, v4;
	_ =	sdelay $0x3  }
0x2a0: {  	v6 =	vld [tilespmem:s9+$0x4800];
	[tilespmem:s7+$0x12810] =	vst v5  }
0x2a1: {  	v4 =	vld.idx.msk [tilespmem:v4+s2+$0x0], $0xffff;
	_ =	sdelay $0x2  }
0x2a2: {  	s11 =	sadd.s32 $0x10, s8  }
0x2a3: {  	s9 =	sor.u32 $0x6080, s11  }
0x2a4: {  	v7 =	vld [tilespmem:s7+$0xA810];
	[tilespmem:s9+$0xC800] =	vst v4  }
0x2a5: {  	v8 =	vld [tilespmem:s1+$0xFFFFFFF0];
	_ =	sdelay $0x7  }
0x2a6: {  	v9 =	vld.idx.msk [tilespmem:v8+s2+$0x0], $0xffff  }
0x2a7: {  	v8 =	vadd.s32 $0x400, v8;
	_ =	sdelay $0x3  }
0x2a8: {  	v10 =	vld [tilespmem:s9+$0x4800];
	[tilespmem:s7+$0x12820] =	vst v9  }
0x2a9: {  	v8 =	vld.idx.msk [tilespmem:v8+s2+$0x0], $0xffff;
	_ =	sdelay $0x2  }
0x2aa: {  	s12 =	sadd.s32 $0x20, s8  }
0x2ab: {  	s9 =	sor.u32 $0x6080, s12  }
0x2ac: {  	v11 =	vld [tilespmem:s7+$0xA820];
	[tilespmem:s9+$0xC800] =	vst v8  }
0x2ad: {  	v12 =	vld [tilespmem:s1+$0x0];
	_ =	sdelay $0x5  }
0x2ae: {  	v2 =	vsub.f32 v2, v3;
	_ =	sdelay $0x1  }
0x2af: {  	v2 =	vmul.f32 v2, v2;
	v1 =	vsub.f32 v1, v6;
	v3 =	vld.idx.msk [tilespmem:v12+s2+$0x0], $0xffff  }
0x2b0: {  	v60 =	vadd.s32 $0x400, v12  }
0x2b1: {  	v0 =	vadd.f32 v2, v0;
	v1 =	vmul.f32 v1, v1;
	v2 =	vsub.f32 v5, v7  }
0x2b2: {  	v61 =	vld [tilespmem:s9+$0x4800]  }
0x2b3: {  	v0 =	vadd.f32 v1, v0;
	v1 =	vmul.f32 v2, v2;
	v2 =	vsub.f32 v4, v10  }
0x2b4: {  	s13 =	sadd.s32 $0x30, s8;
	v62 =	vld [tilespmem:s7+$0xA830];
	[tilespmem:s7+$0x12830] =	vst v3  }
0x2b5: {  	v0 =	vadd.f32 v1, v0;
	v1 =	vmul.f32 v2, v2;
	v2 =	vsub.f32 v9, v11;
	s7 =	sor.u32 $0x6080, s13;
	v6 =	vld.idx.msk [tilespmem:v60+s2+$0x0], $0xffff  }
0x2b6: {  	v63 =	vld [tilespmem:s7+$0x4800]  }
0x2b7: {  	v0 =	vadd.f32 v1, v0;
	v2 =	vmul.f32 v2, v2;
	v1 =	vsub.f32 v8, v61;
	_ =	sdelay $0x1  }
0x2b8: {  	v0 =	vadd.f32 v2, v0;
	v1 =	vmul.f32 v1, v1;
	v2 =	vsub.f32 v3, v62  }
0x2b9: {  	p2 =	sne.s32 s4, $0x780  }
.Ltmp12:
0x2ba: {  	v0 =	vadd.f32 v1, v0;
	v1 =	vmul.f32 v2, v2;
	v2 =	vsub.f32 v6, v63;
	(pc) =	sbr.rel @p2 .LBB2_26-.Ltmp12, $4  }
0x2bb: {  	_ = 	snop  }
0x2bc: {  	v0 =	vadd.f32 v1, v0;
	v1 =	vmul.f32 v2, v2  }
0x2bd: {  	s30 =	sadd.s32 $0x40, s30  }
0x2be: {  	p1 =	por !p1, !p1;
	s4 =	sadd.s32 $0x80, s4;
	s1 =	sadd.s32 $0x40, s1;
	[tilespmem:s7+$0xC800] =	vst v6;
	v0 =	vadd.f32 v1, v0  }
0x2bf: {  	s1 =	simm.s32 $0x3C30;
	s4 =	simm.s32 $0x0;
	s30 =	simm.s32 $0x0  }
.LBB2_28:
0x2c0: {  	s7 =	sand.u32 $0x3C0, s4  }
0x2c1: {  	v1 =	vld [tilespmem:s7+$0x3C00];
	_ =	sdelay $0x7  }
0x2c2: {  	v2 =	vld.idx.msk [tilespmem:v1+s2+$0x0], $0xffff  }
0x2c3: {  	v1 =	vadd.s32 $0x400, v1;
	_ =	sdelay $0x1  }
0x2c4: {  	s10 =	sand.u32 $0x40, s4;
	s8 =	sand.u32 $0x700, s30  }
0x2c5: {  	s7 =	sor.u32 s10, s8  }
0x2c6: {  	[tilespmem:s7+$0x13000] =	vst v2  }
0x2c7: {  	s8 =	simm.s32 $0x1;
	v1 =	vld.idx.msk [tilespmem:v1+s2+$0x0], $0xffff  }
0x2c8: {  	s8 =	simm.s32 @!p0 $0x0  }
0x2c9: {  	s8 =	sshll.u32 s8, $0x6  }
0x2ca: {  	s8 =	sadd.s32 s8, s30  }
0x2cb: {  	s9 =	sor.u32 $0x6880, s8  }
0x2cc: {  	v3 =	vld [tilespmem:s7+$0xB000];
	[tilespmem:s9+$0xC800] =	vst v1  }
0x2cd: {  	v4 =	vld [tilespmem:s1+$0xFFFFFFE0];
	_ =	sdelay $0x7  }
0x2ce: {  	v5 =	vld.idx.msk [tilespmem:v4+s2+$0x0], $0xffff  }
0x2cf: {  	v4 =	vadd.s32 $0x400, v4;
	_ =	sdelay $0x3  }
0x2d0: {  	v6 =	vld [tilespmem:s9+$0x4800];
	[tilespmem:s7+$0x13010] =	vst v5  }
0x2d1: {  	v4 =	vld.idx.msk [tilespmem:v4+s2+$0x0], $0xffff;
	_ =	sdelay $0x2  }
0x2d2: {  	s11 =	sadd.s32 $0x10, s8  }
0x2d3: {  	s9 =	sor.u32 $0x6880, s11  }
0x2d4: {  	v7 =	vld [tilespmem:s7+$0xB010];
	[tilespmem:s9+$0xC800] =	vst v4  }
0x2d5: {  	v8 =	vld [tilespmem:s1+$0xFFFFFFF0];
	_ =	sdelay $0x7  }
0x2d6: {  	v9 =	vld.idx.msk [tilespmem:v8+s2+$0x0], $0xffff  }
0x2d7: {  	v8 =	vadd.s32 $0x400, v8;
	_ =	sdelay $0x3  }
0x2d8: {  	v10 =	vld [tilespmem:s9+$0x4800];
	[tilespmem:s7+$0x13020] =	vst v9  }
0x2d9: {  	v8 =	vld.idx.msk [tilespmem:v8+s2+$0x0], $0xffff;
	_ =	sdelay $0x2  }
0x2da: {  	s12 =	sadd.s32 $0x20, s8  }
0x2db: {  	s9 =	sor.u32 $0x6880, s12  }
0x2dc: {  	v11 =	vld [tilespmem:s7+$0xB020];
	[tilespmem:s9+$0xC800] =	vst v8  }
0x2dd: {  	v12 =	vld [tilespmem:s1+$0x0];
	_ =	sdelay $0x5  }
0x2de: {  	v2 =	vsub.f32 v2, v3;
	_ =	sdelay $0x1  }
0x2df: {  	v2 =	vmul.f32 v2, v2;
	v1 =	vsub.f32 v1, v6;
	v3 =	vld.idx.msk [tilespmem:v12+s2+$0x0], $0xffff  }
0x2e0: {  	v60 =	vadd.s32 $0x400, v12  }
0x2e1: {  	v0 =	vadd.f32 v2, v0;
	v1 =	vmul.f32 v1, v1;
	v2 =	vsub.f32 v5, v7  }
0x2e2: {  	v61 =	vld [tilespmem:s9+$0x4800]  }
0x2e3: {  	v0 =	vadd.f32 v1, v0;
	v1 =	vmul.f32 v2, v2;
	v2 =	vsub.f32 v4, v10  }
0x2e4: {  	s13 =	sadd.s32 $0x30, s8;
	v62 =	vld [tilespmem:s7+$0xB030];
	[tilespmem:s7+$0x13030] =	vst v3  }
0x2e5: {  	v0 =	vadd.f32 v1, v0;
	v1 =	vmul.f32 v2, v2;
	v2 =	vsub.f32 v9, v11;
	s7 =	sor.u32 $0x6880, s13;
	v6 =	vld.idx.msk [tilespmem:v60+s2+$0x0], $0xffff  }
0x2e6: {  	v63 =	vld [tilespmem:s7+$0x4800]  }
0x2e7: {  	v0 =	vadd.f32 v1, v0;
	v2 =	vmul.f32 v2, v2;
	v1 =	vsub.f32 v8, v61;
	_ =	sdelay $0x1  }
0x2e8: {  	v0 =	vadd.f32 v2, v0;
	v1 =	vmul.f32 v1, v1;
	v2 =	vsub.f32 v3, v62  }
0x2e9: {  	p1 =	sne.s32 s30, $0x780  }
.Ltmp13:
0x2ea: {  	v0 =	vadd.f32 v1, v0;
	v1 =	vmul.f32 v2, v2;
	v2 =	vsub.f32 v6, v63;
	(pc) =	sbr.rel @p1 .LBB2_28-.Ltmp13, $4  }
0x2eb: {  	_ = 	snop  }
0x2ec: {  	v0 =	vadd.f32 v1, v0;
	v1 =	vmul.f32 v2, v2  }
0x2ed: {  	s4 =	sadd.s32 $0x40, s4  }
0x2ee: {  	p0 =	por !p0, !p0;
	s30 =	sadd.s32 $0x80, s30;
	s1 =	sadd.s32 $0x40, s1;
	[tilespmem:s7+$0xC800] =	vst v6;
	v0 =	vadd.f32 v1, v0  }
0x2ef: {  	p0 =	por $0x0, $0x0  }
0x2f0: {  	s1 =	simm.s32 $0x4030;
	p1 =	por $0x0, $0x0;
	s4 =	simm.s32 $0x0  }
.LBB2_30:
0x2f1: {  	s7 =	sand.u32 $0x3C0, s2  }
0x2f2: {  	v1 =	vld [tilespmem:s7+$0x4000];
	_ =	sdelay $0x6  }
0x2f3: {  	s30 =	simm.s32 $0x0  }
0x2f4: {  	v2 =	vld.idx.msk [tilespmem:v1+s30+$0x0], $0xffff  }
0x2f5: {  	v1 =	vadd.s32 $0x400, v1;
	_ =	sdelay $0x1  }
0x2f6: {  	s10 =	sand.u32 $0x40, s2;
	s8 =	sand.u32 $0x700, s4  }
0x2f7: {  	s7 =	sor.u32 s10, s8  }
0x2f8: {  	[tilespmem:s7+$0x13800] =	vst v2  }
0x2f9: {  	s8 =	simm.s32 $0x1;
	v1 =	vld.idx.msk [tilespmem:v1+s30+$0x0], $0xffff  }
0x2fa: {  	s8 =	simm.s32 @!p1 $0x0  }
0x2fb: {  	s8 =	sshll.u32 s8, $0x6  }
0x2fc: {  	s8 =	sadd.s32 s8, s4  }
0x2fd: {  	s9 =	sor.u32 $0x7080, s8  }
0x2fe: {  	v3 =	vld [tilespmem:s7+$0xB800];
	[tilespmem:s9+$0xC800] =	vst v1  }
0x2ff: {  	v4 =	vld [tilespmem:s1+$0xFFFFFFE0];
	_ =	sdelay $0x7  }
0x300: {  	v5 =	vld.idx.msk [tilespmem:v4+s30+$0x0], $0xffff  }
0x301: {  	v4 =	vadd.s32 $0x400, v4;
	_ =	sdelay $0x3  }
0x302: {  	v6 =	vld [tilespmem:s9+$0x4800];
	[tilespmem:s7+$0x13810] =	vst v5  }
0x303: {  	v4 =	vld.idx.msk [tilespmem:v4+s30+$0x0], $0xffff;
	_ =	sdelay $0x2  }
0x304: {  	s11 =	sadd.s32 $0x10, s8  }
0x305: {  	s9 =	sor.u32 $0x7080, s11  }
0x306: {  	v7 =	vld [tilespmem:s7+$0xB810];
	[tilespmem:s9+$0xC800] =	vst v4  }
0x307: {  	v8 =	vld [tilespmem:s1+$0xFFFFFFF0];
	_ =	sdelay $0x7  }
0x308: {  	v9 =	vld.idx.msk [tilespmem:v8+s30+$0x0], $0xffff  }
0x309: {  	v8 =	vadd.s32 $0x400, v8;
	_ =	sdelay $0x3  }
0x30a: {  	v10 =	vld [tilespmem:s9+$0x4800];
	[tilespmem:s7+$0x13820] =	vst v9  }
0x30b: {  	v8 =	vld.idx.msk [tilespmem:v8+s30+$0x0], $0xffff;
	_ =	sdelay $0x2  }
0x30c: {  	s12 =	sadd.s32 $0x20, s8  }
0x30d: {  	s9 =	sor.u32 $0x7080, s12  }
0x30e: {  	v11 =	vld [tilespmem:s7+$0xB820];
	[tilespmem:s9+$0xC800] =	vst v8  }
0x30f: {  	v12 =	vld [tilespmem:s1+$0x0];
	_ =	sdelay $0x5  }
0x310: {  	v2 =	vsub.f32 v2, v3;
	_ =	sdelay $0x1  }
0x311: {  	v2 =	vmul.f32 v2, v2;
	v1 =	vsub.f32 v1, v6;
	v3 =	vld.idx.msk [tilespmem:v12+s30+$0x0], $0xffff  }
0x312: {  	v60 =	vadd.s32 $0x400, v12  }
0x313: {  	v0 =	vadd.f32 v2, v0;
	v1 =	vmul.f32 v1, v1;
	v2 =	vsub.f32 v5, v7  }
0x314: {  	v61 =	vld [tilespmem:s9+$0x4800]  }
0x315: {  	v0 =	vadd.f32 v1, v0;
	v1 =	vmul.f32 v2, v2;
	v2 =	vsub.f32 v4, v10  }
0x316: {  	s13 =	sadd.s32 $0x30, s8;
	v62 =	vld [tilespmem:s7+$0xB830];
	[tilespmem:s7+$0x13830] =	vst v3  }
0x317: {  	v0 =	vadd.f32 v1, v0;
	v1 =	vmul.f32 v2, v2;
	v2 =	vsub.f32 v9, v11;
	s7 =	sor.u32 $0x7080, s13;
	v6 =	vld.idx.msk [tilespmem:v60+s30+$0x0], $0xffff  }
0x318: {  	v63 =	vld [tilespmem:s7+$0x4800]  }
0x319: {  	v0 =	vadd.f32 v1, v0;
	v2 =	vmul.f32 v2, v2;
	v1 =	vsub.f32 v8, v61;
	_ =	sdelay $0x1  }
0x31a: {  	v0 =	vadd.f32 v2, v0;
	v1 =	vmul.f32 v1, v1;
	v2 =	vsub.f32 v3, v62  }
0x31b: {  	p2 =	sne.s32 s4, $0x780  }
.Ltmp14:
0x31c: {  	v0 =	vadd.f32 v1, v0;
	v1 =	vmul.f32 v2, v2;
	v2 =	vsub.f32 v6, v63;
	(pc) =	sbr.rel @p2 .LBB2_30-.Ltmp14, $4  }
0x31d: {  	_ = 	snop  }
0x31e: {  	v0 =	vadd.f32 v1, v0;
	v1 =	vmul.f32 v2, v2  }
0x31f: {  	s2 =	sadd.s32 $0x40, s2  }
0x320: {  	p1 =	por !p1, !p1;
	s4 =	sadd.s32 $0x80, s4;
	s1 =	sadd.s32 $0x40, s1;
	[tilespmem:s7+$0xC800] =	vst v6;
	v0 =	vadd.f32 v1, v0  }
0x321: {  	s1 =	simm.s32 $0x4430;
	s2 =	simm.s32 $0x0  }
.LBB2_32:
0x322: {  	s4 =	sand.u32 $0x3C0, s30  }
0x323: {  	v1 =	vld [tilespmem:s4+$0x4400];
	_ =	sdelay $0x7  }
0x324: {  	v2 =	vld.idx.msk [tilespmem:v1+s3+$0x0], $0xffff  }
0x325: {  	v1 =	vadd.s32 $0x400, v1;
	_ =	sdelay $0x1  }
0x326: {  	s10 =	sand.u32 $0x40, s30;
	s7 =	sand.u32 $0x700, s2  }
0x327: {  	s4 =	sor.u32 s10, s7  }
0x328: {  	[tilespmem:s4+$0x14000] =	vst v2  }
0x329: {  	s7 =	simm.s32 $0x1;
	v1 =	vld.idx.msk [tilespmem:v1+s3+$0x0], $0xffff  }
0x32a: {  	s7 =	simm.s32 @!p0 $0x0  }
0x32b: {  	s7 =	sshll.u32 s7, $0x6  }
0x32c: {  	s7 =	sadd.s32 s7, s2  }
0x32d: {  	s8 =	sor.u32 $0x7880, s7  }
0x32e: {  	v3 =	vld [tilespmem:s4+$0xC000];
	[tilespmem:s8+$0xC800] =	vst v1  }
0x32f: {  	v4 =	vld [tilespmem:s1+$0xFFFFFFE0];
	_ =	sdelay $0x7  }
0x330: {  	v5 =	vld.idx.msk [tilespmem:v4+s3+$0x0], $0xffff  }
0x331: {  	v4 =	vadd.s32 $0x400, v4;
	_ =	sdelay $0x3  }
0x332: {  	v6 =	vld [tilespmem:s8+$0x4800];
	[tilespmem:s4+$0x14010] =	vst v5  }
0x333: {  	v4 =	vld.idx.msk [tilespmem:v4+s3+$0x0], $0xffff;
	_ =	sdelay $0x2  }
0x334: {  	s11 =	sadd.s32 $0x10, s7  }
0x335: {  	s8 =	sor.u32 $0x7880, s11  }
0x336: {  	v7 =	vld [tilespmem:s4+$0xC010];
	[tilespmem:s8+$0xC800] =	vst v4  }
0x337: {  	v8 =	vld [tilespmem:s1+$0xFFFFFFF0];
	_ =	sdelay $0x7  }
0x338: {  	v9 =	vld.idx.msk [tilespmem:v8+s3+$0x0], $0xffff  }
0x339: {  	v8 =	vadd.s32 $0x400, v8;
	_ =	sdelay $0x3  }
0x33a: {  	v10 =	vld [tilespmem:s8+$0x4800];
	[tilespmem:s4+$0x14020] =	vst v9  }
0x33b: {  	v8 =	vld.idx.msk [tilespmem:v8+s3+$0x0], $0xffff;
	_ =	sdelay $0x2  }
0x33c: {  	s12 =	sadd.s32 $0x20, s7  }
0x33d: {  	s8 =	sor.u32 $0x7880, s12  }
0x33e: {  	v11 =	vld [tilespmem:s4+$0xC020];
	[tilespmem:s8+$0xC800] =	vst v8  }
0x33f: {  	v12 =	vld [tilespmem:s1+$0x0];
	_ =	sdelay $0x5  }
0x340: {  	v2 =	vsub.f32 v2, v3;
	_ =	sdelay $0x1  }
0x341: {  	v2 =	vmul.f32 v2, v2;
	v1 =	vsub.f32 v1, v6;
	v3 =	vld.idx.msk [tilespmem:v12+s3+$0x0], $0xffff  }
0x342: {  	v60 =	vadd.s32 $0x400, v12  }
0x343: {  	v0 =	vadd.f32 v2, v0;
	v1 =	vmul.f32 v1, v1;
	v2 =	vsub.f32 v5, v7  }
0x344: {  	v61 =	vld [tilespmem:s8+$0x4800]  }
0x345: {  	v0 =	vadd.f32 v1, v0;
	v1 =	vmul.f32 v2, v2;
	v2 =	vsub.f32 v4, v10  }
0x346: {  	s13 =	sadd.s32 $0x30, s7;
	v62 =	vld [tilespmem:s4+$0xC030];
	[tilespmem:s4+$0x14030] =	vst v3  }
0x347: {  	v0 =	vadd.f32 v1, v0;
	v1 =	vmul.f32 v2, v2;
	v2 =	vsub.f32 v9, v11;
	s4 =	sor.u32 $0x7880, s13;
	v6 =	vld.idx.msk [tilespmem:v60+s3+$0x0], $0xffff  }
0x348: {  	v63 =	vld [tilespmem:s4+$0x4800]  }
0x349: {  	v0 =	vadd.f32 v1, v0;
	v2 =	vmul.f32 v2, v2;
	v1 =	vsub.f32 v8, v61;
	_ =	sdelay $0x1  }
0x34a: {  	v0 =	vadd.f32 v2, v0;
	v1 =	vmul.f32 v1, v1;
	v2 =	vsub.f32 v3, v62  }
0x34b: {  	p1 =	sne.s32 s2, $0x780  }
.Ltmp15:
0x34c: {  	v0 =	vadd.f32 v1, v0;
	v1 =	vmul.f32 v2, v2;
	v2 =	vsub.f32 v6, v63;
	(pc) =	sbr.rel @p1 .LBB2_32-.Ltmp15, $4  }
0x34d: {  	_ = 	snop  }
0x34e: {  	v0 =	vadd.f32 v1, v0;
	v1 =	vmul.f32 v2, v2  }
0x34f: {  	s30 =	sadd.s32 $0x40, s30  }
0x350: {  	p0 =	por !p0, !p0;
	s2 =	sadd.s32 $0x80, s2;
	s1 =	sadd.s32 $0x40, s1;
	[tilespmem:s4+$0xC800] =	vst v6;
	v0 =	vadd.f32 v1, v0  }
0x351: {  	_ = 	snop  }
0x352: {  	s1 =	simm.s32 $0xC800;
	[tilespmem:$0x14800] =	vst v0  }
0x353: {  	[hbm4b:s6+s24] =	stream.strided.scatter [tilespmem:s1], [sflag:$0x4], $0x800, s25, s24, $0x38;
	[tilespmem:$0x14880] =	vst v63  }
0x354: {  	s12 =	sadd.s32 $0x2000, s6;
	s2 =	simm.s32 $0xD000  }
0x355: {  	[hbm4b:s12+s24] =	stream.strided.scatter [tilespmem:s2], [sflag:$0x4], $0x800, s25, s24, $0x38;
	[tilespmem:$0x14880] =	vst v63  }
0x356: {  	s13 =	sadd.s32 $0x4000, s6;
	s30 =	simm.s32 $0xD800  }
0x357: {  	[hbm4b:s13+s24] =	stream.strided.scatter [tilespmem:s30], [sflag:$0x4], $0x800, s25, s24, $0x38;
	[tilespmem:$0x14880] =	vst v63  }
0x358: {  	s4 =	simm.s32 $0xE000;
	s2 =	sadd.s32 $0x6000, s6  }
0x359: {  	[hbm4b:s2+s24] =	stream.strided.scatter [tilespmem:s4], [sflag:$0x4], $0x800, s25, s24, $0x38;
	[tilespmem:$0x14880] =	vst v63  }
0x35a: {  	s7 =	sadd.s32 $0x8000, s6;
	s8 =	simm.s32 $0xE800  }
0x35b: {  	[hbm4b:s7+s24] =	stream.strided.scatter [tilespmem:s8], [sflag:$0x4], $0x800, s25, s24, $0x38;
	[tilespmem:$0x14880] =	vst v63  }
0x35c: {  	s9 =	sadd.s32 $0xA000, s6;
	s10 =	simm.s32 $0xF000  }
0x35d: {  	[hbm4b:s9+s24] =	stream.strided.scatter [tilespmem:s10], [sflag:$0x4], $0x800, s25, s24, $0x38;
	[tilespmem:$0x14880] =	vst v63  }
0x35e: {  	s11 =	sadd.s32 $0xC000, s6;
	s12 =	simm.s32 $0xF800  }
0x35f: {  	[hbm4b:s11+s24] =	stream.strided.scatter [tilespmem:s12], [sflag:$0x4], $0x800, s25, s24, $0x38;
	[tilespmem:$0x14880] =	vst v63  }
0x360: {  	s13 =	sadd.s32 $0xE000, s6;
	s30 =	simm.s32 $0x10000  }
0x361: {  	[hbm4b:s13+s24] =	stream.strided.scatter [tilespmem:s30], [sflag:$0x4], $0x800, s25, s24, $0x38;
	[tilespmem:$0x14880] =	vst v63  }
0x362: {  	s2 =	sadd.s32 $0x10000, s6;
	s4 =	simm.s32 $0x10800  }
0x363: {  	[hbm4b:s2+s24] =	stream.strided.scatter [tilespmem:s4], [sflag:$0x4], $0x800, s25, s24, $0x38;
	[tilespmem:$0x14880] =	vst v63  }
0x364: {  	s7 =	sadd.s32 $0x12000, s6;
	s8 =	simm.s32 $0x11000  }
0x365: {  	[hbm4b:s7+s24] =	stream.strided.scatter [tilespmem:s8], [sflag:$0x4], $0x800, s25, s24, $0x38;
	[tilespmem:$0x14880] =	vst v63  }
0x366: {  	s9 =	sadd.s32 $0x14000, s6;
	s10 =	simm.s32 $0x11800  }
0x367: {  	[hbm4b:s9+s24] =	stream.strided.scatter [tilespmem:s10], [sflag:$0x4], $0x800, s25, s24, $0x38;
	[tilespmem:$0x14880] =	vst v63  }
0x368: {  	s11 =	sadd.s32 $0x16000, s6;
	s12 =	simm.s32 $0x12000  }
0x369: {  	[hbm4b:s11+s24] =	stream.strided.scatter [tilespmem:s12], [sflag:$0x4], $0x800, s25, s24, $0x38;
	[tilespmem:$0x14880] =	vst v63  }
0x36a: {  	s13 =	sadd.s32 $0x18000, s6;
	s30 =	simm.s32 $0x12800  }
0x36b: {  	[hbm4b:s13+s24] =	stream.strided.scatter [tilespmem:s30], [sflag:$0x4], $0x800, s25, s24, $0x38;
	[tilespmem:$0x14880] =	vst v63  }
0x36c: {  	s4 =	sadd.s32 $0x1A000, s6;
	s7 =	simm.s32 $0x13000  }
0x36d: {  	[hbm4b:s4+s24] =	stream.strided.scatter [tilespmem:s7], [sflag:$0x4], $0x800, s25, s24, $0x38;
	[tilespmem:$0x14880] =	vst v63  }
0x36e: {  	s8 =	sadd.s32 $0x1C000, s6;
	s9 =	simm.s32 $0x13800  }
0x36f: {  	[hbm4b:s8+s24] =	stream.strided.scatter [tilespmem:s9], [sflag:$0x4], $0x800, s25, s24, $0x38;
	[tilespmem:$0x14880] =	vst v63  }
0x370: {  	s10 =	sadd.s32 $0x1E000, s6;
	s11 =	simm.s32 $0x14000  }
0x371: {  	[hbm4b:s10+s24] =	stream.strided.scatter [tilespmem:s11], [sflag:$0x4], $0x800, s25, s24, $0x38;
	[tilespmem:$0x14880] =	vst v63  }
0x372: {  	_ =	swait.ge [sflag:s31], $0x8000  }
0x373: {  	[sflag:s31] =	ssyncset.done $0x0  }
0x374: {  	s13 =	simm.s32 $0x14800;
	s12 =	rddreg [dreg:$0x5];
	[sflag:s31] =	ssyncadd.s32 $0xFFFF8000  }
0x375: {  	[hbm4b:s12+s3] =	stream.linear.scatter [tilespmem:s13], [sflag:$0x4], $0x80, $0x38;
	[tilespmem:$0x14880] =	vst v63  }
0x376: {  	_ =	swait.ge [sflag:s31], $0x80  }
0x377: {  	s0 =	sadd.s32 $0x1, s0;
	s30 =	rddreg [dreg:$0x6]  }
0x378: {  	p0 =	sne.s32 s0, s30  }
.Ltmp16:
0x379: {  	_ = 	snop;
	(pc) =	sbr.rel @p0 .LBB2_1-.Ltmp16, $3  }
0x37a: {  	_ =	sdelay $0x1  }
0x37b: {  	[sflag:s31] =	ssyncset.done $0x0  }
0x37c: {  	[sflag:s31] =	ssyncadd.s32 $0xFFFFFF80  }
0x37d: {  	_ =	sfence.sel $0x180000  }
0x37e: {  	[bflag:$0x0] =	sbarrier.arrive $0xFFFF  }
0x37f: {  	_ =	strace $0x90000047  }
0x380: {  	s0 =	stileid.u32;
	[bflag:$0x2] =	sbarrier.arrive $0xFFFF  }
0x381: {  	p0 =	sne.s32 s0, $0x0;
	s0 =	rddreg [dreg:$0x3]  }
0x382: {  	s0 =	sadd.s32 @!p0 $0x100000, s0  }
0x383: {  	[sflag:s0] =	ssyncadd.tile.s32 @!p0 $0x1;
	_ =	shalt  }
.Lfunc_end2:
_tile_overlayer_lowered:
.L_overlay_start_2:
0x384: {  	(tag) =	ssettag $0x2  }
0x385: {  	s0 =	rddreg [dreg:$0x0];
	s2 =	stileid.u32  }
0x386: {  	s1 =	rddreg [dreg:$0x1];
	p0 =	sne.s32 s2, $0x0  }
0x387: {  	s3 =	rddreg [dreg:$0x2];
	[bflag:$0x3] =	sbarrier.arrive $0xFFFF;
	s2 =	simm.s32 @!p0 $0x1C04  }
0x388: {  	[timem:s3], [sflag:s2] =	dma.local @!p0 [hbm:s0], s1  }
0x389: {  	s0 =	simm.s32 @!p0 $0x4  }
0x38a: {  	_ =	swait.ge @!p0 [sflag:s0], s1  }
0x38b: {  	s1 =	ssub.s32 @!p0 $0x0, s1;
	[sflag:s0] =	ssyncset.done @!p0 $0x0  }
0x38c: {  	[sflag:s0] =	ssyncadd.s32 @!p0 s1  }
0x38d: {  	[bflag:$0x3] =	sbarrier.arrive $0xFFFF  }
0x38e: {  	_ =	shalt  }

</sc_bundles>
